<compile_context>
chip_gen: v7x
topology: tpu7x:2x2x1
jax: 0.10.2.dev20260603
libtpu: 0.0.44.dev20260713+nightly
codegen_flags: <defaults>
</compile_context>

<pallas_src>
import dataclasses
import functools

import jax
import jax.numpy as jnp
from jax import lax
from jax.experimental import pallas as pl
from jax.experimental.pallas import tpu as pltpu
from jax.experimental.pallas import tpu_sc as plsc

EPS = 1e-05
NNZ = 1638400
NFEAT = 1000000
NP = 1 << 20
HALF = NP // 2
NSUB = 16
LANES = 16
C = 10240
PER_SUB = NNZ // NSUB
NCHUNK = PER_SUB // C
DUMROWS = NSUB * LANES
TROWS = HALF + DUMROWS


def kernel(values_x, max_x, bias_x, indices_x):
    idx32 = indices_x.astype(jnp.int32)
    pad = jnp.zeros((NP - NFEAT,), jnp.float32)
    maxp = jnp.concatenate([max_x, pad])
    biasp = jnp.concatenate([bias_x, pad])

    mesh = plsc.VectorSubcoreMesh(core_axis_name="c", subcore_axis_name="s")

    cparams = pltpu.CompilerParams()
    if "needs_layout_passes" in pltpu.CompilerParams.__dataclass_fields__:
        cparams = dataclasses.replace(cparams, needs_layout_passes=False)

    @functools.partial(
        pl.kernel,
        compiler_params=cparams,
        out_type=(
            jax.ShapeDtypeStruct((2, NNZ), jnp.float32),
            jax.ShapeDtypeStruct((2 * NNZ,), jnp.int32),
        ),
        mesh=mesh,
        scratch_types=[
            pltpu.VMEM_SHARED((TROWS,), jnp.float32),
            pltpu.VMEM_SHARED((TROWS,), jnp.float32),
            pltpu.VMEM((C,), jnp.int32),
            pltpu.VMEM((C,), jnp.float32),
            pltpu.VMEM((C,), jnp.int32),
            pltpu.VMEM((C,), jnp.float32),
            pltpu.VMEM((C,), jnp.float32),
            pltpu.VMEM((LANES,), jnp.int32),
            pltpu.SMEM((1,), jnp.int32),
        ],
    )
    def sc_kernel(vals_hbm, idx_hbm, maxp_hbm, biasp_hbm, out_hbm, state_hbm,
                  tmax, tbias, ibuf, vbuf, lbuf, mbuf, bbuf, cvec, cnt):
        cid = lax.axis_index("c")
        sid = lax.axis_index("s")
        lo = cid * HALF

        @pl.when(sid == 0)
        def _():
            cnt[0] = 0

        rows = HALF // NSUB
        g0 = lo + sid * rows
        l0 = sid * rows
        pltpu.sync_copy(maxp_hbm.at[pl.ds(g0, rows)], tmax.at[pl.ds(l0, rows)])
        pltpu.sync_copy(biasp_hbm.at[pl.ds(g0, rows)], tbias.at[pl.ds(l0, rows)])
        plsc.subcore_barrier()

        iota = lax.iota(jnp.int32, LANES)
        dum = HALF + sid * LANES + iota
        base_e = sid * PER_SUB

        def work_pass(first):
            def run(_):
                cvec[...] = jnp.zeros((LANES,), jnp.int32)
                for ch in range(NCHUNK):
                    cb = base_e + ch * C
                    sb = cid * NNZ + cb
                    if first:
                        pltpu.sync_copy(idx_hbm.at[pl.ds(cb, C)], ibuf)
                    else:
                        pltpu.sync_copy(state_hbm.at[pl.ds(sb, C)], lbuf)
                    pltpu.sync_copy(vals_hbm.at[pl.ds(cb, C)], vbuf)

                    if first:
                        @pl.loop(0, C, step=LANES)
                        def _(c0):
                            sl = pl.ds(c0, LANES)
                            li = ibuf.at[sl][...] - lo
                            m = (li >= 0) & (li < HALF)
                            lbuf.at[sl][...] = jnp.where(m, li, dum)

                    pltpu.sync_copy(tmax.at[lbuf], mbuf)

                    @pl.loop(0, C, step=LANES)
                    def _(c0):
                        sl = pl.ds(c0, LANES)
                        v = vbuf.at[sl][...]
                        li = lbuf.at[sl][...]
                        cur = mbuf.at[sl][...]
                        m = li < HALF
                        a = jnp.where(m, jnp.abs(v), -1.0)
                        need = m & (a > cur)
                        mbuf.at[sl][...] = jnp.maximum(a, cur)
                        lbuf.at[sl][...] = jnp.where(need, li, dum)
                        cvec[...] = cvec[...] + jnp.where(need, 1, 0)

                    pltpu.sync_copy(mbuf, tmax.at[lbuf])
                    pltpu.sync_copy(lbuf, state_hbm.at[pl.ds(sb, C)])

                mine = jnp.sum(cvec[...])
                plsc.fetch_and_add(cnt.at[0], mine, subcore_id=0)
                plsc.subcore_barrier()
                total = plsc.fetch_and_add(cnt.at[0], 0, subcore_id=0)
                plsc.subcore_barrier()

                @pl.when(sid == 0)
                def _():
                    cnt[0] = 0

                plsc.subcore_barrier()
                return total

            return run

        total0 = work_pass(True)(0)
        lax.while_loop(lambda t: t > 0, work_pass(False), total0)

        for ch in range(NCHUNK):
            cb = base_e + ch * C
            pltpu.sync_copy(idx_hbm.at[pl.ds(cb, C)], ibuf)
            pltpu.sync_copy(vals_hbm.at[pl.ds(cb, C)], vbuf)

            @pl.loop(0, C, step=LANES)
            def _(c0):
                sl = pl.ds(c0, LANES)
                li = ibuf.at[sl][...] - lo
                m = (li >= 0) & (li < HALF)
                lbuf.at[sl][...] = jnp.where(m, li, dum)

            pltpu.sync_copy(tmax.at[lbuf], mbuf)
            pltpu.sync_copy(tbias.at[lbuf], bbuf)

            @pl.loop(0, C, step=LANES)
            def _(c0):
                sl = pl.ds(c0, LANES)
                v = vbuf.at[sl][...]
                li = lbuf.at[sl][...]
                cur = mbuf.at[sl][...]
                b = bbuf.at[sl][...]
                m = li < HALF
                denom = jnp.maximum(cur, EPS)
                r = jnp.minimum(jnp.maximum(v / denom, -1.0), 1.0) + b
                vbuf.at[sl][...] = jnp.where(m, r, 0.0)

            pltpu.sync_copy(vbuf, out_hbm.at[cid, pl.ds(cb, C)])

    halves, _ = sc_kernel(values_x, idx32, maxp, biasp)

    h3 = halves.reshape(2, NNZ // 128, 128)
    nrows = NNZ // 128
    rblk = 800

    def add_body(x_ref, o_ref):
        o_ref[...] = x_ref[0] + x_ref[1]

    merged = pl.pallas_call(
        add_body,
        out_shape=jax.ShapeDtypeStruct((nrows, 128), jnp.float32),
        grid=(nrows // rblk,),
        in_specs=[pl.BlockSpec((2, rblk, 128), lambda i: (0, i, 0))],
        out_specs=pl.BlockSpec((rblk, 128), lambda i: (i, 0)),
    )(h3)
    return merged.reshape(NNZ)

# --- scband reference (transcript-rebuilt; emitter-appended) ---
"""Pipeline reference for scband-sparse-max-norm-31748398252185 (READ-ONLY COPY).

The authoritative reference and input builder live on the scoring server;
editing this copy changes nothing except your own understanding.
"""

import jax, jax.numpy as jnp
import numpy as np

EPSILON = 1e-05
NNZ = 1638400
INPUT_SIZE = 1000000


def setup_inputs(seed: int = 0) -> dict:
    key = jax.random.key(seed)
    k1, k2, k3, k4 = jax.random.split(key, 4)
    indices_x = jax.random.randint(k1, (NNZ,), 0, INPUT_SIZE).astype(jnp.int64)
    values_x = jax.random.normal(k2, (NNZ,), dtype=jnp.float32)
    # max_x is the (non-trainable) running-max variable; init with positive values
    max_x = jax.random.uniform(k3, (INPUT_SIZE,), dtype=jnp.float32)
    # bias_x is the trainable bias over features
    bias_x = jax.random.normal(k4, (INPUT_SIZE,), dtype=jnp.float32) * 0.01
    return {"values_x": values_x, "max_x": max_x, "bias_x": bias_x, "indices_x": indices_x}


def reference(values_x, max_x, bias_x, indices_x):
    # Training-mode sparse_max_norm: update per-feature maxima with scatter-max of |values|,
    # then normalize each sparse value by (updated) max of its feature column.
    abs_v = jnp.abs(values_x)
    new_max = max_x.at[indices_x].max(abs_v)  # scatter-max (the tf.assign(max_x) update)
    denom = jnp.maximum(jnp.take(new_max, indices_x), EPSILON)  # gather per-nnz maxima
    normalized = jnp.clip(values_x / denom, -1.0, 1.0)
    normalized = jax.lax.stop_gradient(normalized)  # matches tf.stop_gradient in original
    out = normalized + jnp.take(bias_x, indices_x)  # gather bias per nnz
    return out

if __name__ == "__main__":
    import jax
    _d = setup_inputs()
    print(jax.jit(kernel)(*tuple(_d.values())))

</pallas_src>

<mosaic_0001>
#map = affine_map<(d0, d1) -> (0)>
#map1 = affine_map<(d0, d1) -> (0, 0)>
module attributes {stable_mosaic.version = 14 : i64} {
  func.func @sc_kernel(%arg0: i32, %arg1: i32, %arg2: memref<1638400xf32, #tpu.memory_space<hbm>>, %arg3: memref<1638400xi32, #tpu.memory_space<hbm>>, %arg4: memref<1048576xf32, #tpu.memory_space<hbm>>, %arg5: memref<1048576xf32, #tpu.memory_space<hbm>>, %arg6: memref<2x1638400xf32, #tpu.memory_space<hbm>>, %arg7: memref<3276800xi32, #tpu.memory_space<hbm>>, %arg8: memref<524544xf32, #tpu.memory_space<vmem_shared>>, %arg9: memref<524544xf32, #tpu.memory_space<vmem_shared>>, %arg10: memref<10240xi32, #tpu.memory_space<vmem>>, %arg11: memref<10240xf32, #tpu.memory_space<vmem>>, %arg12: memref<10240xi32, #tpu.memory_space<vmem>>, %arg13: memref<10240xf32, #tpu.memory_space<vmem>>, %arg14: memref<10240xf32, #tpu.memory_space<vmem>>, %arg15: memref<16xi32, #tpu.memory_space<vmem>>, %arg16: memref<1xi32, #tpu.memory_space<smem>>) attributes {dimension_semantics = [#tpu.dimension_semantics<core_parallel>, #tpu.dimension_semantics<subcore_parallel>], iteration_bounds = array<i64: 2, 16>, scalar_prefetch = 0 : i64, scratch_operands = 9 : i64, tpu.core_type = #tpu.core_type<sc_vector_subcore>, window_params = [{transform_indices = #map}, {transform_indices = #map}, {transform_indices = #map}, {transform_indices = #map}, {transform_indices = #map1}, {transform_indices = #map}]} {
    %mul3A = arith.constant 524288 : i32
    %mul3A_0 = arith.muli %arg0, %mul3A : i32
    %eq3A = arith.constant 0 : i32
    %eq3A_1 = arith.cmpi eq, %arg1, %eq3A : i32
    %convert_element_type3A = arith.extui %eq3A_1 : i1 to i32
    %cond3A = arith.constant 0 : i32
    %cond3A_2 = arith.cmpi ne, %convert_element_type3A, %cond3A : i32
    scf.if %cond3A_2 {
      %swap3A_304 = arith.constant 0 : i32
      %swap3A_305 = arith.constant 0 : i32
      %swap3A_306 = arith.index_cast %swap3A_305 : i32 to index
      %swap3A_307 = memref.load %arg16[%swap3A_306] : memref<1xi32, #tpu.memory_space<smem>>
      memref.store %swap3A_304, %arg16[%swap3A_306] : memref<1xi32, #tpu.memory_space<smem>>
    } else {
    }
    %mul3A_3 = arith.constant 32768 : i32
    %mul3A_4 = arith.muli %arg1, %mul3A_3 : i32
    %add3A = arith.addi %mul3A_0, %mul3A_4 : i32
    %mul3A_5 = arith.constant 32768 : i32
    %mul3A_6 = arith.muli %arg1, %mul3A_5 : i32
    "tpu.region"() ({
      %run_scoped3A = tpu.sem_alloc : memref<!tpu.dma_semaphore, #tpu.memory_space<semaphore_mem>>
      %dma_start3A = tpu.memref_slice %arg8[%mul3A_6] : memref<524544xf32, #tpu.memory_space<vmem_shared>> -> memref<32768xf32, #tpu.memory_space<vmem_shared>>
      %dma_start3A_304 = tpu.memref_slice %arg4[%add3A] : memref<1048576xf32, #tpu.memory_space<hbm>> -> memref<32768xf32, #tpu.memory_space<hbm>>
      tpu.enqueue_dma source(%dma_start3A_304 : memref<32768xf32, #tpu.memory_space<hbm>>) target(%dma_start3A : memref<32768xf32, #tpu.memory_space<vmem_shared>>) target_semaphore(%run_scoped3A : memref<!tpu.dma_semaphore, #tpu.memory_space<semaphore_mem>>)
      %dma_wait3A = tpu.memref_slice %arg8[%mul3A_6] : memref<524544xf32, #tpu.memory_space<vmem_shared>> -> memref<32768xf32, #tpu.memory_space<vmem_shared>>
      %dma_wait3A_305 = tpu.memref_slice %arg4[%add3A] : memref<1048576xf32, #tpu.memory_space<hbm>> -> memref<32768xf32, #tpu.memory_space<hbm>>
      tpu.wait_dma2 semaphore(%run_scoped3A : memref<!tpu.dma_semaphore, #tpu.memory_space<semaphore_mem>>) src(%dma_wait3A_305 : memref<32768xf32, #tpu.memory_space<hbm>>) dst(%dma_wait3A : memref<32768xf32, #tpu.memory_space<vmem_shared>>)
      tpu.yield
    }) : () -> ()
    "tpu.region"() ({
      %run_scoped3A = tpu.sem_alloc : memref<!tpu.dma_semaphore, #tpu.memory_space<semaphore_mem>>
      %dma_start3A = tpu.memref_slice %arg9[%mul3A_6] : memref<524544xf32, #tpu.memory_space<vmem_shared>> -> memref<32768xf32, #tpu.memory_space<vmem_shared>>
      %dma_start3A_304 = tpu.memref_slice %arg5[%add3A] : memref<1048576xf32, #tpu.memory_space<hbm>> -> memref<32768xf32, #tpu.memory_space<hbm>>
      tpu.enqueue_dma source(%dma_start3A_304 : memref<32768xf32, #tpu.memory_space<hbm>>) target(%dma_start3A : memref<32768xf32, #tpu.memory_space<vmem_shared>>) target_semaphore(%run_scoped3A : memref<!tpu.dma_semaphore, #tpu.memory_space<semaphore_mem>>)
      %dma_wait3A = tpu.memref_slice %arg9[%mul3A_6] : memref<524544xf32, #tpu.memory_space<vmem_shared>> -> memref<32768xf32, #tpu.memory_space<vmem_shared>>
      %dma_wait3A_305 = tpu.memref_slice %arg5[%add3A] : memref<1048576xf32, #tpu.memory_space<hbm>> -> memref<32768xf32, #tpu.memory_space<hbm>>
      tpu.wait_dma2 semaphore(%run_scoped3A : memref<!tpu.dma_semaphore, #tpu.memory_space<semaphore_mem>>) src(%dma_wait3A_305 : memref<32768xf32, #tpu.memory_space<hbm>>) dst(%dma_wait3A : memref<32768xf32, #tpu.memory_space<vmem_shared>>)
      tpu.yield
    }) : () -> ()
    %barrier3A = arith.constant 0 : index
    tpu.barrier barrier_id(%barrier3A)
    %iota3A = tpu.iota {dimensions = array<i32: 0>} : vector<16xi32>
    %mul3A_7 = arith.constant 16 : i32
    %mul3A_8 = arith.muli %arg1, %mul3A_7 : i32
    %add3A_9 = arith.constant 524288 : i32
    %add3A_10 = arith.addi %add3A_9, %mul3A_8 : i32
    %add3A_11 = vector.broadcast %add3A_10 : i32 to vector<16xi32>
    %add3A_12 = arith.addi %add3A_11, %iota3A : vector<16xi32>
    %mul3A_13 = arith.constant 102400 : i32
    %mul3A_14 = arith.muli %arg1, %mul3A_13 : i32
    %broadcast_in_dim3A = arith.constant 0 : i32
    %broadcast_in_dim3A_15 = vector.broadcast %broadcast_in_dim3A : i32 to vector<16xi32>
    %swap3A = arith.constant 0 : index
    %swap3A_16 = tpu.vector_load %arg15[%swap3A] {strides = array<i32>} : memref<16xi32, #tpu.memory_space<vmem>>, vector<16xi32>,
    tpu.vector_store %arg15[%swap3A], %broadcast_in_dim3A_15 {strides = array<i32>} : memref<16xi32, #tpu.memory_space<vmem>>, vector<16xi32>,
    %add3A_17 = arith.constant 0 : i32
    %add3A_18 = arith.addi %mul3A_14, %add3A_17 : i32
    %mul3A_19 = arith.constant 1638400 : i32
    %mul3A_20 = arith.muli %arg0, %mul3A_19 : i32
    %add3A_21 = arith.addi %mul3A_20, %add3A_18 : i32
    "tpu.region"() ({
      %run_scoped3A = tpu.sem_alloc : memref<!tpu.dma_semaphore, #tpu.memory_space<semaphore_mem>>
      %dma_start3A = tpu.memref_slice %arg3[%add3A_18] : memref<1638400xi32, #tpu.memory_space<hbm>> -> memref<10240xi32, #tpu.memory_space<hbm>>
      %dma_start3A_304 = tpu.memref_slice %arg3[%add3A_18] : memref<1638400xi32, #tpu.memory_space<hbm>> -> memref<10240xi32, #tpu.memory_space<hbm>>
      tpu.enqueue_dma source(%dma_start3A_304 : memref<10240xi32, #tpu.memory_space<hbm>>) target(%arg10 : memref<10240xi32, #tpu.memory_space<vmem>>) target_semaphore(%run_scoped3A : memref<!tpu.dma_semaphore, #tpu.memory_space<semaphore_mem>>)
      %dma_wait3A = tpu.memref_slice %arg3[%add3A_18] : memref<1638400xi32, #tpu.memory_space<hbm>> -> memref<10240xi32, #tpu.memory_space<hbm>>
      %dma_wait3A_305 = tpu.memref_slice %arg3[%add3A_18] : memref<1638400xi32, #tpu.memory_space<hbm>> -> memref<10240xi32, #tpu.memory_space<hbm>>
      tpu.wait_dma2 semaphore(%run_scoped3A : memref<!tpu.dma_semaphore, #tpu.memory_space<semaphore_mem>>) src(%dma_wait3A_305 : memref<10240xi32, #tpu.memory_space<hbm>>) dst(%arg10 : memref<10240xi32, #tpu.memory_space<vmem>>)
      tpu.yield
    }) : () -> ()
    "tpu.region"() ({
      %run_scoped3A = tpu.sem_alloc : memref<!tpu.dma_semaphore, #tpu.memory_space<semaphore_mem>>
      %dma_start3A = tpu.memref_slice %arg2[%add3A_18] : memref<1638400xf32, #tpu.memory_space<hbm>> -> memref<10240xf32, #tpu.memory_space<hbm>>
      %dma_start3A_304 = tpu.memref_slice %arg2[%add3A_18] : memref<1638400xf32, #tpu.memory_space<hbm>> -> memref<10240xf32, #tpu.memory_space<hbm>>
      tpu.enqueue_dma source(%dma_start3A_304 : memref<10240xf32, #tpu.memory_space<hbm>>) target(%arg11 : memref<10240xf32, #tpu.memory_space<vmem>>) target_semaphore(%run_scoped3A : memref<!tpu.dma_semaphore, #tpu.memory_space<semaphore_mem>>)
      %dma_wait3A = tpu.memref_slice %arg2[%add3A_18] : memref<1638400xf32, #tpu.memory_space<hbm>> -> memref<10240xf32, #tpu.memory_space<hbm>>
      %dma_wait3A_305 = tpu.memref_slice %arg2[%add3A_18] : memref<1638400xf32, #tpu.memory_space<hbm>> -> memref<10240xf32, #tpu.memory_space<hbm>>
      tpu.wait_dma2 semaphore(%run_scoped3A : memref<!tpu.dma_semaphore, #tpu.memory_space<semaphore_mem>>) src(%dma_wait3A_305 : memref<10240xf32, #tpu.memory_space<hbm>>) dst(%arg11 : memref<10240xf32, #tpu.memory_space<vmem>>)
      tpu.yield
    }) : () -> ()
    %scan3A = arith.constant 0 : i32
    %scan3A_22 = arith.constant 640 : i32
    %scan3A_23 = arith.addi %scan3A, %scan3A_22 : i32
    %scan3A_24 = arith.constant 1 : i32
    scf.for %scan3A_304 = %scan3A to %scan3A_23 step %scan3A_24  : i32 {
      %mul3A_305 = arith.constant 16 : i32
      %mul3A_306 = arith.muli %scan3A_304, %mul3A_305 : i32
      %add3A_307 = arith.constant 0 : i32
      %add3A_308 = arith.addi %add3A_307, %mul3A_306 : i32
      %get3A_309 = arith.index_cast %add3A_308 : i32 to index
      %get3A_310 = tpu.vector_load %arg10[%get3A_309] {strides = array<i32>} : memref<10240xi32, #tpu.memory_space<vmem>>, vector<16xi32>,
      %sub3A = vector.broadcast %mul3A_0 : i32 to vector<16xi32>
      %sub3A_311 = arith.subi %get3A_310, %sub3A : vector<16xi32>
      %ge3A = arith.constant 0 : i32
      %ge3A_312 = vector.broadcast %ge3A : i32 to vector<16xi32>
      %ge3A_313 = arith.cmpi sge, %sub3A_311, %ge3A_312 : vector<16xi32>
      %lt3A = arith.constant 524288 : i32
      %lt3A_314 = vector.broadcast %lt3A : i32 to vector<16xi32>
      %lt3A_315 = arith.cmpi slt, %sub3A_311, %lt3A_314 : vector<16xi32>
      %and3A = arith.andi %ge3A_313, %lt3A_315 : vector<16xi1>
      %select_n3A = arith.select %and3A, %sub3A_311, %add3A_12 : vector<16xi1>, vector<16xi32>
      %swap3A_316 = arith.index_cast %add3A_308 : i32 to index
      %swap3A_317 = tpu.vector_load %arg12[%swap3A_316] {strides = array<i32>} : memref<10240xi32, #tpu.memory_space<vmem>>, vector<16xi32>,
      tpu.vector_store %arg12[%swap3A_316], %select_n3A {strides = array<i32>} : memref<10240xi32, #tpu.memory_space<vmem>>, vector<16xi32>,
    }
    %scan3A_25 = arith.constant 640 : i32
    "tpu.region"() ({
      %run_scoped3A = tpu.sem_alloc : memref<!tpu.dma_semaphore, #tpu.memory_space<semaphore_mem>>
      %dma_start3A = arith.constant 0 : i32
      %dma_start3A_304 = tpu.memref_slice %arg8[%dma_start3A] : memref<524544xf32, #tpu.memory_space<vmem_shared>> -> memref<524544xf32, #tpu.memory_space<vmem_shared>>
      tpu.enqueue_indirect_dma source(%dma_start3A_304 : memref<524544xf32, #tpu.memory_space<vmem_shared>>) target(%arg13 : memref<10240xf32, #tpu.memory_space<vmem>>) offsets(%arg12 : memref<10240xi32, #tpu.memory_space<vmem>>) semaphore(%run_scoped3A : memref<!tpu.dma_semaphore, #tpu.memory_space<semaphore_mem>>)
      %dma_wait3A = arith.constant 0 : i32
      %dma_wait3A_305 = tpu.memref_slice %arg8[%dma_wait3A] : memref<524544xf32, #tpu.memory_space<vmem_shared>> -> memref<524544xf32, #tpu.memory_space<vmem_shared>>
      tpu.wait_indirect_dma semaphore(%run_scoped3A : memref<!tpu.dma_semaphore, #tpu.memory_space<semaphore_mem>>) src(%dma_wait3A_305 : memref<524544xf32, #tpu.memory_space<vmem_shared>>) dst(%arg13 : memref<10240xf32, #tpu.memory_space<vmem>>)
      tpu.yield
    }) : () -> ()
    %scan3A_26 = arith.constant 0 : i32
    %scan3A_27 = arith.constant 640 : i32
    %scan3A_28 = arith.addi %scan3A_26, %scan3A_27 : i32
    %scan3A_29 = arith.constant 1 : i32
    scf.for %scan3A_304 = %scan3A_26 to %scan3A_28 step %scan3A_29  : i32 {
      %mul3A_305 = arith.constant 16 : i32
      %mul3A_306 = arith.muli %scan3A_304, %mul3A_305 : i32
      %add3A_307 = arith.constant 0 : i32
      %add3A_308 = arith.addi %add3A_307, %mul3A_306 : i32
      %get3A_309 = arith.index_cast %add3A_308 : i32 to index
      %get3A_310 = tpu.vector_load %arg11[%get3A_309] {strides = array<i32>} : memref<10240xf32, #tpu.memory_space<vmem>>, vector<16xf32>,
      %get3A_311 = arith.index_cast %add3A_308 : i32 to index
      %get3A_312 = tpu.vector_load %arg12[%get3A_311] {strides = array<i32>} : memref<10240xi32, #tpu.memory_space<vmem>>, vector<16xi32>,
      %get3A_313 = arith.index_cast %add3A_308 : i32 to index
      %get3A_314 = tpu.vector_load %arg13[%get3A_313] {strides = array<i32>} : memref<10240xf32, #tpu.memory_space<vmem>>, vector<16xf32>,
      %lt3A = arith.constant 524288 : i32
      %lt3A_315 = vector.broadcast %lt3A : i32 to vector<16xi32>
      %lt3A_316 = arith.cmpi slt, %get3A_312, %lt3A_315 : vector<16xi32>
      %abs3A = math.absf %get3A_310 : vector<16xf32>
      %jit3A = arith.constant -1.000000e+00 : f32
      %broadcast_in_dim3A_317 = vector.broadcast %jit3A : f32 to vector<16xf32>
      %select_n3A = arith.select %lt3A_316, %abs3A, %broadcast_in_dim3A_317 : vector<16xi1>, vector<16xf32>
      %gt3A = arith.cmpf ogt, %select_n3A, %get3A_314 : vector<16xf32>
      %and3A = arith.andi %lt3A_316, %gt3A : vector<16xi1>
      %max3A = arith.maximumf %select_n3A, %get3A_314 : vector<16xf32>
      %swap3A_318 = arith.index_cast %add3A_308 : i32 to index
      %swap3A_319 = tpu.vector_load %arg13[%swap3A_318] {strides = array<i32>} : memref<10240xf32, #tpu.memory_space<vmem>>, vector<16xf32>,
      tpu.vector_store %arg13[%swap3A_318], %max3A {strides = array<i32>} : memref<10240xf32, #tpu.memory_space<vmem>>, vector<16xf32>,
      %select_n3A_320 = arith.select %and3A, %get3A_312, %add3A_12 : vector<16xi1>, vector<16xi32>
      %swap3A_321 = arith.index_cast %add3A_308 : i32 to index
      %swap3A_322 = tpu.vector_load %arg12[%swap3A_321] {strides = array<i32>} : memref<10240xi32, #tpu.memory_space<vmem>>, vector<16xi32>,
      tpu.vector_store %arg12[%swap3A_321], %select_n3A_320 {strides = array<i32>} : memref<10240xi32, #tpu.memory_space<vmem>>, vector<16xi32>,
      %get3A_323 = arith.constant 0 : index
      %get3A_324 = tpu.vector_load %arg15[%get3A_323] {strides = array<i32>} : memref<16xi32, #tpu.memory_space<vmem>>, vector<16xi32>,
      %jit3A_325 = arith.constant 1 : i32
      %jit3A_326 = arith.constant 0 : i32
      %broadcast_in_dim3A_327 = vector.broadcast %jit3A_325 : i32 to vector<16xi32>
      %broadcast_in_dim3A_328 = vector.broadcast %jit3A_326 : i32 to vector<16xi32>
      %select_n3A_329 = arith.select %and3A, %broadcast_in_dim3A_327, %broadcast_in_dim3A_328 : vector<16xi1>, vector<16xi32>
      %add3A_330 = arith.addi %get3A_324, %select_n3A_329 : vector<16xi32>
      %swap3A_331 = arith.constant 0 : index
      %swap3A_332 = tpu.vector_load %arg15[%swap3A_331] {strides = array<i32>} : memref<16xi32, #tpu.memory_space<vmem>>, vector<16xi32>,
      tpu.vector_store %arg15[%swap3A_331], %add3A_330 {strides = array<i32>} : memref<16xi32, #tpu.memory_space<vmem>>, vector<16xi32>,
    }
    %scan3A_30 = arith.constant 640 : i32
    "tpu.region"() ({
      %run_scoped3A = tpu.sem_alloc : memref<!tpu.dma_semaphore, #tpu.memory_space<semaphore_mem>>
      %dma_start3A = arith.constant 0 : i32
      %dma_start3A_304 = tpu.memref_slice %arg8[%dma_start3A] : memref<524544xf32, #tpu.memory_space<vmem_shared>> -> memref<524544xf32, #tpu.memory_space<vmem_shared>>
      tpu.enqueue_indirect_dma source(%arg13 : memref<10240xf32, #tpu.memory_space<vmem>>) target(%dma_start3A_304 : memref<524544xf32, #tpu.memory_space<vmem_shared>>) offsets(%arg12 : memref<10240xi32, #tpu.memory_space<vmem>>) semaphore(%run_scoped3A : memref<!tpu.dma_semaphore, #tpu.memory_space<semaphore_mem>>)
      %dma_wait3A = arith.constant 0 : i32
      %dma_wait3A_305 = tpu.memref_slice %arg8[%dma_wait3A] : memref<524544xf32, #tpu.memory_space<vmem_shared>> -> memref<524544xf32, #tpu.memory_space<vmem_shared>>
      tpu.wait_indirect_dma semaphore(%run_scoped3A : memref<!tpu.dma_semaphore, #tpu.memory_space<semaphore_mem>>) src(%arg13 : memref<10240xf32, #tpu.memory_space<vmem>>) dst(%dma_wait3A_305 : memref<524544xf32, #tpu.memory_space<vmem_shared>>)
      tpu.yield
    }) : () -> ()
    "tpu.region"() ({
      %run_scoped3A = tpu.sem_alloc : memref<!tpu.dma_semaphore, #tpu.memory_space<semaphore_mem>>
      %dma_start3A = tpu.memref_slice %arg7[%add3A_21] : memref<3276800xi32, #tpu.memory_space<hbm>> -> memref<10240xi32, #tpu.memory_space<hbm>>
      %dma_start3A_304 = tpu.memref_slice %arg7[%add3A_21] : memref<3276800xi32, #tpu.memory_space<hbm>> -> memref<10240xi32, #tpu.memory_space<hbm>>
      tpu.enqueue_dma source(%arg12 : memref<10240xi32, #tpu.memory_space<vmem>>) target(%dma_start3A_304 : memref<10240xi32, #tpu.memory_space<hbm>>) target_semaphore(%run_scoped3A : memref<!tpu.dma_semaphore, #tpu.memory_space<semaphore_mem>>)
      %dma_wait3A = tpu.memref_slice %arg7[%add3A_21] : memref<3276800xi32, #tpu.memory_space<hbm>> -> memref<10240xi32, #tpu.memory_space<hbm>>
      %dma_wait3A_305 = tpu.memref_slice %arg7[%add3A_21] : memref<3276800xi32, #tpu.memory_space<hbm>> -> memref<10240xi32, #tpu.memory_space<hbm>>
      tpu.wait_dma2 semaphore(%run_scoped3A : memref<!tpu.dma_semaphore, #tpu.memory_space<semaphore_mem>>) src(%arg12 : memref<10240xi32, #tpu.memory_space<vmem>>) dst(%dma_wait3A_305 : memref<10240xi32, #tpu.memory_space<hbm>>)
      tpu.yield
    }) : () -> ()
    %add3A_31 = arith.constant 10240 : i32
    %add3A_32 = arith.addi %mul3A_14, %add3A_31 : i32
    %mul3A_33 = arith.constant 1638400 : i32
    %mul3A_34 = arith.muli %arg0, %mul3A_33 : i32
    %add3A_35 = arith.addi %mul3A_34, %add3A_32 : i32
    "tpu.region"() ({
      %run_scoped3A = tpu.sem_alloc : memref<!tpu.dma_semaphore, #tpu.memory_space<semaphore_mem>>
      %dma_start3A = tpu.memref_slice %arg3[%add3A_32] : memref<1638400xi32, #tpu.memory_space<hbm>> -> memref<10240xi32, #tpu.memory_space<hbm>>
      %dma_start3A_304 = tpu.memref_slice %arg3[%add3A_32] : memref<1638400xi32, #tpu.memory_space<hbm>> -> memref<10240xi32, #tpu.memory_space<hbm>>
      tpu.enqueue_dma source(%dma_start3A_304 : memref<10240xi32, #tpu.memory_space<hbm>>) target(%arg10 : memref<10240xi32, #tpu.memory_space<vmem>>) target_semaphore(%run_scoped3A : memref<!tpu.dma_semaphore, #tpu.memory_space<semaphore_mem>>)
      %dma_wait3A = tpu.memref_slice %arg3[%add3A_32] : memref<1638400xi32, #tpu.memory_space<hbm>> -> memref<10240xi32, #tpu.memory_space<hbm>>
      %dma_wait3A_305 = tpu.memref_slice %arg3[%add3A_32] : memref<1638400xi32, #tpu.memory_space<hbm>> -> memref<10240xi32, #tpu.memory_space<hbm>>
      tpu.wait_dma2 semaphore(%run_scoped3A : memref<!tpu.dma_semaphore, #tpu.memory_space<semaphore_mem>>) src(%dma_wait3A_305 : memref<10240xi32, #tpu.memory_space<hbm>>) dst(%arg10 : memref<10240xi32, #tpu.memory_space<vmem>>)
      tpu.yield
    }) : () -> ()
    "tpu.region"() ({
      %run_scoped3A = tpu.sem_alloc : memref<!tpu.dma_semaphore, #tpu.memory_space<semaphore_mem>>
      %dma_start3A = tpu.memref_slice %arg2[%add3A_32] : memref<1638400xf32, #tpu.memory_space<hbm>> -> memref<10240xf32, #tpu.memory_space<hbm>>
      %dma_start3A_304 = tpu.memref_slice %arg2[%add3A_32] : memref<1638400xf32, #tpu.memory_space<hbm>> -> memref<10240xf32, #tpu.memory_space<hbm>>
      tpu.enqueue_dma source(%dma_start3A_304 : memref<10240xf32, #tpu.memory_space<hbm>>) target(%arg11 : memref<10240xf32, #tpu.memory_space<vmem>>) target_semaphore(%run_scoped3A : memref<!tpu.dma_semaphore, #tpu.memory_space<semaphore_mem>>)
      %dma_wait3A = tpu.memref_slice %arg2[%add3A_32] : memref<1638400xf32, #tpu.memory_space<hbm>> -> memref<10240xf32, #tpu.memory_space<hbm>>
      %dma_wait3A_305 = tpu.memref_slice %arg2[%add3A_32] : memref<1638400xf32, #tpu.memory_space<hbm>> -> memref<10240xf32, #tpu.memory_space<hbm>>
      tpu.wait_dma2 semaphore(%run_scoped3A : memref<!tpu.dma_semaphore, #tpu.memory_space<semaphore_mem>>) src(%dma_wait3A_305 : memref<10240xf32, #tpu.memory_space<hbm>>) dst(%arg11 : memref<10240xf32, #tpu.memory_space<vmem>>)
      tpu.yield
    }) : () -> ()
    %scan3A_36 = arith.constant 0 : i32
    %scan3A_37 = arith.constant 640 : i32
    %scan3A_38 = arith.addi %scan3A_36, %scan3A_37 : i32
    %scan3A_39 = arith.constant 1 : i32
    scf.for %scan3A_304 = %scan3A_36 to %scan3A_38 step %scan3A_39  : i32 {
      %mul3A_305 = arith.constant 16 : i32
      %mul3A_306 = arith.muli %scan3A_304, %mul3A_305 : i32
      %add3A_307 = arith.constant 0 : i32
      %add3A_308 = arith.addi %add3A_307, %mul3A_306 : i32
      %get3A_309 = arith.index_cast %add3A_308 : i32 to index
      %get3A_310 = tpu.vector_load %arg10[%get3A_309] {strides = array<i32>} : memref<10240xi32, #tpu.memory_space<vmem>>, vector<16xi32>,
      %sub3A = vector.broadcast %mul3A_0 : i32 to vector<16xi32>
      %sub3A_311 = arith.subi %get3A_310, %sub3A : vector<16xi32>
      %ge3A = arith.constant 0 : i32
      %ge3A_312 = vector.broadcast %ge3A : i32 to vector<16xi32>
      %ge3A_313 = arith.cmpi sge, %sub3A_311, %ge3A_312 : vector<16xi32>
      %lt3A = arith.constant 524288 : i32
      %lt3A_314 = vector.broadcast %lt3A : i32 to vector<16xi32>
      %lt3A_315 = arith.cmpi slt, %sub3A_311, %lt3A_314 : vector<16xi32>
      %and3A = arith.andi %ge3A_313, %lt3A_315 : vector<16xi1>
      %select_n3A = arith.select %and3A, %sub3A_311, %add3A_12 : vector<16xi1>, vector<16xi32>
      %swap3A_316 = arith.index_cast %add3A_308 : i32 to index
      %swap3A_317 = tpu.vector_load %arg12[%swap3A_316] {strides = array<i32>} : memref<10240xi32, #tpu.memory_space<vmem>>, vector<16xi32>,
      tpu.vector_store %arg12[%swap3A_316], %select_n3A {strides = array<i32>} : memref<10240xi32, #tpu.memory_space<vmem>>, vector<16xi32>,
    }
    %scan3A_40 = arith.constant 640 : i32
    "tpu.region"() ({
      %run_scoped3A = tpu.sem_alloc : memref<!tpu.dma_semaphore, #tpu.memory_space<semaphore_mem>>
      %dma_start3A = arith.constant 0 : i32
      %dma_start3A_304 = tpu.memref_slice %arg8[%dma_start3A] : memref<524544xf32, #tpu.memory_space<vmem_shared>> -> memref<524544xf32, #tpu.memory_space<vmem_shared>>
      tpu.enqueue_indirect_dma source(%dma_start3A_304 : memref<524544xf32, #tpu.memory_space<vmem_shared>>) target(%arg13 : memref<10240xf32, #tpu.memory_space<vmem>>) offsets(%arg12 : memref<10240xi32, #tpu.memory_space<vmem>>) semaphore(%run_scoped3A : memref<!tpu.dma_semaphore, #tpu.memory_space<semaphore_mem>>)
      %dma_wait3A = arith.constant 0 : i32
      %dma_wait3A_305 = tpu.memref_slice %arg8[%dma_wait3A] : memref<524544xf32, #tpu.memory_space<vmem_shared>> -> memref<524544xf32, #tpu.memory_space<vmem_shared>>
      tpu.wait_indirect_dma semaphore(%run_scoped3A : memref<!tpu.dma_semaphore, #tpu.memory_space<semaphore_mem>>) src(%dma_wait3A_305 : memref<524544xf32, #tpu.memory_space<vmem_shared>>) dst(%arg13 : memref<10240xf32, #tpu.memory_space<vmem>>)
      tpu.yield
    }) : () -> ()
    %scan3A_41 = arith.constant 0 : i32
    %scan3A_42 = arith.constant 640 : i32
    %scan3A_43 = arith.addi %scan3A_41, %scan3A_42 : i32
    %scan3A_44 = arith.constant 1 : i32
    scf.for %scan3A_304 = %scan3A_41 to %scan3A_43 step %scan3A_44  : i32 {
      %mul3A_305 = arith.constant 16 : i32
      %mul3A_306 = arith.muli %scan3A_304, %mul3A_305 : i32
      %add3A_307 = arith.constant 0 : i32
      %add3A_308 = arith.addi %add3A_307, %mul3A_306 : i32
      %get3A_309 = arith.index_cast %add3A_308 : i32 to index
      %get3A_310 = tpu.vector_load %arg11[%get3A_309] {strides = array<i32>} : memref<10240xf32, #tpu.memory_space<vmem>>, vector<16xf32>,
      %get3A_311 = arith.index_cast %add3A_308 : i32 to index
      %get3A_312 = tpu.vector_load %arg12[%get3A_311] {strides = array<i32>} : memref<10240xi32, #tpu.memory_space<vmem>>, vector<16xi32>,
      %get3A_313 = arith.index_cast %add3A_308 : i32 to index
      %get3A_314 = tpu.vector_load %arg13[%get3A_313] {strides = array<i32>} : memref<10240xf32, #tpu.memory_space<vmem>>, vector<16xf32>,
      %lt3A = arith.constant 524288 : i32
      %lt3A_315 = vector.broadcast %lt3A : i32 to vector<16xi32>
      %lt3A_316 = arith.cmpi slt, %get3A_312, %lt3A_315 : vector<16xi32>
      %abs3A = math.absf %get3A_310 : vector<16xf32>
      %jit3A = arith.constant -1.000000e+00 : f32
      %broadcast_in_dim3A_317 = vector.broadcast %jit3A : f32 to vector<16xf32>
      %select_n3A = arith.select %lt3A_316, %abs3A, %broadcast_in_dim3A_317 : vector<16xi1>, vector<16xf32>
      %gt3A = arith.cmpf ogt, %select_n3A, %get3A_314 : vector<16xf32>
      %and3A = arith.andi %lt3A_316, %gt3A : vector<16xi1>
      %max3A = arith.maximumf %select_n3A, %get3A_314 : vector<16xf32>
      %swap3A_318 = arith.index_cast %add3A_308 : i32 to index
      %swap3A_319 = tpu.vector_load %arg13[%swap3A_318] {strides = array<i32>} : memref<10240xf32, #tpu.memory_space<vmem>>, vector<16xf32>,
      tpu.vector_store %arg13[%swap3A_318], %max3A {strides = array<i32>} : memref<10240xf32, #tpu.memory_space<vmem>>, vector<16xf32>,
      %select_n3A_320 = arith.select %and3A, %get3A_312, %add3A_12 : vector<16xi1>, vector<16xi32>
      %swap3A_321 = arith.index_cast %add3A_308 : i32 to index
      %swap3A_322 = tpu.vector_load %arg12[%swap3A_321] {strides = array<i32>} : memref<10240xi32, #tpu.memory_space<vmem>>, vector<16xi32>,
      tpu.vector_store %arg12[%swap3A_321], %select_n3A_320 {strides = array<i32>} : memref<10240xi32, #tpu.memory_space<vmem>>, vector<16xi32>,
      %get3A_323 = arith.constant 0 : index
      %get3A_324 = tpu.vector_load %arg15[%get3A_323] {strides = array<i32>} : memref<16xi32, #tpu.memory_space<vmem>>, vector<16xi32>,
      %jit3A_325 = arith.constant 1 : i32
      %jit3A_326 = arith.constant 0 : i32
      %broadcast_in_dim3A_327 = vector.broadcast %jit3A_325 : i32 to vector<16xi32>
      %broadcast_in_dim3A_328 = vector.broadcast %jit3A_326 : i32 to vector<16xi32>
      %select_n3A_329 = arith.select %and3A, %broadcast_in_dim3A_327, %broadcast_in_dim3A_328 : vector<16xi1>, vector<16xi32>
      %add3A_330 = arith.addi %get3A_324, %select_n3A_329 : vector<16xi32>
      %swap3A_331 = arith.constant 0 : index
      %swap3A_332 = tpu.vector_load %arg15[%swap3A_331] {strides = array<i32>} : memref<16xi32, #tpu.memory_space<vmem>>, vector<16xi32>,
      tpu.vector_store %arg15[%swap3A_331], %add3A_330 {strides = array<i32>} : memref<16xi32, #tpu.memory_space<vmem>>, vector<16xi32>,
    }
    %scan3A_45 = arith.constant 640 : i32
    "tpu.region"() ({
      %run_scoped3A = tpu.sem_alloc : memref<!tpu.dma_semaphore, #tpu.memory_space<semaphore_mem>>
      %dma_start3A = arith.constant 0 : i32
      %dma_start3A_304 = tpu.memref_slice %arg8[%dma_start3A] : memref<524544xf32, #tpu.memory_space<vmem_shared>> -> memref<524544xf32, #tpu.memory_space<vmem_shared>>
      tpu.enqueue_indirect_dma source(%arg13 : memref<10240xf32, #tpu.memory_space<vmem>>) target(%dma_start3A_304 : memref<524544xf32, #tpu.memory_space<vmem_shared>>) offsets(%arg12 : memref<10240xi32, #tpu.memory_space<vmem>>) semaphore(%run_scoped3A : memref<!tpu.dma_semaphore, #tpu.memory_space<semaphore_mem>>)
      %dma_wait3A = arith.constant 0 : i32
      %dma_wait3A_305 = tpu.memref_slice %arg8[%dma_wait3A] : memref<524544xf32, #tpu.memory_space<vmem_shared>> -> memref<524544xf32, #tpu.memory_space<vmem_shared>>
      tpu.wait_indirect_dma semaphore(%run_scoped3A : memref<!tpu.dma_semaphore, #tpu.memory_space<semaphore_mem>>) src(%arg13 : memref<10240xf32, #tpu.memory_space<vmem>>) dst(%dma_wait3A_305 : memref<524544xf32, #tpu.memory_space<vmem_shared>>)
      tpu.yield
    }) : () -> ()
    "tpu.region"() ({
      %run_scoped3A = tpu.sem_alloc : memref<!tpu.dma_semaphore, #tpu.memory_space<semaphore_mem>>
      %dma_start3A = tpu.memref_slice %arg7[%add3A_35] : memref<3276800xi32, #tpu.memory_space<hbm>> -> memref<10240xi32, #tpu.memory_space<hbm>>
      %dma_start3A_304 = tpu.memref_slice %arg7[%add3A_35] : memref<3276800xi32, #tpu.memory_space<hbm>> -> memref<10240xi32, #tpu.memory_space<hbm>>
      tpu.enqueue_dma source(%arg12 : memref<10240xi32, #tpu.memory_space<vmem>>) target(%dma_start3A_304 : memref<10240xi32, #tpu.memory_space<hbm>>) target_semaphore(%run_scoped3A : memref<!tpu.dma_semaphore, #tpu.memory_space<semaphore_mem>>)
      %dma_wait3A = tpu.memref_slice %arg7[%add3A_35] : memref<3276800xi32, #tpu.memory_space<hbm>> -> memref<10240xi32, #tpu.memory_space<hbm>>
      %dma_wait3A_305 = tpu.memref_slice %arg7[%add3A_35] : memref<3276800xi32, #tpu.memory_space<hbm>> -> memref<10240xi32, #tpu.memory_space<hbm>>
      tpu.wait_dma2 semaphore(%run_scoped3A : memref<!tpu.dma_semaphore, #tpu.memory_space<semaphore_mem>>) src(%arg12 : memref<10240xi32, #tpu.memory_space<vmem>>) dst(%dma_wait3A_305 : memref<10240xi32, #tpu.memory_space<hbm>>)
      tpu.yield
    }) : () -> ()
    %add3A_46 = arith.constant 20480 : i32
    %add3A_47 = arith.addi %mul3A_14, %add3A_46 : i32
    %mul3A_48 = arith.constant 1638400 : i32
    %mul3A_49 = arith.muli %arg0, %mul3A_48 : i32
    %add3A_50 = arith.addi %mul3A_49, %add3A_47 : i32
    "tpu.region"() ({
      %run_scoped3A = tpu.sem_alloc : memref<!tpu.dma_semaphore, #tpu.memory_space<semaphore_mem>>
      %dma_start3A = tpu.memref_slice %arg3[%add3A_47] : memref<1638400xi32, #tpu.memory_space<hbm>> -> memref<10240xi32, #tpu.memory_space<hbm>>
      %dma_start3A_304 = tpu.memref_slice %arg3[%add3A_47] : memref<1638400xi32, #tpu.memory_space<hbm>> -> memref<10240xi32, #tpu.memory_space<hbm>>
      tpu.enqueue_dma source(%dma_start3A_304 : memref<10240xi32, #tpu.memory_space<hbm>>) target(%arg10 : memref<10240xi32, #tpu.memory_space<vmem>>) target_semaphore(%run_scoped3A : memref<!tpu.dma_semaphore, #tpu.memory_space<semaphore_mem>>)
      %dma_wait3A = tpu.memref_slice %arg3[%add3A_47] : memref<1638400xi32, #tpu.memory_space<hbm>> -> memref<10240xi32, #tpu.memory_space<hbm>>
      %dma_wait3A_305 = tpu.memref_slice %arg3[%add3A_47] : memref<1638400xi32, #tpu.memory_space<hbm>> -> memref<10240xi32, #tpu.memory_space<hbm>>
      tpu.wait_dma2 semaphore(%run_scoped3A : memref<!tpu.dma_semaphore, #tpu.memory_space<semaphore_mem>>) src(%dma_wait3A_305 : memref<10240xi32, #tpu.memory_space<hbm>>) dst(%arg10 : memref<10240xi32, #tpu.memory_space<vmem>>)
      tpu.yield
    }) : () -> ()
    "tpu.region"() ({
      %run_scoped3A = tpu.sem_alloc : memref<!tpu.dma_semaphore, #tpu.memory_space<semaphore_mem>>
      %dma_start3A = tpu.memref_slice %arg2[%add3A_47] : memref<1638400xf32, #tpu.memory_space<hbm>> -> memref<10240xf32, #tpu.memory_space<hbm>>
      %dma_start3A_304 = tpu.memref_slice %arg2[%add3A_47] : memref<1638400xf32, #tpu.memory_space<hbm>> -> memref<10240xf32, #tpu.memory_space<hbm>>
      tpu.enqueue_dma source(%dma_start3A_304 : memref<10240xf32, #tpu.memory_space<hbm>>) target(%arg11 : memref<10240xf32, #tpu.memory_space<vmem>>) target_semaphore(%run_scoped3A : memref<!tpu.dma_semaphore, #tpu.memory_space<semaphore_mem>>)
      %dma_wait3A = tpu.memref_slice %arg2[%add3A_47] : memref<1638400xf32, #tpu.memory_space<hbm>> -> memref<10240xf32, #tpu.memory_space<hbm>>
      %dma_wait3A_305 = tpu.memref_slice %arg2[%add3A_47] : memref<1638400xf32, #tpu.memory_space<hbm>> -> memref<10240xf32, #tpu.memory_space<hbm>>
      tpu.wait_dma2 semaphore(%run_scoped3A : memref<!tpu.dma_semaphore, #tpu.memory_space<semaphore_mem>>) src(%dma_wait3A_305 : memref<10240xf32, #tpu.memory_space<hbm>>) dst(%arg11 : memref<10240xf32, #tpu.memory_space<vmem>>)
      tpu.yield
    }) : () -> ()
    %scan3A_51 = arith.constant 0 : i32
    %scan3A_52 = arith.constant 640 : i32
    %scan3A_53 = arith.addi %scan3A_51, %scan3A_52 : i32
    %scan3A_54 = arith.constant 1 : i32
    scf.for %scan3A_304 = %scan3A_51 to %scan3A_53 step %scan3A_54  : i32 {
      %mul3A_305 = arith.constant 16 : i32
      %mul3A_306 = arith.muli %scan3A_304, %mul3A_305 : i32
      %add3A_307 = arith.constant 0 : i32
      %add3A_308 = arith.addi %add3A_307, %mul3A_306 : i32
      %get3A_309 = arith.index_cast %add3A_308 : i32 to index
      %get3A_310 = tpu.vector_load %arg10[%get3A_309] {strides = array<i32>} : memref<10240xi32, #tpu.memory_space<vmem>>, vector<16xi32>,
      %sub3A = vector.broadcast %mul3A_0 : i32 to vector<16xi32>
      %sub3A_311 = arith.subi %get3A_310, %sub3A : vector<16xi32>
      %ge3A = arith.constant 0 : i32
      %ge3A_312 = vector.broadcast %ge3A : i32 to vector<16xi32>
      %ge3A_313 = arith.cmpi sge, %sub3A_311, %ge3A_312 : vector<16xi32>
      %lt3A = arith.constant 524288 : i32
      %lt3A_314 = vector.broadcast %lt3A : i32 to vector<16xi32>
      %lt3A_315 = arith.cmpi slt, %sub3A_311, %lt3A_314 : vector<16xi32>
      %and3A = arith.andi %ge3A_313, %lt3A_315 : vector<16xi1>
      %select_n3A = arith.select %and3A, %sub3A_311, %add3A_12 : vector<16xi1>, vector<16xi32>
      %swap3A_316 = arith.index_cast %add3A_308 : i32 to index
      %swap3A_317 = tpu.vector_load %arg12[%swap3A_316] {strides = array<i32>} : memref<10240xi32, #tpu.memory_space<vmem>>, vector<16xi32>,
      tpu.vector_store %arg12[%swap3A_316], %select_n3A {strides = array<i32>} : memref<10240xi32, #tpu.memory_space<vmem>>, vector<16xi32>,
    }
    %scan3A_55 = arith.constant 640 : i32
    "tpu.region"() ({
      %run_scoped3A = tpu.sem_alloc : memref<!tpu.dma_semaphore, #tpu.memory_space<semaphore_mem>>
      %dma_start3A = arith.constant 0 : i32
      %dma_start3A_304 = tpu.memref_slice %arg8[%dma_start3A] : memref<524544xf32, #tpu.memory_space<vmem_shared>> -> memref<524544xf32, #tpu.memory_space<vmem_shared>>
      tpu.enqueue_indirect_dma source(%dma_start3A_304 : memref<524544xf32, #tpu.memory_space<vmem_shared>>) target(%arg13 : memref<10240xf32, #tpu.memory_space<vmem>>) offsets(%arg12 : memref<10240xi32, #tpu.memory_space<vmem>>) semaphore(%run_scoped3A : memref<!tpu.dma_semaphore, #tpu.memory_space<semaphore_mem>>)
      %dma_wait3A = arith.constant 0 : i32
      %dma_wait3A_305 = tpu.memref_slice %arg8[%dma_wait3A] : memref<524544xf32, #tpu.memory_space<vmem_shared>> -> memref<524544xf32, #tpu.memory_space<vmem_shared>>
      tpu.wait_indirect_dma semaphore(%run_scoped3A : memref<!tpu.dma_semaphore, #tpu.memory_space<semaphore_mem>>) src(%dma_wait3A_305 : memref<524544xf32, #tpu.memory_space<vmem_shared>>) dst(%arg13 : memref<10240xf32, #tpu.memory_space<vmem>>)
      tpu.yield
    }) : () -> ()
    %scan3A_56 = arith.constant 0 : i32
    %scan3A_57 = arith.constant 640 : i32
    %scan3A_58 = arith.addi %scan3A_56, %scan3A_57 : i32
    %scan3A_59 = arith.constant 1 : i32
    scf.for %scan3A_304 = %scan3A_56 to %scan3A_58 step %scan3A_59  : i32 {
      %mul3A_305 = arith.constant 16 : i32
      %mul3A_306 = arith.muli %scan3A_304, %mul3A_305 : i32
      %add3A_307 = arith.constant 0 : i32
      %add3A_308 = arith.addi %add3A_307, %mul3A_306 : i32
      %get3A_309 = arith.index_cast %add3A_308 : i32 to index
      %get3A_310 = tpu.vector_load %arg11[%get3A_309] {strides = array<i32>} : memref<10240xf32, #tpu.memory_space<vmem>>, vector<16xf32>,
      %get3A_311 = arith.index_cast %add3A_308 : i32 to index
      %get3A_312 = tpu.vector_load %arg12[%get3A_311] {strides = array<i32>} : memref<10240xi32, #tpu.memory_space<vmem>>, vector<16xi32>,
      %get3A_313 = arith.index_cast %add3A_308 : i32 to index
      %get3A_314 = tpu.vector_load %arg13[%get3A_313] {strides = array<i32>} : memref<10240xf32, #tpu.memory_space<vmem>>, vector<16xf32>,
      %lt3A = arith.constant 524288 : i32
      %lt3A_315 = vector.broadcast %lt3A : i32 to vector<16xi32>
      %lt3A_316 = arith.cmpi slt, %get3A_312, %lt3A_315 : vector<16xi32>
      %abs3A = math.absf %get3A_310 : vector<16xf32>
      %jit3A = arith.constant -1.000000e+00 : f32
      %broadcast_in_dim3A_317 = vector.broadcast %jit3A : f32 to vector<16xf32>
      %select_n3A = arith.select %lt3A_316, %abs3A, %broadcast_in_dim3A_317 : vector<16xi1>, vector<16xf32>
      %gt3A = arith.cmpf ogt, %select_n3A, %get3A_314 : vector<16xf32>
      %and3A = arith.andi %lt3A_316, %gt3A : vector<16xi1>
      %max3A = arith.maximumf %select_n3A, %get3A_314 : vector<16xf32>
      %swap3A_318 = arith.index_cast %add3A_308 : i32 to index
      %swap3A_319 = tpu.vector_load %arg13[%swap3A_318] {strides = array<i32>} : memref<10240xf32, #tpu.memory_space<vmem>>, vector<16xf32>,
      tpu.vector_store %arg13[%swap3A_318], %max3A {strides = array<i32>} : memref<10240xf32, #tpu.memory_space<vmem>>, vector<16xf32>,
      %select_n3A_320 = arith.select %and3A, %get3A_312, %add3A_12 : vector<16xi1>, vector<16xi32>
      %swap3A_321 = arith.index_cast %add3A_308 : i32 to index
      %swap3A_322 = tpu.vector_load %arg12[%swap3A_321] {strides = array<i32>} : memref<10240xi32, #tpu.memory_space<vmem>>, vector<16xi32>,
      tpu.vector_store %arg12[%swap3A_321], %select_n3A_320 {strides = array<i32>} : memref<10240xi32, #tpu.memory_space<vmem>>, vector<16xi32>,
      %get3A_323 = arith.constant 0 : index
      %get3A_324 = tpu.vector_load %arg15[%get3A_323] {strides = array<i32>} : memref<16xi32, #tpu.memory_space<vmem>>, vector<16xi32>,
      %jit3A_325 = arith.constant 1 : i32
      %jit3A_326 = arith.constant 0 : i32
      %broadcast_in_dim3A_327 = vector.broadcast %jit3A_325 : i32 to vector<16xi32>
      %broadcast_in_dim3A_328 = vector.broadcast %jit3A_326 : i32 to vector<16xi32>
      %select_n3A_329 = arith.select %and3A, %broadcast_in_dim3A_327, %broadcast_in_dim3A_328 : vector<16xi1>, vector<16xi32>
      %add3A_330 = arith.addi %get3A_324, %select_n3A_329 : vector<16xi32>
      %swap3A_331 = arith.constant 0 : index
      %swap3A_332 = tpu.vector_load %arg15[%swap3A_331] {strides = array<i32>} : memref<16xi32, #tpu.memory_space<vmem>>, vector<16xi32>,
      tpu.vector_store %arg15[%swap3A_331], %add3A_330 {strides = array<i32>} : memref<16xi32, #tpu.memory_space<vmem>>, vector<16xi32>,
    }
    %scan3A_60 = arith.constant 640 : i32
    "tpu.region"() ({
      %run_scoped3A = tpu.sem_alloc : memref<!tpu.dma_semaphore, #tpu.memory_space<semaphore_mem>>
      %dma_start3A = arith.constant 0 : i32
      %dma_start3A_304 = tpu.memref_slice %arg8[%dma_start3A] : memref<524544xf32, #tpu.memory_space<vmem_shared>> -> memref<524544xf32, #tpu.memory_space<vmem_shared>>
      tpu.enqueue_indirect_dma source(%arg13 : memref<10240xf32, #tpu.memory_space<vmem>>) target(%dma_start3A_304 : memref<524544xf32, #tpu.memory_space<vmem_shared>>) offsets(%arg12 : memref<10240xi32, #tpu.memory_space<vmem>>) semaphore(%run_scoped3A : memref<!tpu.dma_semaphore, #tpu.memory_space<semaphore_mem>>)
      %dma_wait3A = arith.constant 0 : i32
      %dma_wait3A_305 = tpu.memref_slice %arg8[%dma_wait3A] : memref<524544xf32, #tpu.memory_space<vmem_shared>> -> memref<524544xf32, #tpu.memory_space<vmem_shared>>
      tpu.wait_indirect_dma semaphore(%run_scoped3A : memref<!tpu.dma_semaphore, #tpu.memory_space<semaphore_mem>>) src(%arg13 : memref<10240xf32, #tpu.memory_space<vmem>>) dst(%dma_wait3A_305 : memref<524544xf32, #tpu.memory_space<vmem_shared>>)
      tpu.yield
    }) : () -> ()
    "tpu.region"() ({
      %run_scoped3A = tpu.sem_alloc : memref<!tpu.dma_semaphore, #tpu.memory_space<semaphore_mem>>
      %dma_start3A = tpu.memref_slice %arg7[%add3A_50] : memref<3276800xi32, #tpu.memory_space<hbm>> -> memref<10240xi32, #tpu.memory_space<hbm>>
      %dma_start3A_304 = tpu.memref_slice %arg7[%add3A_50] : memref<3276800xi32, #tpu.memory_space<hbm>> -> memref<10240xi32, #tpu.memory_space<hbm>>
      tpu.enqueue_dma source(%arg12 : memref<10240xi32, #tpu.memory_space<vmem>>) target(%dma_start3A_304 : memref<10240xi32, #tpu.memory_space<hbm>>) target_semaphore(%run_scoped3A : memref<!tpu.dma_semaphore, #tpu.memory_space<semaphore_mem>>)
      %dma_wait3A = tpu.memref_slice %arg7[%add3A_50] : memref<3276800xi32, #tpu.memory_space<hbm>> -> memref<10240xi32, #tpu.memory_space<hbm>>
      %dma_wait3A_305 = tpu.memref_slice %arg7[%add3A_50] : memref<3276800xi32, #tpu.memory_space<hbm>> -> memref<10240xi32, #tpu.memory_space<hbm>>
      tpu.wait_dma2 semaphore(%run_scoped3A : memref<!tpu.dma_semaphore, #tpu.memory_space<semaphore_mem>>) src(%arg12 : memref<10240xi32, #tpu.memory_space<vmem>>) dst(%dma_wait3A_305 : memref<10240xi32, #tpu.memory_space<hbm>>)
      tpu.yield
    }) : () -> ()
    %add3A_61 = arith.constant 30720 : i32
    %add3A_62 = arith.addi %mul3A_14, %add3A_61 : i32
    %mul3A_63 = arith.constant 1638400 : i32
    %mul3A_64 = arith.muli %arg0, %mul3A_63 : i32
    %add3A_65 = arith.addi %mul3A_64, %add3A_62 : i32
    "tpu.region"() ({
      %run_scoped3A = tpu.sem_alloc : memref<!tpu.dma_semaphore, #tpu.memory_space<semaphore_mem>>
      %dma_start3A = tpu.memref_slice %arg3[%add3A_62] : memref<1638400xi32, #tpu.memory_space<hbm>> -> memref<10240xi32, #tpu.memory_space<hbm>>
      %dma_start3A_304 = tpu.memref_slice %arg3[%add3A_62] : memref<1638400xi32, #tpu.memory_space<hbm>> -> memref<10240xi32, #tpu.memory_space<hbm>>
      tpu.enqueue_dma source(%dma_start3A_304 : memref<10240xi32, #tpu.memory_space<hbm>>) target(%arg10 : memref<10240xi32, #tpu.memory_space<vmem>>) target_semaphore(%run_scoped3A : memref<!tpu.dma_semaphore, #tpu.memory_space<semaphore_mem>>)
      %dma_wait3A = tpu.memref_slice %arg3[%add3A_62] : memref<1638400xi32, #tpu.memory_space<hbm>> -> memref<10240xi32, #tpu.memory_space<hbm>>
      %dma_wait3A_305 = tpu.memref_slice %arg3[%add3A_62] : memref<1638400xi32, #tpu.memory_space<hbm>> -> memref<10240xi32, #tpu.memory_space<hbm>>
      tpu.wait_dma2 semaphore(%run_scoped3A : memref<!tpu.dma_semaphore, #tpu.memory_space<semaphore_mem>>) src(%dma_wait3A_305 : memref<10240xi32, #tpu.memory_space<hbm>>) dst(%arg10 : memref<10240xi32, #tpu.memory_space<vmem>>)
      tpu.yield
    }) : () -> ()
    "tpu.region"() ({
      %run_scoped3A = tpu.sem_alloc : memref<!tpu.dma_semaphore, #tpu.memory_space<semaphore_mem>>
      %dma_start3A = tpu.memref_slice %arg2[%add3A_62] : memref<1638400xf32, #tpu.memory_space<hbm>> -> memref<10240xf32, #tpu.memory_space<hbm>>
      %dma_start3A_304 = tpu.memref_slice %arg2[%add3A_62] : memref<1638400xf32, #tpu.memory_space<hbm>> -> memref<10240xf32, #tpu.memory_space<hbm>>
      tpu.enqueue_dma source(%dma_start3A_304 : memref<10240xf32, #tpu.memory_space<hbm>>) target(%arg11 : memref<10240xf32, #tpu.memory_space<vmem>>) target_semaphore(%run_scoped3A : memref<!tpu.dma_semaphore, #tpu.memory_space<semaphore_mem>>)
      %dma_wait3A = tpu.memref_slice %arg2[%add3A_62] : memref<1638400xf32, #tpu.memory_space<hbm>> -> memref<10240xf32, #tpu.memory_space<hbm>>
      %dma_wait3A_305 = tpu.memref_slice %arg2[%add3A_62] : memref<1638400xf32, #tpu.memory_space<hbm>> -> memref<10240xf32, #tpu.memory_space<hbm>>
      tpu.wait_dma2 semaphore(%run_scoped3A : memref<!tpu.dma_semaphore, #tpu.memory_space<semaphore_mem>>) src(%dma_wait3A_305 : memref<10240xf32, #tpu.memory_space<hbm>>) dst(%arg11 : memref<10240xf32, #tpu.memory_space<vmem>>)
      tpu.yield
    }) : () -> ()
    %scan3A_66 = arith.constant 0 : i32
    %scan3A_67 = arith.constant 640 : i32
    %scan3A_68 = arith.addi %scan3A_66, %scan3A_67 : i32
    %scan3A_69 = arith.constant 1 : i32
    scf.for %scan3A_304 = %scan3A_66 to %scan3A_68 step %scan3A_69  : i32 {
      %mul3A_305 = arith.constant 16 : i32
      %mul3A_306 = arith.muli %scan3A_304, %mul3A_305 : i32
      %add3A_307 = arith.constant 0 : i32
      %add3A_308 = arith.addi %add3A_307, %mul3A_306 : i32
      %get3A_309 = arith.index_cast %add3A_308 : i32 to index
      %get3A_310 = tpu.vector_load %arg10[%get3A_309] {strides = array<i32>} : memref<10240xi32, #tpu.memory_space<vmem>>, vector<16xi32>,
      %sub3A = vector.broadcast %mul3A_0 : i32 to vector<16xi32>
      %sub3A_311 = arith.subi %get3A_310, %sub3A : vector<16xi32>
      %ge3A = arith.constant 0 : i32
      %ge3A_312 = vector.broadcast %ge3A : i32 to vector<16xi32>
      %ge3A_313 = arith.cmpi sge, %sub3A_311, %ge3A_312 : vector<16xi32>
      %lt3A = arith.constant 524288 : i32
      %lt3A_314 = vector.broadcast %lt3A : i32 to vector<16xi32>
      %lt3A_315 = arith.cmpi slt, %sub3A_311, %lt3A_314 : vector<16xi32>
      %and3A = arith.andi %ge3A_313, %lt3A_315 : vector<16xi1>
      %select_n3A = arith.select %and3A, %sub3A_311, %add3A_12 : vector<16xi1>, vector<16xi32>
      %swap3A_316 = arith.index_cast %add3A_308 : i32 to index
      %swap3A_317 = tpu.vector_load %arg12[%swap3A_316] {strides = array<i32>} : memref<10240xi32, #tpu.memory_space<vmem>>, vector<16xi32>,
      tpu.vector_store %arg12[%swap3A_316], %select_n3A {strides = array<i32>} : memref<10240xi32, #tpu.memory_space<vmem>>, vector<16xi32>,
    }
    %scan3A_70 = arith.constant 640 : i32
    "tpu.region"() ({
      %run_scoped3A = tpu.sem_alloc : memref<!tpu.dma_semaphore, #tpu.memory_space<semaphore_mem>>
      %dma_start3A = arith.constant 0 : i32
      %dma_start3A_304 = tpu.memref_slice %arg8[%dma_start3A] : memref<524544xf32, #tpu.memory_space<vmem_shared>> -> memref<524544xf32, #tpu.memory_space<vmem_shared>>
      tpu.enqueue_indirect_dma source(%dma_start3A_304 : memref<524544xf32, #tpu.memory_space<vmem_shared>>) target(%arg13 : memref<10240xf32, #tpu.memory_space<vmem>>) offsets(%arg12 : memref<10240xi32, #tpu.memory_space<vmem>>) semaphore(%run_scoped3A : memref<!tpu.dma_semaphore, #tpu.memory_space<semaphore_mem>>)
      %dma_wait3A = arith.constant 0 : i32
      %dma_wait3A_305 = tpu.memref_slice %arg8[%dma_wait3A] : memref<524544xf32, #tpu.memory_space<vmem_shared>> -> memref<524544xf32, #tpu.memory_space<vmem_shared>>
      tpu.wait_indirect_dma semaphore(%run_scoped3A : memref<!tpu.dma_semaphore, #tpu.memory_space<semaphore_mem>>) src(%dma_wait3A_305 : memref<524544xf32, #tpu.memory_space<vmem_shared>>) dst(%arg13 : memref<10240xf32, #tpu.memory_space<vmem>>)
      tpu.yield
    }) : () -> ()
    %scan3A_71 = arith.constant 0 : i32
    %scan3A_72 = arith.constant 640 : i32
    %scan3A_73 = arith.addi %scan3A_71, %scan3A_72 : i32
    %scan3A_74 = arith.constant 1 : i32
    scf.for %scan3A_304 = %scan3A_71 to %scan3A_73 step %scan3A_74  : i32 {
      %mul3A_305 = arith.constant 16 : i32
      %mul3A_306 = arith.muli %scan3A_304, %mul3A_305 : i32
      %add3A_307 = arith.constant 0 : i32
      %add3A_308 = arith.addi %add3A_307, %mul3A_306 : i32
      %get3A_309 = arith.index_cast %add3A_308 : i32 to index
      %get3A_310 = tpu.vector_load %arg11[%get3A_309] {strides = array<i32>} : memref<10240xf32, #tpu.memory_space<vmem>>, vector<16xf32>,
      %get3A_311 = arith.index_cast %add3A_308 : i32 to index
      %get3A_312 = tpu.vector_load %arg12[%get3A_311] {strides = array<i32>} : memref<10240xi32, #tpu.memory_space<vmem>>, vector<16xi32>,
      %get3A_313 = arith.index_cast %add3A_308 : i32 to index
      %get3A_314 = tpu.vector_load %arg13[%get3A_313] {strides = array<i32>} : memref<10240xf32, #tpu.memory_space<vmem>>, vector<16xf32>,
      %lt3A = arith.constant 524288 : i32
      %lt3A_315 = vector.broadcast %lt3A : i32 to vector<16xi32>
      %lt3A_316 = arith.cmpi slt, %get3A_312, %lt3A_315 : vector<16xi32>
      %abs3A = math.absf %get3A_310 : vector<16xf32>
      %jit3A = arith.constant -1.000000e+00 : f32
      %broadcast_in_dim3A_317 = vector.broadcast %jit3A : f32 to vector<16xf32>
      %select_n3A = arith.select %lt3A_316, %abs3A, %broadcast_in_dim3A_317 : vector<16xi1>, vector<16xf32>
      %gt3A = arith.cmpf ogt, %select_n3A, %get3A_314 : vector<16xf32>
      %and3A = arith.andi %lt3A_316, %gt3A : vector<16xi1>
      %max3A = arith.maximumf %select_n3A, %get3A_314 : vector<16xf32>
      %swap3A_318 = arith.index_cast %add3A_308 : i32 to index
      %swap3A_319 = tpu.vector_load %arg13[%swap3A_318] {strides = array<i32>} : memref<10240xf32, #tpu.memory_space<vmem>>, vector<16xf32>,
      tpu.vector_store %arg13[%swap3A_318], %max3A {strides = array<i32>} : memref<10240xf32, #tpu.memory_space<vmem>>, vector<16xf32>,
      %select_n3A_320 = arith.select %and3A, %get3A_312, %add3A_12 : vector<16xi1>, vector<16xi32>
      %swap3A_321 = arith.index_cast %add3A_308 : i32 to index
      %swap3A_322 = tpu.vector_load %arg12[%swap3A_321] {strides = array<i32>} : memref<10240xi32, #tpu.memory_space<vmem>>, vector<16xi32>,
      tpu.vector_store %arg12[%swap3A_321], %select_n3A_320 {strides = array<i32>} : memref<10240xi32, #tpu.memory_space<vmem>>, vector<16xi32>,
      %get3A_323 = arith.constant 0 : index
      %get3A_324 = tpu.vector_load %arg15[%get3A_323] {strides = array<i32>} : memref<16xi32, #tpu.memory_space<vmem>>, vector<16xi32>,
      %jit3A_325 = arith.constant 1 : i32
      %jit3A_326 = arith.constant 0 : i32
      %broadcast_in_dim3A_327 = vector.broadcast %jit3A_325 : i32 to vector<16xi32>
      %broadcast_in_dim3A_328 = vector.broadcast %jit3A_326 : i32 to vector<16xi32>
      %select_n3A_329 = arith.select %and3A, %broadcast_in_dim3A_327, %broadcast_in_dim3A_328 : vector<16xi1>, vector<16xi32>
      %add3A_330 = arith.addi %get3A_324, %select_n3A_329 : vector<16xi32>
      %swap3A_331 = arith.constant 0 : index
      %swap3A_332 = tpu.vector_load %arg15[%swap3A_331] {strides = array<i32>} : memref<16xi32, #tpu.memory_space<vmem>>, vector<16xi32>,
      tpu.vector_store %arg15[%swap3A_331], %add3A_330 {strides = array<i32>} : memref<16xi32, #tpu.memory_space<vmem>>, vector<16xi32>,
    }
    %scan3A_75 = arith.constant 640 : i32
    "tpu.region"() ({
      %run_scoped3A = tpu.sem_alloc : memref<!tpu.dma_semaphore, #tpu.memory_space<semaphore_mem>>
      %dma_start3A = arith.constant 0 : i32
      %dma_start3A_304 = tpu.memref_slice %arg8[%dma_start3A] : memref<524544xf32, #tpu.memory_space<vmem_shared>> -> memref<524544xf32, #tpu.memory_space<vmem_shared>>
      tpu.enqueue_indirect_dma source(%arg13 : memref<10240xf32, #tpu.memory_space<vmem>>) target(%dma_start3A_304 : memref<524544xf32, #tpu.memory_space<vmem_shared>>) offsets(%arg12 : memref<10240xi32, #tpu.memory_space<vmem>>) semaphore(%run_scoped3A : memref<!tpu.dma_semaphore, #tpu.memory_space<semaphore_mem>>)
      %dma_wait3A = arith.constant 0 : i32
      %dma_wait3A_305 = tpu.memref_slice %arg8[%dma_wait3A] : memref<524544xf32, #tpu.memory_space<vmem_shared>> -> memref<524544xf32, #tpu.memory_space<vmem_shared>>
      tpu.wait_indirect_dma semaphore(%run_scoped3A : memref<!tpu.dma_semaphore, #tpu.memory_space<semaphore_mem>>) src(%arg13 : memref<10240xf32, #tpu.memory_space<vmem>>) dst(%dma_wait3A_305 : memref<524544xf32, #tpu.memory_space<vmem_shared>>)
      tpu.yield
    }) : () -> ()
    "tpu.region"() ({
      %run_scoped3A = tpu.sem_alloc : memref<!tpu.dma_semaphore, #tpu.memory_space<semaphore_mem>>
      %dma_start3A = tpu.memref_slice %arg7[%add3A_65] : memref<3276800xi32, #tpu.memory_space<hbm>> -> memref<10240xi32, #tpu.memory_space<hbm>>
      %dma_start3A_304 = tpu.memref_slice %arg7[%add3A_65] : memref<3276800xi32, #tpu.memory_space<hbm>> -> memref<10240xi32, #tpu.memory_space<hbm>>
      tpu.enqueue_dma source(%arg12 : memref<10240xi32, #tpu.memory_space<vmem>>) target(%dma_start3A_304 : memref<10240xi32, #tpu.memory_space<hbm>>) target_semaphore(%run_scoped3A : memref<!tpu.dma_semaphore, #tpu.memory_space<semaphore_mem>>)
      %dma_wait3A = tpu.memref_slice %arg7[%add3A_65] : memref<3276800xi32, #tpu.memory_space<hbm>> -> memref<10240xi32, #tpu.memory_space<hbm>>
      %dma_wait3A_305 = tpu.memref_slice %arg7[%add3A_65] : memref<3276800xi32, #tpu.memory_space<hbm>> -> memref<10240xi32, #tpu.memory_space<hbm>>
      tpu.wait_dma2 semaphore(%run_scoped3A : memref<!tpu.dma_semaphore, #tpu.memory_space<semaphore_mem>>) src(%arg12 : memref<10240xi32, #tpu.memory_space<vmem>>) dst(%dma_wait3A_305 : memref<10240xi32, #tpu.memory_space<hbm>>)
      tpu.yield
    }) : () -> ()
    %add3A_76 = arith.constant 40960 : i32
    %add3A_77 = arith.addi %mul3A_14, %add3A_76 : i32
    %mul3A_78 = arith.constant 1638400 : i32
    %mul3A_79 = arith.muli %arg0, %mul3A_78 : i32
    %add3A_80 = arith.addi %mul3A_79, %add3A_77 : i32
    "tpu.region"() ({
      %run_scoped3A = tpu.sem_alloc : memref<!tpu.dma_semaphore, #tpu.memory_space<semaphore_mem>>
      %dma_start3A = tpu.memref_slice %arg3[%add3A_77] : memref<1638400xi32, #tpu.memory_space<hbm>> -> memref<10240xi32, #tpu.memory_space<hbm>>
      %dma_start3A_304 = tpu.memref_slice %arg3[%add3A_77] : memref<1638400xi32, #tpu.memory_space<hbm>> -> memref<10240xi32, #tpu.memory_space<hbm>>
      tpu.enqueue_dma source(%dma_start3A_304 : memref<10240xi32, #tpu.memory_space<hbm>>) target(%arg10 : memref<10240xi32, #tpu.memory_space<vmem>>) target_semaphore(%run_scoped3A : memref<!tpu.dma_semaphore, #tpu.memory_space<semaphore_mem>>)
      %dma_wait3A = tpu.memref_slice %arg3[%add3A_77] : memref<1638400xi32, #tpu.memory_space<hbm>> -> memref<10240xi32, #tpu.memory_space<hbm>>
      %dma_wait3A_305 = tpu.memref_slice %arg3[%add3A_77] : memref<1638400xi32, #tpu.memory_space<hbm>> -> memref<10240xi32, #tpu.memory_space<hbm>>
      tpu.wait_dma2 semaphore(%run_scoped3A : memref<!tpu.dma_semaphore, #tpu.memory_space<semaphore_mem>>) src(%dma_wait3A_305 : memref<10240xi32, #tpu.memory_space<hbm>>) dst(%arg10 : memref<10240xi32, #tpu.memory_space<vmem>>)
      tpu.yield
    }) : () -> ()
    "tpu.region"() ({
      %run_scoped3A = tpu.sem_alloc : memref<!tpu.dma_semaphore, #tpu.memory_space<semaphore_mem>>
      %dma_start3A = tpu.memref_slice %arg2[%add3A_77] : memref<1638400xf32, #tpu.memory_space<hbm>> -> memref<10240xf32, #tpu.memory_space<hbm>>
      %dma_start3A_304 = tpu.memref_slice %arg2[%add3A_77] : memref<1638400xf32, #tpu.memory_space<hbm>> -> memref<10240xf32, #tpu.memory_space<hbm>>
      tpu.enqueue_dma source(%dma_start3A_304 : memref<10240xf32, #tpu.memory_space<hbm>>) target(%arg11 : memref<10240xf32, #tpu.memory_space<vmem>>) target_semaphore(%run_scoped3A : memref<!tpu.dma_semaphore, #tpu.memory_space<semaphore_mem>>)
      %dma_wait3A = tpu.memref_slice %arg2[%add3A_77] : memref<1638400xf32, #tpu.memory_space<hbm>> -> memref<10240xf32, #tpu.memory_space<hbm>>
      %dma_wait3A_305 = tpu.memref_slice %arg2[%add3A_77] : memref<1638400xf32, #tpu.memory_space<hbm>> -> memref<10240xf32, #tpu.memory_space<hbm>>
      tpu.wait_dma2 semaphore(%run_scoped3A : memref<!tpu.dma_semaphore, #tpu.memory_space<semaphore_mem>>) src(%dma_wait3A_305 : memref<10240xf32, #tpu.memory_space<hbm>>) dst(%arg11 : memref<10240xf32, #tpu.memory_space<vmem>>)
      tpu.yield
    }) : () -> ()
    %scan3A_81 = arith.constant 0 : i32
    %scan3A_82 = arith.constant 640 : i32
    %scan3A_83 = arith.addi %scan3A_81, %scan3A_82 : i32
    %scan3A_84 = arith.constant 1 : i32
    scf.for %scan3A_304 = %scan3A_81 to %scan3A_83 step %scan3A_84  : i32 {
      %mul3A_305 = arith.constant 16 : i32
      %mul3A_306 = arith.muli %scan3A_304, %mul3A_305 : i32
      %add3A_307 = arith.constant 0 : i32
      %add3A_308 = arith.addi %add3A_307, %mul3A_306 : i32
      %get3A_309 = arith.index_cast %add3A_308 : i32 to index
      %get3A_310 = tpu.vector_load %arg10[%get3A_309] {strides = array<i32>} : memref<10240xi32, #tpu.memory_space<vmem>>, vector<16xi32>,
      %sub3A = vector.broadcast %mul3A_0 : i32 to vector<16xi32>
      %sub3A_311 = arith.subi %get3A_310, %sub3A : vector<16xi32>
      %ge3A = arith.constant 0 : i32
      %ge3A_312 = vector.broadcast %ge3A : i32 to vector<16xi32>
      %ge3A_313 = arith.cmpi sge, %sub3A_311, %ge3A_312 : vector<16xi32>
      %lt3A = arith.constant 524288 : i32
      %lt3A_314 = vector.broadcast %lt3A : i32 to vector<16xi32>
      %lt3A_315 = arith.cmpi slt, %sub3A_311, %lt3A_314 : vector<16xi32>
      %and3A = arith.andi %ge3A_313, %lt3A_315 : vector<16xi1>
      %select_n3A = arith.select %and3A, %sub3A_311, %add3A_12 : vector<16xi1>, vector<16xi32>
      %swap3A_316 = arith.index_cast %add3A_308 : i32 to index
      %swap3A_317 = tpu.vector_load %arg12[%swap3A_316] {strides = array<i32>} : memref<10240xi32, #tpu.memory_space<vmem>>, vector<16xi32>,
      tpu.vector_store %arg12[%swap3A_316], %select_n3A {strides = array<i32>} : memref<10240xi32, #tpu.memory_space<vmem>>, vector<16xi32>,
    }
    %scan3A_85 = arith.constant 640 : i32
    "tpu.region"() ({
      %run_scoped3A = tpu.sem_alloc : memref<!tpu.dma_semaphore, #tpu.memory_space<semaphore_mem>>
      %dma_start3A = arith.constant 0 : i32
      %dma_start3A_304 = tpu.memref_slice %arg8[%dma_start3A] : memref<524544xf32, #tpu.memory_space<vmem_shared>> -> memref<524544xf32, #tpu.memory_space<vmem_shared>>
      tpu.enqueue_indirect_dma source(%dma_start3A_304 : memref<524544xf32, #tpu.memory_space<vmem_shared>>) target(%arg13 : memref<10240xf32, #tpu.memory_space<vmem>>) offsets(%arg12 : memref<10240xi32, #tpu.memory_space<vmem>>) semaphore(%run_scoped3A : memref<!tpu.dma_semaphore, #tpu.memory_space<semaphore_mem>>)
      %dma_wait3A = arith.constant 0 : i32
      %dma_wait3A_305 = tpu.memref_slice %arg8[%dma_wait3A] : memref<524544xf32, #tpu.memory_space<vmem_shared>> -> memref<524544xf32, #tpu.memory_space<vmem_shared>>
      tpu.wait_indirect_dma semaphore(%run_scoped3A : memref<!tpu.dma_semaphore, #tpu.memory_space<semaphore_mem>>) src(%dma_wait3A_305 : memref<524544xf32, #tpu.memory_space<vmem_shared>>) dst(%arg13 : memref<10240xf32, #tpu.memory_space<vmem>>)
      tpu.yield
    }) : () -> ()
    %scan3A_86 = arith.constant 0 : i32
    %scan3A_87 = arith.constant 640 : i32
    %scan3A_88 = arith.addi %scan3A_86, %scan3A_87 : i32
    %scan3A_89 = arith.constant 1 : i32
    scf.for %scan3A_304 = %scan3A_86 to %scan3A_88 step %scan3A_89  : i32 {
      %mul3A_305 = arith.constant 16 : i32
      %mul3A_306 = arith.muli %scan3A_304, %mul3A_305 : i32
      %add3A_307 = arith.constant 0 : i32
      %add3A_308 = arith.addi %add3A_307, %mul3A_306 : i32
      %get3A_309 = arith.index_cast %add3A_308 : i32 to index
      %get3A_310 = tpu.vector_load %arg11[%get3A_309] {strides = array<i32>} : memref<10240xf32, #tpu.memory_space<vmem>>, vector<16xf32>,
      %get3A_311 = arith.index_cast %add3A_308 : i32 to index
      %get3A_312 = tpu.vector_load %arg12[%get3A_311] {strides = array<i32>} : memref<10240xi32, #tpu.memory_space<vmem>>, vector<16xi32>,
      %get3A_313 = arith.index_cast %add3A_308 : i32 to index
      %get3A_314 = tpu.vector_load %arg13[%get3A_313] {strides = array<i32>} : memref<10240xf32, #tpu.memory_space<vmem>>, vector<16xf32>,
      %lt3A = arith.constant 524288 : i32
      %lt3A_315 = vector.broadcast %lt3A : i32 to vector<16xi32>
      %lt3A_316 = arith.cmpi slt, %get3A_312, %lt3A_315 : vector<16xi32>
      %abs3A = math.absf %get3A_310 : vector<16xf32>
      %jit3A = arith.constant -1.000000e+00 : f32
      %broadcast_in_dim3A_317 = vector.broadcast %jit3A : f32 to vector<16xf32>
      %select_n3A = arith.select %lt3A_316, %abs3A, %broadcast_in_dim3A_317 : vector<16xi1>, vector<16xf32>
      %gt3A = arith.cmpf ogt, %select_n3A, %get3A_314 : vector<16xf32>
      %and3A = arith.andi %lt3A_316, %gt3A : vector<16xi1>
      %max3A = arith.maximumf %select_n3A, %get3A_314 : vector<16xf32>
      %swap3A_318 = arith.index_cast %add3A_308 : i32 to index
      %swap3A_319 = tpu.vector_load %arg13[%swap3A_318] {strides = array<i32>} : memref<10240xf32, #tpu.memory_space<vmem>>, vector<16xf32>,
      tpu.vector_store %arg13[%swap3A_318], %max3A {strides = array<i32>} : memref<10240xf32, #tpu.memory_space<vmem>>, vector<16xf32>,
      %select_n3A_320 = arith.select %and3A, %get3A_312, %add3A_12 : vector<16xi1>, vector<16xi32>
      %swap3A_321 = arith.index_cast %add3A_308 : i32 to index
      %swap3A_322 = tpu.vector_load %arg12[%swap3A_321] {strides = array<i32>} : memref<10240xi32, #tpu.memory_space<vmem>>, vector<16xi32>,
      tpu.vector_store %arg12[%swap3A_321], %select_n3A_320 {strides = array<i32>} : memref<10240xi32, #tpu.memory_space<vmem>>, vector<16xi32>,
      %get3A_323 = arith.constant 0 : index
      %get3A_324 = tpu.vector_load %arg15[%get3A_323] {strides = array<i32>} : memref<16xi32, #tpu.memory_space<vmem>>, vector<16xi32>,
      %jit3A_325 = arith.constant 1 : i32
      %jit3A_326 = arith.constant 0 : i32
      %broadcast_in_dim3A_327 = vector.broadcast %jit3A_325 : i32 to vector<16xi32>
      %broadcast_in_dim3A_328 = vector.broadcast %jit3A_326 : i32 to vector<16xi32>
      %select_n3A_329 = arith.select %and3A, %broadcast_in_dim3A_327, %broadcast_in_dim3A_328 : vector<16xi1>, vector<16xi32>
      %add3A_330 = arith.addi %get3A_324, %select_n3A_329 : vector<16xi32>
      %swap3A_331 = arith.constant 0 : index
      %swap3A_332 = tpu.vector_load %arg15[%swap3A_331] {strides = array<i32>} : memref<16xi32, #tpu.memory_space<vmem>>, vector<16xi32>,
      tpu.vector_store %arg15[%swap3A_331], %add3A_330 {strides = array<i32>} : memref<16xi32, #tpu.memory_space<vmem>>, vector<16xi32>,
    }
    %scan3A_90 = arith.constant 640 : i32
    "tpu.region"() ({
      %run_scoped3A = tpu.sem_alloc : memref<!tpu.dma_semaphore, #tpu.memory_space<semaphore_mem>>
      %dma_start3A = arith.constant 0 : i32
      %dma_start3A_304 = tpu.memref_slice %arg8[%dma_start3A] : memref<524544xf32, #tpu.memory_space<vmem_shared>> -> memref<524544xf32, #tpu.memory_space<vmem_shared>>
      tpu.enqueue_indirect_dma source(%arg13 : memref<10240xf32, #tpu.memory_space<vmem>>) target(%dma_start3A_304 : memref<524544xf32, #tpu.memory_space<vmem_shared>>) offsets(%arg12 : memref<10240xi32, #tpu.memory_space<vmem>>) semaphore(%run_scoped3A : memref<!tpu.dma_semaphore, #tpu.memory_space<semaphore_mem>>)
      %dma_wait3A = arith.constant 0 : i32
      %dma_wait3A_305 = tpu.memref_slice %arg8[%dma_wait3A] : memref<524544xf32, #tpu.memory_space<vmem_shared>> -> memref<524544xf32, #tpu.memory_space<vmem_shared>>
      tpu.wait_indirect_dma semaphore(%run_scoped3A : memref<!tpu.dma_semaphore, #tpu.memory_space<semaphore_mem>>) src(%arg13 : memref<10240xf32, #tpu.memory_space<vmem>>) dst(%dma_wait3A_305 : memref<524544xf32, #tpu.memory_space<vmem_shared>>)
      tpu.yield
    }) : () -> ()
    "tpu.region"() ({
      %run_scoped3A = tpu.sem_alloc : memref<!tpu.dma_semaphore, #tpu.memory_space<semaphore_mem>>
      %dma_start3A = tpu.memref_slice %arg7[%add3A_80] : memref<3276800xi32, #tpu.memory_space<hbm>> -> memref<10240xi32, #tpu.memory_space<hbm>>
      %dma_start3A_304 = tpu.memref_slice %arg7[%add3A_80] : memref<3276800xi32, #tpu.memory_space<hbm>> -> memref<10240xi32, #tpu.memory_space<hbm>>
      tpu.enqueue_dma source(%arg12 : memref<10240xi32, #tpu.memory_space<vmem>>) target(%dma_start3A_304 : memref<10240xi32, #tpu.memory_space<hbm>>) target_semaphore(%run_scoped3A : memref<!tpu.dma_semaphore, #tpu.memory_space<semaphore_mem>>)
      %dma_wait3A = tpu.memref_slice %arg7[%add3A_80] : memref<3276800xi32, #tpu.memory_space<hbm>> -> memref<10240xi32, #tpu.memory_space<hbm>>
      %dma_wait3A_305 = tpu.memref_slice %arg7[%add3A_80] : memref<3276800xi32, #tpu.memory_space<hbm>> -> memref<10240xi32, #tpu.memory_space<hbm>>
      tpu.wait_dma2 semaphore(%run_scoped3A : memref<!tpu.dma_semaphore, #tpu.memory_space<semaphore_mem>>) src(%arg12 : memref<10240xi32, #tpu.memory_space<vmem>>) dst(%dma_wait3A_305 : memref<10240xi32, #tpu.memory_space<hbm>>)
      tpu.yield
    }) : () -> ()
    %add3A_91 = arith.constant 51200 : i32
    %add3A_92 = arith.addi %mul3A_14, %add3A_91 : i32
    %mul3A_93 = arith.constant 1638400 : i32
    %mul3A_94 = arith.muli %arg0, %mul3A_93 : i32
    %add3A_95 = arith.addi %mul3A_94, %add3A_92 : i32
    "tpu.region"() ({
      %run_scoped3A = tpu.sem_alloc : memref<!tpu.dma_semaphore, #tpu.memory_space<semaphore_mem>>
      %dma_start3A = tpu.memref_slice %arg3[%add3A_92] : memref<1638400xi32, #tpu.memory_space<hbm>> -> memref<10240xi32, #tpu.memory_space<hbm>>
      %dma_start3A_304 = tpu.memref_slice %arg3[%add3A_92] : memref<1638400xi32, #tpu.memory_space<hbm>> -> memref<10240xi32, #tpu.memory_space<hbm>>
      tpu.enqueue_dma source(%dma_start3A_304 : memref<10240xi32, #tpu.memory_space<hbm>>) target(%arg10 : memref<10240xi32, #tpu.memory_space<vmem>>) target_semaphore(%run_scoped3A : memref<!tpu.dma_semaphore, #tpu.memory_space<semaphore_mem>>)
      %dma_wait3A = tpu.memref_slice %arg3[%add3A_92] : memref<1638400xi32, #tpu.memory_space<hbm>> -> memref<10240xi32, #tpu.memory_space<hbm>>
      %dma_wait3A_305 = tpu.memref_slice %arg3[%add3A_92] : memref<1638400xi32, #tpu.memory_space<hbm>> -> memref<10240xi32, #tpu.memory_space<hbm>>
      tpu.wait_dma2 semaphore(%run_scoped3A : memref<!tpu.dma_semaphore, #tpu.memory_space<semaphore_mem>>) src(%dma_wait3A_305 : memref<10240xi32, #tpu.memory_space<hbm>>) dst(%arg10 : memref<10240xi32, #tpu.memory_space<vmem>>)
      tpu.yield
    }) : () -> ()
    "tpu.region"() ({
      %run_scoped3A = tpu.sem_alloc : memref<!tpu.dma_semaphore, #tpu.memory_space<semaphore_mem>>
      %dma_start3A = tpu.memref_slice %arg2[%add3A_92] : memref<1638400xf32, #tpu.memory_space<hbm>> -> memref<10240xf32, #tpu.memory_space<hbm>>
      %dma_start3A_304 = tpu.memref_slice %arg2[%add3A_92] : memref<1638400xf32, #tpu.memory_space<hbm>> -> memref<10240xf32, #tpu.memory_space<hbm>>
      tpu.enqueue_dma source(%dma_start3A_304 : memref<10240xf32, #tpu.memory_space<hbm>>) target(%arg11 : memref<10240xf32, #tpu.memory_space<vmem>>) target_semaphore(%run_scoped3A : memref<!tpu.dma_semaphore, #tpu.memory_space<semaphore_mem>>)
      %dma_wait3A = tpu.memref_slice %arg2[%add3A_92] : memref<1638400xf32, #tpu.memory_space<hbm>> -> memref<10240xf32, #tpu.memory_space<hbm>>
      %dma_wait3A_305 = tpu.memref_slice %arg2[%add3A_92] : memref<1638400xf32, #tpu.memory_space<hbm>> -> memref<10240xf32, #tpu.memory_space<hbm>>
      tpu.wait_dma2 semaphore(%run_scoped3A : memref<!tpu.dma_semaphore, #tpu.memory_space<semaphore_mem>>) src(%dma_wait3A_305 : memref<10240xf32, #tpu.memory_space<hbm>>) dst(%arg11 : memref<10240xf32, #tpu.memory_space<vmem>>)
      tpu.yield
    }) : () -> ()
    %scan3A_96 = arith.constant 0 : i32
    %scan3A_97 = arith.constant 640 : i32
    %scan3A_98 = arith.addi %scan3A_96, %scan3A_97 : i32
    %scan3A_99 = arith.constant 1 : i32
    scf.for %scan3A_304 = %scan3A_96 to %scan3A_98 step %scan3A_99  : i32 {
      %mul3A_305 = arith.constant 16 : i32
      %mul3A_306 = arith.muli %scan3A_304, %mul3A_305 : i32
      %add3A_307 = arith.constant 0 : i32
      %add3A_308 = arith.addi %add3A_307, %mul3A_306 : i32
      %get3A_309 = arith.index_cast %add3A_308 : i32 to index
      %get3A_310 = tpu.vector_load %arg10[%get3A_309] {strides = array<i32>} : memref<10240xi32, #tpu.memory_space<vmem>>, vector<16xi32>,
      %sub3A = vector.broadcast %mul3A_0 : i32 to vector<16xi32>
      %sub3A_311 = arith.subi %get3A_310, %sub3A : vector<16xi32>
      %ge3A = arith.constant 0 : i32
      %ge3A_312 = vector.broadcast %ge3A : i32 to vector<16xi32>
      %ge3A_313 = arith.cmpi sge, %sub3A_311, %ge3A_312 : vector<16xi32>
      %lt3A = arith.constant 524288 : i32
      %lt3A_314 = vector.broadcast %lt3A : i32 to vector<16xi32>
      %lt3A_315 = arith.cmpi slt, %sub3A_311, %lt3A_314 : vector<16xi32>
      %and3A = arith.andi %ge3A_313, %lt3A_315 : vector<16xi1>
      %select_n3A = arith.select %and3A, %sub3A_311, %add3A_12 : vector<16xi1>, vector<16xi32>
      %swap3A_316 = arith.index_cast %add3A_308 : i32 to index
      %swap3A_317 = tpu.vector_load %arg12[%swap3A_316] {strides = array<i32>} : memref<10240xi32, #tpu.memory_space<vmem>>, vector<16xi32>,
      tpu.vector_store %arg12[%swap3A_316], %select_n3A {strides = array<i32>} : memref<10240xi32, #tpu.memory_space<vmem>>, vector<16xi32>,
    }
    %scan3A_100 = arith.constant 640 : i32
    "tpu.region"() ({
      %run_scoped3A = tpu.sem_alloc : memref<!tpu.dma_semaphore, #tpu.memory_space<semaphore_mem>>
      %dma_start3A = arith.constant 0 : i32
      %dma_start3A_304 = tpu.memref_slice %arg8[%dma_start3A] : memref<524544xf32, #tpu.memory_space<vmem_shared>> -> memref<524544xf32, #tpu.memory_space<vmem_shared>>
      tpu.enqueue_indirect_dma source(%dma_start3A_304 : memref<524544xf32, #tpu.memory_space<vmem_shared>>) target(%arg13 : memref<10240xf32, #tpu.memory_space<vmem>>) offsets(%arg12 : memref<10240xi32, #tpu.memory_space<vmem>>) semaphore(%run_scoped3A : memref<!tpu.dma_semaphore, #tpu.memory_space<semaphore_mem>>)
      %dma_wait3A = arith.constant 0 : i32
      %dma_wait3A_305 = tpu.memref_slice %arg8[%dma_wait3A] : memref<524544xf32, #tpu.memory_space<vmem_shared>> -> memref<524544xf32, #tpu.memory_space<vmem_shared>>
      tpu.wait_indirect_dma semaphore(%run_scoped3A : memref<!tpu.dma_semaphore, #tpu.memory_space<semaphore_mem>>) src(%dma_wait3A_305 : memref<524544xf32, #tpu.memory_space<vmem_shared>>) dst(%arg13 : memref<10240xf32, #tpu.memory_space<vmem>>)
      tpu.yield
    }) : () -> ()
    %scan3A_101 = arith.constant 0 : i32
    %scan3A_102 = arith.constant 640 : i32
    %scan3A_103 = arith.addi %scan3A_101, %scan3A_102 : i32
    %scan3A_104 = arith.constant 1 : i32
    scf.for %scan3A_304 = %scan3A_101 to %scan3A_103 step %scan3A_104  : i32 {
      %mul3A_305 = arith.constant 16 : i32
      %mul3A_306 = arith.muli %scan3A_304, %mul3A_305 : i32
      %add3A_307 = arith.constant 0 : i32
      %add3A_308 = arith.addi %add3A_307, %mul3A_306 : i32
      %get3A_309 = arith.index_cast %add3A_308 : i32 to index
      %get3A_310 = tpu.vector_load %arg11[%get3A_309] {strides = array<i32>} : memref<10240xf32, #tpu.memory_space<vmem>>, vector<16xf32>,
      %get3A_311 = arith.index_cast %add3A_308 : i32 to index
      %get3A_312 = tpu.vector_load %arg12[%get3A_311] {strides = array<i32>} : memref<10240xi32, #tpu.memory_space<vmem>>, vector<16xi32>,
      %get3A_313 = arith.index_cast %add3A_308 : i32 to index
      %get3A_314 = tpu.vector_load %arg13[%get3A_313] {strides = array<i32>} : memref<10240xf32, #tpu.memory_space<vmem>>, vector<16xf32>,
      %lt3A = arith.constant 524288 : i32
      %lt3A_315 = vector.broadcast %lt3A : i32 to vector<16xi32>
      %lt3A_316 = arith.cmpi slt, %get3A_312, %lt3A_315 : vector<16xi32>
      %abs3A = math.absf %get3A_310 : vector<16xf32>
      %jit3A = arith.constant -1.000000e+00 : f32
      %broadcast_in_dim3A_317 = vector.broadcast %jit3A : f32 to vector<16xf32>
      %select_n3A = arith.select %lt3A_316, %abs3A, %broadcast_in_dim3A_317 : vector<16xi1>, vector<16xf32>
      %gt3A = arith.cmpf ogt, %select_n3A, %get3A_314 : vector<16xf32>
      %and3A = arith.andi %lt3A_316, %gt3A : vector<16xi1>
      %max3A = arith.maximumf %select_n3A, %get3A_314 : vector<16xf32>
      %swap3A_318 = arith.index_cast %add3A_308 : i32 to index
      %swap3A_319 = tpu.vector_load %arg13[%swap3A_318] {strides = array<i32>} : memref<10240xf32, #tpu.memory_space<vmem>>, vector<16xf32>,
      tpu.vector_store %arg13[%swap3A_318], %max3A {strides = array<i32>} : memref<10240xf32, #tpu.memory_space<vmem>>, vector<16xf32>,
      %select_n3A_320 = arith.select %and3A, %get3A_312, %add3A_12 : vector<16xi1>, vector<16xi32>
      %swap3A_321 = arith.index_cast %add3A_308 : i32 to index
      %swap3A_322 = tpu.vector_load %arg12[%swap3A_321] {strides = array<i32>} : memref<10240xi32, #tpu.memory_space<vmem>>, vector<16xi32>,
      tpu.vector_store %arg12[%swap3A_321], %select_n3A_320 {strides = array<i32>} : memref<10240xi32, #tpu.memory_space<vmem>>, vector<16xi32>,
      %get3A_323 = arith.constant 0 : index
      %get3A_324 = tpu.vector_load %arg15[%get3A_323] {strides = array<i32>} : memref<16xi32, #tpu.memory_space<vmem>>, vector<16xi32>,
      %jit3A_325 = arith.constant 1 : i32
      %jit3A_326 = arith.constant 0 : i32
      %broadcast_in_dim3A_327 = vector.broadcast %jit3A_325 : i32 to vector<16xi32>
      %broadcast_in_dim3A_328 = vector.broadcast %jit3A_326 : i32 to vector<16xi32>
      %select_n3A_329 = arith.select %and3A, %broadcast_in_dim3A_327, %broadcast_in_dim3A_328 : vector<16xi1>, vector<16xi32>
      %add3A_330 = arith.addi %get3A_324, %select_n3A_329 : vector<16xi32>
      %swap3A_331 = arith.constant 0 : index
      %swap3A_332 = tpu.vector_load %arg15[%swap3A_331] {strides = array<i32>} : memref<16xi32, #tpu.memory_space<vmem>>, vector<16xi32>,
      tpu.vector_store %arg15[%swap3A_331], %add3A_330 {strides = array<i32>} : memref<16xi32, #tpu.memory_space<vmem>>, vector<16xi32>,
    }
    %scan3A_105 = arith.constant 640 : i32
    "tpu.region"() ({
      %run_scoped3A = tpu.sem_alloc : memref<!tpu.dma_semaphore, #tpu.memory_space<semaphore_mem>>
      %dma_start3A = arith.constant 0 : i32
      %dma_start3A_304 = tpu.memref_slice %arg8[%dma_start3A] : memref<524544xf32, #tpu.memory_space<vmem_shared>> -> memref<524544xf32, #tpu.memory_space<vmem_shared>>
      tpu.enqueue_indirect_dma source(%arg13 : memref<10240xf32, #tpu.memory_space<vmem>>) target(%dma_start3A_304 : memref<524544xf32, #tpu.memory_space<vmem_shared>>) offsets(%arg12 : memref<10240xi32, #tpu.memory_space<vmem>>) semaphore(%run_scoped3A : memref<!tpu.dma_semaphore, #tpu.memory_space<semaphore_mem>>)
      %dma_wait3A = arith.constant 0 : i32
      %dma_wait3A_305 = tpu.memref_slice %arg8[%dma_wait3A] : memref<524544xf32, #tpu.memory_space<vmem_shared>> -> memref<524544xf32, #tpu.memory_space<vmem_shared>>
      tpu.wait_indirect_dma semaphore(%run_scoped3A : memref<!tpu.dma_semaphore, #tpu.memory_space<semaphore_mem>>) src(%arg13 : memref<10240xf32, #tpu.memory_space<vmem>>) dst(%dma_wait3A_305 : memref<524544xf32, #tpu.memory_space<vmem_shared>>)
      tpu.yield
    }) : () -> ()
    "tpu.region"() ({
      %run_scoped3A = tpu.sem_alloc : memref<!tpu.dma_semaphore, #tpu.memory_space<semaphore_mem>>
      %dma_start3A = tpu.memref_slice %arg7[%add3A_95] : memref<3276800xi32, #tpu.memory_space<hbm>> -> memref<10240xi32, #tpu.memory_space<hbm>>
      %dma_start3A_304 = tpu.memref_slice %arg7[%add3A_95] : memref<3276800xi32, #tpu.memory_space<hbm>> -> memref<10240xi32, #tpu.memory_space<hbm>>
      tpu.enqueue_dma source(%arg12 : memref<10240xi32, #tpu.memory_space<vmem>>) target(%dma_start3A_304 : memref<10240xi32, #tpu.memory_space<hbm>>) target_semaphore(%run_scoped3A : memref<!tpu.dma_semaphore, #tpu.memory_space<semaphore_mem>>)
      %dma_wait3A = tpu.memref_slice %arg7[%add3A_95] : memref<3276800xi32, #tpu.memory_space<hbm>> -> memref<10240xi32, #tpu.memory_space<hbm>>
      %dma_wait3A_305 = tpu.memref_slice %arg7[%add3A_95] : memref<3276800xi32, #tpu.memory_space<hbm>> -> memref<10240xi32, #tpu.memory_space<hbm>>
      tpu.wait_dma2 semaphore(%run_scoped3A : memref<!tpu.dma_semaphore, #tpu.memory_space<semaphore_mem>>) src(%arg12 : memref<10240xi32, #tpu.memory_space<vmem>>) dst(%dma_wait3A_305 : memref<10240xi32, #tpu.memory_space<hbm>>)
      tpu.yield
    }) : () -> ()
    %add3A_106 = arith.constant 61440 : i32
    %add3A_107 = arith.addi %mul3A_14, %add3A_106 : i32
    %mul3A_108 = arith.constant 1638400 : i32
    %mul3A_109 = arith.muli %arg0, %mul3A_108 : i32
    %add3A_110 = arith.addi %mul3A_109, %add3A_107 : i32
    "tpu.region"() ({
      %run_scoped3A = tpu.sem_alloc : memref<!tpu.dma_semaphore, #tpu.memory_space<semaphore_mem>>
      %dma_start3A = tpu.memref_slice %arg3[%add3A_107] : memref<1638400xi32, #tpu.memory_space<hbm>> -> memref<10240xi32, #tpu.memory_space<hbm>>
      %dma_start3A_304 = tpu.memref_slice %arg3[%add3A_107] : memref<1638400xi32, #tpu.memory_space<hbm>> -> memref<10240xi32, #tpu.memory_space<hbm>>
      tpu.enqueue_dma source(%dma_start3A_304 : memref<10240xi32, #tpu.memory_space<hbm>>) target(%arg10 : memref<10240xi32, #tpu.memory_space<vmem>>) target_semaphore(%run_scoped3A : memref<!tpu.dma_semaphore, #tpu.memory_space<semaphore_mem>>)
      %dma_wait3A = tpu.memref_slice %arg3[%add3A_107] : memref<1638400xi32, #tpu.memory_space<hbm>> -> memref<10240xi32, #tpu.memory_space<hbm>>
      %dma_wait3A_305 = tpu.memref_slice %arg3[%add3A_107] : memref<1638400xi32, #tpu.memory_space<hbm>> -> memref<10240xi32, #tpu.memory_space<hbm>>
      tpu.wait_dma2 semaphore(%run_scoped3A : memref<!tpu.dma_semaphore, #tpu.memory_space<semaphore_mem>>) src(%dma_wait3A_305 : memref<10240xi32, #tpu.memory_space<hbm>>) dst(%arg10 : memref<10240xi32, #tpu.memory_space<vmem>>)
      tpu.yield
    }) : () -> ()
    "tpu.region"() ({
      %run_scoped3A = tpu.sem_alloc : memref<!tpu.dma_semaphore, #tpu.memory_space<semaphore_mem>>
      %dma_start3A = tpu.memref_slice %arg2[%add3A_107] : memref<1638400xf32, #tpu.memory_space<hbm>> -> memref<10240xf32, #tpu.memory_space<hbm>>
      %dma_start3A_304 = tpu.memref_slice %arg2[%add3A_107] : memref<1638400xf32, #tpu.memory_space<hbm>> -> memref<10240xf32, #tpu.memory_space<hbm>>
      tpu.enqueue_dma source(%dma_start3A_304 : memref<10240xf32, #tpu.memory_space<hbm>>) target(%arg11 : memref<10240xf32, #tpu.memory_space<vmem>>) target_semaphore(%run_scoped3A : memref<!tpu.dma_semaphore, #tpu.memory_space<semaphore_mem>>)
      %dma_wait3A = tpu.memref_slice %arg2[%add3A_107] : memref<1638400xf32, #tpu.memory_space<hbm>> -> memref<10240xf32, #tpu.memory_space<hbm>>
      %dma_wait3A_305 = tpu.memref_slice %arg2[%add3A_107] : memref<1638400xf32, #tpu.memory_space<hbm>> -> memref<10240xf32, #tpu.memory_space<hbm>>
      tpu.wait_dma2 semaphore(%run_scoped3A : memref<!tpu.dma_semaphore, #tpu.memory_space<semaphore_mem>>) src(%dma_wait3A_305 : memref<10240xf32, #tpu.memory_space<hbm>>) dst(%arg11 : memref<10240xf32, #tpu.memory_space<vmem>>)
      tpu.yield
    }) : () -> ()
    %scan3A_111 = arith.constant 0 : i32
    %scan3A_112 = arith.constant 640 : i32
    %scan3A_113 = arith.addi %scan3A_111, %scan3A_112 : i32
    %scan3A_114 = arith.constant 1 : i32
    scf.for %scan3A_304 = %scan3A_111 to %scan3A_113 step %scan3A_114  : i32 {
      %mul3A_305 = arith.constant 16 : i32
      %mul3A_306 = arith.muli %scan3A_304, %mul3A_305 : i32
      %add3A_307 = arith.constant 0 : i32
      %add3A_308 = arith.addi %add3A_307, %mul3A_306 : i32
      %get3A_309 = arith.index_cast %add3A_308 : i32 to index
      %get3A_310 = tpu.vector_load %arg10[%get3A_309] {strides = array<i32>} : memref<10240xi32, #tpu.memory_space<vmem>>, vector<16xi32>,
      %sub3A = vector.broadcast %mul3A_0 : i32 to vector<16xi32>
      %sub3A_311 = arith.subi %get3A_310, %sub3A : vector<16xi32>
      %ge3A = arith.constant 0 : i32
      %ge3A_312 = vector.broadcast %ge3A : i32 to vector<16xi32>
      %ge3A_313 = arith.cmpi sge, %sub3A_311, %ge3A_312 : vector<16xi32>
      %lt3A = arith.constant 524288 : i32
      %lt3A_314 = vector.broadcast %lt3A : i32 to vector<16xi32>
      %lt3A_315 = arith.cmpi slt, %sub3A_311, %lt3A_314 : vector<16xi32>
      %and3A = arith.andi %ge3A_313, %lt3A_315 : vector<16xi1>
      %select_n3A = arith.select %and3A, %sub3A_311, %add3A_12 : vector<16xi1>, vector<16xi32>
      %swap3A_316 = arith.index_cast %add3A_308 : i32 to index
      %swap3A_317 = tpu.vector_load %arg12[%swap3A_316] {strides = array<i32>} : memref<10240xi32, #tpu.memory_space<vmem>>, vector<16xi32>,
      tpu.vector_store %arg12[%swap3A_316], %select_n3A {strides = array<i32>} : memref<10240xi32, #tpu.memory_space<vmem>>, vector<16xi32>,
    }
    %scan3A_115 = arith.constant 640 : i32
    "tpu.region"() ({
      %run_scoped3A = tpu.sem_alloc : memref<!tpu.dma_semaphore, #tpu.memory_space<semaphore_mem>>
      %dma_start3A = arith.constant 0 : i32
      %dma_start3A_304 = tpu.memref_slice %arg8[%dma_start3A] : memref<524544xf32, #tpu.memory_space<vmem_shared>> -> memref<524544xf32, #tpu.memory_space<vmem_shared>>
      tpu.enqueue_indirect_dma source(%dma_start3A_304 : memref<524544xf32, #tpu.memory_space<vmem_shared>>) target(%arg13 : memref<10240xf32, #tpu.memory_space<vmem>>) offsets(%arg12 : memref<10240xi32, #tpu.memory_space<vmem>>) semaphore(%run_scoped3A : memref<!tpu.dma_semaphore, #tpu.memory_space<semaphore_mem>>)
      %dma_wait3A = arith.constant 0 : i32
      %dma_wait3A_305 = tpu.memref_slice %arg8[%dma_wait3A] : memref<524544xf32, #tpu.memory_space<vmem_shared>> -> memref<524544xf32, #tpu.memory_space<vmem_shared>>
      tpu.wait_indirect_dma semaphore(%run_scoped3A : memref<!tpu.dma_semaphore, #tpu.memory_space<semaphore_mem>>) src(%dma_wait3A_305 : memref<524544xf32, #tpu.memory_space<vmem_shared>>) dst(%arg13 : memref<10240xf32, #tpu.memory_space<vmem>>)
      tpu.yield
    }) : () -> ()
    %scan3A_116 = arith.constant 0 : i32
    %scan3A_117 = arith.constant 640 : i32
    %scan3A_118 = arith.addi %scan3A_116, %scan3A_117 : i32
    %scan3A_119 = arith.constant 1 : i32
    scf.for %scan3A_304 = %scan3A_116 to %scan3A_118 step %scan3A_119  : i32 {
      %mul3A_305 = arith.constant 16 : i32
      %mul3A_306 = arith.muli %scan3A_304, %mul3A_305 : i32
      %add3A_307 = arith.constant 0 : i32
      %add3A_308 = arith.addi %add3A_307, %mul3A_306 : i32
      %get3A_309 = arith.index_cast %add3A_308 : i32 to index
      %get3A_310 = tpu.vector_load %arg11[%get3A_309] {strides = array<i32>} : memref<10240xf32, #tpu.memory_space<vmem>>, vector<16xf32>,
      %get3A_311 = arith.index_cast %add3A_308 : i32 to index
      %get3A_312 = tpu.vector_load %arg12[%get3A_311] {strides = array<i32>} : memref<10240xi32, #tpu.memory_space<vmem>>, vector<16xi32>,
      %get3A_313 = arith.index_cast %add3A_308 : i32 to index
      %get3A_314 = tpu.vector_load %arg13[%get3A_313] {strides = array<i32>} : memref<10240xf32, #tpu.memory_space<vmem>>, vector<16xf32>,
      %lt3A = arith.constant 524288 : i32
      %lt3A_315 = vector.broadcast %lt3A : i32 to vector<16xi32>
      %lt3A_316 = arith.cmpi slt, %get3A_312, %lt3A_315 : vector<16xi32>
      %abs3A = math.absf %get3A_310 : vector<16xf32>
      %jit3A = arith.constant -1.000000e+00 : f32
      %broadcast_in_dim3A_317 = vector.broadcast %jit3A : f32 to vector<16xf32>
      %select_n3A = arith.select %lt3A_316, %abs3A, %broadcast_in_dim3A_317 : vector<16xi1>, vector<16xf32>
      %gt3A = arith.cmpf ogt, %select_n3A, %get3A_314 : vector<16xf32>
      %and3A = arith.andi %lt3A_316, %gt3A : vector<16xi1>
      %max3A = arith.maximumf %select_n3A, %get3A_314 : vector<16xf32>
      %swap3A_318 = arith.index_cast %add3A_308 : i32 to index
      %swap3A_319 = tpu.vector_load %arg13[%swap3A_318] {strides = array<i32>} : memref<10240xf32, #tpu.memory_space<vmem>>, vector<16xf32>,
      tpu.vector_store %arg13[%swap3A_318], %max3A {strides = array<i32>} : memref<10240xf32, #tpu.memory_space<vmem>>, vector<16xf32>,
      %select_n3A_320 = arith.select %and3A, %get3A_312, %add3A_12 : vector<16xi1>, vector<16xi32>
      %swap3A_321 = arith.index_cast %add3A_308 : i32 to index
      %swap3A_322 = tpu.vector_load %arg12[%swap3A_321] {strides = array<i32>} : memref<10240xi32, #tpu.memory_space<vmem>>, vector<16xi32>,
      tpu.vector_store %arg12[%swap3A_321], %select_n3A_320 {strides = array<i32>} : memref<10240xi32, #tpu.memory_space<vmem>>, vector<16xi32>,
      %get3A_323 = arith.constant 0 : index
      %get3A_324 = tpu.vector_load %arg15[%get3A_323] {strides = array<i32>} : memref<16xi32, #tpu.memory_space<vmem>>, vector<16xi32>,
      %jit3A_325 = arith.constant 1 : i32
      %jit3A_326 = arith.constant 0 : i32
      %broadcast_in_dim3A_327 = vector.broadcast %jit3A_325 : i32 to vector<16xi32>
      %broadcast_in_dim3A_328 = vector.broadcast %jit3A_326 : i32 to vector<16xi32>
      %select_n3A_329 = arith.select %and3A, %broadcast_in_dim3A_327, %broadcast_in_dim3A_328 : vector<16xi1>, vector<16xi32>
      %add3A_330 = arith.addi %get3A_324, %select_n3A_329 : vector<16xi32>
      %swap3A_331 = arith.constant 0 : index
      %swap3A_332 = tpu.vector_load %arg15[%swap3A_331] {strides = array<i32>} : memref<16xi32, #tpu.memory_space<vmem>>, vector<16xi32>,
      tpu.vector_store %arg15[%swap3A_331], %add3A_330 {strides = array<i32>} : memref<16xi32, #tpu.memory_space<vmem>>, vector<16xi32>,
    }
    %scan3A_120 = arith.constant 640 : i32
    "tpu.region"() ({
      %run_scoped3A = tpu.sem_alloc : memref<!tpu.dma_semaphore, #tpu.memory_space<semaphore_mem>>
      %dma_start3A = arith.constant 0 : i32
      %dma_start3A_304 = tpu.memref_slice %arg8[%dma_start3A] : memref<524544xf32, #tpu.memory_space<vmem_shared>> -> memref<524544xf32, #tpu.memory_space<vmem_shared>>
      tpu.enqueue_indirect_dma source(%arg13 : memref<10240xf32, #tpu.memory_space<vmem>>) target(%dma_start3A_304 : memref<524544xf32, #tpu.memory_space<vmem_shared>>) offsets(%arg12 : memref<10240xi32, #tpu.memory_space<vmem>>) semaphore(%run_scoped3A : memref<!tpu.dma_semaphore, #tpu.memory_space<semaphore_mem>>)
      %dma_wait3A = arith.constant 0 : i32
      %dma_wait3A_305 = tpu.memref_slice %arg8[%dma_wait3A] : memref<524544xf32, #tpu.memory_space<vmem_shared>> -> memref<524544xf32, #tpu.memory_space<vmem_shared>>
      tpu.wait_indirect_dma semaphore(%run_scoped3A : memref<!tpu.dma_semaphore, #tpu.memory_space<semaphore_mem>>) src(%arg13 : memref<10240xf32, #tpu.memory_space<vmem>>) dst(%dma_wait3A_305 : memref<524544xf32, #tpu.memory_space<vmem_shared>>)
      tpu.yield
    }) : () -> ()
    "tpu.region"() ({
      %run_scoped3A = tpu.sem_alloc : memref<!tpu.dma_semaphore, #tpu.memory_space<semaphore_mem>>
      %dma_start3A = tpu.memref_slice %arg7[%add3A_110] : memref<3276800xi32, #tpu.memory_space<hbm>> -> memref<10240xi32, #tpu.memory_space<hbm>>
      %dma_start3A_304 = tpu.memref_slice %arg7[%add3A_110] : memref<3276800xi32, #tpu.memory_space<hbm>> -> memref<10240xi32, #tpu.memory_space<hbm>>
      tpu.enqueue_dma source(%arg12 : memref<10240xi32, #tpu.memory_space<vmem>>) target(%dma_start3A_304 : memref<10240xi32, #tpu.memory_space<hbm>>) target_semaphore(%run_scoped3A : memref<!tpu.dma_semaphore, #tpu.memory_space<semaphore_mem>>)
      %dma_wait3A = tpu.memref_slice %arg7[%add3A_110] : memref<3276800xi32, #tpu.memory_space<hbm>> -> memref<10240xi32, #tpu.memory_space<hbm>>
      %dma_wait3A_305 = tpu.memref_slice %arg7[%add3A_110] : memref<3276800xi32, #tpu.memory_space<hbm>> -> memref<10240xi32, #tpu.memory_space<hbm>>
      tpu.wait_dma2 semaphore(%run_scoped3A : memref<!tpu.dma_semaphore, #tpu.memory_space<semaphore_mem>>) src(%arg12 : memref<10240xi32, #tpu.memory_space<vmem>>) dst(%dma_wait3A_305 : memref<10240xi32, #tpu.memory_space<hbm>>)
      tpu.yield
    }) : () -> ()
    %add3A_121 = arith.constant 71680 : i32
    %add3A_122 = arith.addi %mul3A_14, %add3A_121 : i32
    %mul3A_123 = arith.constant 1638400 : i32
    %mul3A_124 = arith.muli %arg0, %mul3A_123 : i32
    %add3A_125 = arith.addi %mul3A_124, %add3A_122 : i32
    "tpu.region"() ({
      %run_scoped3A = tpu.sem_alloc : memref<!tpu.dma_semaphore, #tpu.memory_space<semaphore_mem>>
      %dma_start3A = tpu.memref_slice %arg3[%add3A_122] : memref<1638400xi32, #tpu.memory_space<hbm>> -> memref<10240xi32, #tpu.memory_space<hbm>>
      %dma_start3A_304 = tpu.memref_slice %arg3[%add3A_122] : memref<1638400xi32, #tpu.memory_space<hbm>> -> memref<10240xi32, #tpu.memory_space<hbm>>
      tpu.enqueue_dma source(%dma_start3A_304 : memref<10240xi32, #tpu.memory_space<hbm>>) target(%arg10 : memref<10240xi32, #tpu.memory_space<vmem>>) target_semaphore(%run_scoped3A : memref<!tpu.dma_semaphore, #tpu.memory_space<semaphore_mem>>)
      %dma_wait3A = tpu.memref_slice %arg3[%add3A_122] : memref<1638400xi32, #tpu.memory_space<hbm>> -> memref<10240xi32, #tpu.memory_space<hbm>>
      %dma_wait3A_305 = tpu.memref_slice %arg3[%add3A_122] : memref<1638400xi32, #tpu.memory_space<hbm>> -> memref<10240xi32, #tpu.memory_space<hbm>>
      tpu.wait_dma2 semaphore(%run_scoped3A : memref<!tpu.dma_semaphore, #tpu.memory_space<semaphore_mem>>) src(%dma_wait3A_305 : memref<10240xi32, #tpu.memory_space<hbm>>) dst(%arg10 : memref<10240xi32, #tpu.memory_space<vmem>>)
      tpu.yield
    }) : () -> ()
    "tpu.region"() ({
      %run_scoped3A = tpu.sem_alloc : memref<!tpu.dma_semaphore, #tpu.memory_space<semaphore_mem>>
      %dma_start3A = tpu.memref_slice %arg2[%add3A_122] : memref<1638400xf32, #tpu.memory_space<hbm>> -> memref<10240xf32, #tpu.memory_space<hbm>>
      %dma_start3A_304 = tpu.memref_slice %arg2[%add3A_122] : memref<1638400xf32, #tpu.memory_space<hbm>> -> memref<10240xf32, #tpu.memory_space<hbm>>
      tpu.enqueue_dma source(%dma_start3A_304 : memref<10240xf32, #tpu.memory_space<hbm>>) target(%arg11 : memref<10240xf32, #tpu.memory_space<vmem>>) target_semaphore(%run_scoped3A : memref<!tpu.dma_semaphore, #tpu.memory_space<semaphore_mem>>)
      %dma_wait3A = tpu.memref_slice %arg2[%add3A_122] : memref<1638400xf32, #tpu.memory_space<hbm>> -> memref<10240xf32, #tpu.memory_space<hbm>>
      %dma_wait3A_305 = tpu.memref_slice %arg2[%add3A_122] : memref<1638400xf32, #tpu.memory_space<hbm>> -> memref<10240xf32, #tpu.memory_space<hbm>>
      tpu.wait_dma2 semaphore(%run_scoped3A : memref<!tpu.dma_semaphore, #tpu.memory_space<semaphore_mem>>) src(%dma_wait3A_305 : memref<10240xf32, #tpu.memory_space<hbm>>) dst(%arg11 : memref<10240xf32, #tpu.memory_space<vmem>>)
      tpu.yield
    }) : () -> ()
    %scan3A_126 = arith.constant 0 : i32
    %scan3A_127 = arith.constant 640 : i32
    %scan3A_128 = arith.addi %scan3A_126, %scan3A_127 : i32
    %scan3A_129 = arith.constant 1 : i32
    scf.for %scan3A_304 = %scan3A_126 to %scan3A_128 step %scan3A_129  : i32 {
      %mul3A_305 = arith.constant 16 : i32
      %mul3A_306 = arith.muli %scan3A_304, %mul3A_305 : i32
      %add3A_307 = arith.constant 0 : i32
      %add3A_308 = arith.addi %add3A_307, %mul3A_306 : i32
      %get3A_309 = arith.index_cast %add3A_308 : i32 to index
      %get3A_310 = tpu.vector_load %arg10[%get3A_309] {strides = array<i32>} : memref<10240xi32, #tpu.memory_space<vmem>>, vector<16xi32>,
      %sub3A = vector.broadcast %mul3A_0 : i32 to vector<16xi32>
      %sub3A_311 = arith.subi %get3A_310, %sub3A : vector<16xi32>
      %ge3A = arith.constant 0 : i32
      %ge3A_312 = vector.broadcast %ge3A : i32 to vector<16xi32>
      %ge3A_313 = arith.cmpi sge, %sub3A_311, %ge3A_312 : vector<16xi32>
      %lt3A = arith.constant 524288 : i32
      %lt3A_314 = vector.broadcast %lt3A : i32 to vector<16xi32>
      %lt3A_315 = arith.cmpi slt, %sub3A_311, %lt3A_314 : vector<16xi32>
      %and3A = arith.andi %ge3A_313, %lt3A_315 : vector<16xi1>
      %select_n3A = arith.select %and3A, %sub3A_311, %add3A_12 : vector<16xi1>, vector<16xi32>
      %swap3A_316 = arith.index_cast %add3A_308 : i32 to index
      %swap3A_317 = tpu.vector_load %arg12[%swap3A_316] {strides = array<i32>} : memref<10240xi32, #tpu.memory_space<vmem>>, vector<16xi32>,
      tpu.vector_store %arg12[%swap3A_316], %select_n3A {strides = array<i32>} : memref<10240xi32, #tpu.memory_space<vmem>>, vector<16xi32>,
    }
    %scan3A_130 = arith.constant 640 : i32
    "tpu.region"() ({
      %run_scoped3A = tpu.sem_alloc : memref<!tpu.dma_semaphore, #tpu.memory_space<semaphore_mem>>
      %dma_start3A = arith.constant 0 : i32
      %dma_start3A_304 = tpu.memref_slice %arg8[%dma_start3A] : memref<524544xf32, #tpu.memory_space<vmem_shared>> -> memref<524544xf32, #tpu.memory_space<vmem_shared>>
      tpu.enqueue_indirect_dma source(%dma_start3A_304 : memref<524544xf32, #tpu.memory_space<vmem_shared>>) target(%arg13 : memref<10240xf32, #tpu.memory_space<vmem>>) offsets(%arg12 : memref<10240xi32, #tpu.memory_space<vmem>>) semaphore(%run_scoped3A : memref<!tpu.dma_semaphore, #tpu.memory_space<semaphore_mem>>)
      %dma_wait3A = arith.constant 0 : i32
      %dma_wait3A_305 = tpu.memref_slice %arg8[%dma_wait3A] : memref<524544xf32, #tpu.memory_space<vmem_shared>> -> memref<524544xf32, #tpu.memory_space<vmem_shared>>
      tpu.wait_indirect_dma semaphore(%run_scoped3A : memref<!tpu.dma_semaphore, #tpu.memory_space<semaphore_mem>>) src(%dma_wait3A_305 : memref<524544xf32, #tpu.memory_space<vmem_shared>>) dst(%arg13 : memref<10240xf32, #tpu.memory_space<vmem>>)
      tpu.yield
    }) : () -> ()
    %scan3A_131 = arith.constant 0 : i32
    %scan3A_132 = arith.constant 640 : i32
    %scan3A_133 = arith.addi %scan3A_131, %scan3A_132 : i32
    %scan3A_134 = arith.constant 1 : i32
    scf.for %scan3A_304 = %scan3A_131 to %scan3A_133 step %scan3A_134  : i32 {
      %mul3A_305 = arith.constant 16 : i32
      %mul3A_306 = arith.muli %scan3A_304, %mul3A_305 : i32
      %add3A_307 = arith.constant 0 : i32
      %add3A_308 = arith.addi %add3A_307, %mul3A_306 : i32
      %get3A_309 = arith.index_cast %add3A_308 : i32 to index
      %get3A_310 = tpu.vector_load %arg11[%get3A_309] {strides = array<i32>} : memref<10240xf32, #tpu.memory_space<vmem>>, vector<16xf32>,
      %get3A_311 = arith.index_cast %add3A_308 : i32 to index
      %get3A_312 = tpu.vector_load %arg12[%get3A_311] {strides = array<i32>} : memref<10240xi32, #tpu.memory_space<vmem>>, vector<16xi32>,
      %get3A_313 = arith.index_cast %add3A_308 : i32 to index
      %get3A_314 = tpu.vector_load %arg13[%get3A_313] {strides = array<i32>} : memref<10240xf32, #tpu.memory_space<vmem>>, vector<16xf32>,
      %lt3A = arith.constant 524288 : i32
      %lt3A_315 = vector.broadcast %lt3A : i32 to vector<16xi32>
      %lt3A_316 = arith.cmpi slt, %get3A_312, %lt3A_315 : vector<16xi32>
      %abs3A = math.absf %get3A_310 : vector<16xf32>
      %jit3A = arith.constant -1.000000e+00 : f32
      %broadcast_in_dim3A_317 = vector.broadcast %jit3A : f32 to vector<16xf32>
      %select_n3A = arith.select %lt3A_316, %abs3A, %broadcast_in_dim3A_317 : vector<16xi1>, vector<16xf32>
      %gt3A = arith.cmpf ogt, %select_n3A, %get3A_314 : vector<16xf32>
      %and3A = arith.andi %lt3A_316, %gt3A : vector<16xi1>
      %max3A = arith.maximumf %select_n3A, %get3A_314 : vector<16xf32>
      %swap3A_318 = arith.index_cast %add3A_308 : i32 to index
      %swap3A_319 = tpu.vector_load %arg13[%swap3A_318] {strides = array<i32>} : memref<10240xf32, #tpu.memory_space<vmem>>, vector<16xf32>,
      tpu.vector_store %arg13[%swap3A_318], %max3A {strides = array<i32>} : memref<10240xf32, #tpu.memory_space<vmem>>, vector<16xf32>,
      %select_n3A_320 = arith.select %and3A, %get3A_312, %add3A_12 : vector<16xi1>, vector<16xi32>
      %swap3A_321 = arith.index_cast %add3A_308 : i32 to index
      %swap3A_322 = tpu.vector_load %arg12[%swap3A_321] {strides = array<i32>} : memref<10240xi32, #tpu.memory_space<vmem>>, vector<16xi32>,
      tpu.vector_store %arg12[%swap3A_321], %select_n3A_320 {strides = array<i32>} : memref<10240xi32, #tpu.memory_space<vmem>>, vector<16xi32>,
      %get3A_323 = arith.constant 0 : index
      %get3A_324 = tpu.vector_load %arg15[%get3A_323] {strides = array<i32>} : memref<16xi32, #tpu.memory_space<vmem>>, vector<16xi32>,
      %jit3A_325 = arith.constant 1 : i32
      %jit3A_326 = arith.constant 0 : i32
      %broadcast_in_dim3A_327 = vector.broadcast %jit3A_325 : i32 to vector<16xi32>
      %broadcast_in_dim3A_328 = vector.broadcast %jit3A_326 : i32 to vector<16xi32>
      %select_n3A_329 = arith.select %and3A, %broadcast_in_dim3A_327, %broadcast_in_dim3A_328 : vector<16xi1>, vector<16xi32>
      %add3A_330 = arith.addi %get3A_324, %select_n3A_329 : vector<16xi32>
      %swap3A_331 = arith.constant 0 : index
      %swap3A_332 = tpu.vector_load %arg15[%swap3A_331] {strides = array<i32>} : memref<16xi32, #tpu.memory_space<vmem>>, vector<16xi32>,
      tpu.vector_store %arg15[%swap3A_331], %add3A_330 {strides = array<i32>} : memref<16xi32, #tpu.memory_space<vmem>>, vector<16xi32>,
    }
    %scan3A_135 = arith.constant 640 : i32
    "tpu.region"() ({
      %run_scoped3A = tpu.sem_alloc : memref<!tpu.dma_semaphore, #tpu.memory_space<semaphore_mem>>
      %dma_start3A = arith.constant 0 : i32
      %dma_start3A_304 = tpu.memref_slice %arg8[%dma_start3A] : memref<524544xf32, #tpu.memory_space<vmem_shared>> -> memref<524544xf32, #tpu.memory_space<vmem_shared>>
      tpu.enqueue_indirect_dma source(%arg13 : memref<10240xf32, #tpu.memory_space<vmem>>) target(%dma_start3A_304 : memref<524544xf32, #tpu.memory_space<vmem_shared>>) offsets(%arg12 : memref<10240xi32, #tpu.memory_space<vmem>>) semaphore(%run_scoped3A : memref<!tpu.dma_semaphore, #tpu.memory_space<semaphore_mem>>)
      %dma_wait3A = arith.constant 0 : i32
      %dma_wait3A_305 = tpu.memref_slice %arg8[%dma_wait3A] : memref<524544xf32, #tpu.memory_space<vmem_shared>> -> memref<524544xf32, #tpu.memory_space<vmem_shared>>
      tpu.wait_indirect_dma semaphore(%run_scoped3A : memref<!tpu.dma_semaphore, #tpu.memory_space<semaphore_mem>>) src(%arg13 : memref<10240xf32, #tpu.memory_space<vmem>>) dst(%dma_wait3A_305 : memref<524544xf32, #tpu.memory_space<vmem_shared>>)
      tpu.yield
    }) : () -> ()
    "tpu.region"() ({
      %run_scoped3A = tpu.sem_alloc : memref<!tpu.dma_semaphore, #tpu.memory_space<semaphore_mem>>
      %dma_start3A = tpu.memref_slice %arg7[%add3A_125] : memref<3276800xi32, #tpu.memory_space<hbm>> -> memref<10240xi32, #tpu.memory_space<hbm>>
      %dma_start3A_304 = tpu.memref_slice %arg7[%add3A_125] : memref<3276800xi32, #tpu.memory_space<hbm>> -> memref<10240xi32, #tpu.memory_space<hbm>>
      tpu.enqueue_dma source(%arg12 : memref<10240xi32, #tpu.memory_space<vmem>>) target(%dma_start3A_304 : memref<10240xi32, #tpu.memory_space<hbm>>) target_semaphore(%run_scoped3A : memref<!tpu.dma_semaphore, #tpu.memory_space<semaphore_mem>>)
      %dma_wait3A = tpu.memref_slice %arg7[%add3A_125] : memref<3276800xi32, #tpu.memory_space<hbm>> -> memref<10240xi32, #tpu.memory_space<hbm>>
      %dma_wait3A_305 = tpu.memref_slice %arg7[%add3A_125] : memref<3276800xi32, #tpu.memory_space<hbm>> -> memref<10240xi32, #tpu.memory_space<hbm>>
      tpu.wait_dma2 semaphore(%run_scoped3A : memref<!tpu.dma_semaphore, #tpu.memory_space<semaphore_mem>>) src(%arg12 : memref<10240xi32, #tpu.memory_space<vmem>>) dst(%dma_wait3A_305 : memref<10240xi32, #tpu.memory_space<hbm>>)
      tpu.yield
    }) : () -> ()
    %add3A_136 = arith.constant 81920 : i32
    %add3A_137 = arith.addi %mul3A_14, %add3A_136 : i32
    %mul3A_138 = arith.constant 1638400 : i32
    %mul3A_139 = arith.muli %arg0, %mul3A_138 : i32
    %add3A_140 = arith.addi %mul3A_139, %add3A_137 : i32
    "tpu.region"() ({
      %run_scoped3A = tpu.sem_alloc : memref<!tpu.dma_semaphore, #tpu.memory_space<semaphore_mem>>
      %dma_start3A = tpu.memref_slice %arg3[%add3A_137] : memref<1638400xi32, #tpu.memory_space<hbm>> -> memref<10240xi32, #tpu.memory_space<hbm>>
      %dma_start3A_304 = tpu.memref_slice %arg3[%add3A_137] : memref<1638400xi32, #tpu.memory_space<hbm>> -> memref<10240xi32, #tpu.memory_space<hbm>>
      tpu.enqueue_dma source(%dma_start3A_304 : memref<10240xi32, #tpu.memory_space<hbm>>) target(%arg10 : memref<10240xi32, #tpu.memory_space<vmem>>) target_semaphore(%run_scoped3A : memref<!tpu.dma_semaphore, #tpu.memory_space<semaphore_mem>>)
      %dma_wait3A = tpu.memref_slice %arg3[%add3A_137] : memref<1638400xi32, #tpu.memory_space<hbm>> -> memref<10240xi32, #tpu.memory_space<hbm>>
      %dma_wait3A_305 = tpu.memref_slice %arg3[%add3A_137] : memref<1638400xi32, #tpu.memory_space<hbm>> -> memref<10240xi32, #tpu.memory_space<hbm>>
      tpu.wait_dma2 semaphore(%run_scoped3A : memref<!tpu.dma_semaphore, #tpu.memory_space<semaphore_mem>>) src(%dma_wait3A_305 : memref<10240xi32, #tpu.memory_space<hbm>>) dst(%arg10 : memref<10240xi32, #tpu.memory_space<vmem>>)
      tpu.yield
    }) : () -> ()
    "tpu.region"() ({
      %run_scoped3A = tpu.sem_alloc : memref<!tpu.dma_semaphore, #tpu.memory_space<semaphore_mem>>
      %dma_start3A = tpu.memref_slice %arg2[%add3A_137] : memref<1638400xf32, #tpu.memory_space<hbm>> -> memref<10240xf32, #tpu.memory_space<hbm>>
      %dma_start3A_304 = tpu.memref_slice %arg2[%add3A_137] : memref<1638400xf32, #tpu.memory_space<hbm>> -> memref<10240xf32, #tpu.memory_space<hbm>>
      tpu.enqueue_dma source(%dma_start3A_304 : memref<10240xf32, #tpu.memory_space<hbm>>) target(%arg11 : memref<10240xf32, #tpu.memory_space<vmem>>) target_semaphore(%run_scoped3A : memref<!tpu.dma_semaphore, #tpu.memory_space<semaphore_mem>>)
      %dma_wait3A = tpu.memref_slice %arg2[%add3A_137] : memref<1638400xf32, #tpu.memory_space<hbm>> -> memref<10240xf32, #tpu.memory_space<hbm>>
      %dma_wait3A_305 = tpu.memref_slice %arg2[%add3A_137] : memref<1638400xf32, #tpu.memory_space<hbm>> -> memref<10240xf32, #tpu.memory_space<hbm>>
      tpu.wait_dma2 semaphore(%run_scoped3A : memref<!tpu.dma_semaphore, #tpu.memory_space<semaphore_mem>>) src(%dma_wait3A_305 : memref<10240xf32, #tpu.memory_space<hbm>>) dst(%arg11 : memref<10240xf32, #tpu.memory_space<vmem>>)
      tpu.yield
    }) : () -> ()
    %scan3A_141 = arith.constant 0 : i32
    %scan3A_142 = arith.constant 640 : i32
    %scan3A_143 = arith.addi %scan3A_141, %scan3A_142 : i32
    %scan3A_144 = arith.constant 1 : i32
    scf.for %scan3A_304 = %scan3A_141 to %scan3A_143 step %scan3A_144  : i32 {
      %mul3A_305 = arith.constant 16 : i32
      %mul3A_306 = arith.muli %scan3A_304, %mul3A_305 : i32
      %add3A_307 = arith.constant 0 : i32
      %add3A_308 = arith.addi %add3A_307, %mul3A_306 : i32
      %get3A_309 = arith.index_cast %add3A_308 : i32 to index
      %get3A_310 = tpu.vector_load %arg10[%get3A_309] {strides = array<i32>} : memref<10240xi32, #tpu.memory_space<vmem>>, vector<16xi32>,
      %sub3A = vector.broadcast %mul3A_0 : i32 to vector<16xi32>
      %sub3A_311 = arith.subi %get3A_310, %sub3A : vector<16xi32>
      %ge3A = arith.constant 0 : i32
      %ge3A_312 = vector.broadcast %ge3A : i32 to vector<16xi32>
      %ge3A_313 = arith.cmpi sge, %sub3A_311, %ge3A_312 : vector<16xi32>
      %lt3A = arith.constant 524288 : i32
      %lt3A_314 = vector.broadcast %lt3A : i32 to vector<16xi32>
      %lt3A_315 = arith.cmpi slt, %sub3A_311, %lt3A_314 : vector<16xi32>
      %and3A = arith.andi %ge3A_313, %lt3A_315 : vector<16xi1>
      %select_n3A = arith.select %and3A, %sub3A_311, %add3A_12 : vector<16xi1>, vector<16xi32>
      %swap3A_316 = arith.index_cast %add3A_308 : i32 to index
      %swap3A_317 = tpu.vector_load %arg12[%swap3A_316] {strides = array<i32>} : memref<10240xi32, #tpu.memory_space<vmem>>, vector<16xi32>,
      tpu.vector_store %arg12[%swap3A_316], %select_n3A {strides = array<i32>} : memref<10240xi32, #tpu.memory_space<vmem>>, vector<16xi32>,
    }
    %scan3A_145 = arith.constant 640 : i32
    "tpu.region"() ({
      %run_scoped3A = tpu.sem_alloc : memref<!tpu.dma_semaphore, #tpu.memory_space<semaphore_mem>>
      %dma_start3A = arith.constant 0 : i32
      %dma_start3A_304 = tpu.memref_slice %arg8[%dma_start3A] : memref<524544xf32, #tpu.memory_space<vmem_shared>> -> memref<524544xf32, #tpu.memory_space<vmem_shared>>
      tpu.enqueue_indirect_dma source(%dma_start3A_304 : memref<524544xf32, #tpu.memory_space<vmem_shared>>) target(%arg13 : memref<10240xf32, #tpu.memory_space<vmem>>) offsets(%arg12 : memref<10240xi32, #tpu.memory_space<vmem>>) semaphore(%run_scoped3A : memref<!tpu.dma_semaphore, #tpu.memory_space<semaphore_mem>>)
      %dma_wait3A = arith.constant 0 : i32
      %dma_wait3A_305 = tpu.memref_slice %arg8[%dma_wait3A] : memref<524544xf32, #tpu.memory_space<vmem_shared>> -> memref<524544xf32, #tpu.memory_space<vmem_shared>>
      tpu.wait_indirect_dma semaphore(%run_scoped3A : memref<!tpu.dma_semaphore, #tpu.memory_space<semaphore_mem>>) src(%dma_wait3A_305 : memref<524544xf32, #tpu.memory_space<vmem_shared>>) dst(%arg13 : memref<10240xf32, #tpu.memory_space<vmem>>)
      tpu.yield
    }) : () -> ()
    %scan3A_146 = arith.constant 0 : i32
    %scan3A_147 = arith.constant 640 : i32
    %scan3A_148 = arith.addi %scan3A_146, %scan3A_147 : i32
    %scan3A_149 = arith.constant 1 : i32
    scf.for %scan3A_304 = %scan3A_146 to %scan3A_148 step %scan3A_149  : i32 {
      %mul3A_305 = arith.constant 16 : i32
      %mul3A_306 = arith.muli %scan3A_304, %mul3A_305 : i32
      %add3A_307 = arith.constant 0 : i32
      %add3A_308 = arith.addi %add3A_307, %mul3A_306 : i32
      %get3A_309 = arith.index_cast %add3A_308 : i32 to index
      %get3A_310 = tpu.vector_load %arg11[%get3A_309] {strides = array<i32>} : memref<10240xf32, #tpu.memory_space<vmem>>, vector<16xf32>,
      %get3A_311 = arith.index_cast %add3A_308 : i32 to index
      %get3A_312 = tpu.vector_load %arg12[%get3A_311] {strides = array<i32>} : memref<10240xi32, #tpu.memory_space<vmem>>, vector<16xi32>,
      %get3A_313 = arith.index_cast %add3A_308 : i32 to index
      %get3A_314 = tpu.vector_load %arg13[%get3A_313] {strides = array<i32>} : memref<10240xf32, #tpu.memory_space<vmem>>, vector<16xf32>,
      %lt3A = arith.constant 524288 : i32
      %lt3A_315 = vector.broadcast %lt3A : i32 to vector<16xi32>
      %lt3A_316 = arith.cmpi slt, %get3A_312, %lt3A_315 : vector<16xi32>
      %abs3A = math.absf %get3A_310 : vector<16xf32>
      %jit3A = arith.constant -1.000000e+00 : f32
      %broadcast_in_dim3A_317 = vector.broadcast %jit3A : f32 to vector<16xf32>
      %select_n3A = arith.select %lt3A_316, %abs3A, %broadcast_in_dim3A_317 : vector<16xi1>, vector<16xf32>
      %gt3A = arith.cmpf ogt, %select_n3A, %get3A_314 : vector<16xf32>
      %and3A = arith.andi %lt3A_316, %gt3A : vector<16xi1>
      %max3A = arith.maximumf %select_n3A, %get3A_314 : vector<16xf32>
      %swap3A_318 = arith.index_cast %add3A_308 : i32 to index
      %swap3A_319 = tpu.vector_load %arg13[%swap3A_318] {strides = array<i32>} : memref<10240xf32, #tpu.memory_space<vmem>>, vector<16xf32>,
      tpu.vector_store %arg13[%swap3A_318], %max3A {strides = array<i32>} : memref<10240xf32, #tpu.memory_space<vmem>>, vector<16xf32>,
      %select_n3A_320 = arith.select %and3A, %get3A_312, %add3A_12 : vector<16xi1>, vector<16xi32>
      %swap3A_321 = arith.index_cast %add3A_308 : i32 to index
      %swap3A_322 = tpu.vector_load %arg12[%swap3A_321] {strides = array<i32>} : memref<10240xi32, #tpu.memory_space<vmem>>, vector<16xi32>,
      tpu.vector_store %arg12[%swap3A_321], %select_n3A_320 {strides = array<i32>} : memref<10240xi32, #tpu.memory_space<vmem>>, vector<16xi32>,
      %get3A_323 = arith.constant 0 : index
      %get3A_324 = tpu.vector_load %arg15[%get3A_323] {strides = array<i32>} : memref<16xi32, #tpu.memory_space<vmem>>, vector<16xi32>,
      %jit3A_325 = arith.constant 1 : i32
      %jit3A_326 = arith.constant 0 : i32
      %broadcast_in_dim3A_327 = vector.broadcast %jit3A_325 : i32 to vector<16xi32>
      %broadcast_in_dim3A_328 = vector.broadcast %jit3A_326 : i32 to vector<16xi32>
      %select_n3A_329 = arith.select %and3A, %broadcast_in_dim3A_327, %broadcast_in_dim3A_328 : vector<16xi1>, vector<16xi32>
      %add3A_330 = arith.addi %get3A_324, %select_n3A_329 : vector<16xi32>
      %swap3A_331 = arith.constant 0 : index
      %swap3A_332 = tpu.vector_load %arg15[%swap3A_331] {strides = array<i32>} : memref<16xi32, #tpu.memory_space<vmem>>, vector<16xi32>,
      tpu.vector_store %arg15[%swap3A_331], %add3A_330 {strides = array<i32>} : memref<16xi32, #tpu.memory_space<vmem>>, vector<16xi32>,
    }
    %scan3A_150 = arith.constant 640 : i32
    "tpu.region"() ({
      %run_scoped3A = tpu.sem_alloc : memref<!tpu.dma_semaphore, #tpu.memory_space<semaphore_mem>>
      %dma_start3A = arith.constant 0 : i32
      %dma_start3A_304 = tpu.memref_slice %arg8[%dma_start3A] : memref<524544xf32, #tpu.memory_space<vmem_shared>> -> memref<524544xf32, #tpu.memory_space<vmem_shared>>
      tpu.enqueue_indirect_dma source(%arg13 : memref<10240xf32, #tpu.memory_space<vmem>>) target(%dma_start3A_304 : memref<524544xf32, #tpu.memory_space<vmem_shared>>) offsets(%arg12 : memref<10240xi32, #tpu.memory_space<vmem>>) semaphore(%run_scoped3A : memref<!tpu.dma_semaphore, #tpu.memory_space<semaphore_mem>>)
      %dma_wait3A = arith.constant 0 : i32
      %dma_wait3A_305 = tpu.memref_slice %arg8[%dma_wait3A] : memref<524544xf32, #tpu.memory_space<vmem_shared>> -> memref<524544xf32, #tpu.memory_space<vmem_shared>>
      tpu.wait_indirect_dma semaphore(%run_scoped3A : memref<!tpu.dma_semaphore, #tpu.memory_space<semaphore_mem>>) src(%arg13 : memref<10240xf32, #tpu.memory_space<vmem>>) dst(%dma_wait3A_305 : memref<524544xf32, #tpu.memory_space<vmem_shared>>)
      tpu.yield
    }) : () -> ()
    "tpu.region"() ({
      %run_scoped3A = tpu.sem_alloc : memref<!tpu.dma_semaphore, #tpu.memory_space<semaphore_mem>>
      %dma_start3A = tpu.memref_slice %arg7[%add3A_140] : memref<3276800xi32, #tpu.memory_space<hbm>> -> memref<10240xi32, #tpu.memory_space<hbm>>
      %dma_start3A_304 = tpu.memref_slice %arg7[%add3A_140] : memref<3276800xi32, #tpu.memory_space<hbm>> -> memref<10240xi32, #tpu.memory_space<hbm>>
      tpu.enqueue_dma source(%arg12 : memref<10240xi32, #tpu.memory_space<vmem>>) target(%dma_start3A_304 : memref<10240xi32, #tpu.memory_space<hbm>>) target_semaphore(%run_scoped3A : memref<!tpu.dma_semaphore, #tpu.memory_space<semaphore_mem>>)
      %dma_wait3A = tpu.memref_slice %arg7[%add3A_140] : memref<3276800xi32, #tpu.memory_space<hbm>> -> memref<10240xi32, #tpu.memory_space<hbm>>
      %dma_wait3A_305 = tpu.memref_slice %arg7[%add3A_140] : memref<3276800xi32, #tpu.memory_space<hbm>> -> memref<10240xi32, #tpu.memory_space<hbm>>
      tpu.wait_dma2 semaphore(%run_scoped3A : memref<!tpu.dma_semaphore, #tpu.memory_space<semaphore_mem>>) src(%arg12 : memref<10240xi32, #tpu.memory_space<vmem>>) dst(%dma_wait3A_305 : memref<10240xi32, #tpu.memory_space<hbm>>)
      tpu.yield
    }) : () -> ()
    %add3A_151 = arith.constant 92160 : i32
    %add3A_152 = arith.addi %mul3A_14, %add3A_151 : i32
    %mul3A_153 = arith.constant 1638400 : i32
    %mul3A_154 = arith.muli %arg0, %mul3A_153 : i32
    %add3A_155 = arith.addi %mul3A_154, %add3A_152 : i32
    "tpu.region"() ({
      %run_scoped3A = tpu.sem_alloc : memref<!tpu.dma_semaphore, #tpu.memory_space<semaphore_mem>>
      %dma_start3A = tpu.memref_slice %arg3[%add3A_152] : memref<1638400xi32, #tpu.memory_space<hbm>> -> memref<10240xi32, #tpu.memory_space<hbm>>
      %dma_start3A_304 = tpu.memref_slice %arg3[%add3A_152] : memref<1638400xi32, #tpu.memory_space<hbm>> -> memref<10240xi32, #tpu.memory_space<hbm>>
      tpu.enqueue_dma source(%dma_start3A_304 : memref<10240xi32, #tpu.memory_space<hbm>>) target(%arg10 : memref<10240xi32, #tpu.memory_space<vmem>>) target_semaphore(%run_scoped3A : memref<!tpu.dma_semaphore, #tpu.memory_space<semaphore_mem>>)
      %dma_wait3A = tpu.memref_slice %arg3[%add3A_152] : memref<1638400xi32, #tpu.memory_space<hbm>> -> memref<10240xi32, #tpu.memory_space<hbm>>
      %dma_wait3A_305 = tpu.memref_slice %arg3[%add3A_152] : memref<1638400xi32, #tpu.memory_space<hbm>> -> memref<10240xi32, #tpu.memory_space<hbm>>
      tpu.wait_dma2 semaphore(%run_scoped3A : memref<!tpu.dma_semaphore, #tpu.memory_space<semaphore_mem>>) src(%dma_wait3A_305 : memref<10240xi32, #tpu.memory_space<hbm>>) dst(%arg10 : memref<10240xi32, #tpu.memory_space<vmem>>)
      tpu.yield
    }) : () -> ()
    "tpu.region"() ({
      %run_scoped3A = tpu.sem_alloc : memref<!tpu.dma_semaphore, #tpu.memory_space<semaphore_mem>>
      %dma_start3A = tpu.memref_slice %arg2[%add3A_152] : memref<1638400xf32, #tpu.memory_space<hbm>> -> memref<10240xf32, #tpu.memory_space<hbm>>
      %dma_start3A_304 = tpu.memref_slice %arg2[%add3A_152] : memref<1638400xf32, #tpu.memory_space<hbm>> -> memref<10240xf32, #tpu.memory_space<hbm>>
      tpu.enqueue_dma source(%dma_start3A_304 : memref<10240xf32, #tpu.memory_space<hbm>>) target(%arg11 : memref<10240xf32, #tpu.memory_space<vmem>>) target_semaphore(%run_scoped3A : memref<!tpu.dma_semaphore, #tpu.memory_space<semaphore_mem>>)
      %dma_wait3A = tpu.memref_slice %arg2[%add3A_152] : memref<1638400xf32, #tpu.memory_space<hbm>> -> memref<10240xf32, #tpu.memory_space<hbm>>
      %dma_wait3A_305 = tpu.memref_slice %arg2[%add3A_152] : memref<1638400xf32, #tpu.memory_space<hbm>> -> memref<10240xf32, #tpu.memory_space<hbm>>
      tpu.wait_dma2 semaphore(%run_scoped3A : memref<!tpu.dma_semaphore, #tpu.memory_space<semaphore_mem>>) src(%dma_wait3A_305 : memref<10240xf32, #tpu.memory_space<hbm>>) dst(%arg11 : memref<10240xf32, #tpu.memory_space<vmem>>)
      tpu.yield
    }) : () -> ()
    %scan3A_156 = arith.constant 0 : i32
    %scan3A_157 = arith.constant 640 : i32
    %scan3A_158 = arith.addi %scan3A_156, %scan3A_157 : i32
    %scan3A_159 = arith.constant 1 : i32
    scf.for %scan3A_304 = %scan3A_156 to %scan3A_158 step %scan3A_159  : i32 {
      %mul3A_305 = arith.constant 16 : i32
      %mul3A_306 = arith.muli %scan3A_304, %mul3A_305 : i32
      %add3A_307 = arith.constant 0 : i32
      %add3A_308 = arith.addi %add3A_307, %mul3A_306 : i32
      %get3A_309 = arith.index_cast %add3A_308 : i32 to index
      %get3A_310 = tpu.vector_load %arg10[%get3A_309] {strides = array<i32>} : memref<10240xi32, #tpu.memory_space<vmem>>, vector<16xi32>,
      %sub3A = vector.broadcast %mul3A_0 : i32 to vector<16xi32>
      %sub3A_311 = arith.subi %get3A_310, %sub3A : vector<16xi32>
      %ge3A = arith.constant 0 : i32
      %ge3A_312 = vector.broadcast %ge3A : i32 to vector<16xi32>
      %ge3A_313 = arith.cmpi sge, %sub3A_311, %ge3A_312 : vector<16xi32>
      %lt3A = arith.constant 524288 : i32
      %lt3A_314 = vector.broadcast %lt3A : i32 to vector<16xi32>
      %lt3A_315 = arith.cmpi slt, %sub3A_311, %lt3A_314 : vector<16xi32>
      %and3A = arith.andi %ge3A_313, %lt3A_315 : vector<16xi1>
      %select_n3A = arith.select %and3A, %sub3A_311, %add3A_12 : vector<16xi1>, vector<16xi32>
      %swap3A_316 = arith.index_cast %add3A_308 : i32 to index
      %swap3A_317 = tpu.vector_load %arg12[%swap3A_316] {strides = array<i32>} : memref<10240xi32, #tpu.memory_space<vmem>>, vector<16xi32>,
      tpu.vector_store %arg12[%swap3A_316], %select_n3A {strides = array<i32>} : memref<10240xi32, #tpu.memory_space<vmem>>, vector<16xi32>,
    }
    %scan3A_160 = arith.constant 640 : i32
    "tpu.region"() ({
      %run_scoped3A = tpu.sem_alloc : memref<!tpu.dma_semaphore, #tpu.memory_space<semaphore_mem>>
      %dma_start3A = arith.constant 0 : i32
      %dma_start3A_304 = tpu.memref_slice %arg8[%dma_start3A] : memref<524544xf32, #tpu.memory_space<vmem_shared>> -> memref<524544xf32, #tpu.memory_space<vmem_shared>>
      tpu.enqueue_indirect_dma source(%dma_start3A_304 : memref<524544xf32, #tpu.memory_space<vmem_shared>>) target(%arg13 : memref<10240xf32, #tpu.memory_space<vmem>>) offsets(%arg12 : memref<10240xi32, #tpu.memory_space<vmem>>) semaphore(%run_scoped3A : memref<!tpu.dma_semaphore, #tpu.memory_space<semaphore_mem>>)
      %dma_wait3A = arith.constant 0 : i32
      %dma_wait3A_305 = tpu.memref_slice %arg8[%dma_wait3A] : memref<524544xf32, #tpu.memory_space<vmem_shared>> -> memref<524544xf32, #tpu.memory_space<vmem_shared>>
      tpu.wait_indirect_dma semaphore(%run_scoped3A : memref<!tpu.dma_semaphore, #tpu.memory_space<semaphore_mem>>) src(%dma_wait3A_305 : memref<524544xf32, #tpu.memory_space<vmem_shared>>) dst(%arg13 : memref<10240xf32, #tpu.memory_space<vmem>>)
      tpu.yield
    }) : () -> ()
    %scan3A_161 = arith.constant 0 : i32
    %scan3A_162 = arith.constant 640 : i32
    %scan3A_163 = arith.addi %scan3A_161, %scan3A_162 : i32
    %scan3A_164 = arith.constant 1 : i32
    scf.for %scan3A_304 = %scan3A_161 to %scan3A_163 step %scan3A_164  : i32 {
      %mul3A_305 = arith.constant 16 : i32
      %mul3A_306 = arith.muli %scan3A_304, %mul3A_305 : i32
      %add3A_307 = arith.constant 0 : i32
      %add3A_308 = arith.addi %add3A_307, %mul3A_306 : i32
      %get3A_309 = arith.index_cast %add3A_308 : i32 to index
      %get3A_310 = tpu.vector_load %arg11[%get3A_309] {strides = array<i32>} : memref<10240xf32, #tpu.memory_space<vmem>>, vector<16xf32>,
      %get3A_311 = arith.index_cast %add3A_308 : i32 to index
      %get3A_312 = tpu.vector_load %arg12[%get3A_311] {strides = array<i32>} : memref<10240xi32, #tpu.memory_space<vmem>>, vector<16xi32>,
      %get3A_313 = arith.index_cast %add3A_308 : i32 to index
      %get3A_314 = tpu.vector_load %arg13[%get3A_313] {strides = array<i32>} : memref<10240xf32, #tpu.memory_space<vmem>>, vector<16xf32>,
      %lt3A = arith.constant 524288 : i32
      %lt3A_315 = vector.broadcast %lt3A : i32 to vector<16xi32>
      %lt3A_316 = arith.cmpi slt, %get3A_312, %lt3A_315 : vector<16xi32>
      %abs3A = math.absf %get3A_310 : vector<16xf32>
      %jit3A = arith.constant -1.000000e+00 : f32
      %broadcast_in_dim3A_317 = vector.broadcast %jit3A : f32 to vector<16xf32>
      %select_n3A = arith.select %lt3A_316, %abs3A, %broadcast_in_dim3A_317 : vector<16xi1>, vector<16xf32>
      %gt3A = arith.cmpf ogt, %select_n3A, %get3A_314 : vector<16xf32>
      %and3A = arith.andi %lt3A_316, %gt3A : vector<16xi1>
      %max3A = arith.maximumf %select_n3A, %get3A_314 : vector<16xf32>
      %swap3A_318 = arith.index_cast %add3A_308 : i32 to index
      %swap3A_319 = tpu.vector_load %arg13[%swap3A_318] {strides = array<i32>} : memref<10240xf32, #tpu.memory_space<vmem>>, vector<16xf32>,
      tpu.vector_store %arg13[%swap3A_318], %max3A {strides = array<i32>} : memref<10240xf32, #tpu.memory_space<vmem>>, vector<16xf32>,
      %select_n3A_320 = arith.select %and3A, %get3A_312, %add3A_12 : vector<16xi1>, vector<16xi32>
      %swap3A_321 = arith.index_cast %add3A_308 : i32 to index
      %swap3A_322 = tpu.vector_load %arg12[%swap3A_321] {strides = array<i32>} : memref<10240xi32, #tpu.memory_space<vmem>>, vector<16xi32>,
      tpu.vector_store %arg12[%swap3A_321], %select_n3A_320 {strides = array<i32>} : memref<10240xi32, #tpu.memory_space<vmem>>, vector<16xi32>,
      %get3A_323 = arith.constant 0 : index
      %get3A_324 = tpu.vector_load %arg15[%get3A_323] {strides = array<i32>} : memref<16xi32, #tpu.memory_space<vmem>>, vector<16xi32>,
      %jit3A_325 = arith.constant 1 : i32
      %jit3A_326 = arith.constant 0 : i32
      %broadcast_in_dim3A_327 = vector.broadcast %jit3A_325 : i32 to vector<16xi32>
      %broadcast_in_dim3A_328 = vector.broadcast %jit3A_326 : i32 to vector<16xi32>
      %select_n3A_329 = arith.select %and3A, %broadcast_in_dim3A_327, %broadcast_in_dim3A_328 : vector<16xi1>, vector<16xi32>
      %add3A_330 = arith.addi %get3A_324, %select_n3A_329 : vector<16xi32>
      %swap3A_331 = arith.constant 0 : index
      %swap3A_332 = tpu.vector_load %arg15[%swap3A_331] {strides = array<i32>} : memref<16xi32, #tpu.memory_space<vmem>>, vector<16xi32>,
      tpu.vector_store %arg15[%swap3A_331], %add3A_330 {strides = array<i32>} : memref<16xi32, #tpu.memory_space<vmem>>, vector<16xi32>,
    }
    %scan3A_165 = arith.constant 640 : i32
    "tpu.region"() ({
      %run_scoped3A = tpu.sem_alloc : memref<!tpu.dma_semaphore, #tpu.memory_space<semaphore_mem>>
      %dma_start3A = arith.constant 0 : i32
      %dma_start3A_304 = tpu.memref_slice %arg8[%dma_start3A] : memref<524544xf32, #tpu.memory_space<vmem_shared>> -> memref<524544xf32, #tpu.memory_space<vmem_shared>>
      tpu.enqueue_indirect_dma source(%arg13 : memref<10240xf32, #tpu.memory_space<vmem>>) target(%dma_start3A_304 : memref<524544xf32, #tpu.memory_space<vmem_shared>>) offsets(%arg12 : memref<10240xi32, #tpu.memory_space<vmem>>) semaphore(%run_scoped3A : memref<!tpu.dma_semaphore, #tpu.memory_space<semaphore_mem>>)
      %dma_wait3A = arith.constant 0 : i32
      %dma_wait3A_305 = tpu.memref_slice %arg8[%dma_wait3A] : memref<524544xf32, #tpu.memory_space<vmem_shared>> -> memref<524544xf32, #tpu.memory_space<vmem_shared>>
      tpu.wait_indirect_dma semaphore(%run_scoped3A : memref<!tpu.dma_semaphore, #tpu.memory_space<semaphore_mem>>) src(%arg13 : memref<10240xf32, #tpu.memory_space<vmem>>) dst(%dma_wait3A_305 : memref<524544xf32, #tpu.memory_space<vmem_shared>>)
      tpu.yield
    }) : () -> ()
    "tpu.region"() ({
      %run_scoped3A = tpu.sem_alloc : memref<!tpu.dma_semaphore, #tpu.memory_space<semaphore_mem>>
      %dma_start3A = tpu.memref_slice %arg7[%add3A_155] : memref<3276800xi32, #tpu.memory_space<hbm>> -> memref<10240xi32, #tpu.memory_space<hbm>>
      %dma_start3A_304 = tpu.memref_slice %arg7[%add3A_155] : memref<3276800xi32, #tpu.memory_space<hbm>> -> memref<10240xi32, #tpu.memory_space<hbm>>
      tpu.enqueue_dma source(%arg12 : memref<10240xi32, #tpu.memory_space<vmem>>) target(%dma_start3A_304 : memref<10240xi32, #tpu.memory_space<hbm>>) target_semaphore(%run_scoped3A : memref<!tpu.dma_semaphore, #tpu.memory_space<semaphore_mem>>)
      %dma_wait3A = tpu.memref_slice %arg7[%add3A_155] : memref<3276800xi32, #tpu.memory_space<hbm>> -> memref<10240xi32, #tpu.memory_space<hbm>>
      %dma_wait3A_305 = tpu.memref_slice %arg7[%add3A_155] : memref<3276800xi32, #tpu.memory_space<hbm>> -> memref<10240xi32, #tpu.memory_space<hbm>>
      tpu.wait_dma2 semaphore(%run_scoped3A : memref<!tpu.dma_semaphore, #tpu.memory_space<semaphore_mem>>) src(%arg12 : memref<10240xi32, #tpu.memory_space<vmem>>) dst(%dma_wait3A_305 : memref<10240xi32, #tpu.memory_space<hbm>>)
      tpu.yield
    }) : () -> ()
    %get3A = arith.constant 0 : index
    %get3A_166 = tpu.vector_load %arg15[%get3A] {strides = array<i32>} : memref<16xi32, #tpu.memory_space<vmem>>, vector<16xi32>,
    %reduce_sum3A = arith.constant true
    %reduce_sum3A_167 = vector.broadcast %reduce_sum3A : i1 to vector<16xi1>
    %reduce_sum3A_168 = tpu.scan <sum>, %get3A_166 masked %reduce_sum3A_167 : vector<16xi32>, vector<16xi1> -> vector<16xi32>
    %reduce_sum3A_169 = vector.extract %reduce_sum3A_168[15] : i32 from vector<16xi32>
    %sc_fetch_and_add3A = arith.constant 0 : i32
    %sc_fetch_and_add3A_170 = arith.constant 0 : i32
    %sc_fetch_and_add3A_171 = tpu.fetch_and_add_sync %arg16[%sc_fetch_and_add3A], %reduce_sum3A_169, %sc_fetch_and_add3A_170 : memref<1xi32, #tpu.memory_space<smem>>, i32 -> i32
    %barrier3A_172 = arith.constant 0 : index
    tpu.barrier barrier_id(%barrier3A_172)
    %sc_fetch_and_add3A_173 = arith.constant 0 : i32
    %sc_fetch_and_add3A_174 = arith.constant 0 : i32
    %sc_fetch_and_add3A_175 = arith.constant 0 : i32
    %sc_fetch_and_add3A_176 = tpu.fetch_and_add_sync %arg16[%sc_fetch_and_add3A_174], %sc_fetch_and_add3A_173, %sc_fetch_and_add3A_175 : memref<1xi32, #tpu.memory_space<smem>>, i32 -> i32
    %barrier3A_177 = arith.constant 0 : index
    tpu.barrier barrier_id(%barrier3A_177)
    %eq3A_178 = arith.constant 0 : i32
    %eq3A_179 = arith.cmpi eq, %arg1, %eq3A_178 : i32
    %convert_element_type3A_180 = arith.extui %eq3A_179 : i1 to i32
    %cond3A_181 = arith.constant 0 : i32
    %cond3A_182 = arith.cmpi ne, %convert_element_type3A_180, %cond3A_181 : i32
    scf.if %cond3A_182 {
      %swap3A_304 = arith.constant 0 : i32
      %swap3A_305 = arith.constant 0 : i32
      %swap3A_306 = arith.index_cast %swap3A_305 : i32 to index
      %swap3A_307 = memref.load %arg16[%swap3A_306] : memref<1xi32, #tpu.memory_space<smem>>
      memref.store %swap3A_304, %arg16[%swap3A_306] : memref<1xi32, #tpu.memory_space<smem>>
    } else {
    }
    %barrier3A_183 = arith.constant 0 : index
    tpu.barrier barrier_id(%barrier3A_183)
    %while3A = scf.while (%while3A_304 = %sc_fetch_and_add3A_176) : (i32) -> i32 {
      %gt3A = arith.constant 0 : i32
      %gt3A_305 = arith.cmpi sgt, %while3A_304, %gt3A : i32
      scf.condition(%gt3A_305) %while3A_304 : i32
    } do {
    ^bb0(%while3A_304: i32):
      %broadcast_in_dim3A_305 = arith.constant 0 : i32
      %broadcast_in_dim3A_306 = vector.broadcast %broadcast_in_dim3A_305 : i32 to vector<16xi32>
      %swap3A_307 = arith.constant 0 : index
      %swap3A_308 = tpu.vector_load %arg15[%swap3A_307] {strides = array<i32>} : memref<16xi32, #tpu.memory_space<vmem>>, vector<16xi32>,
      tpu.vector_store %arg15[%swap3A_307], %broadcast_in_dim3A_306 {strides = array<i32>} : memref<16xi32, #tpu.memory_space<vmem>>, vector<16xi32>,
      %add3A_309 = arith.constant 0 : i32
      %add3A_310 = arith.addi %mul3A_14, %add3A_309 : i32
      %mul3A_311 = arith.constant 1638400 : i32
      %mul3A_312 = arith.muli %arg0, %mul3A_311 : i32
      %add3A_313 = arith.addi %mul3A_312, %add3A_310 : i32
      "tpu.region"() ({
        %run_scoped3A = tpu.sem_alloc : memref<!tpu.dma_semaphore, #tpu.memory_space<semaphore_mem>>
        %dma_start3A = tpu.memref_slice %arg7[%add3A_313] : memref<3276800xi32, #tpu.memory_space<hbm>> -> memref<10240xi32, #tpu.memory_space<hbm>>
        %dma_start3A_430 = tpu.memref_slice %arg7[%add3A_313] : memref<3276800xi32, #tpu.memory_space<hbm>> -> memref<10240xi32, #tpu.memory_space<hbm>>
        tpu.enqueue_dma source(%dma_start3A_430 : memref<10240xi32, #tpu.memory_space<hbm>>) target(%arg12 : memref<10240xi32, #tpu.memory_space<vmem>>) target_semaphore(%run_scoped3A : memref<!tpu.dma_semaphore, #tpu.memory_space<semaphore_mem>>)
        %dma_wait3A = tpu.memref_slice %arg7[%add3A_313] : memref<3276800xi32, #tpu.memory_space<hbm>> -> memref<10240xi32, #tpu.memory_space<hbm>>
        %dma_wait3A_431 = tpu.memref_slice %arg7[%add3A_313] : memref<3276800xi32, #tpu.memory_space<hbm>> -> memref<10240xi32, #tpu.memory_space<hbm>>
        tpu.wait_dma2 semaphore(%run_scoped3A : memref<!tpu.dma_semaphore, #tpu.memory_space<semaphore_mem>>) src(%dma_wait3A_431 : memref<10240xi32, #tpu.memory_space<hbm>>) dst(%arg12 : memref<10240xi32, #tpu.memory_space<vmem>>)
        tpu.yield
      }) : () -> ()
      "tpu.region"() ({
        %run_scoped3A = tpu.sem_alloc : memref<!tpu.dma_semaphore, #tpu.memory_space<semaphore_mem>>
        %dma_start3A = tpu.memref_slice %arg2[%add3A_310] : memref<1638400xf32, #tpu.memory_space<hbm>> -> memref<10240xf32, #tpu.memory_space<hbm>>
        %dma_start3A_430 = tpu.memref_slice %arg2[%add3A_310] : memref<1638400xf32, #tpu.memory_space<hbm>> -> memref<10240xf32, #tpu.memory_space<hbm>>
        tpu.enqueue_dma source(%dma_start3A_430 : memref<10240xf32, #tpu.memory_space<hbm>>) target(%arg11 : memref<10240xf32, #tpu.memory_space<vmem>>) target_semaphore(%run_scoped3A : memref<!tpu.dma_semaphore, #tpu.memory_space<semaphore_mem>>)
        %dma_wait3A = tpu.memref_slice %arg2[%add3A_310] : memref<1638400xf32, #tpu.memory_space<hbm>> -> memref<10240xf32, #tpu.memory_space<hbm>>
        %dma_wait3A_431 = tpu.memref_slice %arg2[%add3A_310] : memref<1638400xf32, #tpu.memory_space<hbm>> -> memref<10240xf32, #tpu.memory_space<hbm>>
        tpu.wait_dma2 semaphore(%run_scoped3A : memref<!tpu.dma_semaphore, #tpu.memory_space<semaphore_mem>>) src(%dma_wait3A_431 : memref<10240xf32, #tpu.memory_space<hbm>>) dst(%arg11 : memref<10240xf32, #tpu.memory_space<vmem>>)
        tpu.yield
      }) : () -> ()
      "tpu.region"() ({
        %run_scoped3A = tpu.sem_alloc : memref<!tpu.dma_semaphore, #tpu.memory_space<semaphore_mem>>
        %dma_start3A = arith.constant 0 : i32
        %dma_start3A_430 = tpu.memref_slice %arg8[%dma_start3A] : memref<524544xf32, #tpu.memory_space<vmem_shared>> -> memref<524544xf32, #tpu.memory_space<vmem_shared>>
        tpu.enqueue_indirect_dma source(%dma_start3A_430 : memref<524544xf32, #tpu.memory_space<vmem_shared>>) target(%arg13 : memref<10240xf32, #tpu.memory_space<vmem>>) offsets(%arg12 : memref<10240xi32, #tpu.memory_space<vmem>>) semaphore(%run_scoped3A : memref<!tpu.dma_semaphore, #tpu.memory_space<semaphore_mem>>)
        %dma_wait3A = arith.constant 0 : i32
        %dma_wait3A_431 = tpu.memref_slice %arg8[%dma_wait3A] : memref<524544xf32, #tpu.memory_space<vmem_shared>> -> memref<524544xf32, #tpu.memory_space<vmem_shared>>
        tpu.wait_indirect_dma semaphore(%run_scoped3A : memref<!tpu.dma_semaphore, #tpu.memory_space<semaphore_mem>>) src(%dma_wait3A_431 : memref<524544xf32, #tpu.memory_space<vmem_shared>>) dst(%arg13 : memref<10240xf32, #tpu.memory_space<vmem>>)
        tpu.yield
      }) : () -> ()
      %scan3A_314 = arith.constant 0 : i32
      %scan3A_315 = arith.constant 640 : i32
      %scan3A_316 = arith.addi %scan3A_314, %scan3A_315 : i32
      %scan3A_317 = arith.constant 1 : i32
      scf.for %scan3A_430 = %scan3A_314 to %scan3A_316 step %scan3A_317  : i32 {
        %mul3A_431 = arith.constant 16 : i32
        %mul3A_432 = arith.muli %scan3A_430, %mul3A_431 : i32
        %add3A_433 = arith.constant 0 : i32
        %add3A_434 = arith.addi %add3A_433, %mul3A_432 : i32
        %get3A_435 = arith.index_cast %add3A_434 : i32 to index
        %get3A_436 = tpu.vector_load %arg11[%get3A_435] {strides = array<i32>} : memref<10240xf32, #tpu.memory_space<vmem>>, vector<16xf32>,
        %get3A_437 = arith.index_cast %add3A_434 : i32 to index
        %get3A_438 = tpu.vector_load %arg12[%get3A_437] {strides = array<i32>} : memref<10240xi32, #tpu.memory_space<vmem>>, vector<16xi32>,
        %get3A_439 = arith.index_cast %add3A_434 : i32 to index
        %get3A_440 = tpu.vector_load %arg13[%get3A_439] {strides = array<i32>} : memref<10240xf32, #tpu.memory_space<vmem>>, vector<16xf32>,
        %lt3A = arith.constant 524288 : i32
        %lt3A_441 = vector.broadcast %lt3A : i32 to vector<16xi32>
        %lt3A_442 = arith.cmpi slt, %get3A_438, %lt3A_441 : vector<16xi32>
        %abs3A = math.absf %get3A_436 : vector<16xf32>
        %jit3A = arith.constant -1.000000e+00 : f32
        %broadcast_in_dim3A_443 = vector.broadcast %jit3A : f32 to vector<16xf32>
        %select_n3A = arith.select %lt3A_442, %abs3A, %broadcast_in_dim3A_443 : vector<16xi1>, vector<16xf32>
        %gt3A = arith.cmpf ogt, %select_n3A, %get3A_440 : vector<16xf32>
        %and3A = arith.andi %lt3A_442, %gt3A : vector<16xi1>
        %max3A = arith.maximumf %select_n3A, %get3A_440 : vector<16xf32>
        %swap3A_444 = arith.index_cast %add3A_434 : i32 to index
        %swap3A_445 = tpu.vector_load %arg13[%swap3A_444] {strides = array<i32>} : memref<10240xf32, #tpu.memory_space<vmem>>, vector<16xf32>,
        tpu.vector_store %arg13[%swap3A_444], %max3A {strides = array<i32>} : memref<10240xf32, #tpu.memory_space<vmem>>, vector<16xf32>,
        %select_n3A_446 = arith.select %and3A, %get3A_438, %add3A_12 : vector<16xi1>, vector<16xi32>
        %swap3A_447 = arith.index_cast %add3A_434 : i32 to index
        %swap3A_448 = tpu.vector_load %arg12[%swap3A_447] {strides = array<i32>} : memref<10240xi32, #tpu.memory_space<vmem>>, vector<16xi32>,
        tpu.vector_store %arg12[%swap3A_447], %select_n3A_446 {strides = array<i32>} : memref<10240xi32, #tpu.memory_space<vmem>>, vector<16xi32>,
        %get3A_449 = arith.constant 0 : index
        %get3A_450 = tpu.vector_load %arg15[%get3A_449] {strides = array<i32>} : memref<16xi32, #tpu.memory_space<vmem>>, vector<16xi32>,
        %jit3A_451 = arith.constant 1 : i32
        %jit3A_452 = arith.constant 0 : i32
        %broadcast_in_dim3A_453 = vector.broadcast %jit3A_451 : i32 to vector<16xi32>
        %broadcast_in_dim3A_454 = vector.broadcast %jit3A_452 : i32 to vector<16xi32>
        %select_n3A_455 = arith.select %and3A, %broadcast_in_dim3A_453, %broadcast_in_dim3A_454 : vector<16xi1>, vector<16xi32>
        %add3A_456 = arith.addi %get3A_450, %select_n3A_455 : vector<16xi32>
        %swap3A_457 = arith.constant 0 : index
        %swap3A_458 = tpu.vector_load %arg15[%swap3A_457] {strides = array<i32>} : memref<16xi32, #tpu.memory_space<vmem>>, vector<16xi32>,
        tpu.vector_store %arg15[%swap3A_457], %add3A_456 {strides = array<i32>} : memref<16xi32, #tpu.memory_space<vmem>>, vector<16xi32>,
      }
      %scan3A_318 = arith.constant 640 : i32
      "tpu.region"() ({
        %run_scoped3A = tpu.sem_alloc : memref<!tpu.dma_semaphore, #tpu.memory_space<semaphore_mem>>
        %dma_start3A = arith.constant 0 : i32
        %dma_start3A_430 = tpu.memref_slice %arg8[%dma_start3A] : memref<524544xf32, #tpu.memory_space<vmem_shared>> -> memref<524544xf32, #tpu.memory_space<vmem_shared>>
        tpu.enqueue_indirect_dma source(%arg13 : memref<10240xf32, #tpu.memory_space<vmem>>) target(%dma_start3A_430 : memref<524544xf32, #tpu.memory_space<vmem_shared>>) offsets(%arg12 : memref<10240xi32, #tpu.memory_space<vmem>>) semaphore(%run_scoped3A : memref<!tpu.dma_semaphore, #tpu.memory_space<semaphore_mem>>)
        %dma_wait3A = arith.constant 0 : i32
        %dma_wait3A_431 = tpu.memref_slice %arg8[%dma_wait3A] : memref<524544xf32, #tpu.memory_space<vmem_shared>> -> memref<524544xf32, #tpu.memory_space<vmem_shared>>
        tpu.wait_indirect_dma semaphore(%run_scoped3A : memref<!tpu.dma_semaphore, #tpu.memory_space<semaphore_mem>>) src(%arg13 : memref<10240xf32, #tpu.memory_space<vmem>>) dst(%dma_wait3A_431 : memref<524544xf32, #tpu.memory_space<vmem_shared>>)
        tpu.yield
      }) : () -> ()
      "tpu.region"() ({
        %run_scoped3A = tpu.sem_alloc : memref<!tpu.dma_semaphore, #tpu.memory_space<semaphore_mem>>
        %dma_start3A = tpu.memref_slice %arg7[%add3A_313] : memref<3276800xi32, #tpu.memory_space<hbm>> -> memref<10240xi32, #tpu.memory_space<hbm>>
        %dma_start3A_430 = tpu.memref_slice %arg7[%add3A_313] : memref<3276800xi32, #tpu.memory_space<hbm>> -> memref<10240xi32, #tpu.memory_space<hbm>>
        tpu.enqueue_dma source(%arg12 : memref<10240xi32, #tpu.memory_space<vmem>>) target(%dma_start3A_430 : memref<10240xi32, #tpu.memory_space<hbm>>) target_semaphore(%run_scoped3A : memref<!tpu.dma_semaphore, #tpu.memory_space<semaphore_mem>>)
        %dma_wait3A = tpu.memref_slice %arg7[%add3A_313] : memref<3276800xi32, #tpu.memory_space<hbm>> -> memref<10240xi32, #tpu.memory_space<hbm>>
        %dma_wait3A_431 = tpu.memref_slice %arg7[%add3A_313] : memref<3276800xi32, #tpu.memory_space<hbm>> -> memref<10240xi32, #tpu.memory_space<hbm>>
        tpu.wait_dma2 semaphore(%run_scoped3A : memref<!tpu.dma_semaphore, #tpu.memory_space<semaphore_mem>>) src(%arg12 : memref<10240xi32, #tpu.memory_space<vmem>>) dst(%dma_wait3A_431 : memref<10240xi32, #tpu.memory_space<hbm>>)
        tpu.yield
      }) : () -> ()
      %add3A_319 = arith.constant 10240 : i32
      %add3A_320 = arith.addi %mul3A_14, %add3A_319 : i32
      %mul3A_321 = arith.constant 1638400 : i32
      %mul3A_322 = arith.muli %arg0, %mul3A_321 : i32
      %add3A_323 = arith.addi %mul3A_322, %add3A_320 : i32
      "tpu.region"() ({
        %run_scoped3A = tpu.sem_alloc : memref<!tpu.dma_semaphore, #tpu.memory_space<semaphore_mem>>
        %dma_start3A = tpu.memref_slice %arg7[%add3A_323] : memref<3276800xi32, #tpu.memory_space<hbm>> -> memref<10240xi32, #tpu.memory_space<hbm>>
        %dma_start3A_430 = tpu.memref_slice %arg7[%add3A_323] : memref<3276800xi32, #tpu.memory_space<hbm>> -> memref<10240xi32, #tpu.memory_space<hbm>>
        tpu.enqueue_dma source(%dma_start3A_430 : memref<10240xi32, #tpu.memory_space<hbm>>) target(%arg12 : memref<10240xi32, #tpu.memory_space<vmem>>) target_semaphore(%run_scoped3A : memref<!tpu.dma_semaphore, #tpu.memory_space<semaphore_mem>>)
        %dma_wait3A = tpu.memref_slice %arg7[%add3A_323] : memref<3276800xi32, #tpu.memory_space<hbm>> -> memref<10240xi32, #tpu.memory_space<hbm>>
        %dma_wait3A_431 = tpu.memref_slice %arg7[%add3A_323] : memref<3276800xi32, #tpu.memory_space<hbm>> -> memref<10240xi32, #tpu.memory_space<hbm>>
        tpu.wait_dma2 semaphore(%run_scoped3A : memref<!tpu.dma_semaphore, #tpu.memory_space<semaphore_mem>>) src(%dma_wait3A_431 : memref<10240xi32, #tpu.memory_space<hbm>>) dst(%arg12 : memref<10240xi32, #tpu.memory_space<vmem>>)
        tpu.yield
      }) : () -> ()
      "tpu.region"() ({
        %run_scoped3A = tpu.sem_alloc : memref<!tpu.dma_semaphore, #tpu.memory_space<semaphore_mem>>
        %dma_start3A = tpu.memref_slice %arg2[%add3A_320] : memref<1638400xf32, #tpu.memory_space<hbm>> -> memref<10240xf32, #tpu.memory_space<hbm>>
        %dma_start3A_430 = tpu.memref_slice %arg2[%add3A_320] : memref<1638400xf32, #tpu.memory_space<hbm>> -> memref<10240xf32, #tpu.memory_space<hbm>>
        tpu.enqueue_dma source(%dma_start3A_430 : memref<10240xf32, #tpu.memory_space<hbm>>) target(%arg11 : memref<10240xf32, #tpu.memory_space<vmem>>) target_semaphore(%run_scoped3A : memref<!tpu.dma_semaphore, #tpu.memory_space<semaphore_mem>>)
        %dma_wait3A = tpu.memref_slice %arg2[%add3A_320] : memref<1638400xf32, #tpu.memory_space<hbm>> -> memref<10240xf32, #tpu.memory_space<hbm>>
        %dma_wait3A_431 = tpu.memref_slice %arg2[%add3A_320] : memref<1638400xf32, #tpu.memory_space<hbm>> -> memref<10240xf32, #tpu.memory_space<hbm>>
        tpu.wait_dma2 semaphore(%run_scoped3A : memref<!tpu.dma_semaphore, #tpu.memory_space<semaphore_mem>>) src(%dma_wait3A_431 : memref<10240xf32, #tpu.memory_space<hbm>>) dst(%arg11 : memref<10240xf32, #tpu.memory_space<vmem>>)
        tpu.yield
      }) : () -> ()
      "tpu.region"() ({
        %run_scoped3A = tpu.sem_alloc : memref<!tpu.dma_semaphore, #tpu.memory_space<semaphore_mem>>
        %dma_start3A = arith.constant 0 : i32
        %dma_start3A_430 = tpu.memref_slice %arg8[%dma_start3A] : memref<524544xf32, #tpu.memory_space<vmem_shared>> -> memref<524544xf32, #tpu.memory_space<vmem_shared>>
        tpu.enqueue_indirect_dma source(%dma_start3A_430 : memref<524544xf32, #tpu.memory_space<vmem_shared>>) target(%arg13 : memref<10240xf32, #tpu.memory_space<vmem>>) offsets(%arg12 : memref<10240xi32, #tpu.memory_space<vmem>>) semaphore(%run_scoped3A : memref<!tpu.dma_semaphore, #tpu.memory_space<semaphore_mem>>)
        %dma_wait3A = arith.constant 0 : i32
        %dma_wait3A_431 = tpu.memref_slice %arg8[%dma_wait3A] : memref<524544xf32, #tpu.memory_space<vmem_shared>> -> memref<524544xf32, #tpu.memory_space<vmem_shared>>
        tpu.wait_indirect_dma semaphore(%run_scoped3A : memref<!tpu.dma_semaphore, #tpu.memory_space<semaphore_mem>>) src(%dma_wait3A_431 : memref<524544xf32, #tpu.memory_space<vmem_shared>>) dst(%arg13 : memref<10240xf32, #tpu.memory_space<vmem>>)
        tpu.yield
      }) : () -> ()
      %scan3A_324 = arith.constant 0 : i32
      %scan3A_325 = arith.constant 640 : i32
      %scan3A_326 = arith.addi %scan3A_324, %scan3A_325 : i32
      %scan3A_327 = arith.constant 1 : i32
      scf.for %scan3A_430 = %scan3A_324 to %scan3A_326 step %scan3A_327  : i32 {
        %mul3A_431 = arith.constant 16 : i32
        %mul3A_432 = arith.muli %scan3A_430, %mul3A_431 : i32
        %add3A_433 = arith.constant 0 : i32
        %add3A_434 = arith.addi %add3A_433, %mul3A_432 : i32
        %get3A_435 = arith.index_cast %add3A_434 : i32 to index
        %get3A_436 = tpu.vector_load %arg11[%get3A_435] {strides = array<i32>} : memref<10240xf32, #tpu.memory_space<vmem>>, vector<16xf32>,
        %get3A_437 = arith.index_cast %add3A_434 : i32 to index
        %get3A_438 = tpu.vector_load %arg12[%get3A_437] {strides = array<i32>} : memref<10240xi32, #tpu.memory_space<vmem>>, vector<16xi32>,
        %get3A_439 = arith.index_cast %add3A_434 : i32 to index
        %get3A_440 = tpu.vector_load %arg13[%get3A_439] {strides = array<i32>} : memref<10240xf32, #tpu.memory_space<vmem>>, vector<16xf32>,
        %lt3A = arith.constant 524288 : i32
        %lt3A_441 = vector.broadcast %lt3A : i32 to vector<16xi32>
        %lt3A_442 = arith.cmpi slt, %get3A_438, %lt3A_441 : vector<16xi32>
        %abs3A = math.absf %get3A_436 : vector<16xf32>
        %jit3A = arith.constant -1.000000e+00 : f32
        %broadcast_in_dim3A_443 = vector.broadcast %jit3A : f32 to vector<16xf32>
        %select_n3A = arith.select %lt3A_442, %abs3A, %broadcast_in_dim3A_443 : vector<16xi1>, vector<16xf32>
        %gt3A = arith.cmpf ogt, %select_n3A, %get3A_440 : vector<16xf32>
        %and3A = arith.andi %lt3A_442, %gt3A : vector<16xi1>
        %max3A = arith.maximumf %select_n3A, %get3A_440 : vector<16xf32>
        %swap3A_444 = arith.index_cast %add3A_434 : i32 to index
        %swap3A_445 = tpu.vector_load %arg13[%swap3A_444] {strides = array<i32>} : memref<10240xf32, #tpu.memory_space<vmem>>, vector<16xf32>,
        tpu.vector_store %arg13[%swap3A_444], %max3A {strides = array<i32>} : memref<10240xf32, #tpu.memory_space<vmem>>, vector<16xf32>,
        %select_n3A_446 = arith.select %and3A, %get3A_438, %add3A_12 : vector<16xi1>, vector<16xi32>
        %swap3A_447 = arith.index_cast %add3A_434 : i32 to index
        %swap3A_448 = tpu.vector_load %arg12[%swap3A_447] {strides = array<i32>} : memref<10240xi32, #tpu.memory_space<vmem>>, vector<16xi32>,
        tpu.vector_store %arg12[%swap3A_447], %select_n3A_446 {strides = array<i32>} : memref<10240xi32, #tpu.memory_space<vmem>>, vector<16xi32>,
        %get3A_449 = arith.constant 0 : index
        %get3A_450 = tpu.vector_load %arg15[%get3A_449] {strides = array<i32>} : memref<16xi32, #tpu.memory_space<vmem>>, vector<16xi32>,
        %jit3A_451 = arith.constant 1 : i32
        %jit3A_452 = arith.constant 0 : i32
        %broadcast_in_dim3A_453 = vector.broadcast %jit3A_451 : i32 to vector<16xi32>
        %broadcast_in_dim3A_454 = vector.broadcast %jit3A_452 : i32 to vector<16xi32>
        %select_n3A_455 = arith.select %and3A, %broadcast_in_dim3A_453, %broadcast_in_dim3A_454 : vector<16xi1>, vector<16xi32>
        %add3A_456 = arith.addi %get3A_450, %select_n3A_455 : vector<16xi32>
        %swap3A_457 = arith.constant 0 : index
        %swap3A_458 = tpu.vector_load %arg15[%swap3A_457] {strides = array<i32>} : memref<16xi32, #tpu.memory_space<vmem>>, vector<16xi32>,
        tpu.vector_store %arg15[%swap3A_457], %add3A_456 {strides = array<i32>} : memref<16xi32, #tpu.memory_space<vmem>>, vector<16xi32>,
      }
      %scan3A_328 = arith.constant 640 : i32
      "tpu.region"() ({
        %run_scoped3A = tpu.sem_alloc : memref<!tpu.dma_semaphore, #tpu.memory_space<semaphore_mem>>
        %dma_start3A = arith.constant 0 : i32
        %dma_start3A_430 = tpu.memref_slice %arg8[%dma_start3A] : memref<524544xf32, #tpu.memory_space<vmem_shared>> -> memref<524544xf32, #tpu.memory_space<vmem_shared>>
        tpu.enqueue_indirect_dma source(%arg13 : memref<10240xf32, #tpu.memory_space<vmem>>) target(%dma_start3A_430 : memref<524544xf32, #tpu.memory_space<vmem_shared>>) offsets(%arg12 : memref<10240xi32, #tpu.memory_space<vmem>>) semaphore(%run_scoped3A : memref<!tpu.dma_semaphore, #tpu.memory_space<semaphore_mem>>)
        %dma_wait3A = arith.constant 0 : i32
        %dma_wait3A_431 = tpu.memref_slice %arg8[%dma_wait3A] : memref<524544xf32, #tpu.memory_space<vmem_shared>> -> memref<524544xf32, #tpu.memory_space<vmem_shared>>
        tpu.wait_indirect_dma semaphore(%run_scoped3A : memref<!tpu.dma_semaphore, #tpu.memory_space<semaphore_mem>>) src(%arg13 : memref<10240xf32, #tpu.memory_space<vmem>>) dst(%dma_wait3A_431 : memref<524544xf32, #tpu.memory_space<vmem_shared>>)
        tpu.yield
      }) : () -> ()
      "tpu.region"() ({
        %run_scoped3A = tpu.sem_alloc : memref<!tpu.dma_semaphore, #tpu.memory_space<semaphore_mem>>
        %dma_start3A = tpu.memref_slice %arg7[%add3A_323] : memref<3276800xi32, #tpu.memory_space<hbm>> -> memref<10240xi32, #tpu.memory_space<hbm>>
        %dma_start3A_430 = tpu.memref_slice %arg7[%add3A_323] : memref<3276800xi32, #tpu.memory_space<hbm>> -> memref<10240xi32, #tpu.memory_space<hbm>>
        tpu.enqueue_dma source(%arg12 : memref<10240xi32, #tpu.memory_space<vmem>>) target(%dma_start3A_430 : memref<10240xi32, #tpu.memory_space<hbm>>) target_semaphore(%run_scoped3A : memref<!tpu.dma_semaphore, #tpu.memory_space<semaphore_mem>>)
        %dma_wait3A = tpu.memref_slice %arg7[%add3A_323] : memref<3276800xi32, #tpu.memory_space<hbm>> -> memref<10240xi32, #tpu.memory_space<hbm>>
        %dma_wait3A_431 = tpu.memref_slice %arg7[%add3A_323] : memref<3276800xi32, #tpu.memory_space<hbm>> -> memref<10240xi32, #tpu.memory_space<hbm>>
        tpu.wait_dma2 semaphore(%run_scoped3A : memref<!tpu.dma_semaphore, #tpu.memory_space<semaphore_mem>>) src(%arg12 : memref<10240xi32, #tpu.memory_space<vmem>>) dst(%dma_wait3A_431 : memref<10240xi32, #tpu.memory_space<hbm>>)
        tpu.yield
      }) : () -> ()
      %add3A_329 = arith.constant 20480 : i32
      %add3A_330 = arith.addi %mul3A_14, %add3A_329 : i32
      %mul3A_331 = arith.constant 1638400 : i32
      %mul3A_332 = arith.muli %arg0, %mul3A_331 : i32
      %add3A_333 = arith.addi %mul3A_332, %add3A_330 : i32
      "tpu.region"() ({
        %run_scoped3A = tpu.sem_alloc : memref<!tpu.dma_semaphore, #tpu.memory_space<semaphore_mem>>
        %dma_start3A = tpu.memref_slice %arg7[%add3A_333] : memref<3276800xi32, #tpu.memory_space<hbm>> -> memref<10240xi32, #tpu.memory_space<hbm>>
        %dma_start3A_430 = tpu.memref_slice %arg7[%add3A_333] : memref<3276800xi32, #tpu.memory_space<hbm>> -> memref<10240xi32, #tpu.memory_space<hbm>>
        tpu.enqueue_dma source(%dma_start3A_430 : memref<10240xi32, #tpu.memory_space<hbm>>) target(%arg12 : memref<10240xi32, #tpu.memory_space<vmem>>) target_semaphore(%run_scoped3A : memref<!tpu.dma_semaphore, #tpu.memory_space<semaphore_mem>>)
        %dma_wait3A = tpu.memref_slice %arg7[%add3A_333] : memref<3276800xi32, #tpu.memory_space<hbm>> -> memref<10240xi32, #tpu.memory_space<hbm>>
        %dma_wait3A_431 = tpu.memref_slice %arg7[%add3A_333] : memref<3276800xi32, #tpu.memory_space<hbm>> -> memref<10240xi32, #tpu.memory_space<hbm>>
        tpu.wait_dma2 semaphore(%run_scoped3A : memref<!tpu.dma_semaphore, #tpu.memory_space<semaphore_mem>>) src(%dma_wait3A_431 : memref<10240xi32, #tpu.memory_space<hbm>>) dst(%arg12 : memref<10240xi32, #tpu.memory_space<vmem>>)
        tpu.yield
      }) : () -> ()
      "tpu.region"() ({
        %run_scoped3A = tpu.sem_alloc : memref<!tpu.dma_semaphore, #tpu.memory_space<semaphore_mem>>
        %dma_start3A = tpu.memref_slice %arg2[%add3A_330] : memref<1638400xf32, #tpu.memory_space<hbm>> -> memref<10240xf32, #tpu.memory_space<hbm>>
        %dma_start3A_430 = tpu.memref_slice %arg2[%add3A_330] : memref<1638400xf32, #tpu.memory_space<hbm>> -> memref<10240xf32, #tpu.memory_space<hbm>>
        tpu.enqueue_dma source(%dma_start3A_430 : memref<10240xf32, #tpu.memory_space<hbm>>) target(%arg11 : memref<10240xf32, #tpu.memory_space<vmem>>) target_semaphore(%run_scoped3A : memref<!tpu.dma_semaphore, #tpu.memory_space<semaphore_mem>>)
        %dma_wait3A = tpu.memref_slice %arg2[%add3A_330] : memref<1638400xf32, #tpu.memory_space<hbm>> -> memref<10240xf32, #tpu.memory_space<hbm>>
        %dma_wait3A_431 = tpu.memref_slice %arg2[%add3A_330] : memref<1638400xf32, #tpu.memory_space<hbm>> -> memref<10240xf32, #tpu.memory_space<hbm>>
        tpu.wait_dma2 semaphore(%run_scoped3A : memref<!tpu.dma_semaphore, #tpu.memory_space<semaphore_mem>>) src(%dma_wait3A_431 : memref<10240xf32, #tpu.memory_space<hbm>>) dst(%arg11 : memref<10240xf32, #tpu.memory_space<vmem>>)
        tpu.yield
      }) : () -> ()
      "tpu.region"() ({
        %run_scoped3A = tpu.sem_alloc : memref<!tpu.dma_semaphore, #tpu.memory_space<semaphore_mem>>
        %dma_start3A = arith.constant 0 : i32
        %dma_start3A_430 = tpu.memref_slice %arg8[%dma_start3A] : memref<524544xf32, #tpu.memory_space<vmem_shared>> -> memref<524544xf32, #tpu.memory_space<vmem_shared>>
        tpu.enqueue_indirect_dma source(%dma_start3A_430 : memref<524544xf32, #tpu.memory_space<vmem_shared>>) target(%arg13 : memref<10240xf32, #tpu.memory_space<vmem>>) offsets(%arg12 : memref<10240xi32, #tpu.memory_space<vmem>>) semaphore(%run_scoped3A : memref<!tpu.dma_semaphore, #tpu.memory_space<semaphore_mem>>)
        %dma_wait3A = arith.constant 0 : i32
        %dma_wait3A_431 = tpu.memref_slice %arg8[%dma_wait3A] : memref<524544xf32, #tpu.memory_space<vmem_shared>> -> memref<524544xf32, #tpu.memory_space<vmem_shared>>
        tpu.wait_indirect_dma semaphore(%run_scoped3A : memref<!tpu.dma_semaphore, #tpu.memory_space<semaphore_mem>>) src(%dma_wait3A_431 : memref<524544xf32, #tpu.memory_space<vmem_shared>>) dst(%arg13 : memref<10240xf32, #tpu.memory_space<vmem>>)
        tpu.yield
      }) : () -> ()
      %scan3A_334 = arith.constant 0 : i32
      %scan3A_335 = arith.constant 640 : i32
      %scan3A_336 = arith.addi %scan3A_334, %scan3A_335 : i32
      %scan3A_337 = arith.constant 1 : i32
      scf.for %scan3A_430 = %scan3A_334 to %scan3A_336 step %scan3A_337  : i32 {
        %mul3A_431 = arith.constant 16 : i32
        %mul3A_432 = arith.muli %scan3A_430, %mul3A_431 : i32
        %add3A_433 = arith.constant 0 : i32
        %add3A_434 = arith.addi %add3A_433, %mul3A_432 : i32
        %get3A_435 = arith.index_cast %add3A_434 : i32 to index
        %get3A_436 = tpu.vector_load %arg11[%get3A_435] {strides = array<i32>} : memref<10240xf32, #tpu.memory_space<vmem>>, vector<16xf32>,
        %get3A_437 = arith.index_cast %add3A_434 : i32 to index
        %get3A_438 = tpu.vector_load %arg12[%get3A_437] {strides = array<i32>} : memref<10240xi32, #tpu.memory_space<vmem>>, vector<16xi32>,
        %get3A_439 = arith.index_cast %add3A_434 : i32 to index
        %get3A_440 = tpu.vector_load %arg13[%get3A_439] {strides = array<i32>} : memref<10240xf32, #tpu.memory_space<vmem>>, vector<16xf32>,
        %lt3A = arith.constant 524288 : i32
        %lt3A_441 = vector.broadcast %lt3A : i32 to vector<16xi32>
        %lt3A_442 = arith.cmpi slt, %get3A_438, %lt3A_441 : vector<16xi32>
        %abs3A = math.absf %get3A_436 : vector<16xf32>
        %jit3A = arith.constant -1.000000e+00 : f32
        %broadcast_in_dim3A_443 = vector.broadcast %jit3A : f32 to vector<16xf32>
        %select_n3A = arith.select %lt3A_442, %abs3A, %broadcast_in_dim3A_443 : vector<16xi1>, vector<16xf32>
        %gt3A = arith.cmpf ogt, %select_n3A, %get3A_440 : vector<16xf32>
        %and3A = arith.andi %lt3A_442, %gt3A : vector<16xi1>
        %max3A = arith.maximumf %select_n3A, %get3A_440 : vector<16xf32>
        %swap3A_444 = arith.index_cast %add3A_434 : i32 to index
        %swap3A_445 = tpu.vector_load %arg13[%swap3A_444] {strides = array<i32>} : memref<10240xf32, #tpu.memory_space<vmem>>, vector<16xf32>,
        tpu.vector_store %arg13[%swap3A_444], %max3A {strides = array<i32>} : memref<10240xf32, #tpu.memory_space<vmem>>, vector<16xf32>,
        %select_n3A_446 = arith.select %and3A, %get3A_438, %add3A_12 : vector<16xi1>, vector<16xi32>
        %swap3A_447 = arith.index_cast %add3A_434 : i32 to index
        %swap3A_448 = tpu.vector_load %arg12[%swap3A_447] {strides = array<i32>} : memref<10240xi32, #tpu.memory_space<vmem>>, vector<16xi32>,
        tpu.vector_store %arg12[%swap3A_447], %select_n3A_446 {strides = array<i32>} : memref<10240xi32, #tpu.memory_space<vmem>>, vector<16xi32>,
        %get3A_449 = arith.constant 0 : index
        %get3A_450 = tpu.vector_load %arg15[%get3A_449] {strides = array<i32>} : memref<16xi32, #tpu.memory_space<vmem>>, vector<16xi32>,
        %jit3A_451 = arith.constant 1 : i32
        %jit3A_452 = arith.constant 0 : i32
        %broadcast_in_dim3A_453 = vector.broadcast %jit3A_451 : i32 to vector<16xi32>
        %broadcast_in_dim3A_454 = vector.broadcast %jit3A_452 : i32 to vector<16xi32>
        %select_n3A_455 = arith.select %and3A, %broadcast_in_dim3A_453, %broadcast_in_dim3A_454 : vector<16xi1>, vector<16xi32>
        %add3A_456 = arith.addi %get3A_450, %select_n3A_455 : vector<16xi32>
        %swap3A_457 = arith.constant 0 : index
        %swap3A_458 = tpu.vector_load %arg15[%swap3A_457] {strides = array<i32>} : memref<16xi32, #tpu.memory_space<vmem>>, vector<16xi32>,
        tpu.vector_store %arg15[%swap3A_457], %add3A_456 {strides = array<i32>} : memref<16xi32, #tpu.memory_space<vmem>>, vector<16xi32>,
      }
      %scan3A_338 = arith.constant 640 : i32
      "tpu.region"() ({
        %run_scoped3A = tpu.sem_alloc : memref<!tpu.dma_semaphore, #tpu.memory_space<semaphore_mem>>
        %dma_start3A = arith.constant 0 : i32
        %dma_start3A_430 = tpu.memref_slice %arg8[%dma_start3A] : memref<524544xf32, #tpu.memory_space<vmem_shared>> -> memref<524544xf32, #tpu.memory_space<vmem_shared>>
        tpu.enqueue_indirect_dma source(%arg13 : memref<10240xf32, #tpu.memory_space<vmem>>) target(%dma_start3A_430 : memref<524544xf32, #tpu.memory_space<vmem_shared>>) offsets(%arg12 : memref<10240xi32, #tpu.memory_space<vmem>>) semaphore(%run_scoped3A : memref<!tpu.dma_semaphore, #tpu.memory_space<semaphore_mem>>)
        %dma_wait3A = arith.constant 0 : i32
        %dma_wait3A_431 = tpu.memref_slice %arg8[%dma_wait3A] : memref<524544xf32, #tpu.memory_space<vmem_shared>> -> memref<524544xf32, #tpu.memory_space<vmem_shared>>
        tpu.wait_indirect_dma semaphore(%run_scoped3A : memref<!tpu.dma_semaphore, #tpu.memory_space<semaphore_mem>>) src(%arg13 : memref<10240xf32, #tpu.memory_space<vmem>>) dst(%dma_wait3A_431 : memref<524544xf32, #tpu.memory_space<vmem_shared>>)
        tpu.yield
      }) : () -> ()
      "tpu.region"() ({
        %run_scoped3A = tpu.sem_alloc : memref<!tpu.dma_semaphore, #tpu.memory_space<semaphore_mem>>
        %dma_start3A = tpu.memref_slice %arg7[%add3A_333] : memref<3276800xi32, #tpu.memory_space<hbm>> -> memref<10240xi32, #tpu.memory_space<hbm>>
        %dma_start3A_430 = tpu.memref_slice %arg7[%add3A_333] : memref<3276800xi32, #tpu.memory_space<hbm>> -> memref<10240xi32, #tpu.memory_space<hbm>>
        tpu.enqueue_dma source(%arg12 : memref<10240xi32, #tpu.memory_space<vmem>>) target(%dma_start3A_430 : memref<10240xi32, #tpu.memory_space<hbm>>) target_semaphore(%run_scoped3A : memref<!tpu.dma_semaphore, #tpu.memory_space<semaphore_mem>>)
        %dma_wait3A = tpu.memref_slice %arg7[%add3A_333] : memref<3276800xi32, #tpu.memory_space<hbm>> -> memref<10240xi32, #tpu.memory_space<hbm>>
        %dma_wait3A_431 = tpu.memref_slice %arg7[%add3A_333] : memref<3276800xi32, #tpu.memory_space<hbm>> -> memref<10240xi32, #tpu.memory_space<hbm>>
        tpu.wait_dma2 semaphore(%run_scoped3A : memref<!tpu.dma_semaphore, #tpu.memory_space<semaphore_mem>>) src(%arg12 : memref<10240xi32, #tpu.memory_space<vmem>>) dst(%dma_wait3A_431 : memref<10240xi32, #tpu.memory_space<hbm>>)
        tpu.yield
      }) : () -> ()
      %add3A_339 = arith.constant 30720 : i32
      %add3A_340 = arith.addi %mul3A_14, %add3A_339 : i32
      %mul3A_341 = arith.constant 1638400 : i32
      %mul3A_342 = arith.muli %arg0, %mul3A_341 : i32
      %add3A_343 = arith.addi %mul3A_342, %add3A_340 : i32
      "tpu.region"() ({
        %run_scoped3A = tpu.sem_alloc : memref<!tpu.dma_semaphore, #tpu.memory_space<semaphore_mem>>
        %dma_start3A = tpu.memref_slice %arg7[%add3A_343] : memref<3276800xi32, #tpu.memory_space<hbm>> -> memref<10240xi32, #tpu.memory_space<hbm>>
        %dma_start3A_430 = tpu.memref_slice %arg7[%add3A_343] : memref<3276800xi32, #tpu.memory_space<hbm>> -> memref<10240xi32, #tpu.memory_space<hbm>>
        tpu.enqueue_dma source(%dma_start3A_430 : memref<10240xi32, #tpu.memory_space<hbm>>) target(%arg12 : memref<10240xi32, #tpu.memory_space<vmem>>) target_semaphore(%run_scoped3A : memref<!tpu.dma_semaphore, #tpu.memory_space<semaphore_mem>>)
        %dma_wait3A = tpu.memref_slice %arg7[%add3A_343] : memref<3276800xi32, #tpu.memory_space<hbm>> -> memref<10240xi32, #tpu.memory_space<hbm>>
        %dma_wait3A_431 = tpu.memref_slice %arg7[%add3A_343] : memref<3276800xi32, #tpu.memory_space<hbm>> -> memref<10240xi32, #tpu.memory_space<hbm>>
        tpu.wait_dma2 semaphore(%run_scoped3A : memref<!tpu.dma_semaphore, #tpu.memory_space<semaphore_mem>>) src(%dma_wait3A_431 : memref<10240xi32, #tpu.memory_space<hbm>>) dst(%arg12 : memref<10240xi32, #tpu.memory_space<vmem>>)
        tpu.yield
      }) : () -> ()
      "tpu.region"() ({
        %run_scoped3A = tpu.sem_alloc : memref<!tpu.dma_semaphore, #tpu.memory_space<semaphore_mem>>
        %dma_start3A = tpu.memref_slice %arg2[%add3A_340] : memref<1638400xf32, #tpu.memory_space<hbm>> -> memref<10240xf32, #tpu.memory_space<hbm>>
        %dma_start3A_430 = tpu.memref_slice %arg2[%add3A_340] : memref<1638400xf32, #tpu.memory_space<hbm>> -> memref<10240xf32, #tpu.memory_space<hbm>>
        tpu.enqueue_dma source(%dma_start3A_430 : memref<10240xf32, #tpu.memory_space<hbm>>) target(%arg11 : memref<10240xf32, #tpu.memory_space<vmem>>) target_semaphore(%run_scoped3A : memref<!tpu.dma_semaphore, #tpu.memory_space<semaphore_mem>>)
        %dma_wait3A = tpu.memref_slice %arg2[%add3A_340] : memref<1638400xf32, #tpu.memory_space<hbm>> -> memref<10240xf32, #tpu.memory_space<hbm>>
        %dma_wait3A_431 = tpu.memref_slice %arg2[%add3A_340] : memref<1638400xf32, #tpu.memory_space<hbm>> -> memref<10240xf32, #tpu.memory_space<hbm>>
        tpu.wait_dma2 semaphore(%run_scoped3A : memref<!tpu.dma_semaphore, #tpu.memory_space<semaphore_mem>>) src(%dma_wait3A_431 : memref<10240xf32, #tpu.memory_space<hbm>>) dst(%arg11 : memref<10240xf32, #tpu.memory_space<vmem>>)
        tpu.yield
      }) : () -> ()
      "tpu.region"() ({
        %run_scoped3A = tpu.sem_alloc : memref<!tpu.dma_semaphore, #tpu.memory_space<semaphore_mem>>
        %dma_start3A = arith.constant 0 : i32
        %dma_start3A_430 = tpu.memref_slice %arg8[%dma_start3A] : memref<524544xf32, #tpu.memory_space<vmem_shared>> -> memref<524544xf32, #tpu.memory_space<vmem_shared>>
        tpu.enqueue_indirect_dma source(%dma_start3A_430 : memref<524544xf32, #tpu.memory_space<vmem_shared>>) target(%arg13 : memref<10240xf32, #tpu.memory_space<vmem>>) offsets(%arg12 : memref<10240xi32, #tpu.memory_space<vmem>>) semaphore(%run_scoped3A : memref<!tpu.dma_semaphore, #tpu.memory_space<semaphore_mem>>)
        %dma_wait3A = arith.constant 0 : i32
        %dma_wait3A_431 = tpu.memref_slice %arg8[%dma_wait3A] : memref<524544xf32, #tpu.memory_space<vmem_shared>> -> memref<524544xf32, #tpu.memory_space<vmem_shared>>
        tpu.wait_indirect_dma semaphore(%run_scoped3A : memref<!tpu.dma_semaphore, #tpu.memory_space<semaphore_mem>>) src(%dma_wait3A_431 : memref<524544xf32, #tpu.memory_space<vmem_shared>>) dst(%arg13 : memref<10240xf32, #tpu.memory_space<vmem>>)
        tpu.yield
      }) : () -> ()
      %scan3A_344 = arith.constant 0 : i32
      %scan3A_345 = arith.constant 640 : i32
      %scan3A_346 = arith.addi %scan3A_344, %scan3A_345 : i32
      %scan3A_347 = arith.constant 1 : i32
      scf.for %scan3A_430 = %scan3A_344 to %scan3A_346 step %scan3A_347  : i32 {
        %mul3A_431 = arith.constant 16 : i32
        %mul3A_432 = arith.muli %scan3A_430, %mul3A_431 : i32
        %add3A_433 = arith.constant 0 : i32
        %add3A_434 = arith.addi %add3A_433, %mul3A_432 : i32
        %get3A_435 = arith.index_cast %add3A_434 : i32 to index
        %get3A_436 = tpu.vector_load %arg11[%get3A_435] {strides = array<i32>} : memref<10240xf32, #tpu.memory_space<vmem>>, vector<16xf32>,
        %get3A_437 = arith.index_cast %add3A_434 : i32 to index
        %get3A_438 = tpu.vector_load %arg12[%get3A_437] {strides = array<i32>} : memref<10240xi32, #tpu.memory_space<vmem>>, vector<16xi32>,
        %get3A_439 = arith.index_cast %add3A_434 : i32 to index
        %get3A_440 = tpu.vector_load %arg13[%get3A_439] {strides = array<i32>} : memref<10240xf32, #tpu.memory_space<vmem>>, vector<16xf32>,
        %lt3A = arith.constant 524288 : i32
        %lt3A_441 = vector.broadcast %lt3A : i32 to vector<16xi32>
        %lt3A_442 = arith.cmpi slt, %get3A_438, %lt3A_441 : vector<16xi32>
        %abs3A = math.absf %get3A_436 : vector<16xf32>
        %jit3A = arith.constant -1.000000e+00 : f32
        %broadcast_in_dim3A_443 = vector.broadcast %jit3A : f32 to vector<16xf32>
        %select_n3A = arith.select %lt3A_442, %abs3A, %broadcast_in_dim3A_443 : vector<16xi1>, vector<16xf32>
        %gt3A = arith.cmpf ogt, %select_n3A, %get3A_440 : vector<16xf32>
        %and3A = arith.andi %lt3A_442, %gt3A : vector<16xi1>
        %max3A = arith.maximumf %select_n3A, %get3A_440 : vector<16xf32>
        %swap3A_444 = arith.index_cast %add3A_434 : i32 to index
        %swap3A_445 = tpu.vector_load %arg13[%swap3A_444] {strides = array<i32>} : memref<10240xf32, #tpu.memory_space<vmem>>, vector<16xf32>,
        tpu.vector_store %arg13[%swap3A_444], %max3A {strides = array<i32>} : memref<10240xf32, #tpu.memory_space<vmem>>, vector<16xf32>,
        %select_n3A_446 = arith.select %and3A, %get3A_438, %add3A_12 : vector<16xi1>, vector<16xi32>
        %swap3A_447 = arith.index_cast %add3A_434 : i32 to index
        %swap3A_448 = tpu.vector_load %arg12[%swap3A_447] {strides = array<i32>} : memref<10240xi32, #tpu.memory_space<vmem>>, vector<16xi32>,
        tpu.vector_store %arg12[%swap3A_447], %select_n3A_446 {strides = array<i32>} : memref<10240xi32, #tpu.memory_space<vmem>>, vector<16xi32>,
        %get3A_449 = arith.constant 0 : index
        %get3A_450 = tpu.vector_load %arg15[%get3A_449] {strides = array<i32>} : memref<16xi32, #tpu.memory_space<vmem>>, vector<16xi32>,
        %jit3A_451 = arith.constant 1 : i32
        %jit3A_452 = arith.constant 0 : i32
        %broadcast_in_dim3A_453 = vector.broadcast %jit3A_451 : i32 to vector<16xi32>
        %broadcast_in_dim3A_454 = vector.broadcast %jit3A_452 : i32 to vector<16xi32>
        %select_n3A_455 = arith.select %and3A, %broadcast_in_dim3A_453, %broadcast_in_dim3A_454 : vector<16xi1>, vector<16xi32>
        %add3A_456 = arith.addi %get3A_450, %select_n3A_455 : vector<16xi32>
        %swap3A_457 = arith.constant 0 : index
        %swap3A_458 = tpu.vector_load %arg15[%swap3A_457] {strides = array<i32>} : memref<16xi32, #tpu.memory_space<vmem>>, vector<16xi32>,
        tpu.vector_store %arg15[%swap3A_457], %add3A_456 {strides = array<i32>} : memref<16xi32, #tpu.memory_space<vmem>>, vector<16xi32>,
      }
      %scan3A_348 = arith.constant 640 : i32
      "tpu.region"() ({
        %run_scoped3A = tpu.sem_alloc : memref<!tpu.dma_semaphore, #tpu.memory_space<semaphore_mem>>
        %dma_start3A = arith.constant 0 : i32
        %dma_start3A_430 = tpu.memref_slice %arg8[%dma_start3A] : memref<524544xf32, #tpu.memory_space<vmem_shared>> -> memref<524544xf32, #tpu.memory_space<vmem_shared>>
        tpu.enqueue_indirect_dma source(%arg13 : memref<10240xf32, #tpu.memory_space<vmem>>) target(%dma_start3A_430 : memref<524544xf32, #tpu.memory_space<vmem_shared>>) offsets(%arg12 : memref<10240xi32, #tpu.memory_space<vmem>>) semaphore(%run_scoped3A : memref<!tpu.dma_semaphore, #tpu.memory_space<semaphore_mem>>)
        %dma_wait3A = arith.constant 0 : i32
        %dma_wait3A_431 = tpu.memref_slice %arg8[%dma_wait3A] : memref<524544xf32, #tpu.memory_space<vmem_shared>> -> memref<524544xf32, #tpu.memory_space<vmem_shared>>
        tpu.wait_indirect_dma semaphore(%run_scoped3A : memref<!tpu.dma_semaphore, #tpu.memory_space<semaphore_mem>>) src(%arg13 : memref<10240xf32, #tpu.memory_space<vmem>>) dst(%dma_wait3A_431 : memref<524544xf32, #tpu.memory_space<vmem_shared>>)
        tpu.yield
      }) : () -> ()
      "tpu.region"() ({
        %run_scoped3A = tpu.sem_alloc : memref<!tpu.dma_semaphore, #tpu.memory_space<semaphore_mem>>
        %dma_start3A = tpu.memref_slice %arg7[%add3A_343] : memref<3276800xi32, #tpu.memory_space<hbm>> -> memref<10240xi32, #tpu.memory_space<hbm>>
        %dma_start3A_430 = tpu.memref_slice %arg7[%add3A_343] : memref<3276800xi32, #tpu.memory_space<hbm>> -> memref<10240xi32, #tpu.memory_space<hbm>>
        tpu.enqueue_dma source(%arg12 : memref<10240xi32, #tpu.memory_space<vmem>>) target(%dma_start3A_430 : memref<10240xi32, #tpu.memory_space<hbm>>) target_semaphore(%run_scoped3A : memref<!tpu.dma_semaphore, #tpu.memory_space<semaphore_mem>>)
        %dma_wait3A = tpu.memref_slice %arg7[%add3A_343] : memref<3276800xi32, #tpu.memory_space<hbm>> -> memref<10240xi32, #tpu.memory_space<hbm>>
        %dma_wait3A_431 = tpu.memref_slice %arg7[%add3A_343] : memref<3276800xi32, #tpu.memory_space<hbm>> -> memref<10240xi32, #tpu.memory_space<hbm>>
        tpu.wait_dma2 semaphore(%run_scoped3A : memref<!tpu.dma_semaphore, #tpu.memory_space<semaphore_mem>>) src(%arg12 : memref<10240xi32, #tpu.memory_space<vmem>>) dst(%dma_wait3A_431 : memref<10240xi32, #tpu.memory_space<hbm>>)
        tpu.yield
      }) : () -> ()
      %add3A_349 = arith.constant 40960 : i32
      %add3A_350 = arith.addi %mul3A_14, %add3A_349 : i32
      %mul3A_351 = arith.constant 1638400 : i32
      %mul3A_352 = arith.muli %arg0, %mul3A_351 : i32
      %add3A_353 = arith.addi %mul3A_352, %add3A_350 : i32
      "tpu.region"() ({
        %run_scoped3A = tpu.sem_alloc : memref<!tpu.dma_semaphore, #tpu.memory_space<semaphore_mem>>
        %dma_start3A = tpu.memref_slice %arg7[%add3A_353] : memref<3276800xi32, #tpu.memory_space<hbm>> -> memref<10240xi32, #tpu.memory_space<hbm>>
        %dma_start3A_430 = tpu.memref_slice %arg7[%add3A_353] : memref<3276800xi32, #tpu.memory_space<hbm>> -> memref<10240xi32, #tpu.memory_space<hbm>>
        tpu.enqueue_dma source(%dma_start3A_430 : memref<10240xi32, #tpu.memory_space<hbm>>) target(%arg12 : memref<10240xi32, #tpu.memory_space<vmem>>) target_semaphore(%run_scoped3A : memref<!tpu.dma_semaphore, #tpu.memory_space<semaphore_mem>>)
        %dma_wait3A = tpu.memref_slice %arg7[%add3A_353] : memref<3276800xi32, #tpu.memory_space<hbm>> -> memref<10240xi32, #tpu.memory_space<hbm>>
        %dma_wait3A_431 = tpu.memref_slice %arg7[%add3A_353] : memref<3276800xi32, #tpu.memory_space<hbm>> -> memref<10240xi32, #tpu.memory_space<hbm>>
        tpu.wait_dma2 semaphore(%run_scoped3A : memref<!tpu.dma_semaphore, #tpu.memory_space<semaphore_mem>>) src(%dma_wait3A_431 : memref<10240xi32, #tpu.memory_space<hbm>>) dst(%arg12 : memref<10240xi32, #tpu.memory_space<vmem>>)
        tpu.yield
      }) : () -> ()
      "tpu.region"() ({
        %run_scoped3A = tpu.sem_alloc : memref<!tpu.dma_semaphore, #tpu.memory_space<semaphore_mem>>
        %dma_start3A = tpu.memref_slice %arg2[%add3A_350] : memref<1638400xf32, #tpu.memory_space<hbm>> -> memref<10240xf32, #tpu.memory_space<hbm>>
        %dma_start3A_430 = tpu.memref_slice %arg2[%add3A_350] : memref<1638400xf32, #tpu.memory_space<hbm>> -> memref<10240xf32, #tpu.memory_space<hbm>>
        tpu.enqueue_dma source(%dma_start3A_430 : memref<10240xf32, #tpu.memory_space<hbm>>) target(%arg11 : memref<10240xf32, #tpu.memory_space<vmem>>) target_semaphore(%run_scoped3A : memref<!tpu.dma_semaphore, #tpu.memory_space<semaphore_mem>>)
        %dma_wait3A = tpu.memref_slice %arg2[%add3A_350] : memref<1638400xf32, #tpu.memory_space<hbm>> -> memref<10240xf32, #tpu.memory_space<hbm>>
        %dma_wait3A_431 = tpu.memref_slice %arg2[%add3A_350] : memref<1638400xf32, #tpu.memory_space<hbm>> -> memref<10240xf32, #tpu.memory_space<hbm>>
        tpu.wait_dma2 semaphore(%run_scoped3A : memref<!tpu.dma_semaphore, #tpu.memory_space<semaphore_mem>>) src(%dma_wait3A_431 : memref<10240xf32, #tpu.memory_space<hbm>>) dst(%arg11 : memref<10240xf32, #tpu.memory_space<vmem>>)
        tpu.yield
      }) : () -> ()
      "tpu.region"() ({
        %run_scoped3A = tpu.sem_alloc : memref<!tpu.dma_semaphore, #tpu.memory_space<semaphore_mem>>
        %dma_start3A = arith.constant 0 : i32
        %dma_start3A_430 = tpu.memref_slice %arg8[%dma_start3A] : memref<524544xf32, #tpu.memory_space<vmem_shared>> -> memref<524544xf32, #tpu.memory_space<vmem_shared>>
        tpu.enqueue_indirect_dma source(%dma_start3A_430 : memref<524544xf32, #tpu.memory_space<vmem_shared>>) target(%arg13 : memref<10240xf32, #tpu.memory_space<vmem>>) offsets(%arg12 : memref<10240xi32, #tpu.memory_space<vmem>>) semaphore(%run_scoped3A : memref<!tpu.dma_semaphore, #tpu.memory_space<semaphore_mem>>)
        %dma_wait3A = arith.constant 0 : i32
        %dma_wait3A_431 = tpu.memref_slice %arg8[%dma_wait3A] : memref<524544xf32, #tpu.memory_space<vmem_shared>> -> memref<524544xf32, #tpu.memory_space<vmem_shared>>
        tpu.wait_indirect_dma semaphore(%run_scoped3A : memref<!tpu.dma_semaphore, #tpu.memory_space<semaphore_mem>>) src(%dma_wait3A_431 : memref<524544xf32, #tpu.memory_space<vmem_shared>>) dst(%arg13 : memref<10240xf32, #tpu.memory_space<vmem>>)
        tpu.yield
      }) : () -> ()
      %scan3A_354 = arith.constant 0 : i32
      %scan3A_355 = arith.constant 640 : i32
      %scan3A_356 = arith.addi %scan3A_354, %scan3A_355 : i32
      %scan3A_357 = arith.constant 1 : i32
      scf.for %scan3A_430 = %scan3A_354 to %scan3A_356 step %scan3A_357  : i32 {
        %mul3A_431 = arith.constant 16 : i32
        %mul3A_432 = arith.muli %scan3A_430, %mul3A_431 : i32
        %add3A_433 = arith.constant 0 : i32
        %add3A_434 = arith.addi %add3A_433, %mul3A_432 : i32
        %get3A_435 = arith.index_cast %add3A_434 : i32 to index
        %get3A_436 = tpu.vector_load %arg11[%get3A_435] {strides = array<i32>} : memref<10240xf32, #tpu.memory_space<vmem>>, vector<16xf32>,
        %get3A_437 = arith.index_cast %add3A_434 : i32 to index
        %get3A_438 = tpu.vector_load %arg12[%get3A_437] {strides = array<i32>} : memref<10240xi32, #tpu.memory_space<vmem>>, vector<16xi32>,
        %get3A_439 = arith.index_cast %add3A_434 : i32 to index
        %get3A_440 = tpu.vector_load %arg13[%get3A_439] {strides = array<i32>} : memref<10240xf32, #tpu.memory_space<vmem>>, vector<16xf32>,
        %lt3A = arith.constant 524288 : i32
        %lt3A_441 = vector.broadcast %lt3A : i32 to vector<16xi32>
        %lt3A_442 = arith.cmpi slt, %get3A_438, %lt3A_441 : vector<16xi32>
        %abs3A = math.absf %get3A_436 : vector<16xf32>
        %jit3A = arith.constant -1.000000e+00 : f32
        %broadcast_in_dim3A_443 = vector.broadcast %jit3A : f32 to vector<16xf32>
        %select_n3A = arith.select %lt3A_442, %abs3A, %broadcast_in_dim3A_443 : vector<16xi1>, vector<16xf32>
        %gt3A = arith.cmpf ogt, %select_n3A, %get3A_440 : vector<16xf32>
        %and3A = arith.andi %lt3A_442, %gt3A : vector<16xi1>
        %max3A = arith.maximumf %select_n3A, %get3A_440 : vector<16xf32>
        %swap3A_444 = arith.index_cast %add3A_434 : i32 to index
        %swap3A_445 = tpu.vector_load %arg13[%swap3A_444] {strides = array<i32>} : memref<10240xf32, #tpu.memory_space<vmem>>, vector<16xf32>,
        tpu.vector_store %arg13[%swap3A_444], %max3A {strides = array<i32>} : memref<10240xf32, #tpu.memory_space<vmem>>, vector<16xf32>,
        %select_n3A_446 = arith.select %and3A, %get3A_438, %add3A_12 : vector<16xi1>, vector<16xi32>
        %swap3A_447 = arith.index_cast %add3A_434 : i32 to index
        %swap3A_448 = tpu.vector_load %arg12[%swap3A_447] {strides = array<i32>} : memref<10240xi32, #tpu.memory_space<vmem>>, vector<16xi32>,
        tpu.vector_store %arg12[%swap3A_447], %select_n3A_446 {strides = array<i32>} : memref<10240xi32, #tpu.memory_space<vmem>>, vector<16xi32>,
        %get3A_449 = arith.constant 0 : index
        %get3A_450 = tpu.vector_load %arg15[%get3A_449] {strides = array<i32>} : memref<16xi32, #tpu.memory_space<vmem>>, vector<16xi32>,
        %jit3A_451 = arith.constant 1 : i32
        %jit3A_452 = arith.constant 0 : i32
        %broadcast_in_dim3A_453 = vector.broadcast %jit3A_451 : i32 to vector<16xi32>
        %broadcast_in_dim3A_454 = vector.broadcast %jit3A_452 : i32 to vector<16xi32>
        %select_n3A_455 = arith.select %and3A, %broadcast_in_dim3A_453, %broadcast_in_dim3A_454 : vector<16xi1>, vector<16xi32>
        %add3A_456 = arith.addi %get3A_450, %select_n3A_455 : vector<16xi32>
        %swap3A_457 = arith.constant 0 : index
        %swap3A_458 = tpu.vector_load %arg15[%swap3A_457] {strides = array<i32>} : memref<16xi32, #tpu.memory_space<vmem>>, vector<16xi32>,
        tpu.vector_store %arg15[%swap3A_457], %add3A_456 {strides = array<i32>} : memref<16xi32, #tpu.memory_space<vmem>>, vector<16xi32>,
      }
      %scan3A_358 = arith.constant 640 : i32
      "tpu.region"() ({
        %run_scoped3A = tpu.sem_alloc : memref<!tpu.dma_semaphore, #tpu.memory_space<semaphore_mem>>
        %dma_start3A = arith.constant 0 : i32
        %dma_start3A_430 = tpu.memref_slice %arg8[%dma_start3A] : memref<524544xf32, #tpu.memory_space<vmem_shared>> -> memref<524544xf32, #tpu.memory_space<vmem_shared>>
        tpu.enqueue_indirect_dma source(%arg13 : memref<10240xf32, #tpu.memory_space<vmem>>) target(%dma_start3A_430 : memref<524544xf32, #tpu.memory_space<vmem_shared>>) offsets(%arg12 : memref<10240xi32, #tpu.memory_space<vmem>>) semaphore(%run_scoped3A : memref<!tpu.dma_semaphore, #tpu.memory_space<semaphore_mem>>)
        %dma_wait3A = arith.constant 0 : i32
        %dma_wait3A_431 = tpu.memref_slice %arg8[%dma_wait3A] : memref<524544xf32, #tpu.memory_space<vmem_shared>> -> memref<524544xf32, #tpu.memory_space<vmem_shared>>
        tpu.wait_indirect_dma semaphore(%run_scoped3A : memref<!tpu.dma_semaphore, #tpu.memory_space<semaphore_mem>>) src(%arg13 : memref<10240xf32, #tpu.memory_space<vmem>>) dst(%dma_wait3A_431 : memref<524544xf32, #tpu.memory_space<vmem_shared>>)
        tpu.yield
      }) : () -> ()
      "tpu.region"() ({
        %run_scoped3A = tpu.sem_alloc : memref<!tpu.dma_semaphore, #tpu.memory_space<semaphore_mem>>
        %dma_start3A = tpu.memref_slice %arg7[%add3A_353] : memref<3276800xi32, #tpu.memory_space<hbm>> -> memref<10240xi32, #tpu.memory_space<hbm>>
        %dma_start3A_430 = tpu.memref_slice %arg7[%add3A_353] : memref<3276800xi32, #tpu.memory_space<hbm>> -> memref<10240xi32, #tpu.memory_space<hbm>>
        tpu.enqueue_dma source(%arg12 : memref<10240xi32, #tpu.memory_space<vmem>>) target(%dma_start3A_430 : memref<10240xi32, #tpu.memory_space<hbm>>) target_semaphore(%run_scoped3A : memref<!tpu.dma_semaphore, #tpu.memory_space<semaphore_mem>>)
        %dma_wait3A = tpu.memref_slice %arg7[%add3A_353] : memref<3276800xi32, #tpu.memory_space<hbm>> -> memref<10240xi32, #tpu.memory_space<hbm>>
        %dma_wait3A_431 = tpu.memref_slice %arg7[%add3A_353] : memref<3276800xi32, #tpu.memory_space<hbm>> -> memref<10240xi32, #tpu.memory_space<hbm>>
        tpu.wait_dma2 semaphore(%run_scoped3A : memref<!tpu.dma_semaphore, #tpu.memory_space<semaphore_mem>>) src(%arg12 : memref<10240xi32, #tpu.memory_space<vmem>>) dst(%dma_wait3A_431 : memref<10240xi32, #tpu.memory_space<hbm>>)
        tpu.yield
      }) : () -> ()
      %add3A_359 = arith.constant 51200 : i32
      %add3A_360 = arith.addi %mul3A_14, %add3A_359 : i32
      %mul3A_361 = arith.constant 1638400 : i32
      %mul3A_362 = arith.muli %arg0, %mul3A_361 : i32
      %add3A_363 = arith.addi %mul3A_362, %add3A_360 : i32
      "tpu.region"() ({
        %run_scoped3A = tpu.sem_alloc : memref<!tpu.dma_semaphore, #tpu.memory_space<semaphore_mem>>
        %dma_start3A = tpu.memref_slice %arg7[%add3A_363] : memref<3276800xi32, #tpu.memory_space<hbm>> -> memref<10240xi32, #tpu.memory_space<hbm>>
        %dma_start3A_430 = tpu.memref_slice %arg7[%add3A_363] : memref<3276800xi32, #tpu.memory_space<hbm>> -> memref<10240xi32, #tpu.memory_space<hbm>>
        tpu.enqueue_dma source(%dma_start3A_430 : memref<10240xi32, #tpu.memory_space<hbm>>) target(%arg12 : memref<10240xi32, #tpu.memory_space<vmem>>) target_semaphore(%run_scoped3A : memref<!tpu.dma_semaphore, #tpu.memory_space<semaphore_mem>>)
        %dma_wait3A = tpu.memref_slice %arg7[%add3A_363] : memref<3276800xi32, #tpu.memory_space<hbm>> -> memref<10240xi32, #tpu.memory_space<hbm>>
        %dma_wait3A_431 = tpu.memref_slice %arg7[%add3A_363] : memref<3276800xi32, #tpu.memory_space<hbm>> -> memref<10240xi32, #tpu.memory_space<hbm>>
        tpu.wait_dma2 semaphore(%run_scoped3A : memref<!tpu.dma_semaphore, #tpu.memory_space<semaphore_mem>>) src(%dma_wait3A_431 : memref<10240xi32, #tpu.memory_space<hbm>>) dst(%arg12 : memref<10240xi32, #tpu.memory_space<vmem>>)
        tpu.yield
      }) : () -> ()
      "tpu.region"() ({
        %run_scoped3A = tpu.sem_alloc : memref<!tpu.dma_semaphore, #tpu.memory_space<semaphore_mem>>
        %dma_start3A = tpu.memref_slice %arg2[%add3A_360] : memref<1638400xf32, #tpu.memory_space<hbm>> -> memref<10240xf32, #tpu.memory_space<hbm>>
        %dma_start3A_430 = tpu.memref_slice %arg2[%add3A_360] : memref<1638400xf32, #tpu.memory_space<hbm>> -> memref<10240xf32, #tpu.memory_space<hbm>>
        tpu.enqueue_dma source(%dma_start3A_430 : memref<10240xf32, #tpu.memory_space<hbm>>) target(%arg11 : memref<10240xf32, #tpu.memory_space<vmem>>) target_semaphore(%run_scoped3A : memref<!tpu.dma_semaphore, #tpu.memory_space<semaphore_mem>>)
        %dma_wait3A = tpu.memref_slice %arg2[%add3A_360] : memref<1638400xf32, #tpu.memory_space<hbm>> -> memref<10240xf32, #tpu.memory_space<hbm>>
        %dma_wait3A_431 = tpu.memref_slice %arg2[%add3A_360] : memref<1638400xf32, #tpu.memory_space<hbm>> -> memref<10240xf32, #tpu.memory_space<hbm>>
        tpu.wait_dma2 semaphore(%run_scoped3A : memref<!tpu.dma_semaphore, #tpu.memory_space<semaphore_mem>>) src(%dma_wait3A_431 : memref<10240xf32, #tpu.memory_space<hbm>>) dst(%arg11 : memref<10240xf32, #tpu.memory_space<vmem>>)
        tpu.yield
      }) : () -> ()
      "tpu.region"() ({
        %run_scoped3A = tpu.sem_alloc : memref<!tpu.dma_semaphore, #tpu.memory_space<semaphore_mem>>
        %dma_start3A = arith.constant 0 : i32
        %dma_start3A_430 = tpu.memref_slice %arg8[%dma_start3A] : memref<524544xf32, #tpu.memory_space<vmem_shared>> -> memref<524544xf32, #tpu.memory_space<vmem_shared>>
        tpu.enqueue_indirect_dma source(%dma_start3A_430 : memref<524544xf32, #tpu.memory_space<vmem_shared>>) target(%arg13 : memref<10240xf32, #tpu.memory_space<vmem>>) offsets(%arg12 : memref<10240xi32, #tpu.memory_space<vmem>>) semaphore(%run_scoped3A : memref<!tpu.dma_semaphore, #tpu.memory_space<semaphore_mem>>)
        %dma_wait3A = arith.constant 0 : i32
        %dma_wait3A_431 = tpu.memref_slice %arg8[%dma_wait3A] : memref<524544xf32, #tpu.memory_space<vmem_shared>> -> memref<524544xf32, #tpu.memory_space<vmem_shared>>
        tpu.wait_indirect_dma semaphore(%run_scoped3A : memref<!tpu.dma_semaphore, #tpu.memory_space<semaphore_mem>>) src(%dma_wait3A_431 : memref<524544xf32, #tpu.memory_space<vmem_shared>>) dst(%arg13 : memref<10240xf32, #tpu.memory_space<vmem>>)
        tpu.yield
      }) : () -> ()
      %scan3A_364 = arith.constant 0 : i32
      %scan3A_365 = arith.constant 640 : i32
      %scan3A_366 = arith.addi %scan3A_364, %scan3A_365 : i32
      %scan3A_367 = arith.constant 1 : i32
      scf.for %scan3A_430 = %scan3A_364 to %scan3A_366 step %scan3A_367  : i32 {
        %mul3A_431 = arith.constant 16 : i32
        %mul3A_432 = arith.muli %scan3A_430, %mul3A_431 : i32
        %add3A_433 = arith.constant 0 : i32
        %add3A_434 = arith.addi %add3A_433, %mul3A_432 : i32
        %get3A_435 = arith.index_cast %add3A_434 : i32 to index
        %get3A_436 = tpu.vector_load %arg11[%get3A_435] {strides = array<i32>} : memref<10240xf32, #tpu.memory_space<vmem>>, vector<16xf32>,
        %get3A_437 = arith.index_cast %add3A_434 : i32 to index
        %get3A_438 = tpu.vector_load %arg12[%get3A_437] {strides = array<i32>} : memref<10240xi32, #tpu.memory_space<vmem>>, vector<16xi32>,
        %get3A_439 = arith.index_cast %add3A_434 : i32 to index
        %get3A_440 = tpu.vector_load %arg13[%get3A_439] {strides = array<i32>} : memref<10240xf32, #tpu.memory_space<vmem>>, vector<16xf32>,
        %lt3A = arith.constant 524288 : i32
        %lt3A_441 = vector.broadcast %lt3A : i32 to vector<16xi32>
        %lt3A_442 = arith.cmpi slt, %get3A_438, %lt3A_441 : vector<16xi32>
        %abs3A = math.absf %get3A_436 : vector<16xf32>
        %jit3A = arith.constant -1.000000e+00 : f32
        %broadcast_in_dim3A_443 = vector.broadcast %jit3A : f32 to vector<16xf32>
        %select_n3A = arith.select %lt3A_442, %abs3A, %broadcast_in_dim3A_443 : vector<16xi1>, vector<16xf32>
        %gt3A = arith.cmpf ogt, %select_n3A, %get3A_440 : vector<16xf32>
        %and3A = arith.andi %lt3A_442, %gt3A : vector<16xi1>
        %max3A = arith.maximumf %select_n3A, %get3A_440 : vector<16xf32>
        %swap3A_444 = arith.index_cast %add3A_434 : i32 to index
        %swap3A_445 = tpu.vector_load %arg13[%swap3A_444] {strides = array<i32>} : memref<10240xf32, #tpu.memory_space<vmem>>, vector<16xf32>,
        tpu.vector_store %arg13[%swap3A_444], %max3A {strides = array<i32>} : memref<10240xf32, #tpu.memory_space<vmem>>, vector<16xf32>,
        %select_n3A_446 = arith.select %and3A, %get3A_438, %add3A_12 : vector<16xi1>, vector<16xi32>
        %swap3A_447 = arith.index_cast %add3A_434 : i32 to index
        %swap3A_448 = tpu.vector_load %arg12[%swap3A_447] {strides = array<i32>} : memref<10240xi32, #tpu.memory_space<vmem>>, vector<16xi32>,
        tpu.vector_store %arg12[%swap3A_447], %select_n3A_446 {strides = array<i32>} : memref<10240xi32, #tpu.memory_space<vmem>>, vector<16xi32>,
        %get3A_449 = arith.constant 0 : index
        %get3A_450 = tpu.vector_load %arg15[%get3A_449] {strides = array<i32>} : memref<16xi32, #tpu.memory_space<vmem>>, vector<16xi32>,
        %jit3A_451 = arith.constant 1 : i32
        %jit3A_452 = arith.constant 0 : i32
        %broadcast_in_dim3A_453 = vector.broadcast %jit3A_451 : i32 to vector<16xi32>
        %broadcast_in_dim3A_454 = vector.broadcast %jit3A_452 : i32 to vector<16xi32>
        %select_n3A_455 = arith.select %and3A, %broadcast_in_dim3A_453, %broadcast_in_dim3A_454 : vector<16xi1>, vector<16xi32>
        %add3A_456 = arith.addi %get3A_450, %select_n3A_455 : vector<16xi32>
        %swap3A_457 = arith.constant 0 : index
        %swap3A_458 = tpu.vector_load %arg15[%swap3A_457] {strides = array<i32>} : memref<16xi32, #tpu.memory_space<vmem>>, vector<16xi32>,
        tpu.vector_store %arg15[%swap3A_457], %add3A_456 {strides = array<i32>} : memref<16xi32, #tpu.memory_space<vmem>>, vector<16xi32>,
      }
      %scan3A_368 = arith.constant 640 : i32
      "tpu.region"() ({
        %run_scoped3A = tpu.sem_alloc : memref<!tpu.dma_semaphore, #tpu.memory_space<semaphore_mem>>
        %dma_start3A = arith.constant 0 : i32
        %dma_start3A_430 = tpu.memref_slice %arg8[%dma_start3A] : memref<524544xf32, #tpu.memory_space<vmem_shared>> -> memref<524544xf32, #tpu.memory_space<vmem_shared>>
        tpu.enqueue_indirect_dma source(%arg13 : memref<10240xf32, #tpu.memory_space<vmem>>) target(%dma_start3A_430 : memref<524544xf32, #tpu.memory_space<vmem_shared>>) offsets(%arg12 : memref<10240xi32, #tpu.memory_space<vmem>>) semaphore(%run_scoped3A : memref<!tpu.dma_semaphore, #tpu.memory_space<semaphore_mem>>)
        %dma_wait3A = arith.constant 0 : i32
        %dma_wait3A_431 = tpu.memref_slice %arg8[%dma_wait3A] : memref<524544xf32, #tpu.memory_space<vmem_shared>> -> memref<524544xf32, #tpu.memory_space<vmem_shared>>
        tpu.wait_indirect_dma semaphore(%run_scoped3A : memref<!tpu.dma_semaphore, #tpu.memory_space<semaphore_mem>>) src(%arg13 : memref<10240xf32, #tpu.memory_space<vmem>>) dst(%dma_wait3A_431 : memref<524544xf32, #tpu.memory_space<vmem_shared>>)
        tpu.yield
      }) : () -> ()
      "tpu.region"() ({
        %run_scoped3A = tpu.sem_alloc : memref<!tpu.dma_semaphore, #tpu.memory_space<semaphore_mem>>
        %dma_start3A = tpu.memref_slice %arg7[%add3A_363] : memref<3276800xi32, #tpu.memory_space<hbm>> -> memref<10240xi32, #tpu.memory_space<hbm>>
        %dma_start3A_430 = tpu.memref_slice %arg7[%add3A_363] : memref<3276800xi32, #tpu.memory_space<hbm>> -> memref<10240xi32, #tpu.memory_space<hbm>>
        tpu.enqueue_dma source(%arg12 : memref<10240xi32, #tpu.memory_space<vmem>>) target(%dma_start3A_430 : memref<10240xi32, #tpu.memory_space<hbm>>) target_semaphore(%run_scoped3A : memref<!tpu.dma_semaphore, #tpu.memory_space<semaphore_mem>>)
        %dma_wait3A = tpu.memref_slice %arg7[%add3A_363] : memref<3276800xi32, #tpu.memory_space<hbm>> -> memref<10240xi32, #tpu.memory_space<hbm>>
        %dma_wait3A_431 = tpu.memref_slice %arg7[%add3A_363] : memref<3276800xi32, #tpu.memory_space<hbm>> -> memref<10240xi32, #tpu.memory_space<hbm>>
        tpu.wait_dma2 semaphore(%run_scoped3A : memref<!tpu.dma_semaphore, #tpu.memory_space<semaphore_mem>>) src(%arg12 : memref<10240xi32, #tpu.memory_space<vmem>>) dst(%dma_wait3A_431 : memref<10240xi32, #tpu.memory_space<hbm>>)
        tpu.yield
      }) : () -> ()
      %add3A_369 = arith.constant 61440 : i32
      %add3A_370 = arith.addi %mul3A_14, %add3A_369 : i32
      %mul3A_371 = arith.constant 1638400 : i32
      %mul3A_372 = arith.muli %arg0, %mul3A_371 : i32
      %add3A_373 = arith.addi %mul3A_372, %add3A_370 : i32
      "tpu.region"() ({
        %run_scoped3A = tpu.sem_alloc : memref<!tpu.dma_semaphore, #tpu.memory_space<semaphore_mem>>
        %dma_start3A = tpu.memref_slice %arg7[%add3A_373] : memref<3276800xi32, #tpu.memory_space<hbm>> -> memref<10240xi32, #tpu.memory_space<hbm>>
        %dma_start3A_430 = tpu.memref_slice %arg7[%add3A_373] : memref<3276800xi32, #tpu.memory_space<hbm>> -> memref<10240xi32, #tpu.memory_space<hbm>>
        tpu.enqueue_dma source(%dma_start3A_430 : memref<10240xi32, #tpu.memory_space<hbm>>) target(%arg12 : memref<10240xi32, #tpu.memory_space<vmem>>) target_semaphore(%run_scoped3A : memref<!tpu.dma_semaphore, #tpu.memory_space<semaphore_mem>>)
        %dma_wait3A = tpu.memref_slice %arg7[%add3A_373] : memref<3276800xi32, #tpu.memory_space<hbm>> -> memref<10240xi32, #tpu.memory_space<hbm>>
        %dma_wait3A_431 = tpu.memref_slice %arg7[%add3A_373] : memref<3276800xi32, #tpu.memory_space<hbm>> -> memref<10240xi32, #tpu.memory_space<hbm>>
        tpu.wait_dma2 semaphore(%run_scoped3A : memref<!tpu.dma_semaphore, #tpu.memory_space<semaphore_mem>>) src(%dma_wait3A_431 : memref<10240xi32, #tpu.memory_space<hbm>>) dst(%arg12 : memref<10240xi32, #tpu.memory_space<vmem>>)
        tpu.yield
      }) : () -> ()
      "tpu.region"() ({
        %run_scoped3A = tpu.sem_alloc : memref<!tpu.dma_semaphore, #tpu.memory_space<semaphore_mem>>
        %dma_start3A = tpu.memref_slice %arg2[%add3A_370] : memref<1638400xf32, #tpu.memory_space<hbm>> -> memref<10240xf32, #tpu.memory_space<hbm>>
        %dma_start3A_430 = tpu.memref_slice %arg2[%add3A_370] : memref<1638400xf32, #tpu.memory_space<hbm>> -> memref<10240xf32, #tpu.memory_space<hbm>>
        tpu.enqueue_dma source(%dma_start3A_430 : memref<10240xf32, #tpu.memory_space<hbm>>) target(%arg11 : memref<10240xf32, #tpu.memory_space<vmem>>) target_semaphore(%run_scoped3A : memref<!tpu.dma_semaphore, #tpu.memory_space<semaphore_mem>>)
        %dma_wait3A = tpu.memref_slice %arg2[%add3A_370] : memref<1638400xf32, #tpu.memory_space<hbm>> -> memref<10240xf32, #tpu.memory_space<hbm>>
        %dma_wait3A_431 = tpu.memref_slice %arg2[%add3A_370] : memref<1638400xf32, #tpu.memory_space<hbm>> -> memref<10240xf32, #tpu.memory_space<hbm>>
        tpu.wait_dma2 semaphore(%run_scoped3A : memref<!tpu.dma_semaphore, #tpu.memory_space<semaphore_mem>>) src(%dma_wait3A_431 : memref<10240xf32, #tpu.memory_space<hbm>>) dst(%arg11 : memref<10240xf32, #tpu.memory_space<vmem>>)
        tpu.yield
      }) : () -> ()
      "tpu.region"() ({
        %run_scoped3A = tpu.sem_alloc : memref<!tpu.dma_semaphore, #tpu.memory_space<semaphore_mem>>
        %dma_start3A = arith.constant 0 : i32
        %dma_start3A_430 = tpu.memref_slice %arg8[%dma_start3A] : memref<524544xf32, #tpu.memory_space<vmem_shared>> -> memref<524544xf32, #tpu.memory_space<vmem_shared>>
        tpu.enqueue_indirect_dma source(%dma_start3A_430 : memref<524544xf32, #tpu.memory_space<vmem_shared>>) target(%arg13 : memref<10240xf32, #tpu.memory_space<vmem>>) offsets(%arg12 : memref<10240xi32, #tpu.memory_space<vmem>>) semaphore(%run_scoped3A : memref<!tpu.dma_semaphore, #tpu.memory_space<semaphore_mem>>)
        %dma_wait3A = arith.constant 0 : i32
        %dma_wait3A_431 = tpu.memref_slice %arg8[%dma_wait3A] : memref<524544xf32, #tpu.memory_space<vmem_shared>> -> memref<524544xf32, #tpu.memory_space<vmem_shared>>
        tpu.wait_indirect_dma semaphore(%run_scoped3A : memref<!tpu.dma_semaphore, #tpu.memory_space<semaphore_mem>>) src(%dma_wait3A_431 : memref<524544xf32, #tpu.memory_space<vmem_shared>>) dst(%arg13 : memref<10240xf32, #tpu.memory_space<vmem>>)
        tpu.yield
      }) : () -> ()
      %scan3A_374 = arith.constant 0 : i32
      %scan3A_375 = arith.constant 640 : i32
      %scan3A_376 = arith.addi %scan3A_374, %scan3A_375 : i32
      %scan3A_377 = arith.constant 1 : i32
      scf.for %scan3A_430 = %scan3A_374 to %scan3A_376 step %scan3A_377  : i32 {
        %mul3A_431 = arith.constant 16 : i32
        %mul3A_432 = arith.muli %scan3A_430, %mul3A_431 : i32
        %add3A_433 = arith.constant 0 : i32
        %add3A_434 = arith.addi %add3A_433, %mul3A_432 : i32
        %get3A_435 = arith.index_cast %add3A_434 : i32 to index
        %get3A_436 = tpu.vector_load %arg11[%get3A_435] {strides = array<i32>} : memref<10240xf32, #tpu.memory_space<vmem>>, vector<16xf32>,
        %get3A_437 = arith.index_cast %add3A_434 : i32 to index
        %get3A_438 = tpu.vector_load %arg12[%get3A_437] {strides = array<i32>} : memref<10240xi32, #tpu.memory_space<vmem>>, vector<16xi32>,
        %get3A_439 = arith.index_cast %add3A_434 : i32 to index
        %get3A_440 = tpu.vector_load %arg13[%get3A_439] {strides = array<i32>} : memref<10240xf32, #tpu.memory_space<vmem>>, vector<16xf32>,
        %lt3A = arith.constant 524288 : i32
        %lt3A_441 = vector.broadcast %lt3A : i32 to vector<16xi32>
        %lt3A_442 = arith.cmpi slt, %get3A_438, %lt3A_441 : vector<16xi32>
        %abs3A = math.absf %get3A_436 : vector<16xf32>
        %jit3A = arith.constant -1.000000e+00 : f32
        %broadcast_in_dim3A_443 = vector.broadcast %jit3A : f32 to vector<16xf32>
        %select_n3A = arith.select %lt3A_442, %abs3A, %broadcast_in_dim3A_443 : vector<16xi1>, vector<16xf32>
        %gt3A = arith.cmpf ogt, %select_n3A, %get3A_440 : vector<16xf32>
        %and3A = arith.andi %lt3A_442, %gt3A : vector<16xi1>
        %max3A = arith.maximumf %select_n3A, %get3A_440 : vector<16xf32>
        %swap3A_444 = arith.index_cast %add3A_434 : i32 to index
        %swap3A_445 = tpu.vector_load %arg13[%swap3A_444] {strides = array<i32>} : memref<10240xf32, #tpu.memory_space<vmem>>, vector<16xf32>,
        tpu.vector_store %arg13[%swap3A_444], %max3A {strides = array<i32>} : memref<10240xf32, #tpu.memory_space<vmem>>, vector<16xf32>,
        %select_n3A_446 = arith.select %and3A, %get3A_438, %add3A_12 : vector<16xi1>, vector<16xi32>
        %swap3A_447 = arith.index_cast %add3A_434 : i32 to index
        %swap3A_448 = tpu.vector_load %arg12[%swap3A_447] {strides = array<i32>} : memref<10240xi32, #tpu.memory_space<vmem>>, vector<16xi32>,
        tpu.vector_store %arg12[%swap3A_447], %select_n3A_446 {strides = array<i32>} : memref<10240xi32, #tpu.memory_space<vmem>>, vector<16xi32>,
        %get3A_449 = arith.constant 0 : index
        %get3A_450 = tpu.vector_load %arg15[%get3A_449] {strides = array<i32>} : memref<16xi32, #tpu.memory_space<vmem>>, vector<16xi32>,
        %jit3A_451 = arith.constant 1 : i32
        %jit3A_452 = arith.constant 0 : i32
        %broadcast_in_dim3A_453 = vector.broadcast %jit3A_451 : i32 to vector<16xi32>
        %broadcast_in_dim3A_454 = vector.broadcast %jit3A_452 : i32 to vector<16xi32>
        %select_n3A_455 = arith.select %and3A, %broadcast_in_dim3A_453, %broadcast_in_dim3A_454 : vector<16xi1>, vector<16xi32>
        %add3A_456 = arith.addi %get3A_450, %select_n3A_455 : vector<16xi32>
        %swap3A_457 = arith.constant 0 : index
        %swap3A_458 = tpu.vector_load %arg15[%swap3A_457] {strides = array<i32>} : memref<16xi32, #tpu.memory_space<vmem>>, vector<16xi32>,
        tpu.vector_store %arg15[%swap3A_457], %add3A_456 {strides = array<i32>} : memref<16xi32, #tpu.memory_space<vmem>>, vector<16xi32>,
      }
      %scan3A_378 = arith.constant 640 : i32
      "tpu.region"() ({
        %run_scoped3A = tpu.sem_alloc : memref<!tpu.dma_semaphore, #tpu.memory_space<semaphore_mem>>
        %dma_start3A = arith.constant 0 : i32
        %dma_start3A_430 = tpu.memref_slice %arg8[%dma_start3A] : memref<524544xf32, #tpu.memory_space<vmem_shared>> -> memref<524544xf32, #tpu.memory_space<vmem_shared>>
        tpu.enqueue_indirect_dma source(%arg13 : memref<10240xf32, #tpu.memory_space<vmem>>) target(%dma_start3A_430 : memref<524544xf32, #tpu.memory_space<vmem_shared>>) offsets(%arg12 : memref<10240xi32, #tpu.memory_space<vmem>>) semaphore(%run_scoped3A : memref<!tpu.dma_semaphore, #tpu.memory_space<semaphore_mem>>)
        %dma_wait3A = arith.constant 0 : i32
        %dma_wait3A_431 = tpu.memref_slice %arg8[%dma_wait3A] : memref<524544xf32, #tpu.memory_space<vmem_shared>> -> memref<524544xf32, #tpu.memory_space<vmem_shared>>
        tpu.wait_indirect_dma semaphore(%run_scoped3A : memref<!tpu.dma_semaphore, #tpu.memory_space<semaphore_mem>>) src(%arg13 : memref<10240xf32, #tpu.memory_space<vmem>>) dst(%dma_wait3A_431 : memref<524544xf32, #tpu.memory_space<vmem_shared>>)
        tpu.yield
      }) : () -> ()
      "tpu.region"() ({
        %run_scoped3A = tpu.sem_alloc : memref<!tpu.dma_semaphore, #tpu.memory_space<semaphore_mem>>
        %dma_start3A = tpu.memref_slice %arg7[%add3A_373] : memref<3276800xi32, #tpu.memory_space<hbm>> -> memref<10240xi32, #tpu.memory_space<hbm>>
        %dma_start3A_430 = tpu.memref_slice %arg7[%add3A_373] : memref<3276800xi32, #tpu.memory_space<hbm>> -> memref<10240xi32, #tpu.memory_space<hbm>>
        tpu.enqueue_dma source(%arg12 : memref<10240xi32, #tpu.memory_space<vmem>>) target(%dma_start3A_430 : memref<10240xi32, #tpu.memory_space<hbm>>) target_semaphore(%run_scoped3A : memref<!tpu.dma_semaphore, #tpu.memory_space<semaphore_mem>>)
        %dma_wait3A = tpu.memref_slice %arg7[%add3A_373] : memref<3276800xi32, #tpu.memory_space<hbm>> -> memref<10240xi32, #tpu.memory_space<hbm>>
        %dma_wait3A_431 = tpu.memref_slice %arg7[%add3A_373] : memref<3276800xi32, #tpu.memory_space<hbm>> -> memref<10240xi32, #tpu.memory_space<hbm>>
        tpu.wait_dma2 semaphore(%run_scoped3A : memref<!tpu.dma_semaphore, #tpu.memory_space<semaphore_mem>>) src(%arg12 : memref<10240xi32, #tpu.memory_space<vmem>>) dst(%dma_wait3A_431 : memref<10240xi32, #tpu.memory_space<hbm>>)
        tpu.yield
      }) : () -> ()
      %add3A_379 = arith.constant 71680 : i32
      %add3A_380 = arith.addi %mul3A_14, %add3A_379 : i32
      %mul3A_381 = arith.constant 1638400 : i32
      %mul3A_382 = arith.muli %arg0, %mul3A_381 : i32
      %add3A_383 = arith.addi %mul3A_382, %add3A_380 : i32
      "tpu.region"() ({
        %run_scoped3A = tpu.sem_alloc : memref<!tpu.dma_semaphore, #tpu.memory_space<semaphore_mem>>
        %dma_start3A = tpu.memref_slice %arg7[%add3A_383] : memref<3276800xi32, #tpu.memory_space<hbm>> -> memref<10240xi32, #tpu.memory_space<hbm>>
        %dma_start3A_430 = tpu.memref_slice %arg7[%add3A_383] : memref<3276800xi32, #tpu.memory_space<hbm>> -> memref<10240xi32, #tpu.memory_space<hbm>>
        tpu.enqueue_dma source(%dma_start3A_430 : memref<10240xi32, #tpu.memory_space<hbm>>) target(%arg12 : memref<10240xi32, #tpu.memory_space<vmem>>) target_semaphore(%run_scoped3A : memref<!tpu.dma_semaphore, #tpu.memory_space<semaphore_mem>>)
        %dma_wait3A = tpu.memref_slice %arg7[%add3A_383] : memref<3276800xi32, #tpu.memory_space<hbm>> -> memref<10240xi32, #tpu.memory_space<hbm>>
        %dma_wait3A_431 = tpu.memref_slice %arg7[%add3A_383] : memref<3276800xi32, #tpu.memory_space<hbm>> -> memref<10240xi32, #tpu.memory_space<hbm>>
        tpu.wait_dma2 semaphore(%run_scoped3A : memref<!tpu.dma_semaphore, #tpu.memory_space<semaphore_mem>>) src(%dma_wait3A_431 : memref<10240xi32, #tpu.memory_space<hbm>>) dst(%arg12 : memref<10240xi32, #tpu.memory_space<vmem>>)
        tpu.yield
      }) : () -> ()
      "tpu.region"() ({
        %run_scoped3A = tpu.sem_alloc : memref<!tpu.dma_semaphore, #tpu.memory_space<semaphore_mem>>
        %dma_start3A = tpu.memref_slice %arg2[%add3A_380] : memref<1638400xf32, #tpu.memory_space<hbm>> -> memref<10240xf32, #tpu.memory_space<hbm>>
        %dma_start3A_430 = tpu.memref_slice %arg2[%add3A_380] : memref<1638400xf32, #tpu.memory_space<hbm>> -> memref<10240xf32, #tpu.memory_space<hbm>>
        tpu.enqueue_dma source(%dma_start3A_430 : memref<10240xf32, #tpu.memory_space<hbm>>) target(%arg11 : memref<10240xf32, #tpu.memory_space<vmem>>) target_semaphore(%run_scoped3A : memref<!tpu.dma_semaphore, #tpu.memory_space<semaphore_mem>>)
        %dma_wait3A = tpu.memref_slice %arg2[%add3A_380] : memref<1638400xf32, #tpu.memory_space<hbm>> -> memref<10240xf32, #tpu.memory_space<hbm>>
        %dma_wait3A_431 = tpu.memref_slice %arg2[%add3A_380] : memref<1638400xf32, #tpu.memory_space<hbm>> -> memref<10240xf32, #tpu.memory_space<hbm>>
        tpu.wait_dma2 semaphore(%run_scoped3A : memref<!tpu.dma_semaphore, #tpu.memory_space<semaphore_mem>>) src(%dma_wait3A_431 : memref<10240xf32, #tpu.memory_space<hbm>>) dst(%arg11 : memref<10240xf32, #tpu.memory_space<vmem>>)
        tpu.yield
      }) : () -> ()
      "tpu.region"() ({
        %run_scoped3A = tpu.sem_alloc : memref<!tpu.dma_semaphore, #tpu.memory_space<semaphore_mem>>
        %dma_start3A = arith.constant 0 : i32
        %dma_start3A_430 = tpu.memref_slice %arg8[%dma_start3A] : memref<524544xf32, #tpu.memory_space<vmem_shared>> -> memref<524544xf32, #tpu.memory_space<vmem_shared>>
        tpu.enqueue_indirect_dma source(%dma_start3A_430 : memref<524544xf32, #tpu.memory_space<vmem_shared>>) target(%arg13 : memref<10240xf32, #tpu.memory_space<vmem>>) offsets(%arg12 : memref<10240xi32, #tpu.memory_space<vmem>>) semaphore(%run_scoped3A : memref<!tpu.dma_semaphore, #tpu.memory_space<semaphore_mem>>)
        %dma_wait3A = arith.constant 0 : i32
        %dma_wait3A_431 = tpu.memref_slice %arg8[%dma_wait3A] : memref<524544xf32, #tpu.memory_space<vmem_shared>> -> memref<524544xf32, #tpu.memory_space<vmem_shared>>
        tpu.wait_indirect_dma semaphore(%run_scoped3A : memref<!tpu.dma_semaphore, #tpu.memory_space<semaphore_mem>>) src(%dma_wait3A_431 : memref<524544xf32, #tpu.memory_space<vmem_shared>>) dst(%arg13 : memref<10240xf32, #tpu.memory_space<vmem>>)
        tpu.yield
      }) : () -> ()
      %scan3A_384 = arith.constant 0 : i32
      %scan3A_385 = arith.constant 640 : i32
      %scan3A_386 = arith.addi %scan3A_384, %scan3A_385 : i32
      %scan3A_387 = arith.constant 1 : i32
      scf.for %scan3A_430 = %scan3A_384 to %scan3A_386 step %scan3A_387  : i32 {
        %mul3A_431 = arith.constant 16 : i32
        %mul3A_432 = arith.muli %scan3A_430, %mul3A_431 : i32
        %add3A_433 = arith.constant 0 : i32
        %add3A_434 = arith.addi %add3A_433, %mul3A_432 : i32
        %get3A_435 = arith.index_cast %add3A_434 : i32 to index
        %get3A_436 = tpu.vector_load %arg11[%get3A_435] {strides = array<i32>} : memref<10240xf32, #tpu.memory_space<vmem>>, vector<16xf32>,
        %get3A_437 = arith.index_cast %add3A_434 : i32 to index
        %get3A_438 = tpu.vector_load %arg12[%get3A_437] {strides = array<i32>} : memref<10240xi32, #tpu.memory_space<vmem>>, vector<16xi32>,
        %get3A_439 = arith.index_cast %add3A_434 : i32 to index
        %get3A_440 = tpu.vector_load %arg13[%get3A_439] {strides = array<i32>} : memref<10240xf32, #tpu.memory_space<vmem>>, vector<16xf32>,
        %lt3A = arith.constant 524288 : i32
        %lt3A_441 = vector.broadcast %lt3A : i32 to vector<16xi32>
        %lt3A_442 = arith.cmpi slt, %get3A_438, %lt3A_441 : vector<16xi32>
        %abs3A = math.absf %get3A_436 : vector<16xf32>
        %jit3A = arith.constant -1.000000e+00 : f32
        %broadcast_in_dim3A_443 = vector.broadcast %jit3A : f32 to vector<16xf32>
        %select_n3A = arith.select %lt3A_442, %abs3A, %broadcast_in_dim3A_443 : vector<16xi1>, vector<16xf32>
        %gt3A = arith.cmpf ogt, %select_n3A, %get3A_440 : vector<16xf32>
        %and3A = arith.andi %lt3A_442, %gt3A : vector<16xi1>
        %max3A = arith.maximumf %select_n3A, %get3A_440 : vector<16xf32>
        %swap3A_444 = arith.index_cast %add3A_434 : i32 to index
        %swap3A_445 = tpu.vector_load %arg13[%swap3A_444] {strides = array<i32>} : memref<10240xf32, #tpu.memory_space<vmem>>, vector<16xf32>,
        tpu.vector_store %arg13[%swap3A_444], %max3A {strides = array<i32>} : memref<10240xf32, #tpu.memory_space<vmem>>, vector<16xf32>,
        %select_n3A_446 = arith.select %and3A, %get3A_438, %add3A_12 : vector<16xi1>, vector<16xi32>
        %swap3A_447 = arith.index_cast %add3A_434 : i32 to index
        %swap3A_448 = tpu.vector_load %arg12[%swap3A_447] {strides = array<i32>} : memref<10240xi32, #tpu.memory_space<vmem>>, vector<16xi32>,
        tpu.vector_store %arg12[%swap3A_447], %select_n3A_446 {strides = array<i32>} : memref<10240xi32, #tpu.memory_space<vmem>>, vector<16xi32>,
        %get3A_449 = arith.constant 0 : index
        %get3A_450 = tpu.vector_load %arg15[%get3A_449] {strides = array<i32>} : memref<16xi32, #tpu.memory_space<vmem>>, vector<16xi32>,
        %jit3A_451 = arith.constant 1 : i32
        %jit3A_452 = arith.constant 0 : i32
        %broadcast_in_dim3A_453 = vector.broadcast %jit3A_451 : i32 to vector<16xi32>
        %broadcast_in_dim3A_454 = vector.broadcast %jit3A_452 : i32 to vector<16xi32>
        %select_n3A_455 = arith.select %and3A, %broadcast_in_dim3A_453, %broadcast_in_dim3A_454 : vector<16xi1>, vector<16xi32>
        %add3A_456 = arith.addi %get3A_450, %select_n3A_455 : vector<16xi32>
        %swap3A_457 = arith.constant 0 : index
        %swap3A_458 = tpu.vector_load %arg15[%swap3A_457] {strides = array<i32>} : memref<16xi32, #tpu.memory_space<vmem>>, vector<16xi32>,
        tpu.vector_store %arg15[%swap3A_457], %add3A_456 {strides = array<i32>} : memref<16xi32, #tpu.memory_space<vmem>>, vector<16xi32>,
      }
      %scan3A_388 = arith.constant 640 : i32
      "tpu.region"() ({
        %run_scoped3A = tpu.sem_alloc : memref<!tpu.dma_semaphore, #tpu.memory_space<semaphore_mem>>
        %dma_start3A = arith.constant 0 : i32
        %dma_start3A_430 = tpu.memref_slice %arg8[%dma_start3A] : memref<524544xf32, #tpu.memory_space<vmem_shared>> -> memref<524544xf32, #tpu.memory_space<vmem_shared>>
        tpu.enqueue_indirect_dma source(%arg13 : memref<10240xf32, #tpu.memory_space<vmem>>) target(%dma_start3A_430 : memref<524544xf32, #tpu.memory_space<vmem_shared>>) offsets(%arg12 : memref<10240xi32, #tpu.memory_space<vmem>>) semaphore(%run_scoped3A : memref<!tpu.dma_semaphore, #tpu.memory_space<semaphore_mem>>)
        %dma_wait3A = arith.constant 0 : i32
        %dma_wait3A_431 = tpu.memref_slice %arg8[%dma_wait3A] : memref<524544xf32, #tpu.memory_space<vmem_shared>> -> memref<524544xf32, #tpu.memory_space<vmem_shared>>
        tpu.wait_indirect_dma semaphore(%run_scoped3A : memref<!tpu.dma_semaphore, #tpu.memory_space<semaphore_mem>>) src(%arg13 : memref<10240xf32, #tpu.memory_space<vmem>>) dst(%dma_wait3A_431 : memref<524544xf32, #tpu.memory_space<vmem_shared>>)
        tpu.yield
      }) : () -> ()
      "tpu.region"() ({
        %run_scoped3A = tpu.sem_alloc : memref<!tpu.dma_semaphore, #tpu.memory_space<semaphore_mem>>
        %dma_start3A = tpu.memref_slice %arg7[%add3A_383] : memref<3276800xi32, #tpu.memory_space<hbm>> -> memref<10240xi32, #tpu.memory_space<hbm>>
        %dma_start3A_430 = tpu.memref_slice %arg7[%add3A_383] : memref<3276800xi32, #tpu.memory_space<hbm>> -> memref<10240xi32, #tpu.memory_space<hbm>>
        tpu.enqueue_dma source(%arg12 : memref<10240xi32, #tpu.memory_space<vmem>>) target(%dma_start3A_430 : memref<10240xi32, #tpu.memory_space<hbm>>) target_semaphore(%run_scoped3A : memref<!tpu.dma_semaphore, #tpu.memory_space<semaphore_mem>>)
        %dma_wait3A = tpu.memref_slice %arg7[%add3A_383] : memref<3276800xi32, #tpu.memory_space<hbm>> -> memref<10240xi32, #tpu.memory_space<hbm>>
        %dma_wait3A_431 = tpu.memref_slice %arg7[%add3A_383] : memref<3276800xi32, #tpu.memory_space<hbm>> -> memref<10240xi32, #tpu.memory_space<hbm>>
        tpu.wait_dma2 semaphore(%run_scoped3A : memref<!tpu.dma_semaphore, #tpu.memory_space<semaphore_mem>>) src(%arg12 : memref<10240xi32, #tpu.memory_space<vmem>>) dst(%dma_wait3A_431 : memref<10240xi32, #tpu.memory_space<hbm>>)
        tpu.yield
      }) : () -> ()
      %add3A_389 = arith.constant 81920 : i32
      %add3A_390 = arith.addi %mul3A_14, %add3A_389 : i32
      %mul3A_391 = arith.constant 1638400 : i32
      %mul3A_392 = arith.muli %arg0, %mul3A_391 : i32
      %add3A_393 = arith.addi %mul3A_392, %add3A_390 : i32
      "tpu.region"() ({
        %run_scoped3A = tpu.sem_alloc : memref<!tpu.dma_semaphore, #tpu.memory_space<semaphore_mem>>
        %dma_start3A = tpu.memref_slice %arg7[%add3A_393] : memref<3276800xi32, #tpu.memory_space<hbm>> -> memref<10240xi32, #tpu.memory_space<hbm>>
        %dma_start3A_430 = tpu.memref_slice %arg7[%add3A_393] : memref<3276800xi32, #tpu.memory_space<hbm>> -> memref<10240xi32, #tpu.memory_space<hbm>>
        tpu.enqueue_dma source(%dma_start3A_430 : memref<10240xi32, #tpu.memory_space<hbm>>) target(%arg12 : memref<10240xi32, #tpu.memory_space<vmem>>) target_semaphore(%run_scoped3A : memref<!tpu.dma_semaphore, #tpu.memory_space<semaphore_mem>>)
        %dma_wait3A = tpu.memref_slice %arg7[%add3A_393] : memref<3276800xi32, #tpu.memory_space<hbm>> -> memref<10240xi32, #tpu.memory_space<hbm>>
        %dma_wait3A_431 = tpu.memref_slice %arg7[%add3A_393] : memref<3276800xi32, #tpu.memory_space<hbm>> -> memref<10240xi32, #tpu.memory_space<hbm>>
        tpu.wait_dma2 semaphore(%run_scoped3A : memref<!tpu.dma_semaphore, #tpu.memory_space<semaphore_mem>>) src(%dma_wait3A_431 : memref<10240xi32, #tpu.memory_space<hbm>>) dst(%arg12 : memref<10240xi32, #tpu.memory_space<vmem>>)
        tpu.yield
      }) : () -> ()
      "tpu.region"() ({
        %run_scoped3A = tpu.sem_alloc : memref<!tpu.dma_semaphore, #tpu.memory_space<semaphore_mem>>
        %dma_start3A = tpu.memref_slice %arg2[%add3A_390] : memref<1638400xf32, #tpu.memory_space<hbm>> -> memref<10240xf32, #tpu.memory_space<hbm>>
        %dma_start3A_430 = tpu.memref_slice %arg2[%add3A_390] : memref<1638400xf32, #tpu.memory_space<hbm>> -> memref<10240xf32, #tpu.memory_space<hbm>>
        tpu.enqueue_dma source(%dma_start3A_430 : memref<10240xf32, #tpu.memory_space<hbm>>) target(%arg11 : memref<10240xf32, #tpu.memory_space<vmem>>) target_semaphore(%run_scoped3A : memref<!tpu.dma_semaphore, #tpu.memory_space<semaphore_mem>>)
        %dma_wait3A = tpu.memref_slice %arg2[%add3A_390] : memref<1638400xf32, #tpu.memory_space<hbm>> -> memref<10240xf32, #tpu.memory_space<hbm>>
        %dma_wait3A_431 = tpu.memref_slice %arg2[%add3A_390] : memref<1638400xf32, #tpu.memory_space<hbm>> -> memref<10240xf32, #tpu.memory_space<hbm>>
        tpu.wait_dma2 semaphore(%run_scoped3A : memref<!tpu.dma_semaphore, #tpu.memory_space<semaphore_mem>>) src(%dma_wait3A_431 : memref<10240xf32, #tpu.memory_space<hbm>>) dst(%arg11 : memref<10240xf32, #tpu.memory_space<vmem>>)
        tpu.yield
      }) : () -> ()
      "tpu.region"() ({
        %run_scoped3A = tpu.sem_alloc : memref<!tpu.dma_semaphore, #tpu.memory_space<semaphore_mem>>
        %dma_start3A = arith.constant 0 : i32
        %dma_start3A_430 = tpu.memref_slice %arg8[%dma_start3A] : memref<524544xf32, #tpu.memory_space<vmem_shared>> -> memref<524544xf32, #tpu.memory_space<vmem_shared>>
        tpu.enqueue_indirect_dma source(%dma_start3A_430 : memref<524544xf32, #tpu.memory_space<vmem_shared>>) target(%arg13 : memref<10240xf32, #tpu.memory_space<vmem>>) offsets(%arg12 : memref<10240xi32, #tpu.memory_space<vmem>>) semaphore(%run_scoped3A : memref<!tpu.dma_semaphore, #tpu.memory_space<semaphore_mem>>)
        %dma_wait3A = arith.constant 0 : i32
        %dma_wait3A_431 = tpu.memref_slice %arg8[%dma_wait3A] : memref<524544xf32, #tpu.memory_space<vmem_shared>> -> memref<524544xf32, #tpu.memory_space<vmem_shared>>
        tpu.wait_indirect_dma semaphore(%run_scoped3A : memref<!tpu.dma_semaphore, #tpu.memory_space<semaphore_mem>>) src(%dma_wait3A_431 : memref<524544xf32, #tpu.memory_space<vmem_shared>>) dst(%arg13 : memref<10240xf32, #tpu.memory_space<vmem>>)
        tpu.yield
      }) : () -> ()
      %scan3A_394 = arith.constant 0 : i32
      %scan3A_395 = arith.constant 640 : i32
      %scan3A_396 = arith.addi %scan3A_394, %scan3A_395 : i32
      %scan3A_397 = arith.constant 1 : i32
      scf.for %scan3A_430 = %scan3A_394 to %scan3A_396 step %scan3A_397  : i32 {
        %mul3A_431 = arith.constant 16 : i32
        %mul3A_432 = arith.muli %scan3A_430, %mul3A_431 : i32
        %add3A_433 = arith.constant 0 : i32
        %add3A_434 = arith.addi %add3A_433, %mul3A_432 : i32
        %get3A_435 = arith.index_cast %add3A_434 : i32 to index
        %get3A_436 = tpu.vector_load %arg11[%get3A_435] {strides = array<i32>} : memref<10240xf32, #tpu.memory_space<vmem>>, vector<16xf32>,
        %get3A_437 = arith.index_cast %add3A_434 : i32 to index
        %get3A_438 = tpu.vector_load %arg12[%get3A_437] {strides = array<i32>} : memref<10240xi32, #tpu.memory_space<vmem>>, vector<16xi32>,
        %get3A_439 = arith.index_cast %add3A_434 : i32 to index
        %get3A_440 = tpu.vector_load %arg13[%get3A_439] {strides = array<i32>} : memref<10240xf32, #tpu.memory_space<vmem>>, vector<16xf32>,
        %lt3A = arith.constant 524288 : i32
        %lt3A_441 = vector.broadcast %lt3A : i32 to vector<16xi32>
        %lt3A_442 = arith.cmpi slt, %get3A_438, %lt3A_441 : vector<16xi32>
        %abs3A = math.absf %get3A_436 : vector<16xf32>
        %jit3A = arith.constant -1.000000e+00 : f32
        %broadcast_in_dim3A_443 = vector.broadcast %jit3A : f32 to vector<16xf32>
        %select_n3A = arith.select %lt3A_442, %abs3A, %broadcast_in_dim3A_443 : vector<16xi1>, vector<16xf32>
        %gt3A = arith.cmpf ogt, %select_n3A, %get3A_440 : vector<16xf32>
        %and3A = arith.andi %lt3A_442, %gt3A : vector<16xi1>
        %max3A = arith.maximumf %select_n3A, %get3A_440 : vector<16xf32>
        %swap3A_444 = arith.index_cast %add3A_434 : i32 to index
        %swap3A_445 = tpu.vector_load %arg13[%swap3A_444] {strides = array<i32>} : memref<10240xf32, #tpu.memory_space<vmem>>, vector<16xf32>,
        tpu.vector_store %arg13[%swap3A_444], %max3A {strides = array<i32>} : memref<10240xf32, #tpu.memory_space<vmem>>, vector<16xf32>,
        %select_n3A_446 = arith.select %and3A, %get3A_438, %add3A_12 : vector<16xi1>, vector<16xi32>
        %swap3A_447 = arith.index_cast %add3A_434 : i32 to index
        %swap3A_448 = tpu.vector_load %arg12[%swap3A_447] {strides = array<i32>} : memref<10240xi32, #tpu.memory_space<vmem>>, vector<16xi32>,
        tpu.vector_store %arg12[%swap3A_447], %select_n3A_446 {strides = array<i32>} : memref<10240xi32, #tpu.memory_space<vmem>>, vector<16xi32>,
        %get3A_449 = arith.constant 0 : index
        %get3A_450 = tpu.vector_load %arg15[%get3A_449] {strides = array<i32>} : memref<16xi32, #tpu.memory_space<vmem>>, vector<16xi32>,
        %jit3A_451 = arith.constant 1 : i32
        %jit3A_452 = arith.constant 0 : i32
        %broadcast_in_dim3A_453 = vector.broadcast %jit3A_451 : i32 to vector<16xi32>
        %broadcast_in_dim3A_454 = vector.broadcast %jit3A_452 : i32 to vector<16xi32>
        %select_n3A_455 = arith.select %and3A, %broadcast_in_dim3A_453, %broadcast_in_dim3A_454 : vector<16xi1>, vector<16xi32>
        %add3A_456 = arith.addi %get3A_450, %select_n3A_455 : vector<16xi32>
        %swap3A_457 = arith.constant 0 : index
        %swap3A_458 = tpu.vector_load %arg15[%swap3A_457] {strides = array<i32>} : memref<16xi32, #tpu.memory_space<vmem>>, vector<16xi32>,
        tpu.vector_store %arg15[%swap3A_457], %add3A_456 {strides = array<i32>} : memref<16xi32, #tpu.memory_space<vmem>>, vector<16xi32>,
      }
      %scan3A_398 = arith.constant 640 : i32
      "tpu.region"() ({
        %run_scoped3A = tpu.sem_alloc : memref<!tpu.dma_semaphore, #tpu.memory_space<semaphore_mem>>
        %dma_start3A = arith.constant 0 : i32
        %dma_start3A_430 = tpu.memref_slice %arg8[%dma_start3A] : memref<524544xf32, #tpu.memory_space<vmem_shared>> -> memref<524544xf32, #tpu.memory_space<vmem_shared>>
        tpu.enqueue_indirect_dma source(%arg13 : memref<10240xf32, #tpu.memory_space<vmem>>) target(%dma_start3A_430 : memref<524544xf32, #tpu.memory_space<vmem_shared>>) offsets(%arg12 : memref<10240xi32, #tpu.memory_space<vmem>>) semaphore(%run_scoped3A : memref<!tpu.dma_semaphore, #tpu.memory_space<semaphore_mem>>)
        %dma_wait3A = arith.constant 0 : i32
        %dma_wait3A_431 = tpu.memref_slice %arg8[%dma_wait3A] : memref<524544xf32, #tpu.memory_space<vmem_shared>> -> memref<524544xf32, #tpu.memory_space<vmem_shared>>
        tpu.wait_indirect_dma semaphore(%run_scoped3A : memref<!tpu.dma_semaphore, #tpu.memory_space<semaphore_mem>>) src(%arg13 : memref<10240xf32, #tpu.memory_space<vmem>>) dst(%dma_wait3A_431 : memref<524544xf32, #tpu.memory_space<vmem_shared>>)
        tpu.yield
      }) : () -> ()
      "tpu.region"() ({
        %run_scoped3A = tpu.sem_alloc : memref<!tpu.dma_semaphore, #tpu.memory_space<semaphore_mem>>
        %dma_start3A = tpu.memref_slice %arg7[%add3A_393] : memref<3276800xi32, #tpu.memory_space<hbm>> -> memref<10240xi32, #tpu.memory_space<hbm>>
        %dma_start3A_430 = tpu.memref_slice %arg7[%add3A_393] : memref<3276800xi32, #tpu.memory_space<hbm>> -> memref<10240xi32, #tpu.memory_space<hbm>>
        tpu.enqueue_dma source(%arg12 : memref<10240xi32, #tpu.memory_space<vmem>>) target(%dma_start3A_430 : memref<10240xi32, #tpu.memory_space<hbm>>) target_semaphore(%run_scoped3A : memref<!tpu.dma_semaphore, #tpu.memory_space<semaphore_mem>>)
        %dma_wait3A = tpu.memref_slice %arg7[%add3A_393] : memref<3276800xi32, #tpu.memory_space<hbm>> -> memref<10240xi32, #tpu.memory_space<hbm>>
        %dma_wait3A_431 = tpu.memref_slice %arg7[%add3A_393] : memref<3276800xi32, #tpu.memory_space<hbm>> -> memref<10240xi32, #tpu.memory_space<hbm>>
        tpu.wait_dma2 semaphore(%run_scoped3A : memref<!tpu.dma_semaphore, #tpu.memory_space<semaphore_mem>>) src(%arg12 : memref<10240xi32, #tpu.memory_space<vmem>>) dst(%dma_wait3A_431 : memref<10240xi32, #tpu.memory_space<hbm>>)
        tpu.yield
      }) : () -> ()
      %add3A_399 = arith.constant 92160 : i32
      %add3A_400 = arith.addi %mul3A_14, %add3A_399 : i32
      %mul3A_401 = arith.constant 1638400 : i32
      %mul3A_402 = arith.muli %arg0, %mul3A_401 : i32
      %add3A_403 = arith.addi %mul3A_402, %add3A_400 : i32
      "tpu.region"() ({
        %run_scoped3A = tpu.sem_alloc : memref<!tpu.dma_semaphore, #tpu.memory_space<semaphore_mem>>
        %dma_start3A = tpu.memref_slice %arg7[%add3A_403] : memref<3276800xi32, #tpu.memory_space<hbm>> -> memref<10240xi32, #tpu.memory_space<hbm>>
        %dma_start3A_430 = tpu.memref_slice %arg7[%add3A_403] : memref<3276800xi32, #tpu.memory_space<hbm>> -> memref<10240xi32, #tpu.memory_space<hbm>>
        tpu.enqueue_dma source(%dma_start3A_430 : memref<10240xi32, #tpu.memory_space<hbm>>) target(%arg12 : memref<10240xi32, #tpu.memory_space<vmem>>) target_semaphore(%run_scoped3A : memref<!tpu.dma_semaphore, #tpu.memory_space<semaphore_mem>>)
        %dma_wait3A = tpu.memref_slice %arg7[%add3A_403] : memref<3276800xi32, #tpu.memory_space<hbm>> -> memref<10240xi32, #tpu.memory_space<hbm>>
        %dma_wait3A_431 = tpu.memref_slice %arg7[%add3A_403] : memref<3276800xi32, #tpu.memory_space<hbm>> -> memref<10240xi32, #tpu.memory_space<hbm>>
        tpu.wait_dma2 semaphore(%run_scoped3A : memref<!tpu.dma_semaphore, #tpu.memory_space<semaphore_mem>>) src(%dma_wait3A_431 : memref<10240xi32, #tpu.memory_space<hbm>>) dst(%arg12 : memref<10240xi32, #tpu.memory_space<vmem>>)
        tpu.yield
      }) : () -> ()
      "tpu.region"() ({
        %run_scoped3A = tpu.sem_alloc : memref<!tpu.dma_semaphore, #tpu.memory_space<semaphore_mem>>
        %dma_start3A = tpu.memref_slice %arg2[%add3A_400] : memref<1638400xf32, #tpu.memory_space<hbm>> -> memref<10240xf32, #tpu.memory_space<hbm>>
        %dma_start3A_430 = tpu.memref_slice %arg2[%add3A_400] : memref<1638400xf32, #tpu.memory_space<hbm>> -> memref<10240xf32, #tpu.memory_space<hbm>>
        tpu.enqueue_dma source(%dma_start3A_430 : memref<10240xf32, #tpu.memory_space<hbm>>) target(%arg11 : memref<10240xf32, #tpu.memory_space<vmem>>) target_semaphore(%run_scoped3A : memref<!tpu.dma_semaphore, #tpu.memory_space<semaphore_mem>>)
        %dma_wait3A = tpu.memref_slice %arg2[%add3A_400] : memref<1638400xf32, #tpu.memory_space<hbm>> -> memref<10240xf32, #tpu.memory_space<hbm>>
        %dma_wait3A_431 = tpu.memref_slice %arg2[%add3A_400] : memref<1638400xf32, #tpu.memory_space<hbm>> -> memref<10240xf32, #tpu.memory_space<hbm>>
        tpu.wait_dma2 semaphore(%run_scoped3A : memref<!tpu.dma_semaphore, #tpu.memory_space<semaphore_mem>>) src(%dma_wait3A_431 : memref<10240xf32, #tpu.memory_space<hbm>>) dst(%arg11 : memref<10240xf32, #tpu.memory_space<vmem>>)
        tpu.yield
      }) : () -> ()
      "tpu.region"() ({
        %run_scoped3A = tpu.sem_alloc : memref<!tpu.dma_semaphore, #tpu.memory_space<semaphore_mem>>
        %dma_start3A = arith.constant 0 : i32
        %dma_start3A_430 = tpu.memref_slice %arg8[%dma_start3A] : memref<524544xf32, #tpu.memory_space<vmem_shared>> -> memref<524544xf32, #tpu.memory_space<vmem_shared>>
        tpu.enqueue_indirect_dma source(%dma_start3A_430 : memref<524544xf32, #tpu.memory_space<vmem_shared>>) target(%arg13 : memref<10240xf32, #tpu.memory_space<vmem>>) offsets(%arg12 : memref<10240xi32, #tpu.memory_space<vmem>>) semaphore(%run_scoped3A : memref<!tpu.dma_semaphore, #tpu.memory_space<semaphore_mem>>)
        %dma_wait3A = arith.constant 0 : i32
        %dma_wait3A_431 = tpu.memref_slice %arg8[%dma_wait3A] : memref<524544xf32, #tpu.memory_space<vmem_shared>> -> memref<524544xf32, #tpu.memory_space<vmem_shared>>
        tpu.wait_indirect_dma semaphore(%run_scoped3A : memref<!tpu.dma_semaphore, #tpu.memory_space<semaphore_mem>>) src(%dma_wait3A_431 : memref<524544xf32, #tpu.memory_space<vmem_shared>>) dst(%arg13 : memref<10240xf32, #tpu.memory_space<vmem>>)
        tpu.yield
      }) : () -> ()
      %scan3A_404 = arith.constant 0 : i32
      %scan3A_405 = arith.constant 640 : i32
      %scan3A_406 = arith.addi %scan3A_404, %scan3A_405 : i32
      %scan3A_407 = arith.constant 1 : i32
      scf.for %scan3A_430 = %scan3A_404 to %scan3A_406 step %scan3A_407  : i32 {
        %mul3A_431 = arith.constant 16 : i32
        %mul3A_432 = arith.muli %scan3A_430, %mul3A_431 : i32
        %add3A_433 = arith.constant 0 : i32
        %add3A_434 = arith.addi %add3A_433, %mul3A_432 : i32
        %get3A_435 = arith.index_cast %add3A_434 : i32 to index
        %get3A_436 = tpu.vector_load %arg11[%get3A_435] {strides = array<i32>} : memref<10240xf32, #tpu.memory_space<vmem>>, vector<16xf32>,
        %get3A_437 = arith.index_cast %add3A_434 : i32 to index
        %get3A_438 = tpu.vector_load %arg12[%get3A_437] {strides = array<i32>} : memref<10240xi32, #tpu.memory_space<vmem>>, vector<16xi32>,
        %get3A_439 = arith.index_cast %add3A_434 : i32 to index
        %get3A_440 = tpu.vector_load %arg13[%get3A_439] {strides = array<i32>} : memref<10240xf32, #tpu.memory_space<vmem>>, vector<16xf32>,
        %lt3A = arith.constant 524288 : i32
        %lt3A_441 = vector.broadcast %lt3A : i32 to vector<16xi32>
        %lt3A_442 = arith.cmpi slt, %get3A_438, %lt3A_441 : vector<16xi32>
        %abs3A = math.absf %get3A_436 : vector<16xf32>
        %jit3A = arith.constant -1.000000e+00 : f32
        %broadcast_in_dim3A_443 = vector.broadcast %jit3A : f32 to vector<16xf32>
        %select_n3A = arith.select %lt3A_442, %abs3A, %broadcast_in_dim3A_443 : vector<16xi1>, vector<16xf32>
        %gt3A = arith.cmpf ogt, %select_n3A, %get3A_440 : vector<16xf32>
        %and3A = arith.andi %lt3A_442, %gt3A : vector<16xi1>
        %max3A = arith.maximumf %select_n3A, %get3A_440 : vector<16xf32>
        %swap3A_444 = arith.index_cast %add3A_434 : i32 to index
        %swap3A_445 = tpu.vector_load %arg13[%swap3A_444] {strides = array<i32>} : memref<10240xf32, #tpu.memory_space<vmem>>, vector<16xf32>,
        tpu.vector_store %arg13[%swap3A_444], %max3A {strides = array<i32>} : memref<10240xf32, #tpu.memory_space<vmem>>, vector<16xf32>,
        %select_n3A_446 = arith.select %and3A, %get3A_438, %add3A_12 : vector<16xi1>, vector<16xi32>
        %swap3A_447 = arith.index_cast %add3A_434 : i32 to index
        %swap3A_448 = tpu.vector_load %arg12[%swap3A_447] {strides = array<i32>} : memref<10240xi32, #tpu.memory_space<vmem>>, vector<16xi32>,
        tpu.vector_store %arg12[%swap3A_447], %select_n3A_446 {strides = array<i32>} : memref<10240xi32, #tpu.memory_space<vmem>>, vector<16xi32>,
        %get3A_449 = arith.constant 0 : index
        %get3A_450 = tpu.vector_load %arg15[%get3A_449] {strides = array<i32>} : memref<16xi32, #tpu.memory_space<vmem>>, vector<16xi32>,
        %jit3A_451 = arith.constant 1 : i32
        %jit3A_452 = arith.constant 0 : i32
        %broadcast_in_dim3A_453 = vector.broadcast %jit3A_451 : i32 to vector<16xi32>
        %broadcast_in_dim3A_454 = vector.broadcast %jit3A_452 : i32 to vector<16xi32>
        %select_n3A_455 = arith.select %and3A, %broadcast_in_dim3A_453, %broadcast_in_dim3A_454 : vector<16xi1>, vector<16xi32>
        %add3A_456 = arith.addi %get3A_450, %select_n3A_455 : vector<16xi32>
        %swap3A_457 = arith.constant 0 : index
        %swap3A_458 = tpu.vector_load %arg15[%swap3A_457] {strides = array<i32>} : memref<16xi32, #tpu.memory_space<vmem>>, vector<16xi32>,
        tpu.vector_store %arg15[%swap3A_457], %add3A_456 {strides = array<i32>} : memref<16xi32, #tpu.memory_space<vmem>>, vector<16xi32>,
      }
      %scan3A_408 = arith.constant 640 : i32
      "tpu.region"() ({
        %run_scoped3A = tpu.sem_alloc : memref<!tpu.dma_semaphore, #tpu.memory_space<semaphore_mem>>
        %dma_start3A = arith.constant 0 : i32
        %dma_start3A_430 = tpu.memref_slice %arg8[%dma_start3A] : memref<524544xf32, #tpu.memory_space<vmem_shared>> -> memref<524544xf32, #tpu.memory_space<vmem_shared>>
        tpu.enqueue_indirect_dma source(%arg13 : memref<10240xf32, #tpu.memory_space<vmem>>) target(%dma_start3A_430 : memref<524544xf32, #tpu.memory_space<vmem_shared>>) offsets(%arg12 : memref<10240xi32, #tpu.memory_space<vmem>>) semaphore(%run_scoped3A : memref<!tpu.dma_semaphore, #tpu.memory_space<semaphore_mem>>)
        %dma_wait3A = arith.constant 0 : i32
        %dma_wait3A_431 = tpu.memref_slice %arg8[%dma_wait3A] : memref<524544xf32, #tpu.memory_space<vmem_shared>> -> memref<524544xf32, #tpu.memory_space<vmem_shared>>
        tpu.wait_indirect_dma semaphore(%run_scoped3A : memref<!tpu.dma_semaphore, #tpu.memory_space<semaphore_mem>>) src(%arg13 : memref<10240xf32, #tpu.memory_space<vmem>>) dst(%dma_wait3A_431 : memref<524544xf32, #tpu.memory_space<vmem_shared>>)
        tpu.yield
      }) : () -> ()
      "tpu.region"() ({
        %run_scoped3A = tpu.sem_alloc : memref<!tpu.dma_semaphore, #tpu.memory_space<semaphore_mem>>
        %dma_start3A = tpu.memref_slice %arg7[%add3A_403] : memref<3276800xi32, #tpu.memory_space<hbm>> -> memref<10240xi32, #tpu.memory_space<hbm>>
        %dma_start3A_430 = tpu.memref_slice %arg7[%add3A_403] : memref<3276800xi32, #tpu.memory_space<hbm>> -> memref<10240xi32, #tpu.memory_space<hbm>>
        tpu.enqueue_dma source(%arg12 : memref<10240xi32, #tpu.memory_space<vmem>>) target(%dma_start3A_430 : memref<10240xi32, #tpu.memory_space<hbm>>) target_semaphore(%run_scoped3A : memref<!tpu.dma_semaphore, #tpu.memory_space<semaphore_mem>>)
        %dma_wait3A = tpu.memref_slice %arg7[%add3A_403] : memref<3276800xi32, #tpu.memory_space<hbm>> -> memref<10240xi32, #tpu.memory_space<hbm>>
        %dma_wait3A_431 = tpu.memref_slice %arg7[%add3A_403] : memref<3276800xi32, #tpu.memory_space<hbm>> -> memref<10240xi32, #tpu.memory_space<hbm>>
        tpu.wait_dma2 semaphore(%run_scoped3A : memref<!tpu.dma_semaphore, #tpu.memory_space<semaphore_mem>>) src(%arg12 : memref<10240xi32, #tpu.memory_space<vmem>>) dst(%dma_wait3A_431 : memref<10240xi32, #tpu.memory_space<hbm>>)
        tpu.yield
      }) : () -> ()
      %get3A_409 = arith.constant 0 : index
      %get3A_410 = tpu.vector_load %arg15[%get3A_409] {strides = array<i32>} : memref<16xi32, #tpu.memory_space<vmem>>, vector<16xi32>,
      %reduce_sum3A_411 = arith.constant true
      %reduce_sum3A_412 = vector.broadcast %reduce_sum3A_411 : i1 to vector<16xi1>
      %reduce_sum3A_413 = tpu.scan <sum>, %get3A_410 masked %reduce_sum3A_412 : vector<16xi32>, vector<16xi1> -> vector<16xi32>
      %reduce_sum3A_414 = vector.extract %reduce_sum3A_413[15] : i32 from vector<16xi32>
      %sc_fetch_and_add3A_415 = arith.constant 0 : i32
      %sc_fetch_and_add3A_416 = arith.constant 0 : i32
      %sc_fetch_and_add3A_417 = tpu.fetch_and_add_sync %arg16[%sc_fetch_and_add3A_415], %reduce_sum3A_414, %sc_fetch_and_add3A_416 : memref<1xi32, #tpu.memory_space<smem>>, i32 -> i32
      %barrier3A_418 = arith.constant 0 : index
      tpu.barrier barrier_id(%barrier3A_418)
      %sc_fetch_and_add3A_419 = arith.constant 0 : i32
      %sc_fetch_and_add3A_420 = arith.constant 0 : i32
      %sc_fetch_and_add3A_421 = arith.constant 0 : i32
      %sc_fetch_and_add3A_422 = tpu.fetch_and_add_sync %arg16[%sc_fetch_and_add3A_420], %sc_fetch_and_add3A_419, %sc_fetch_and_add3A_421 : memref<1xi32, #tpu.memory_space<smem>>, i32 -> i32
      %barrier3A_423 = arith.constant 0 : index
      tpu.barrier barrier_id(%barrier3A_423)
      %eq3A_424 = arith.constant 0 : i32
      %eq3A_425 = arith.cmpi eq, %arg1, %eq3A_424 : i32
      %convert_element_type3A_426 = arith.extui %eq3A_425 : i1 to i32
      %cond3A_427 = arith.constant 0 : i32
      %cond3A_428 = arith.cmpi ne, %convert_element_type3A_426, %cond3A_427 : i32
      scf.if %cond3A_428 {
        %swap3A_430 = arith.constant 0 : i32
        %swap3A_431 = arith.constant 0 : i32
        %swap3A_432 = arith.index_cast %swap3A_431 : i32 to index
        %swap3A_433 = memref.load %arg16[%swap3A_432] : memref<1xi32, #tpu.memory_space<smem>>
        memref.store %swap3A_430, %arg16[%swap3A_432] : memref<1xi32, #tpu.memory_space<smem>>
      } else {
      }
      %barrier3A_429 = arith.constant 0 : index
      tpu.barrier barrier_id(%barrier3A_429)
      scf.yield %sc_fetch_and_add3A_422 : i32
    }
    %add3A_184 = arith.constant 0 : i32
    %add3A_185 = arith.addi %mul3A_14, %add3A_184 : i32
    "tpu.region"() ({
      %run_scoped3A = tpu.sem_alloc : memref<!tpu.dma_semaphore, #tpu.memory_space<semaphore_mem>>
      %dma_start3A = tpu.memref_slice %arg3[%add3A_185] : memref<1638400xi32, #tpu.memory_space<hbm>> -> memref<10240xi32, #tpu.memory_space<hbm>>
      %dma_start3A_304 = tpu.memref_slice %arg3[%add3A_185] : memref<1638400xi32, #tpu.memory_space<hbm>> -> memref<10240xi32, #tpu.memory_space<hbm>>
      tpu.enqueue_dma source(%dma_start3A_304 : memref<10240xi32, #tpu.memory_space<hbm>>) target(%arg10 : memref<10240xi32, #tpu.memory_space<vmem>>) target_semaphore(%run_scoped3A : memref<!tpu.dma_semaphore, #tpu.memory_space<semaphore_mem>>)
      %dma_wait3A = tpu.memref_slice %arg3[%add3A_185] : memref<1638400xi32, #tpu.memory_space<hbm>> -> memref<10240xi32, #tpu.memory_space<hbm>>
      %dma_wait3A_305 = tpu.memref_slice %arg3[%add3A_185] : memref<1638400xi32, #tpu.memory_space<hbm>> -> memref<10240xi32, #tpu.memory_space<hbm>>
      tpu.wait_dma2 semaphore(%run_scoped3A : memref<!tpu.dma_semaphore, #tpu.memory_space<semaphore_mem>>) src(%dma_wait3A_305 : memref<10240xi32, #tpu.memory_space<hbm>>) dst(%arg10 : memref<10240xi32, #tpu.memory_space<vmem>>)
      tpu.yield
    }) : () -> ()
    "tpu.region"() ({
      %run_scoped3A = tpu.sem_alloc : memref<!tpu.dma_semaphore, #tpu.memory_space<semaphore_mem>>
      %dma_start3A = tpu.memref_slice %arg2[%add3A_185] : memref<1638400xf32, #tpu.memory_space<hbm>> -> memref<10240xf32, #tpu.memory_space<hbm>>
      %dma_start3A_304 = tpu.memref_slice %arg2[%add3A_185] : memref<1638400xf32, #tpu.memory_space<hbm>> -> memref<10240xf32, #tpu.memory_space<hbm>>
      tpu.enqueue_dma source(%dma_start3A_304 : memref<10240xf32, #tpu.memory_space<hbm>>) target(%arg11 : memref<10240xf32, #tpu.memory_space<vmem>>) target_semaphore(%run_scoped3A : memref<!tpu.dma_semaphore, #tpu.memory_space<semaphore_mem>>)
      %dma_wait3A = tpu.memref_slice %arg2[%add3A_185] : memref<1638400xf32, #tpu.memory_space<hbm>> -> memref<10240xf32, #tpu.memory_space<hbm>>
      %dma_wait3A_305 = tpu.memref_slice %arg2[%add3A_185] : memref<1638400xf32, #tpu.memory_space<hbm>> -> memref<10240xf32, #tpu.memory_space<hbm>>
      tpu.wait_dma2 semaphore(%run_scoped3A : memref<!tpu.dma_semaphore, #tpu.memory_space<semaphore_mem>>) src(%dma_wait3A_305 : memref<10240xf32, #tpu.memory_space<hbm>>) dst(%arg11 : memref<10240xf32, #tpu.memory_space<vmem>>)
      tpu.yield
    }) : () -> ()
    %scan3A_186 = arith.constant 0 : i32
    %scan3A_187 = arith.constant 640 : i32
    %scan3A_188 = arith.addi %scan3A_186, %scan3A_187 : i32
    %scan3A_189 = arith.constant 1 : i32
    scf.for %scan3A_304 = %scan3A_186 to %scan3A_188 step %scan3A_189  : i32 {
      %mul3A_305 = arith.constant 16 : i32
      %mul3A_306 = arith.muli %scan3A_304, %mul3A_305 : i32
      %add3A_307 = arith.constant 0 : i32
      %add3A_308 = arith.addi %add3A_307, %mul3A_306 : i32
      %get3A_309 = arith.index_cast %add3A_308 : i32 to index
      %get3A_310 = tpu.vector_load %arg10[%get3A_309] {strides = array<i32>} : memref<10240xi32, #tpu.memory_space<vmem>>, vector<16xi32>,
      %sub3A = vector.broadcast %mul3A_0 : i32 to vector<16xi32>
      %sub3A_311 = arith.subi %get3A_310, %sub3A : vector<16xi32>
      %ge3A = arith.constant 0 : i32
      %ge3A_312 = vector.broadcast %ge3A : i32 to vector<16xi32>
      %ge3A_313 = arith.cmpi sge, %sub3A_311, %ge3A_312 : vector<16xi32>
      %lt3A = arith.constant 524288 : i32
      %lt3A_314 = vector.broadcast %lt3A : i32 to vector<16xi32>
      %lt3A_315 = arith.cmpi slt, %sub3A_311, %lt3A_314 : vector<16xi32>
      %and3A = arith.andi %ge3A_313, %lt3A_315 : vector<16xi1>
      %select_n3A = arith.select %and3A, %sub3A_311, %add3A_12 : vector<16xi1>, vector<16xi32>
      %swap3A_316 = arith.index_cast %add3A_308 : i32 to index
      %swap3A_317 = tpu.vector_load %arg12[%swap3A_316] {strides = array<i32>} : memref<10240xi32, #tpu.memory_space<vmem>>, vector<16xi32>,
      tpu.vector_store %arg12[%swap3A_316], %select_n3A {strides = array<i32>} : memref<10240xi32, #tpu.memory_space<vmem>>, vector<16xi32>,
    }
    %scan3A_190 = arith.constant 640 : i32
    "tpu.region"() ({
      %run_scoped3A = tpu.sem_alloc : memref<!tpu.dma_semaphore, #tpu.memory_space<semaphore_mem>>
      %dma_start3A = arith.constant 0 : i32
      %dma_start3A_304 = tpu.memref_slice %arg8[%dma_start3A] : memref<524544xf32, #tpu.memory_space<vmem_shared>> -> memref<524544xf32, #tpu.memory_space<vmem_shared>>
      tpu.enqueue_indirect_dma source(%dma_start3A_304 : memref<524544xf32, #tpu.memory_space<vmem_shared>>) target(%arg13 : memref<10240xf32, #tpu.memory_space<vmem>>) offsets(%arg12 : memref<10240xi32, #tpu.memory_space<vmem>>) semaphore(%run_scoped3A : memref<!tpu.dma_semaphore, #tpu.memory_space<semaphore_mem>>)
      %dma_wait3A = arith.constant 0 : i32
      %dma_wait3A_305 = tpu.memref_slice %arg8[%dma_wait3A] : memref<524544xf32, #tpu.memory_space<vmem_shared>> -> memref<524544xf32, #tpu.memory_space<vmem_shared>>
      tpu.wait_indirect_dma semaphore(%run_scoped3A : memref<!tpu.dma_semaphore, #tpu.memory_space<semaphore_mem>>) src(%dma_wait3A_305 : memref<524544xf32, #tpu.memory_space<vmem_shared>>) dst(%arg13 : memref<10240xf32, #tpu.memory_space<vmem>>)
      tpu.yield
    }) : () -> ()
    "tpu.region"() ({
      %run_scoped3A = tpu.sem_alloc : memref<!tpu.dma_semaphore, #tpu.memory_space<semaphore_mem>>
      %dma_start3A = arith.constant 0 : i32
      %dma_start3A_304 = tpu.memref_slice %arg9[%dma_start3A] : memref<524544xf32, #tpu.memory_space<vmem_shared>> -> memref<524544xf32, #tpu.memory_space<vmem_shared>>
      tpu.enqueue_indirect_dma source(%dma_start3A_304 : memref<524544xf32, #tpu.memory_space<vmem_shared>>) target(%arg14 : memref<10240xf32, #tpu.memory_space<vmem>>) offsets(%arg12 : memref<10240xi32, #tpu.memory_space<vmem>>) semaphore(%run_scoped3A : memref<!tpu.dma_semaphore, #tpu.memory_space<semaphore_mem>>)
      %dma_wait3A = arith.constant 0 : i32
      %dma_wait3A_305 = tpu.memref_slice %arg9[%dma_wait3A] : memref<524544xf32, #tpu.memory_space<vmem_shared>> -> memref<524544xf32, #tpu.memory_space<vmem_shared>>
      tpu.wait_indirect_dma semaphore(%run_scoped3A : memref<!tpu.dma_semaphore, #tpu.memory_space<semaphore_mem>>) src(%dma_wait3A_305 : memref<524544xf32, #tpu.memory_space<vmem_shared>>) dst(%arg14 : memref<10240xf32, #tpu.memory_space<vmem>>)
      tpu.yield
    }) : () -> ()
    %scan3A_191 = arith.constant 0 : i32
    %scan3A_192 = arith.constant 640 : i32
    %scan3A_193 = arith.addi %scan3A_191, %scan3A_192 : i32
    %scan3A_194 = arith.constant 1 : i32
    scf.for %scan3A_304 = %scan3A_191 to %scan3A_193 step %scan3A_194  : i32 {
      %mul3A_305 = arith.constant 16 : i32
      %mul3A_306 = arith.muli %scan3A_304, %mul3A_305 : i32
      %add3A_307 = arith.constant 0 : i32
      %add3A_308 = arith.addi %add3A_307, %mul3A_306 : i32
      %get3A_309 = arith.index_cast %add3A_308 : i32 to index
      %get3A_310 = tpu.vector_load %arg11[%get3A_309] {strides = array<i32>} : memref<10240xf32, #tpu.memory_space<vmem>>, vector<16xf32>,
      %get3A_311 = arith.index_cast %add3A_308 : i32 to index
      %get3A_312 = tpu.vector_load %arg12[%get3A_311] {strides = array<i32>} : memref<10240xi32, #tpu.memory_space<vmem>>, vector<16xi32>,
      %get3A_313 = arith.index_cast %add3A_308 : i32 to index
      %get3A_314 = tpu.vector_load %arg13[%get3A_313] {strides = array<i32>} : memref<10240xf32, #tpu.memory_space<vmem>>, vector<16xf32>,
      %get3A_315 = arith.index_cast %add3A_308 : i32 to index
      %get3A_316 = tpu.vector_load %arg14[%get3A_315] {strides = array<i32>} : memref<10240xf32, #tpu.memory_space<vmem>>, vector<16xf32>,
      %lt3A = arith.constant 524288 : i32
      %lt3A_317 = vector.broadcast %lt3A : i32 to vector<16xi32>
      %lt3A_318 = arith.cmpi slt, %get3A_312, %lt3A_317 : vector<16xi32>
      %max3A = arith.constant 9.99999974E-6 : f32
      %max3A_319 = vector.broadcast %max3A : f32 to vector<16xf32>
      %max3A_320 = arith.maximumf %get3A_314, %max3A_319 : vector<16xf32>
      %div3A = arith.divf %get3A_310, %max3A_320 : vector<16xf32>
      %max3A_321 = arith.constant -1.000000e+00 : f32
      %max3A_322 = vector.broadcast %max3A_321 : f32 to vector<16xf32>
      %max3A_323 = arith.maximumf %div3A, %max3A_322 : vector<16xf32>
      %min3A = arith.constant 1.000000e+00 : f32
      %min3A_324 = vector.broadcast %min3A : f32 to vector<16xf32>
      %min3A_325 = arith.minimumf %max3A_323, %min3A_324 : vector<16xf32>
      %add3A_326 = arith.addf %min3A_325, %get3A_316 : vector<16xf32>
      %jit3A = arith.constant 0.000000e+00 : f32
      %broadcast_in_dim3A_327 = vector.broadcast %jit3A : f32 to vector<16xf32>
      %select_n3A = arith.select %lt3A_318, %add3A_326, %broadcast_in_dim3A_327 : vector<16xi1>, vector<16xf32>
      %swap3A_328 = arith.index_cast %add3A_308 : i32 to index
      %swap3A_329 = tpu.vector_load %arg11[%swap3A_328] {strides = array<i32>} : memref<10240xf32, #tpu.memory_space<vmem>>, vector<16xf32>,
      tpu.vector_store %arg11[%swap3A_328], %select_n3A {strides = array<i32>} : memref<10240xf32, #tpu.memory_space<vmem>>, vector<16xf32>,
    }
    %scan3A_195 = arith.constant 640 : i32
    "tpu.region"() ({
      %run_scoped3A = tpu.sem_alloc : memref<!tpu.dma_semaphore, #tpu.memory_space<semaphore_mem>>
      %dma_start3A = tpu.memref_slice %arg6[%arg0, %add3A_185] : memref<2x1638400xf32, #tpu.memory_space<hbm>> -> memref<1x10240xf32, #tpu.memory_space<hbm>>
      %dma_start3A_304 = tpu.memref_squeeze %dma_start3A : memref<1x10240xf32, #tpu.memory_space<hbm>> -> memref<10240xf32, #tpu.memory_space<hbm>>
      %dma_start3A_305 = tpu.memref_slice %arg6[%arg0, %add3A_185] : memref<2x1638400xf32, #tpu.memory_space<hbm>> -> memref<1x10240xf32, #tpu.memory_space<hbm>>
      %dma_start3A_306 = tpu.memref_squeeze %dma_start3A_305 : memref<1x10240xf32, #tpu.memory_space<hbm>> -> memref<10240xf32, #tpu.memory_space<hbm>>
      tpu.enqueue_dma source(%arg11 : memref<10240xf32, #tpu.memory_space<vmem>>) target(%dma_start3A_306 : memref<10240xf32, #tpu.memory_space<hbm>>) target_semaphore(%run_scoped3A : memref<!tpu.dma_semaphore, #tpu.memory_space<semaphore_mem>>)
      %dma_wait3A = tpu.memref_slice %arg6[%arg0, %add3A_185] : memref<2x1638400xf32, #tpu.memory_space<hbm>> -> memref<1x10240xf32, #tpu.memory_space<hbm>>
      %dma_wait3A_307 = tpu.memref_squeeze %dma_wait3A : memref<1x10240xf32, #tpu.memory_space<hbm>> -> memref<10240xf32, #tpu.memory_space<hbm>>
      %dma_wait3A_308 = tpu.memref_slice %arg6[%arg0, %add3A_185] : memref<2x1638400xf32, #tpu.memory_space<hbm>> -> memref<1x10240xf32, #tpu.memory_space<hbm>>
      %dma_wait3A_309 = tpu.memref_squeeze %dma_wait3A_308 : memref<1x10240xf32, #tpu.memory_space<hbm>> -> memref<10240xf32, #tpu.memory_space<hbm>>
      tpu.wait_dma2 semaphore(%run_scoped3A : memref<!tpu.dma_semaphore, #tpu.memory_space<semaphore_mem>>) src(%arg11 : memref<10240xf32, #tpu.memory_space<vmem>>) dst(%dma_wait3A_309 : memref<10240xf32, #tpu.memory_space<hbm>>)
      tpu.yield
    }) : () -> ()
    %add3A_196 = arith.constant 10240 : i32
    %add3A_197 = arith.addi %mul3A_14, %add3A_196 : i32
    "tpu.region"() ({
      %run_scoped3A = tpu.sem_alloc : memref<!tpu.dma_semaphore, #tpu.memory_space<semaphore_mem>>
      %dma_start3A = tpu.memref_slice %arg3[%add3A_197] : memref<1638400xi32, #tpu.memory_space<hbm>> -> memref<10240xi32, #tpu.memory_space<hbm>>
      %dma_start3A_304 = tpu.memref_slice %arg3[%add3A_197] : memref<1638400xi32, #tpu.memory_space<hbm>> -> memref<10240xi32, #tpu.memory_space<hbm>>
      tpu.enqueue_dma source(%dma_start3A_304 : memref<10240xi32, #tpu.memory_space<hbm>>) target(%arg10 : memref<10240xi32, #tpu.memory_space<vmem>>) target_semaphore(%run_scoped3A : memref<!tpu.dma_semaphore, #tpu.memory_space<semaphore_mem>>)
      %dma_wait3A = tpu.memref_slice %arg3[%add3A_197] : memref<1638400xi32, #tpu.memory_space<hbm>> -> memref<10240xi32, #tpu.memory_space<hbm>>
      %dma_wait3A_305 = tpu.memref_slice %arg3[%add3A_197] : memref<1638400xi32, #tpu.memory_space<hbm>> -> memref<10240xi32, #tpu.memory_space<hbm>>
      tpu.wait_dma2 semaphore(%run_scoped3A : memref<!tpu.dma_semaphore, #tpu.memory_space<semaphore_mem>>) src(%dma_wait3A_305 : memref<10240xi32, #tpu.memory_space<hbm>>) dst(%arg10 : memref<10240xi32, #tpu.memory_space<vmem>>)
      tpu.yield
    }) : () -> ()
    "tpu.region"() ({
      %run_scoped3A = tpu.sem_alloc : memref<!tpu.dma_semaphore, #tpu.memory_space<semaphore_mem>>
      %dma_start3A = tpu.memref_slice %arg2[%add3A_197] : memref<1638400xf32, #tpu.memory_space<hbm>> -> memref<10240xf32, #tpu.memory_space<hbm>>
      %dma_start3A_304 = tpu.memref_slice %arg2[%add3A_197] : memref<1638400xf32, #tpu.memory_space<hbm>> -> memref<10240xf32, #tpu.memory_space<hbm>>
      tpu.enqueue_dma source(%dma_start3A_304 : memref<10240xf32, #tpu.memory_space<hbm>>) target(%arg11 : memref<10240xf32, #tpu.memory_space<vmem>>) target_semaphore(%run_scoped3A : memref<!tpu.dma_semaphore, #tpu.memory_space<semaphore_mem>>)
      %dma_wait3A = tpu.memref_slice %arg2[%add3A_197] : memref<1638400xf32, #tpu.memory_space<hbm>> -> memref<10240xf32, #tpu.memory_space<hbm>>
      %dma_wait3A_305 = tpu.memref_slice %arg2[%add3A_197] : memref<1638400xf32, #tpu.memory_space<hbm>> -> memref<10240xf32, #tpu.memory_space<hbm>>
      tpu.wait_dma2 semaphore(%run_scoped3A : memref<!tpu.dma_semaphore, #tpu.memory_space<semaphore_mem>>) src(%dma_wait3A_305 : memref<10240xf32, #tpu.memory_space<hbm>>) dst(%arg11 : memref<10240xf32, #tpu.memory_space<vmem>>)
      tpu.yield
    }) : () -> ()
    %scan3A_198 = arith.constant 0 : i32
    %scan3A_199 = arith.constant 640 : i32
    %scan3A_200 = arith.addi %scan3A_198, %scan3A_199 : i32
    %scan3A_201 = arith.constant 1 : i32
    scf.for %scan3A_304 = %scan3A_198 to %scan3A_200 step %scan3A_201  : i32 {
      %mul3A_305 = arith.constant 16 : i32
      %mul3A_306 = arith.muli %scan3A_304, %mul3A_305 : i32
      %add3A_307 = arith.constant 0 : i32
      %add3A_308 = arith.addi %add3A_307, %mul3A_306 : i32
      %get3A_309 = arith.index_cast %add3A_308 : i32 to index
      %get3A_310 = tpu.vector_load %arg10[%get3A_309] {strides = array<i32>} : memref<10240xi32, #tpu.memory_space<vmem>>, vector<16xi32>,
      %sub3A = vector.broadcast %mul3A_0 : i32 to vector<16xi32>
      %sub3A_311 = arith.subi %get3A_310, %sub3A : vector<16xi32>
      %ge3A = arith.constant 0 : i32
      %ge3A_312 = vector.broadcast %ge3A : i32 to vector<16xi32>
      %ge3A_313 = arith.cmpi sge, %sub3A_311, %ge3A_312 : vector<16xi32>
      %lt3A = arith.constant 524288 : i32
      %lt3A_314 = vector.broadcast %lt3A : i32 to vector<16xi32>
      %lt3A_315 = arith.cmpi slt, %sub3A_311, %lt3A_314 : vector<16xi32>
      %and3A = arith.andi %ge3A_313, %lt3A_315 : vector<16xi1>
      %select_n3A = arith.select %and3A, %sub3A_311, %add3A_12 : vector<16xi1>, vector<16xi32>
      %swap3A_316 = arith.index_cast %add3A_308 : i32 to index
      %swap3A_317 = tpu.vector_load %arg12[%swap3A_316] {strides = array<i32>} : memref<10240xi32, #tpu.memory_space<vmem>>, vector<16xi32>,
      tpu.vector_store %arg12[%swap3A_316], %select_n3A {strides = array<i32>} : memref<10240xi32, #tpu.memory_space<vmem>>, vector<16xi32>,
    }
    %scan3A_202 = arith.constant 640 : i32
    "tpu.region"() ({
      %run_scoped3A = tpu.sem_alloc : memref<!tpu.dma_semaphore, #tpu.memory_space<semaphore_mem>>
      %dma_start3A = arith.constant 0 : i32
      %dma_start3A_304 = tpu.memref_slice %arg8[%dma_start3A] : memref<524544xf32, #tpu.memory_space<vmem_shared>> -> memref<524544xf32, #tpu.memory_space<vmem_shared>>
      tpu.enqueue_indirect_dma source(%dma_start3A_304 : memref<524544xf32, #tpu.memory_space<vmem_shared>>) target(%arg13 : memref<10240xf32, #tpu.memory_space<vmem>>) offsets(%arg12 : memref<10240xi32, #tpu.memory_space<vmem>>) semaphore(%run_scoped3A : memref<!tpu.dma_semaphore, #tpu.memory_space<semaphore_mem>>)
      %dma_wait3A = arith.constant 0 : i32
      %dma_wait3A_305 = tpu.memref_slice %arg8[%dma_wait3A] : memref<524544xf32, #tpu.memory_space<vmem_shared>> -> memref<524544xf32, #tpu.memory_space<vmem_shared>>
      tpu.wait_indirect_dma semaphore(%run_scoped3A : memref<!tpu.dma_semaphore, #tpu.memory_space<semaphore_mem>>) src(%dma_wait3A_305 : memref<524544xf32, #tpu.memory_space<vmem_shared>>) dst(%arg13 : memref<10240xf32, #tpu.memory_space<vmem>>)
      tpu.yield
    }) : () -> ()
    "tpu.region"() ({
      %run_scoped3A = tpu.sem_alloc : memref<!tpu.dma_semaphore, #tpu.memory_space<semaphore_mem>>
      %dma_start3A = arith.constant 0 : i32
      %dma_start3A_304 = tpu.memref_slice %arg9[%dma_start3A] : memref<524544xf32, #tpu.memory_space<vmem_shared>> -> memref<524544xf32, #tpu.memory_space<vmem_shared>>
      tpu.enqueue_indirect_dma source(%dma_start3A_304 : memref<524544xf32, #tpu.memory_space<vmem_shared>>) target(%arg14 : memref<10240xf32, #tpu.memory_space<vmem>>) offsets(%arg12 : memref<10240xi32, #tpu.memory_space<vmem>>) semaphore(%run_scoped3A : memref<!tpu.dma_semaphore, #tpu.memory_space<semaphore_mem>>)
      %dma_wait3A = arith.constant 0 : i32
      %dma_wait3A_305 = tpu.memref_slice %arg9[%dma_wait3A] : memref<524544xf32, #tpu.memory_space<vmem_shared>> -> memref<524544xf32, #tpu.memory_space<vmem_shared>>
      tpu.wait_indirect_dma semaphore(%run_scoped3A : memref<!tpu.dma_semaphore, #tpu.memory_space<semaphore_mem>>) src(%dma_wait3A_305 : memref<524544xf32, #tpu.memory_space<vmem_shared>>) dst(%arg14 : memref<10240xf32, #tpu.memory_space<vmem>>)
      tpu.yield
    }) : () -> ()
    %scan3A_203 = arith.constant 0 : i32
    %scan3A_204 = arith.constant 640 : i32
    %scan3A_205 = arith.addi %scan3A_203, %scan3A_204 : i32
    %scan3A_206 = arith.constant 1 : i32
    scf.for %scan3A_304 = %scan3A_203 to %scan3A_205 step %scan3A_206  : i32 {
      %mul3A_305 = arith.constant 16 : i32
      %mul3A_306 = arith.muli %scan3A_304, %mul3A_305 : i32
      %add3A_307 = arith.constant 0 : i32
      %add3A_308 = arith.addi %add3A_307, %mul3A_306 : i32
      %get3A_309 = arith.index_cast %add3A_308 : i32 to index
      %get3A_310 = tpu.vector_load %arg11[%get3A_309] {strides = array<i32>} : memref<10240xf32, #tpu.memory_space<vmem>>, vector<16xf32>,
      %get3A_311 = arith.index_cast %add3A_308 : i32 to index
      %get3A_312 = tpu.vector_load %arg12[%get3A_311] {strides = array<i32>} : memref<10240xi32, #tpu.memory_space<vmem>>, vector<16xi32>,
      %get3A_313 = arith.index_cast %add3A_308 : i32 to index
      %get3A_314 = tpu.vector_load %arg13[%get3A_313] {strides = array<i32>} : memref<10240xf32, #tpu.memory_space<vmem>>, vector<16xf32>,
      %get3A_315 = arith.index_cast %add3A_308 : i32 to index
      %get3A_316 = tpu.vector_load %arg14[%get3A_315] {strides = array<i32>} : memref<10240xf32, #tpu.memory_space<vmem>>, vector<16xf32>,
      %lt3A = arith.constant 524288 : i32
      %lt3A_317 = vector.broadcast %lt3A : i32 to vector<16xi32>
      %lt3A_318 = arith.cmpi slt, %get3A_312, %lt3A_317 : vector<16xi32>
      %max3A = arith.constant 9.99999974E-6 : f32
      %max3A_319 = vector.broadcast %max3A : f32 to vector<16xf32>
      %max3A_320 = arith.maximumf %get3A_314, %max3A_319 : vector<16xf32>
      %div3A = arith.divf %get3A_310, %max3A_320 : vector<16xf32>
      %max3A_321 = arith.constant -1.000000e+00 : f32
      %max3A_322 = vector.broadcast %max3A_321 : f32 to vector<16xf32>
      %max3A_323 = arith.maximumf %div3A, %max3A_322 : vector<16xf32>
      %min3A = arith.constant 1.000000e+00 : f32
      %min3A_324 = vector.broadcast %min3A : f32 to vector<16xf32>
      %min3A_325 = arith.minimumf %max3A_323, %min3A_324 : vector<16xf32>
      %add3A_326 = arith.addf %min3A_325, %get3A_316 : vector<16xf32>
      %jit3A = arith.constant 0.000000e+00 : f32
      %broadcast_in_dim3A_327 = vector.broadcast %jit3A : f32 to vector<16xf32>
      %select_n3A = arith.select %lt3A_318, %add3A_326, %broadcast_in_dim3A_327 : vector<16xi1>, vector<16xf32>
      %swap3A_328 = arith.index_cast %add3A_308 : i32 to index
      %swap3A_329 = tpu.vector_load %arg11[%swap3A_328] {strides = array<i32>} : memref<10240xf32, #tpu.memory_space<vmem>>, vector<16xf32>,
      tpu.vector_store %arg11[%swap3A_328], %select_n3A {strides = array<i32>} : memref<10240xf32, #tpu.memory_space<vmem>>, vector<16xf32>,
    }
    %scan3A_207 = arith.constant 640 : i32
    "tpu.region"() ({
      %run_scoped3A = tpu.sem_alloc : memref<!tpu.dma_semaphore, #tpu.memory_space<semaphore_mem>>
      %dma_start3A = tpu.memref_slice %arg6[%arg0, %add3A_197] : memref<2x1638400xf32, #tpu.memory_space<hbm>> -> memref<1x10240xf32, #tpu.memory_space<hbm>>
      %dma_start3A_304 = tpu.memref_squeeze %dma_start3A : memref<1x10240xf32, #tpu.memory_space<hbm>> -> memref<10240xf32, #tpu.memory_space<hbm>>
      %dma_start3A_305 = tpu.memref_slice %arg6[%arg0, %add3A_197] : memref<2x1638400xf32, #tpu.memory_space<hbm>> -> memref<1x10240xf32, #tpu.memory_space<hbm>>
      %dma_start3A_306 = tpu.memref_squeeze %dma_start3A_305 : memref<1x10240xf32, #tpu.memory_space<hbm>> -> memref<10240xf32, #tpu.memory_space<hbm>>
      tpu.enqueue_dma source(%arg11 : memref<10240xf32, #tpu.memory_space<vmem>>) target(%dma_start3A_306 : memref<10240xf32, #tpu.memory_space<hbm>>) target_semaphore(%run_scoped3A : memref<!tpu.dma_semaphore, #tpu.memory_space<semaphore_mem>>)
      %dma_wait3A = tpu.memref_slice %arg6[%arg0, %add3A_197] : memref<2x1638400xf32, #tpu.memory_space<hbm>> -> memref<1x10240xf32, #tpu.memory_space<hbm>>
      %dma_wait3A_307 = tpu.memref_squeeze %dma_wait3A : memref<1x10240xf32, #tpu.memory_space<hbm>> -> memref<10240xf32, #tpu.memory_space<hbm>>
      %dma_wait3A_308 = tpu.memref_slice %arg6[%arg0, %add3A_197] : memref<2x1638400xf32, #tpu.memory_space<hbm>> -> memref<1x10240xf32, #tpu.memory_space<hbm>>
      %dma_wait3A_309 = tpu.memref_squeeze %dma_wait3A_308 : memref<1x10240xf32, #tpu.memory_space<hbm>> -> memref<10240xf32, #tpu.memory_space<hbm>>
      tpu.wait_dma2 semaphore(%run_scoped3A : memref<!tpu.dma_semaphore, #tpu.memory_space<semaphore_mem>>) src(%arg11 : memref<10240xf32, #tpu.memory_space<vmem>>) dst(%dma_wait3A_309 : memref<10240xf32, #tpu.memory_space<hbm>>)
      tpu.yield
    }) : () -> ()
    %add3A_208 = arith.constant 20480 : i32
    %add3A_209 = arith.addi %mul3A_14, %add3A_208 : i32
    "tpu.region"() ({
      %run_scoped3A = tpu.sem_alloc : memref<!tpu.dma_semaphore, #tpu.memory_space<semaphore_mem>>
      %dma_start3A = tpu.memref_slice %arg3[%add3A_209] : memref<1638400xi32, #tpu.memory_space<hbm>> -> memref<10240xi32, #tpu.memory_space<hbm>>
      %dma_start3A_304 = tpu.memref_slice %arg3[%add3A_209] : memref<1638400xi32, #tpu.memory_space<hbm>> -> memref<10240xi32, #tpu.memory_space<hbm>>
      tpu.enqueue_dma source(%dma_start3A_304 : memref<10240xi32, #tpu.memory_space<hbm>>) target(%arg10 : memref<10240xi32, #tpu.memory_space<vmem>>) target_semaphore(%run_scoped3A : memref<!tpu.dma_semaphore, #tpu.memory_space<semaphore_mem>>)
      %dma_wait3A = tpu.memref_slice %arg3[%add3A_209] : memref<1638400xi32, #tpu.memory_space<hbm>> -> memref<10240xi32, #tpu.memory_space<hbm>>
      %dma_wait3A_305 = tpu.memref_slice %arg3[%add3A_209] : memref<1638400xi32, #tpu.memory_space<hbm>> -> memref<10240xi32, #tpu.memory_space<hbm>>
      tpu.wait_dma2 semaphore(%run_scoped3A : memref<!tpu.dma_semaphore, #tpu.memory_space<semaphore_mem>>) src(%dma_wait3A_305 : memref<10240xi32, #tpu.memory_space<hbm>>) dst(%arg10 : memref<10240xi32, #tpu.memory_space<vmem>>)
      tpu.yield
    }) : () -> ()
    "tpu.region"() ({
      %run_scoped3A = tpu.sem_alloc : memref<!tpu.dma_semaphore, #tpu.memory_space<semaphore_mem>>
      %dma_start3A = tpu.memref_slice %arg2[%add3A_209] : memref<1638400xf32, #tpu.memory_space<hbm>> -> memref<10240xf32, #tpu.memory_space<hbm>>
      %dma_start3A_304 = tpu.memref_slice %arg2[%add3A_209] : memref<1638400xf32, #tpu.memory_space<hbm>> -> memref<10240xf32, #tpu.memory_space<hbm>>
      tpu.enqueue_dma source(%dma_start3A_304 : memref<10240xf32, #tpu.memory_space<hbm>>) target(%arg11 : memref<10240xf32, #tpu.memory_space<vmem>>) target_semaphore(%run_scoped3A : memref<!tpu.dma_semaphore, #tpu.memory_space<semaphore_mem>>)
      %dma_wait3A = tpu.memref_slice %arg2[%add3A_209] : memref<1638400xf32, #tpu.memory_space<hbm>> -> memref<10240xf32, #tpu.memory_space<hbm>>
      %dma_wait3A_305 = tpu.memref_slice %arg2[%add3A_209] : memref<1638400xf32, #tpu.memory_space<hbm>> -> memref<10240xf32, #tpu.memory_space<hbm>>
      tpu.wait_dma2 semaphore(%run_scoped3A : memref<!tpu.dma_semaphore, #tpu.memory_space<semaphore_mem>>) src(%dma_wait3A_305 : memref<10240xf32, #tpu.memory_space<hbm>>) dst(%arg11 : memref<10240xf32, #tpu.memory_space<vmem>>)
      tpu.yield
    }) : () -> ()
    %scan3A_210 = arith.constant 0 : i32
    %scan3A_211 = arith.constant 640 : i32
    %scan3A_212 = arith.addi %scan3A_210, %scan3A_211 : i32
    %scan3A_213 = arith.constant 1 : i32
    scf.for %scan3A_304 = %scan3A_210 to %scan3A_212 step %scan3A_213  : i32 {
      %mul3A_305 = arith.constant 16 : i32
      %mul3A_306 = arith.muli %scan3A_304, %mul3A_305 : i32
      %add3A_307 = arith.constant 0 : i32
      %add3A_308 = arith.addi %add3A_307, %mul3A_306 : i32
      %get3A_309 = arith.index_cast %add3A_308 : i32 to index
      %get3A_310 = tpu.vector_load %arg10[%get3A_309] {strides = array<i32>} : memref<10240xi32, #tpu.memory_space<vmem>>, vector<16xi32>,
      %sub3A = vector.broadcast %mul3A_0 : i32 to vector<16xi32>
      %sub3A_311 = arith.subi %get3A_310, %sub3A : vector<16xi32>
      %ge3A = arith.constant 0 : i32
      %ge3A_312 = vector.broadcast %ge3A : i32 to vector<16xi32>
      %ge3A_313 = arith.cmpi sge, %sub3A_311, %ge3A_312 : vector<16xi32>
      %lt3A = arith.constant 524288 : i32
      %lt3A_314 = vector.broadcast %lt3A : i32 to vector<16xi32>
      %lt3A_315 = arith.cmpi slt, %sub3A_311, %lt3A_314 : vector<16xi32>
      %and3A = arith.andi %ge3A_313, %lt3A_315 : vector<16xi1>
      %select_n3A = arith.select %and3A, %sub3A_311, %add3A_12 : vector<16xi1>, vector<16xi32>
      %swap3A_316 = arith.index_cast %add3A_308 : i32 to index
      %swap3A_317 = tpu.vector_load %arg12[%swap3A_316] {strides = array<i32>} : memref<10240xi32, #tpu.memory_space<vmem>>, vector<16xi32>,
      tpu.vector_store %arg12[%swap3A_316], %select_n3A {strides = array<i32>} : memref<10240xi32, #tpu.memory_space<vmem>>, vector<16xi32>,
    }
    %scan3A_214 = arith.constant 640 : i32
    "tpu.region"() ({
      %run_scoped3A = tpu.sem_alloc : memref<!tpu.dma_semaphore, #tpu.memory_space<semaphore_mem>>
      %dma_start3A = arith.constant 0 : i32
      %dma_start3A_304 = tpu.memref_slice %arg8[%dma_start3A] : memref<524544xf32, #tpu.memory_space<vmem_shared>> -> memref<524544xf32, #tpu.memory_space<vmem_shared>>
      tpu.enqueue_indirect_dma source(%dma_start3A_304 : memref<524544xf32, #tpu.memory_space<vmem_shared>>) target(%arg13 : memref<10240xf32, #tpu.memory_space<vmem>>) offsets(%arg12 : memref<10240xi32, #tpu.memory_space<vmem>>) semaphore(%run_scoped3A : memref<!tpu.dma_semaphore, #tpu.memory_space<semaphore_mem>>)
      %dma_wait3A = arith.constant 0 : i32
      %dma_wait3A_305 = tpu.memref_slice %arg8[%dma_wait3A] : memref<524544xf32, #tpu.memory_space<vmem_shared>> -> memref<524544xf32, #tpu.memory_space<vmem_shared>>
      tpu.wait_indirect_dma semaphore(%run_scoped3A : memref<!tpu.dma_semaphore, #tpu.memory_space<semaphore_mem>>) src(%dma_wait3A_305 : memref<524544xf32, #tpu.memory_space<vmem_shared>>) dst(%arg13 : memref<10240xf32, #tpu.memory_space<vmem>>)
      tpu.yield
    }) : () -> ()
    "tpu.region"() ({
      %run_scoped3A = tpu.sem_alloc : memref<!tpu.dma_semaphore, #tpu.memory_space<semaphore_mem>>
      %dma_start3A = arith.constant 0 : i32
      %dma_start3A_304 = tpu.memref_slice %arg9[%dma_start3A] : memref<524544xf32, #tpu.memory_space<vmem_shared>> -> memref<524544xf32, #tpu.memory_space<vmem_shared>>
      tpu.enqueue_indirect_dma source(%dma_start3A_304 : memref<524544xf32, #tpu.memory_space<vmem_shared>>) target(%arg14 : memref<10240xf32, #tpu.memory_space<vmem>>) offsets(%arg12 : memref<10240xi32, #tpu.memory_space<vmem>>) semaphore(%run_scoped3A : memref<!tpu.dma_semaphore, #tpu.memory_space<semaphore_mem>>)
      %dma_wait3A = arith.constant 0 : i32
      %dma_wait3A_305 = tpu.memref_slice %arg9[%dma_wait3A] : memref<524544xf32, #tpu.memory_space<vmem_shared>> -> memref<524544xf32, #tpu.memory_space<vmem_shared>>
      tpu.wait_indirect_dma semaphore(%run_scoped3A : memref<!tpu.dma_semaphore, #tpu.memory_space<semaphore_mem>>) src(%dma_wait3A_305 : memref<524544xf32, #tpu.memory_space<vmem_shared>>) dst(%arg14 : memref<10240xf32, #tpu.memory_space<vmem>>)
      tpu.yield
    }) : () -> ()
    %scan3A_215 = arith.constant 0 : i32
    %scan3A_216 = arith.constant 640 : i32
    %scan3A_217 = arith.addi %scan3A_215, %scan3A_216 : i32
    %scan3A_218 = arith.constant 1 : i32
    scf.for %scan3A_304 = %scan3A_215 to %scan3A_217 step %scan3A_218  : i32 {
      %mul3A_305 = arith.constant 16 : i32
      %mul3A_306 = arith.muli %scan3A_304, %mul3A_305 : i32
      %add3A_307 = arith.constant 0 : i32
      %add3A_308 = arith.addi %add3A_307, %mul3A_306 : i32
      %get3A_309 = arith.index_cast %add3A_308 : i32 to index
      %get3A_310 = tpu.vector_load %arg11[%get3A_309] {strides = array<i32>} : memref<10240xf32, #tpu.memory_space<vmem>>, vector<16xf32>,
      %get3A_311 = arith.index_cast %add3A_308 : i32 to index
      %get3A_312 = tpu.vector_load %arg12[%get3A_311] {strides = array<i32>} : memref<10240xi32, #tpu.memory_space<vmem>>, vector<16xi32>,
      %get3A_313 = arith.index_cast %add3A_308 : i32 to index
      %get3A_314 = tpu.vector_load %arg13[%get3A_313] {strides = array<i32>} : memref<10240xf32, #tpu.memory_space<vmem>>, vector<16xf32>,
      %get3A_315 = arith.index_cast %add3A_308 : i32 to index
      %get3A_316 = tpu.vector_load %arg14[%get3A_315] {strides = array<i32>} : memref<10240xf32, #tpu.memory_space<vmem>>, vector<16xf32>,
      %lt3A = arith.constant 524288 : i32
      %lt3A_317 = vector.broadcast %lt3A : i32 to vector<16xi32>
      %lt3A_318 = arith.cmpi slt, %get3A_312, %lt3A_317 : vector<16xi32>
      %max3A = arith.constant 9.99999974E-6 : f32
      %max3A_319 = vector.broadcast %max3A : f32 to vector<16xf32>
      %max3A_320 = arith.maximumf %get3A_314, %max3A_319 : vector<16xf32>
      %div3A = arith.divf %get3A_310, %max3A_320 : vector<16xf32>
      %max3A_321 = arith.constant -1.000000e+00 : f32
      %max3A_322 = vector.broadcast %max3A_321 : f32 to vector<16xf32>
      %max3A_323 = arith.maximumf %div3A, %max3A_322 : vector<16xf32>
      %min3A = arith.constant 1.000000e+00 : f32
      %min3A_324 = vector.broadcast %min3A : f32 to vector<16xf32>
      %min3A_325 = arith.minimumf %max3A_323, %min3A_324 : vector<16xf32>
      %add3A_326 = arith.addf %min3A_325, %get3A_316 : vector<16xf32>
      %jit3A = arith.constant 0.000000e+00 : f32
      %broadcast_in_dim3A_327 = vector.broadcast %jit3A : f32 to vector<16xf32>
      %select_n3A = arith.select %lt3A_318, %add3A_326, %broadcast_in_dim3A_327 : vector<16xi1>, vector<16xf32>
      %swap3A_328 = arith.index_cast %add3A_308 : i32 to index
      %swap3A_329 = tpu.vector_load %arg11[%swap3A_328] {strides = array<i32>} : memref<10240xf32, #tpu.memory_space<vmem>>, vector<16xf32>,
      tpu.vector_store %arg11[%swap3A_328], %select_n3A {strides = array<i32>} : memref<10240xf32, #tpu.memory_space<vmem>>, vector<16xf32>,
    }
    %scan3A_219 = arith.constant 640 : i32
    "tpu.region"() ({
      %run_scoped3A = tpu.sem_alloc : memref<!tpu.dma_semaphore, #tpu.memory_space<semaphore_mem>>
      %dma_start3A = tpu.memref_slice %arg6[%arg0, %add3A_209] : memref<2x1638400xf32, #tpu.memory_space<hbm>> -> memref<1x10240xf32, #tpu.memory_space<hbm>>
      %dma_start3A_304 = tpu.memref_squeeze %dma_start3A : memref<1x10240xf32, #tpu.memory_space<hbm>> -> memref<10240xf32, #tpu.memory_space<hbm>>
      %dma_start3A_305 = tpu.memref_slice %arg6[%arg0, %add3A_209] : memref<2x1638400xf32, #tpu.memory_space<hbm>> -> memref<1x10240xf32, #tpu.memory_space<hbm>>
      %dma_start3A_306 = tpu.memref_squeeze %dma_start3A_305 : memref<1x10240xf32, #tpu.memory_space<hbm>> -> memref<10240xf32, #tpu.memory_space<hbm>>
      tpu.enqueue_dma source(%arg11 : memref<10240xf32, #tpu.memory_space<vmem>>) target(%dma_start3A_306 : memref<10240xf32, #tpu.memory_space<hbm>>) target_semaphore(%run_scoped3A : memref<!tpu.dma_semaphore, #tpu.memory_space<semaphore_mem>>)
      %dma_wait3A = tpu.memref_slice %arg6[%arg0, %add3A_209] : memref<2x1638400xf32, #tpu.memory_space<hbm>> -> memref<1x10240xf32, #tpu.memory_space<hbm>>
      %dma_wait3A_307 = tpu.memref_squeeze %dma_wait3A : memref<1x10240xf32, #tpu.memory_space<hbm>> -> memref<10240xf32, #tpu.memory_space<hbm>>
      %dma_wait3A_308 = tpu.memref_slice %arg6[%arg0, %add3A_209] : memref<2x1638400xf32, #tpu.memory_space<hbm>> -> memref<1x10240xf32, #tpu.memory_space<hbm>>
      %dma_wait3A_309 = tpu.memref_squeeze %dma_wait3A_308 : memref<1x10240xf32, #tpu.memory_space<hbm>> -> memref<10240xf32, #tpu.memory_space<hbm>>
      tpu.wait_dma2 semaphore(%run_scoped3A : memref<!tpu.dma_semaphore, #tpu.memory_space<semaphore_mem>>) src(%arg11 : memref<10240xf32, #tpu.memory_space<vmem>>) dst(%dma_wait3A_309 : memref<10240xf32, #tpu.memory_space<hbm>>)
      tpu.yield
    }) : () -> ()
    %add3A_220 = arith.constant 30720 : i32
    %add3A_221 = arith.addi %mul3A_14, %add3A_220 : i32
    "tpu.region"() ({
      %run_scoped3A = tpu.sem_alloc : memref<!tpu.dma_semaphore, #tpu.memory_space<semaphore_mem>>
      %dma_start3A = tpu.memref_slice %arg3[%add3A_221] : memref<1638400xi32, #tpu.memory_space<hbm>> -> memref<10240xi32, #tpu.memory_space<hbm>>
      %dma_start3A_304 = tpu.memref_slice %arg3[%add3A_221] : memref<1638400xi32, #tpu.memory_space<hbm>> -> memref<10240xi32, #tpu.memory_space<hbm>>
      tpu.enqueue_dma source(%dma_start3A_304 : memref<10240xi32, #tpu.memory_space<hbm>>) target(%arg10 : memref<10240xi32, #tpu.memory_space<vmem>>) target_semaphore(%run_scoped3A : memref<!tpu.dma_semaphore, #tpu.memory_space<semaphore_mem>>)
      %dma_wait3A = tpu.memref_slice %arg3[%add3A_221] : memref<1638400xi32, #tpu.memory_space<hbm>> -> memref<10240xi32, #tpu.memory_space<hbm>>
      %dma_wait3A_305 = tpu.memref_slice %arg3[%add3A_221] : memref<1638400xi32, #tpu.memory_space<hbm>> -> memref<10240xi32, #tpu.memory_space<hbm>>
      tpu.wait_dma2 semaphore(%run_scoped3A : memref<!tpu.dma_semaphore, #tpu.memory_space<semaphore_mem>>) src(%dma_wait3A_305 : memref<10240xi32, #tpu.memory_space<hbm>>) dst(%arg10 : memref<10240xi32, #tpu.memory_space<vmem>>)
      tpu.yield
    }) : () -> ()
    "tpu.region"() ({
      %run_scoped3A = tpu.sem_alloc : memref<!tpu.dma_semaphore, #tpu.memory_space<semaphore_mem>>
      %dma_start3A = tpu.memref_slice %arg2[%add3A_221] : memref<1638400xf32, #tpu.memory_space<hbm>> -> memref<10240xf32, #tpu.memory_space<hbm>>
      %dma_start3A_304 = tpu.memref_slice %arg2[%add3A_221] : memref<1638400xf32, #tpu.memory_space<hbm>> -> memref<10240xf32, #tpu.memory_space<hbm>>
      tpu.enqueue_dma source(%dma_start3A_304 : memref<10240xf32, #tpu.memory_space<hbm>>) target(%arg11 : memref<10240xf32, #tpu.memory_space<vmem>>) target_semaphore(%run_scoped3A : memref<!tpu.dma_semaphore, #tpu.memory_space<semaphore_mem>>)
      %dma_wait3A = tpu.memref_slice %arg2[%add3A_221] : memref<1638400xf32, #tpu.memory_space<hbm>> -> memref<10240xf32, #tpu.memory_space<hbm>>
      %dma_wait3A_305 = tpu.memref_slice %arg2[%add3A_221] : memref<1638400xf32, #tpu.memory_space<hbm>> -> memref<10240xf32, #tpu.memory_space<hbm>>
      tpu.wait_dma2 semaphore(%run_scoped3A : memref<!tpu.dma_semaphore, #tpu.memory_space<semaphore_mem>>) src(%dma_wait3A_305 : memref<10240xf32, #tpu.memory_space<hbm>>) dst(%arg11 : memref<10240xf32, #tpu.memory_space<vmem>>)
      tpu.yield
    }) : () -> ()
    %scan3A_222 = arith.constant 0 : i32
    %scan3A_223 = arith.constant 640 : i32
    %scan3A_224 = arith.addi %scan3A_222, %scan3A_223 : i32
    %scan3A_225 = arith.constant 1 : i32
    scf.for %scan3A_304 = %scan3A_222 to %scan3A_224 step %scan3A_225  : i32 {
      %mul3A_305 = arith.constant 16 : i32
      %mul3A_306 = arith.muli %scan3A_304, %mul3A_305 : i32
      %add3A_307 = arith.constant 0 : i32
      %add3A_308 = arith.addi %add3A_307, %mul3A_306 : i32
      %get3A_309 = arith.index_cast %add3A_308 : i32 to index
      %get3A_310 = tpu.vector_load %arg10[%get3A_309] {strides = array<i32>} : memref<10240xi32, #tpu.memory_space<vmem>>, vector<16xi32>,
      %sub3A = vector.broadcast %mul3A_0 : i32 to vector<16xi32>
      %sub3A_311 = arith.subi %get3A_310, %sub3A : vector<16xi32>
      %ge3A = arith.constant 0 : i32
      %ge3A_312 = vector.broadcast %ge3A : i32 to vector<16xi32>
      %ge3A_313 = arith.cmpi sge, %sub3A_311, %ge3A_312 : vector<16xi32>
      %lt3A = arith.constant 524288 : i32
      %lt3A_314 = vector.broadcast %lt3A : i32 to vector<16xi32>
      %lt3A_315 = arith.cmpi slt, %sub3A_311, %lt3A_314 : vector<16xi32>
      %and3A = arith.andi %ge3A_313, %lt3A_315 : vector<16xi1>
      %select_n3A = arith.select %and3A, %sub3A_311, %add3A_12 : vector<16xi1>, vector<16xi32>
      %swap3A_316 = arith.index_cast %add3A_308 : i32 to index
      %swap3A_317 = tpu.vector_load %arg12[%swap3A_316] {strides = array<i32>} : memref<10240xi32, #tpu.memory_space<vmem>>, vector<16xi32>,
      tpu.vector_store %arg12[%swap3A_316], %select_n3A {strides = array<i32>} : memref<10240xi32, #tpu.memory_space<vmem>>, vector<16xi32>,
    }
    %scan3A_226 = arith.constant 640 : i32
    "tpu.region"() ({
      %run_scoped3A = tpu.sem_alloc : memref<!tpu.dma_semaphore, #tpu.memory_space<semaphore_mem>>
      %dma_start3A = arith.constant 0 : i32
      %dma_start3A_304 = tpu.memref_slice %arg8[%dma_start3A] : memref<524544xf32, #tpu.memory_space<vmem_shared>> -> memref<524544xf32, #tpu.memory_space<vmem_shared>>
      tpu.enqueue_indirect_dma source(%dma_start3A_304 : memref<524544xf32, #tpu.memory_space<vmem_shared>>) target(%arg13 : memref<10240xf32, #tpu.memory_space<vmem>>) offsets(%arg12 : memref<10240xi32, #tpu.memory_space<vmem>>) semaphore(%run_scoped3A : memref<!tpu.dma_semaphore, #tpu.memory_space<semaphore_mem>>)
      %dma_wait3A = arith.constant 0 : i32
      %dma_wait3A_305 = tpu.memref_slice %arg8[%dma_wait3A] : memref<524544xf32, #tpu.memory_space<vmem_shared>> -> memref<524544xf32, #tpu.memory_space<vmem_shared>>
      tpu.wait_indirect_dma semaphore(%run_scoped3A : memref<!tpu.dma_semaphore, #tpu.memory_space<semaphore_mem>>) src(%dma_wait3A_305 : memref<524544xf32, #tpu.memory_space<vmem_shared>>) dst(%arg13 : memref<10240xf32, #tpu.memory_space<vmem>>)
      tpu.yield
    }) : () -> ()
    "tpu.region"() ({
      %run_scoped3A = tpu.sem_alloc : memref<!tpu.dma_semaphore, #tpu.memory_space<semaphore_mem>>
      %dma_start3A = arith.constant 0 : i32
      %dma_start3A_304 = tpu.memref_slice %arg9[%dma_start3A] : memref<524544xf32, #tpu.memory_space<vmem_shared>> -> memref<524544xf32, #tpu.memory_space<vmem_shared>>
      tpu.enqueue_indirect_dma source(%dma_start3A_304 : memref<524544xf32, #tpu.memory_space<vmem_shared>>) target(%arg14 : memref<10240xf32, #tpu.memory_space<vmem>>) offsets(%arg12 : memref<10240xi32, #tpu.memory_space<vmem>>) semaphore(%run_scoped3A : memref<!tpu.dma_semaphore, #tpu.memory_space<semaphore_mem>>)
      %dma_wait3A = arith.constant 0 : i32
      %dma_wait3A_305 = tpu.memref_slice %arg9[%dma_wait3A] : memref<524544xf32, #tpu.memory_space<vmem_shared>> -> memref<524544xf32, #tpu.memory_space<vmem_shared>>
      tpu.wait_indirect_dma semaphore(%run_scoped3A : memref<!tpu.dma_semaphore, #tpu.memory_space<semaphore_mem>>) src(%dma_wait3A_305 : memref<524544xf32, #tpu.memory_space<vmem_shared>>) dst(%arg14 : memref<10240xf32, #tpu.memory_space<vmem>>)
      tpu.yield
    }) : () -> ()
    %scan3A_227 = arith.constant 0 : i32
    %scan3A_228 = arith.constant 640 : i32
    %scan3A_229 = arith.addi %scan3A_227, %scan3A_228 : i32
    %scan3A_230 = arith.constant 1 : i32
    scf.for %scan3A_304 = %scan3A_227 to %scan3A_229 step %scan3A_230  : i32 {
      %mul3A_305 = arith.constant 16 : i32
      %mul3A_306 = arith.muli %scan3A_304, %mul3A_305 : i32
      %add3A_307 = arith.constant 0 : i32
      %add3A_308 = arith.addi %add3A_307, %mul3A_306 : i32
      %get3A_309 = arith.index_cast %add3A_308 : i32 to index
      %get3A_310 = tpu.vector_load %arg11[%get3A_309] {strides = array<i32>} : memref<10240xf32, #tpu.memory_space<vmem>>, vector<16xf32>,
      %get3A_311 = arith.index_cast %add3A_308 : i32 to index
      %get3A_312 = tpu.vector_load %arg12[%get3A_311] {strides = array<i32>} : memref<10240xi32, #tpu.memory_space<vmem>>, vector<16xi32>,
      %get3A_313 = arith.index_cast %add3A_308 : i32 to index
      %get3A_314 = tpu.vector_load %arg13[%get3A_313] {strides = array<i32>} : memref<10240xf32, #tpu.memory_space<vmem>>, vector<16xf32>,
      %get3A_315 = arith.index_cast %add3A_308 : i32 to index
      %get3A_316 = tpu.vector_load %arg14[%get3A_315] {strides = array<i32>} : memref<10240xf32, #tpu.memory_space<vmem>>, vector<16xf32>,
      %lt3A = arith.constant 524288 : i32
      %lt3A_317 = vector.broadcast %lt3A : i32 to vector<16xi32>
      %lt3A_318 = arith.cmpi slt, %get3A_312, %lt3A_317 : vector<16xi32>
      %max3A = arith.constant 9.99999974E-6 : f32
      %max3A_319 = vector.broadcast %max3A : f32 to vector<16xf32>
      %max3A_320 = arith.maximumf %get3A_314, %max3A_319 : vector<16xf32>
      %div3A = arith.divf %get3A_310, %max3A_320 : vector<16xf32>
      %max3A_321 = arith.constant -1.000000e+00 : f32
      %max3A_322 = vector.broadcast %max3A_321 : f32 to vector<16xf32>
      %max3A_323 = arith.maximumf %div3A, %max3A_322 : vector<16xf32>
      %min3A = arith.constant 1.000000e+00 : f32
      %min3A_324 = vector.broadcast %min3A : f32 to vector<16xf32>
      %min3A_325 = arith.minimumf %max3A_323, %min3A_324 : vector<16xf32>
      %add3A_326 = arith.addf %min3A_325, %get3A_316 : vector<16xf32>
      %jit3A = arith.constant 0.000000e+00 : f32
      %broadcast_in_dim3A_327 = vector.broadcast %jit3A : f32 to vector<16xf32>
      %select_n3A = arith.select %lt3A_318, %add3A_326, %broadcast_in_dim3A_327 : vector<16xi1>, vector<16xf32>
      %swap3A_328 = arith.index_cast %add3A_308 : i32 to index
      %swap3A_329 = tpu.vector_load %arg11[%swap3A_328] {strides = array<i32>} : memref<10240xf32, #tpu.memory_space<vmem>>, vector<16xf32>,
      tpu.vector_store %arg11[%swap3A_328], %select_n3A {strides = array<i32>} : memref<10240xf32, #tpu.memory_space<vmem>>, vector<16xf32>,
    }
    %scan3A_231 = arith.constant 640 : i32
    "tpu.region"() ({
      %run_scoped3A = tpu.sem_alloc : memref<!tpu.dma_semaphore, #tpu.memory_space<semaphore_mem>>
      %dma_start3A = tpu.memref_slice %arg6[%arg0, %add3A_221] : memref<2x1638400xf32, #tpu.memory_space<hbm>> -> memref<1x10240xf32, #tpu.memory_space<hbm>>
      %dma_start3A_304 = tpu.memref_squeeze %dma_start3A : memref<1x10240xf32, #tpu.memory_space<hbm>> -> memref<10240xf32, #tpu.memory_space<hbm>>
      %dma_start3A_305 = tpu.memref_slice %arg6[%arg0, %add3A_221] : memref<2x1638400xf32, #tpu.memory_space<hbm>> -> memref<1x10240xf32, #tpu.memory_space<hbm>>
      %dma_start3A_306 = tpu.memref_squeeze %dma_start3A_305 : memref<1x10240xf32, #tpu.memory_space<hbm>> -> memref<10240xf32, #tpu.memory_space<hbm>>
      tpu.enqueue_dma source(%arg11 : memref<10240xf32, #tpu.memory_space<vmem>>) target(%dma_start3A_306 : memref<10240xf32, #tpu.memory_space<hbm>>) target_semaphore(%run_scoped3A : memref<!tpu.dma_semaphore, #tpu.memory_space<semaphore_mem>>)
      %dma_wait3A = tpu.memref_slice %arg6[%arg0, %add3A_221] : memref<2x1638400xf32, #tpu.memory_space<hbm>> -> memref<1x10240xf32, #tpu.memory_space<hbm>>
      %dma_wait3A_307 = tpu.memref_squeeze %dma_wait3A : memref<1x10240xf32, #tpu.memory_space<hbm>> -> memref<10240xf32, #tpu.memory_space<hbm>>
      %dma_wait3A_308 = tpu.memref_slice %arg6[%arg0, %add3A_221] : memref<2x1638400xf32, #tpu.memory_space<hbm>> -> memref<1x10240xf32, #tpu.memory_space<hbm>>
      %dma_wait3A_309 = tpu.memref_squeeze %dma_wait3A_308 : memref<1x10240xf32, #tpu.memory_space<hbm>> -> memref<10240xf32, #tpu.memory_space<hbm>>
      tpu.wait_dma2 semaphore(%run_scoped3A : memref<!tpu.dma_semaphore, #tpu.memory_space<semaphore_mem>>) src(%arg11 : memref<10240xf32, #tpu.memory_space<vmem>>) dst(%dma_wait3A_309 : memref<10240xf32, #tpu.memory_space<hbm>>)
      tpu.yield
    }) : () -> ()
    %add3A_232 = arith.constant 40960 : i32
    %add3A_233 = arith.addi %mul3A_14, %add3A_232 : i32
    "tpu.region"() ({
      %run_scoped3A = tpu.sem_alloc : memref<!tpu.dma_semaphore, #tpu.memory_space<semaphore_mem>>
      %dma_start3A = tpu.memref_slice %arg3[%add3A_233] : memref<1638400xi32, #tpu.memory_space<hbm>> -> memref<10240xi32, #tpu.memory_space<hbm>>
      %dma_start3A_304 = tpu.memref_slice %arg3[%add3A_233] : memref<1638400xi32, #tpu.memory_space<hbm>> -> memref<10240xi32, #tpu.memory_space<hbm>>
      tpu.enqueue_dma source(%dma_start3A_304 : memref<10240xi32, #tpu.memory_space<hbm>>) target(%arg10 : memref<10240xi32, #tpu.memory_space<vmem>>) target_semaphore(%run_scoped3A : memref<!tpu.dma_semaphore, #tpu.memory_space<semaphore_mem>>)
      %dma_wait3A = tpu.memref_slice %arg3[%add3A_233] : memref<1638400xi32, #tpu.memory_space<hbm>> -> memref<10240xi32, #tpu.memory_space<hbm>>
      %dma_wait3A_305 = tpu.memref_slice %arg3[%add3A_233] : memref<1638400xi32, #tpu.memory_space<hbm>> -> memref<10240xi32, #tpu.memory_space<hbm>>
      tpu.wait_dma2 semaphore(%run_scoped3A : memref<!tpu.dma_semaphore, #tpu.memory_space<semaphore_mem>>) src(%dma_wait3A_305 : memref<10240xi32, #tpu.memory_space<hbm>>) dst(%arg10 : memref<10240xi32, #tpu.memory_space<vmem>>)
      tpu.yield
    }) : () -> ()
    "tpu.region"() ({
      %run_scoped3A = tpu.sem_alloc : memref<!tpu.dma_semaphore, #tpu.memory_space<semaphore_mem>>
      %dma_start3A = tpu.memref_slice %arg2[%add3A_233] : memref<1638400xf32, #tpu.memory_space<hbm>> -> memref<10240xf32, #tpu.memory_space<hbm>>
      %dma_start3A_304 = tpu.memref_slice %arg2[%add3A_233] : memref<1638400xf32, #tpu.memory_space<hbm>> -> memref<10240xf32, #tpu.memory_space<hbm>>
      tpu.enqueue_dma source(%dma_start3A_304 : memref<10240xf32, #tpu.memory_space<hbm>>) target(%arg11 : memref<10240xf32, #tpu.memory_space<vmem>>) target_semaphore(%run_scoped3A : memref<!tpu.dma_semaphore, #tpu.memory_space<semaphore_mem>>)
      %dma_wait3A = tpu.memref_slice %arg2[%add3A_233] : memref<1638400xf32, #tpu.memory_space<hbm>> -> memref<10240xf32, #tpu.memory_space<hbm>>
      %dma_wait3A_305 = tpu.memref_slice %arg2[%add3A_233] : memref<1638400xf32, #tpu.memory_space<hbm>> -> memref<10240xf32, #tpu.memory_space<hbm>>
      tpu.wait_dma2 semaphore(%run_scoped3A : memref<!tpu.dma_semaphore, #tpu.memory_space<semaphore_mem>>) src(%dma_wait3A_305 : memref<10240xf32, #tpu.memory_space<hbm>>) dst(%arg11 : memref<10240xf32, #tpu.memory_space<vmem>>)
      tpu.yield
    }) : () -> ()
    %scan3A_234 = arith.constant 0 : i32
    %scan3A_235 = arith.constant 640 : i32
    %scan3A_236 = arith.addi %scan3A_234, %scan3A_235 : i32
    %scan3A_237 = arith.constant 1 : i32
    scf.for %scan3A_304 = %scan3A_234 to %scan3A_236 step %scan3A_237  : i32 {
      %mul3A_305 = arith.constant 16 : i32
      %mul3A_306 = arith.muli %scan3A_304, %mul3A_305 : i32
      %add3A_307 = arith.constant 0 : i32
      %add3A_308 = arith.addi %add3A_307, %mul3A_306 : i32
      %get3A_309 = arith.index_cast %add3A_308 : i32 to index
      %get3A_310 = tpu.vector_load %arg10[%get3A_309] {strides = array<i32>} : memref<10240xi32, #tpu.memory_space<vmem>>, vector<16xi32>,
      %sub3A = vector.broadcast %mul3A_0 : i32 to vector<16xi32>
      %sub3A_311 = arith.subi %get3A_310, %sub3A : vector<16xi32>
      %ge3A = arith.constant 0 : i32
      %ge3A_312 = vector.broadcast %ge3A : i32 to vector<16xi32>
      %ge3A_313 = arith.cmpi sge, %sub3A_311, %ge3A_312 : vector<16xi32>
      %lt3A = arith.constant 524288 : i32
      %lt3A_314 = vector.broadcast %lt3A : i32 to vector<16xi32>
      %lt3A_315 = arith.cmpi slt, %sub3A_311, %lt3A_314 : vector<16xi32>
      %and3A = arith.andi %ge3A_313, %lt3A_315 : vector<16xi1>
      %select_n3A = arith.select %and3A, %sub3A_311, %add3A_12 : vector<16xi1>, vector<16xi32>
      %swap3A_316 = arith.index_cast %add3A_308 : i32 to index
      %swap3A_317 = tpu.vector_load %arg12[%swap3A_316] {strides = array<i32>} : memref<10240xi32, #tpu.memory_space<vmem>>, vector<16xi32>,
      tpu.vector_store %arg12[%swap3A_316], %select_n3A {strides = array<i32>} : memref<10240xi32, #tpu.memory_space<vmem>>, vector<16xi32>,
    }
    %scan3A_238 = arith.constant 640 : i32
    "tpu.region"() ({
      %run_scoped3A = tpu.sem_alloc : memref<!tpu.dma_semaphore, #tpu.memory_space<semaphore_mem>>
      %dma_start3A = arith.constant 0 : i32
      %dma_start3A_304 = tpu.memref_slice %arg8[%dma_start3A] : memref<524544xf32, #tpu.memory_space<vmem_shared>> -> memref<524544xf32, #tpu.memory_space<vmem_shared>>
      tpu.enqueue_indirect_dma source(%dma_start3A_304 : memref<524544xf32, #tpu.memory_space<vmem_shared>>) target(%arg13 : memref<10240xf32, #tpu.memory_space<vmem>>) offsets(%arg12 : memref<10240xi32, #tpu.memory_space<vmem>>) semaphore(%run_scoped3A : memref<!tpu.dma_semaphore, #tpu.memory_space<semaphore_mem>>)
      %dma_wait3A = arith.constant 0 : i32
      %dma_wait3A_305 = tpu.memref_slice %arg8[%dma_wait3A] : memref<524544xf32, #tpu.memory_space<vmem_shared>> -> memref<524544xf32, #tpu.memory_space<vmem_shared>>
      tpu.wait_indirect_dma semaphore(%run_scoped3A : memref<!tpu.dma_semaphore, #tpu.memory_space<semaphore_mem>>) src(%dma_wait3A_305 : memref<524544xf32, #tpu.memory_space<vmem_shared>>) dst(%arg13 : memref<10240xf32, #tpu.memory_space<vmem>>)
      tpu.yield
    }) : () -> ()
    "tpu.region"() ({
      %run_scoped3A = tpu.sem_alloc : memref<!tpu.dma_semaphore, #tpu.memory_space<semaphore_mem>>
      %dma_start3A = arith.constant 0 : i32
      %dma_start3A_304 = tpu.memref_slice %arg9[%dma_start3A] : memref<524544xf32, #tpu.memory_space<vmem_shared>> -> memref<524544xf32, #tpu.memory_space<vmem_shared>>
      tpu.enqueue_indirect_dma source(%dma_start3A_304 : memref<524544xf32, #tpu.memory_space<vmem_shared>>) target(%arg14 : memref<10240xf32, #tpu.memory_space<vmem>>) offsets(%arg12 : memref<10240xi32, #tpu.memory_space<vmem>>) semaphore(%run_scoped3A : memref<!tpu.dma_semaphore, #tpu.memory_space<semaphore_mem>>)
      %dma_wait3A = arith.constant 0 : i32
      %dma_wait3A_305 = tpu.memref_slice %arg9[%dma_wait3A] : memref<524544xf32, #tpu.memory_space<vmem_shared>> -> memref<524544xf32, #tpu.memory_space<vmem_shared>>
      tpu.wait_indirect_dma semaphore(%run_scoped3A : memref<!tpu.dma_semaphore, #tpu.memory_space<semaphore_mem>>) src(%dma_wait3A_305 : memref<524544xf32, #tpu.memory_space<vmem_shared>>) dst(%arg14 : memref<10240xf32, #tpu.memory_space<vmem>>)
      tpu.yield
    }) : () -> ()
    %scan3A_239 = arith.constant 0 : i32
    %scan3A_240 = arith.constant 640 : i32
    %scan3A_241 = arith.addi %scan3A_239, %scan3A_240 : i32
    %scan3A_242 = arith.constant 1 : i32
    scf.for %scan3A_304 = %scan3A_239 to %scan3A_241 step %scan3A_242  : i32 {
      %mul3A_305 = arith.constant 16 : i32
      %mul3A_306 = arith.muli %scan3A_304, %mul3A_305 : i32
      %add3A_307 = arith.constant 0 : i32
      %add3A_308 = arith.addi %add3A_307, %mul3A_306 : i32
      %get3A_309 = arith.index_cast %add3A_308 : i32 to index
      %get3A_310 = tpu.vector_load %arg11[%get3A_309] {strides = array<i32>} : memref<10240xf32, #tpu.memory_space<vmem>>, vector<16xf32>,
      %get3A_311 = arith.index_cast %add3A_308 : i32 to index
      %get3A_312 = tpu.vector_load %arg12[%get3A_311] {strides = array<i32>} : memref<10240xi32, #tpu.memory_space<vmem>>, vector<16xi32>,
      %get3A_313 = arith.index_cast %add3A_308 : i32 to index
      %get3A_314 = tpu.vector_load %arg13[%get3A_313] {strides = array<i32>} : memref<10240xf32, #tpu.memory_space<vmem>>, vector<16xf32>,
      %get3A_315 = arith.index_cast %add3A_308 : i32 to index
      %get3A_316 = tpu.vector_load %arg14[%get3A_315] {strides = array<i32>} : memref<10240xf32, #tpu.memory_space<vmem>>, vector<16xf32>,
      %lt3A = arith.constant 524288 : i32
      %lt3A_317 = vector.broadcast %lt3A : i32 to vector<16xi32>
      %lt3A_318 = arith.cmpi slt, %get3A_312, %lt3A_317 : vector<16xi32>
      %max3A = arith.constant 9.99999974E-6 : f32
      %max3A_319 = vector.broadcast %max3A : f32 to vector<16xf32>
      %max3A_320 = arith.maximumf %get3A_314, %max3A_319 : vector<16xf32>
      %div3A = arith.divf %get3A_310, %max3A_320 : vector<16xf32>
      %max3A_321 = arith.constant -1.000000e+00 : f32
      %max3A_322 = vector.broadcast %max3A_321 : f32 to vector<16xf32>
      %max3A_323 = arith.maximumf %div3A, %max3A_322 : vector<16xf32>
      %min3A = arith.constant 1.000000e+00 : f32
      %min3A_324 = vector.broadcast %min3A : f32 to vector<16xf32>
      %min3A_325 = arith.minimumf %max3A_323, %min3A_324 : vector<16xf32>
      %add3A_326 = arith.addf %min3A_325, %get3A_316 : vector<16xf32>
      %jit3A = arith.constant 0.000000e+00 : f32
      %broadcast_in_dim3A_327 = vector.broadcast %jit3A : f32 to vector<16xf32>
      %select_n3A = arith.select %lt3A_318, %add3A_326, %broadcast_in_dim3A_327 : vector<16xi1>, vector<16xf32>
      %swap3A_328 = arith.index_cast %add3A_308 : i32 to index
      %swap3A_329 = tpu.vector_load %arg11[%swap3A_328] {strides = array<i32>} : memref<10240xf32, #tpu.memory_space<vmem>>, vector<16xf32>,
      tpu.vector_store %arg11[%swap3A_328], %select_n3A {strides = array<i32>} : memref<10240xf32, #tpu.memory_space<vmem>>, vector<16xf32>,
    }
    %scan3A_243 = arith.constant 640 : i32
    "tpu.region"() ({
      %run_scoped3A = tpu.sem_alloc : memref<!tpu.dma_semaphore, #tpu.memory_space<semaphore_mem>>
      %dma_start3A = tpu.memref_slice %arg6[%arg0, %add3A_233] : memref<2x1638400xf32, #tpu.memory_space<hbm>> -> memref<1x10240xf32, #tpu.memory_space<hbm>>
      %dma_start3A_304 = tpu.memref_squeeze %dma_start3A : memref<1x10240xf32, #tpu.memory_space<hbm>> -> memref<10240xf32, #tpu.memory_space<hbm>>
      %dma_start3A_305 = tpu.memref_slice %arg6[%arg0, %add3A_233] : memref<2x1638400xf32, #tpu.memory_space<hbm>> -> memref<1x10240xf32, #tpu.memory_space<hbm>>
      %dma_start3A_306 = tpu.memref_squeeze %dma_start3A_305 : memref<1x10240xf32, #tpu.memory_space<hbm>> -> memref<10240xf32, #tpu.memory_space<hbm>>
      tpu.enqueue_dma source(%arg11 : memref<10240xf32, #tpu.memory_space<vmem>>) target(%dma_start3A_306 : memref<10240xf32, #tpu.memory_space<hbm>>) target_semaphore(%run_scoped3A : memref<!tpu.dma_semaphore, #tpu.memory_space<semaphore_mem>>)
      %dma_wait3A = tpu.memref_slice %arg6[%arg0, %add3A_233] : memref<2x1638400xf32, #tpu.memory_space<hbm>> -> memref<1x10240xf32, #tpu.memory_space<hbm>>
      %dma_wait3A_307 = tpu.memref_squeeze %dma_wait3A : memref<1x10240xf32, #tpu.memory_space<hbm>> -> memref<10240xf32, #tpu.memory_space<hbm>>
      %dma_wait3A_308 = tpu.memref_slice %arg6[%arg0, %add3A_233] : memref<2x1638400xf32, #tpu.memory_space<hbm>> -> memref<1x10240xf32, #tpu.memory_space<hbm>>
      %dma_wait3A_309 = tpu.memref_squeeze %dma_wait3A_308 : memref<1x10240xf32, #tpu.memory_space<hbm>> -> memref<10240xf32, #tpu.memory_space<hbm>>
      tpu.wait_dma2 semaphore(%run_scoped3A : memref<!tpu.dma_semaphore, #tpu.memory_space<semaphore_mem>>) src(%arg11 : memref<10240xf32, #tpu.memory_space<vmem>>) dst(%dma_wait3A_309 : memref<10240xf32, #tpu.memory_space<hbm>>)
      tpu.yield
    }) : () -> ()
    %add3A_244 = arith.constant 51200 : i32
    %add3A_245 = arith.addi %mul3A_14, %add3A_244 : i32
    "tpu.region"() ({
      %run_scoped3A = tpu.sem_alloc : memref<!tpu.dma_semaphore, #tpu.memory_space<semaphore_mem>>
      %dma_start3A = tpu.memref_slice %arg3[%add3A_245] : memref<1638400xi32, #tpu.memory_space<hbm>> -> memref<10240xi32, #tpu.memory_space<hbm>>
      %dma_start3A_304 = tpu.memref_slice %arg3[%add3A_245] : memref<1638400xi32, #tpu.memory_space<hbm>> -> memref<10240xi32, #tpu.memory_space<hbm>>
      tpu.enqueue_dma source(%dma_start3A_304 : memref<10240xi32, #tpu.memory_space<hbm>>) target(%arg10 : memref<10240xi32, #tpu.memory_space<vmem>>) target_semaphore(%run_scoped3A : memref<!tpu.dma_semaphore, #tpu.memory_space<semaphore_mem>>)
      %dma_wait3A = tpu.memref_slice %arg3[%add3A_245] : memref<1638400xi32, #tpu.memory_space<hbm>> -> memref<10240xi32, #tpu.memory_space<hbm>>
      %dma_wait3A_305 = tpu.memref_slice %arg3[%add3A_245] : memref<1638400xi32, #tpu.memory_space<hbm>> -> memref<10240xi32, #tpu.memory_space<hbm>>
      tpu.wait_dma2 semaphore(%run_scoped3A : memref<!tpu.dma_semaphore, #tpu.memory_space<semaphore_mem>>) src(%dma_wait3A_305 : memref<10240xi32, #tpu.memory_space<hbm>>) dst(%arg10 : memref<10240xi32, #tpu.memory_space<vmem>>)
      tpu.yield
    }) : () -> ()
    "tpu.region"() ({
      %run_scoped3A = tpu.sem_alloc : memref<!tpu.dma_semaphore, #tpu.memory_space<semaphore_mem>>
      %dma_start3A = tpu.memref_slice %arg2[%add3A_245] : memref<1638400xf32, #tpu.memory_space<hbm>> -> memref<10240xf32, #tpu.memory_space<hbm>>
      %dma_start3A_304 = tpu.memref_slice %arg2[%add3A_245] : memref<1638400xf32, #tpu.memory_space<hbm>> -> memref<10240xf32, #tpu.memory_space<hbm>>
      tpu.enqueue_dma source(%dma_start3A_304 : memref<10240xf32, #tpu.memory_space<hbm>>) target(%arg11 : memref<10240xf32, #tpu.memory_space<vmem>>) target_semaphore(%run_scoped3A : memref<!tpu.dma_semaphore, #tpu.memory_space<semaphore_mem>>)
      %dma_wait3A = tpu.memref_slice %arg2[%add3A_245] : memref<1638400xf32, #tpu.memory_space<hbm>> -> memref<10240xf32, #tpu.memory_space<hbm>>
      %dma_wait3A_305 = tpu.memref_slice %arg2[%add3A_245] : memref<1638400xf32, #tpu.memory_space<hbm>> -> memref<10240xf32, #tpu.memory_space<hbm>>
      tpu.wait_dma2 semaphore(%run_scoped3A : memref<!tpu.dma_semaphore, #tpu.memory_space<semaphore_mem>>) src(%dma_wait3A_305 : memref<10240xf32, #tpu.memory_space<hbm>>) dst(%arg11 : memref<10240xf32, #tpu.memory_space<vmem>>)
      tpu.yield
    }) : () -> ()
    %scan3A_246 = arith.constant 0 : i32
    %scan3A_247 = arith.constant 640 : i32
    %scan3A_248 = arith.addi %scan3A_246, %scan3A_247 : i32
    %scan3A_249 = arith.constant 1 : i32
    scf.for %scan3A_304 = %scan3A_246 to %scan3A_248 step %scan3A_249  : i32 {
      %mul3A_305 = arith.constant 16 : i32
      %mul3A_306 = arith.muli %scan3A_304, %mul3A_305 : i32
      %add3A_307 = arith.constant 0 : i32
      %add3A_308 = arith.addi %add3A_307, %mul3A_306 : i32
      %get3A_309 = arith.index_cast %add3A_308 : i32 to index
      %get3A_310 = tpu.vector_load %arg10[%get3A_309] {strides = array<i32>} : memref<10240xi32, #tpu.memory_space<vmem>>, vector<16xi32>,
      %sub3A = vector.broadcast %mul3A_0 : i32 to vector<16xi32>
      %sub3A_311 = arith.subi %get3A_310, %sub3A : vector<16xi32>
      %ge3A = arith.constant 0 : i32
      %ge3A_312 = vector.broadcast %ge3A : i32 to vector<16xi32>
      %ge3A_313 = arith.cmpi sge, %sub3A_311, %ge3A_312 : vector<16xi32>
      %lt3A = arith.constant 524288 : i32
      %lt3A_314 = vector.broadcast %lt3A : i32 to vector<16xi32>
      %lt3A_315 = arith.cmpi slt, %sub3A_311, %lt3A_314 : vector<16xi32>
      %and3A = arith.andi %ge3A_313, %lt3A_315 : vector<16xi1>
      %select_n3A = arith.select %and3A, %sub3A_311, %add3A_12 : vector<16xi1>, vector<16xi32>
      %swap3A_316 = arith.index_cast %add3A_308 : i32 to index
      %swap3A_317 = tpu.vector_load %arg12[%swap3A_316] {strides = array<i32>} : memref<10240xi32, #tpu.memory_space<vmem>>, vector<16xi32>,
      tpu.vector_store %arg12[%swap3A_316], %select_n3A {strides = array<i32>} : memref<10240xi32, #tpu.memory_space<vmem>>, vector<16xi32>,
    }
    %scan3A_250 = arith.constant 640 : i32
    "tpu.region"() ({
      %run_scoped3A = tpu.sem_alloc : memref<!tpu.dma_semaphore, #tpu.memory_space<semaphore_mem>>
      %dma_start3A = arith.constant 0 : i32
      %dma_start3A_304 = tpu.memref_slice %arg8[%dma_start3A] : memref<524544xf32, #tpu.memory_space<vmem_shared>> -> memref<524544xf32, #tpu.memory_space<vmem_shared>>
      tpu.enqueue_indirect_dma source(%dma_start3A_304 : memref<524544xf32, #tpu.memory_space<vmem_shared>>) target(%arg13 : memref<10240xf32, #tpu.memory_space<vmem>>) offsets(%arg12 : memref<10240xi32, #tpu.memory_space<vmem>>) semaphore(%run_scoped3A : memref<!tpu.dma_semaphore, #tpu.memory_space<semaphore_mem>>)
      %dma_wait3A = arith.constant 0 : i32
      %dma_wait3A_305 = tpu.memref_slice %arg8[%dma_wait3A] : memref<524544xf32, #tpu.memory_space<vmem_shared>> -> memref<524544xf32, #tpu.memory_space<vmem_shared>>
      tpu.wait_indirect_dma semaphore(%run_scoped3A : memref<!tpu.dma_semaphore, #tpu.memory_space<semaphore_mem>>) src(%dma_wait3A_305 : memref<524544xf32, #tpu.memory_space<vmem_shared>>) dst(%arg13 : memref<10240xf32, #tpu.memory_space<vmem>>)
      tpu.yield
    }) : () -> ()
    "tpu.region"() ({
      %run_scoped3A = tpu.sem_alloc : memref<!tpu.dma_semaphore, #tpu.memory_space<semaphore_mem>>
      %dma_start3A = arith.constant 0 : i32
      %dma_start3A_304 = tpu.memref_slice %arg9[%dma_start3A] : memref<524544xf32, #tpu.memory_space<vmem_shared>> -> memref<524544xf32, #tpu.memory_space<vmem_shared>>
      tpu.enqueue_indirect_dma source(%dma_start3A_304 : memref<524544xf32, #tpu.memory_space<vmem_shared>>) target(%arg14 : memref<10240xf32, #tpu.memory_space<vmem>>) offsets(%arg12 : memref<10240xi32, #tpu.memory_space<vmem>>) semaphore(%run_scoped3A : memref<!tpu.dma_semaphore, #tpu.memory_space<semaphore_mem>>)
      %dma_wait3A = arith.constant 0 : i32
      %dma_wait3A_305 = tpu.memref_slice %arg9[%dma_wait3A] : memref<524544xf32, #tpu.memory_space<vmem_shared>> -> memref<524544xf32, #tpu.memory_space<vmem_shared>>
      tpu.wait_indirect_dma semaphore(%run_scoped3A : memref<!tpu.dma_semaphore, #tpu.memory_space<semaphore_mem>>) src(%dma_wait3A_305 : memref<524544xf32, #tpu.memory_space<vmem_shared>>) dst(%arg14 : memref<10240xf32, #tpu.memory_space<vmem>>)
      tpu.yield
    }) : () -> ()
    %scan3A_251 = arith.constant 0 : i32
    %scan3A_252 = arith.constant 640 : i32
    %scan3A_253 = arith.addi %scan3A_251, %scan3A_252 : i32
    %scan3A_254 = arith.constant 1 : i32
    scf.for %scan3A_304 = %scan3A_251 to %scan3A_253 step %scan3A_254  : i32 {
      %mul3A_305 = arith.constant 16 : i32
      %mul3A_306 = arith.muli %scan3A_304, %mul3A_305 : i32
      %add3A_307 = arith.constant 0 : i32
      %add3A_308 = arith.addi %add3A_307, %mul3A_306 : i32
      %get3A_309 = arith.index_cast %add3A_308 : i32 to index
      %get3A_310 = tpu.vector_load %arg11[%get3A_309] {strides = array<i32>} : memref<10240xf32, #tpu.memory_space<vmem>>, vector<16xf32>,
      %get3A_311 = arith.index_cast %add3A_308 : i32 to index
      %get3A_312 = tpu.vector_load %arg12[%get3A_311] {strides = array<i32>} : memref<10240xi32, #tpu.memory_space<vmem>>, vector<16xi32>,
      %get3A_313 = arith.index_cast %add3A_308 : i32 to index
      %get3A_314 = tpu.vector_load %arg13[%get3A_313] {strides = array<i32>} : memref<10240xf32, #tpu.memory_space<vmem>>, vector<16xf32>,
      %get3A_315 = arith.index_cast %add3A_308 : i32 to index
      %get3A_316 = tpu.vector_load %arg14[%get3A_315] {strides = array<i32>} : memref<10240xf32, #tpu.memory_space<vmem>>, vector<16xf32>,
      %lt3A = arith.constant 524288 : i32
      %lt3A_317 = vector.broadcast %lt3A : i32 to vector<16xi32>
      %lt3A_318 = arith.cmpi slt, %get3A_312, %lt3A_317 : vector<16xi32>
      %max3A = arith.constant 9.99999974E-6 : f32
      %max3A_319 = vector.broadcast %max3A : f32 to vector<16xf32>
      %max3A_320 = arith.maximumf %get3A_314, %max3A_319 : vector<16xf32>
      %div3A = arith.divf %get3A_310, %max3A_320 : vector<16xf32>
      %max3A_321 = arith.constant -1.000000e+00 : f32
      %max3A_322 = vector.broadcast %max3A_321 : f32 to vector<16xf32>
      %max3A_323 = arith.maximumf %div3A, %max3A_322 : vector<16xf32>
      %min3A = arith.constant 1.000000e+00 : f32
      %min3A_324 = vector.broadcast %min3A : f32 to vector<16xf32>
      %min3A_325 = arith.minimumf %max3A_323, %min3A_324 : vector<16xf32>
      %add3A_326 = arith.addf %min3A_325, %get3A_316 : vector<16xf32>
      %jit3A = arith.constant 0.000000e+00 : f32
      %broadcast_in_dim3A_327 = vector.broadcast %jit3A : f32 to vector<16xf32>
      %select_n3A = arith.select %lt3A_318, %add3A_326, %broadcast_in_dim3A_327 : vector<16xi1>, vector<16xf32>
      %swap3A_328 = arith.index_cast %add3A_308 : i32 to index
      %swap3A_329 = tpu.vector_load %arg11[%swap3A_328] {strides = array<i32>} : memref<10240xf32, #tpu.memory_space<vmem>>, vector<16xf32>,
      tpu.vector_store %arg11[%swap3A_328], %select_n3A {strides = array<i32>} : memref<10240xf32, #tpu.memory_space<vmem>>, vector<16xf32>,
    }
    %scan3A_255 = arith.constant 640 : i32
    "tpu.region"() ({
      %run_scoped3A = tpu.sem_alloc : memref<!tpu.dma_semaphore, #tpu.memory_space<semaphore_mem>>
      %dma_start3A = tpu.memref_slice %arg6[%arg0, %add3A_245] : memref<2x1638400xf32, #tpu.memory_space<hbm>> -> memref<1x10240xf32, #tpu.memory_space<hbm>>
      %dma_start3A_304 = tpu.memref_squeeze %dma_start3A : memref<1x10240xf32, #tpu.memory_space<hbm>> -> memref<10240xf32, #tpu.memory_space<hbm>>
      %dma_start3A_305 = tpu.memref_slice %arg6[%arg0, %add3A_245] : memref<2x1638400xf32, #tpu.memory_space<hbm>> -> memref<1x10240xf32, #tpu.memory_space<hbm>>
      %dma_start3A_306 = tpu.memref_squeeze %dma_start3A_305 : memref<1x10240xf32, #tpu.memory_space<hbm>> -> memref<10240xf32, #tpu.memory_space<hbm>>
      tpu.enqueue_dma source(%arg11 : memref<10240xf32, #tpu.memory_space<vmem>>) target(%dma_start3A_306 : memref<10240xf32, #tpu.memory_space<hbm>>) target_semaphore(%run_scoped3A : memref<!tpu.dma_semaphore, #tpu.memory_space<semaphore_mem>>)
      %dma_wait3A = tpu.memref_slice %arg6[%arg0, %add3A_245] : memref<2x1638400xf32, #tpu.memory_space<hbm>> -> memref<1x10240xf32, #tpu.memory_space<hbm>>
      %dma_wait3A_307 = tpu.memref_squeeze %dma_wait3A : memref<1x10240xf32, #tpu.memory_space<hbm>> -> memref<10240xf32, #tpu.memory_space<hbm>>
      %dma_wait3A_308 = tpu.memref_slice %arg6[%arg0, %add3A_245] : memref<2x1638400xf32, #tpu.memory_space<hbm>> -> memref<1x10240xf32, #tpu.memory_space<hbm>>
      %dma_wait3A_309 = tpu.memref_squeeze %dma_wait3A_308 : memref<1x10240xf32, #tpu.memory_space<hbm>> -> memref<10240xf32, #tpu.memory_space<hbm>>
      tpu.wait_dma2 semaphore(%run_scoped3A : memref<!tpu.dma_semaphore, #tpu.memory_space<semaphore_mem>>) src(%arg11 : memref<10240xf32, #tpu.memory_space<vmem>>) dst(%dma_wait3A_309 : memref<10240xf32, #tpu.memory_space<hbm>>)
      tpu.yield
    }) : () -> ()
    %add3A_256 = arith.constant 61440 : i32
    %add3A_257 = arith.addi %mul3A_14, %add3A_256 : i32
    "tpu.region"() ({
      %run_scoped3A = tpu.sem_alloc : memref<!tpu.dma_semaphore, #tpu.memory_space<semaphore_mem>>
      %dma_start3A = tpu.memref_slice %arg3[%add3A_257] : memref<1638400xi32, #tpu.memory_space<hbm>> -> memref<10240xi32, #tpu.memory_space<hbm>>
      %dma_start3A_304 = tpu.memref_slice %arg3[%add3A_257] : memref<1638400xi32, #tpu.memory_space<hbm>> -> memref<10240xi32, #tpu.memory_space<hbm>>
      tpu.enqueue_dma source(%dma_start3A_304 : memref<10240xi32, #tpu.memory_space<hbm>>) target(%arg10 : memref<10240xi32, #tpu.memory_space<vmem>>) target_semaphore(%run_scoped3A : memref<!tpu.dma_semaphore, #tpu.memory_space<semaphore_mem>>)
      %dma_wait3A = tpu.memref_slice %arg3[%add3A_257] : memref<1638400xi32, #tpu.memory_space<hbm>> -> memref<10240xi32, #tpu.memory_space<hbm>>
      %dma_wait3A_305 = tpu.memref_slice %arg3[%add3A_257] : memref<1638400xi32, #tpu.memory_space<hbm>> -> memref<10240xi32, #tpu.memory_space<hbm>>
      tpu.wait_dma2 semaphore(%run_scoped3A : memref<!tpu.dma_semaphore, #tpu.memory_space<semaphore_mem>>) src(%dma_wait3A_305 : memref<10240xi32, #tpu.memory_space<hbm>>) dst(%arg10 : memref<10240xi32, #tpu.memory_space<vmem>>)
      tpu.yield
    }) : () -> ()
    "tpu.region"() ({
      %run_scoped3A = tpu.sem_alloc : memref<!tpu.dma_semaphore, #tpu.memory_space<semaphore_mem>>
      %dma_start3A = tpu.memref_slice %arg2[%add3A_257] : memref<1638400xf32, #tpu.memory_space<hbm>> -> memref<10240xf32, #tpu.memory_space<hbm>>
      %dma_start3A_304 = tpu.memref_slice %arg2[%add3A_257] : memref<1638400xf32, #tpu.memory_space<hbm>> -> memref<10240xf32, #tpu.memory_space<hbm>>
      tpu.enqueue_dma source(%dma_start3A_304 : memref<10240xf32, #tpu.memory_space<hbm>>) target(%arg11 : memref<10240xf32, #tpu.memory_space<vmem>>) target_semaphore(%run_scoped3A : memref<!tpu.dma_semaphore, #tpu.memory_space<semaphore_mem>>)
      %dma_wait3A = tpu.memref_slice %arg2[%add3A_257] : memref<1638400xf32, #tpu.memory_space<hbm>> -> memref<10240xf32, #tpu.memory_space<hbm>>
      %dma_wait3A_305 = tpu.memref_slice %arg2[%add3A_257] : memref<1638400xf32, #tpu.memory_space<hbm>> -> memref<10240xf32, #tpu.memory_space<hbm>>
      tpu.wait_dma2 semaphore(%run_scoped3A : memref<!tpu.dma_semaphore, #tpu.memory_space<semaphore_mem>>) src(%dma_wait3A_305 : memref<10240xf32, #tpu.memory_space<hbm>>) dst(%arg11 : memref<10240xf32, #tpu.memory_space<vmem>>)
      tpu.yield
    }) : () -> ()
    %scan3A_258 = arith.constant 0 : i32
    %scan3A_259 = arith.constant 640 : i32
    %scan3A_260 = arith.addi %scan3A_258, %scan3A_259 : i32
    %scan3A_261 = arith.constant 1 : i32
    scf.for %scan3A_304 = %scan3A_258 to %scan3A_260 step %scan3A_261  : i32 {
      %mul3A_305 = arith.constant 16 : i32
      %mul3A_306 = arith.muli %scan3A_304, %mul3A_305 : i32
      %add3A_307 = arith.constant 0 : i32
      %add3A_308 = arith.addi %add3A_307, %mul3A_306 : i32
      %get3A_309 = arith.index_cast %add3A_308 : i32 to index
      %get3A_310 = tpu.vector_load %arg10[%get3A_309] {strides = array<i32>} : memref<10240xi32, #tpu.memory_space<vmem>>, vector<16xi32>,
      %sub3A = vector.broadcast %mul3A_0 : i32 to vector<16xi32>
      %sub3A_311 = arith.subi %get3A_310, %sub3A : vector<16xi32>
      %ge3A = arith.constant 0 : i32
      %ge3A_312 = vector.broadcast %ge3A : i32 to vector<16xi32>
      %ge3A_313 = arith.cmpi sge, %sub3A_311, %ge3A_312 : vector<16xi32>
      %lt3A = arith.constant 524288 : i32
      %lt3A_314 = vector.broadcast %lt3A : i32 to vector<16xi32>
      %lt3A_315 = arith.cmpi slt, %sub3A_311, %lt3A_314 : vector<16xi32>
      %and3A = arith.andi %ge3A_313, %lt3A_315 : vector<16xi1>
      %select_n3A = arith.select %and3A, %sub3A_311, %add3A_12 : vector<16xi1>, vector<16xi32>
      %swap3A_316 = arith.index_cast %add3A_308 : i32 to index
      %swap3A_317 = tpu.vector_load %arg12[%swap3A_316] {strides = array<i32>} : memref<10240xi32, #tpu.memory_space<vmem>>, vector<16xi32>,
      tpu.vector_store %arg12[%swap3A_316], %select_n3A {strides = array<i32>} : memref<10240xi32, #tpu.memory_space<vmem>>, vector<16xi32>,
    }
    %scan3A_262 = arith.constant 640 : i32
    "tpu.region"() ({
      %run_scoped3A = tpu.sem_alloc : memref<!tpu.dma_semaphore, #tpu.memory_space<semaphore_mem>>
      %dma_start3A = arith.constant 0 : i32
      %dma_start3A_304 = tpu.memref_slice %arg8[%dma_start3A] : memref<524544xf32, #tpu.memory_space<vmem_shared>> -> memref<524544xf32, #tpu.memory_space<vmem_shared>>
      tpu.enqueue_indirect_dma source(%dma_start3A_304 : memref<524544xf32, #tpu.memory_space<vmem_shared>>) target(%arg13 : memref<10240xf32, #tpu.memory_space<vmem>>) offsets(%arg12 : memref<10240xi32, #tpu.memory_space<vmem>>) semaphore(%run_scoped3A : memref<!tpu.dma_semaphore, #tpu.memory_space<semaphore_mem>>)
      %dma_wait3A = arith.constant 0 : i32
      %dma_wait3A_305 = tpu.memref_slice %arg8[%dma_wait3A] : memref<524544xf32, #tpu.memory_space<vmem_shared>> -> memref<524544xf32, #tpu.memory_space<vmem_shared>>
      tpu.wait_indirect_dma semaphore(%run_scoped3A : memref<!tpu.dma_semaphore, #tpu.memory_space<semaphore_mem>>) src(%dma_wait3A_305 : memref<524544xf32, #tpu.memory_space<vmem_shared>>) dst(%arg13 : memref<10240xf32, #tpu.memory_space<vmem>>)
      tpu.yield
    }) : () -> ()
    "tpu.region"() ({
      %run_scoped3A = tpu.sem_alloc : memref<!tpu.dma_semaphore, #tpu.memory_space<semaphore_mem>>
      %dma_start3A = arith.constant 0 : i32
      %dma_start3A_304 = tpu.memref_slice %arg9[%dma_start3A] : memref<524544xf32, #tpu.memory_space<vmem_shared>> -> memref<524544xf32, #tpu.memory_space<vmem_shared>>
      tpu.enqueue_indirect_dma source(%dma_start3A_304 : memref<524544xf32, #tpu.memory_space<vmem_shared>>) target(%arg14 : memref<10240xf32, #tpu.memory_space<vmem>>) offsets(%arg12 : memref<10240xi32, #tpu.memory_space<vmem>>) semaphore(%run_scoped3A : memref<!tpu.dma_semaphore, #tpu.memory_space<semaphore_mem>>)
      %dma_wait3A = arith.constant 0 : i32
      %dma_wait3A_305 = tpu.memref_slice %arg9[%dma_wait3A] : memref<524544xf32, #tpu.memory_space<vmem_shared>> -> memref<524544xf32, #tpu.memory_space<vmem_shared>>
      tpu.wait_indirect_dma semaphore(%run_scoped3A : memref<!tpu.dma_semaphore, #tpu.memory_space<semaphore_mem>>) src(%dma_wait3A_305 : memref<524544xf32, #tpu.memory_space<vmem_shared>>) dst(%arg14 : memref<10240xf32, #tpu.memory_space<vmem>>)
      tpu.yield
    }) : () -> ()
    %scan3A_263 = arith.constant 0 : i32
    %scan3A_264 = arith.constant 640 : i32
    %scan3A_265 = arith.addi %scan3A_263, %scan3A_264 : i32
    %scan3A_266 = arith.constant 1 : i32
    scf.for %scan3A_304 = %scan3A_263 to %scan3A_265 step %scan3A_266  : i32 {
      %mul3A_305 = arith.constant 16 : i32
      %mul3A_306 = arith.muli %scan3A_304, %mul3A_305 : i32
      %add3A_307 = arith.constant 0 : i32
      %add3A_308 = arith.addi %add3A_307, %mul3A_306 : i32
      %get3A_309 = arith.index_cast %add3A_308 : i32 to index
      %get3A_310 = tpu.vector_load %arg11[%get3A_309] {strides = array<i32>} : memref<10240xf32, #tpu.memory_space<vmem>>, vector<16xf32>,
      %get3A_311 = arith.index_cast %add3A_308 : i32 to index
      %get3A_312 = tpu.vector_load %arg12[%get3A_311] {strides = array<i32>} : memref<10240xi32, #tpu.memory_space<vmem>>, vector<16xi32>,
      %get3A_313 = arith.index_cast %add3A_308 : i32 to index
      %get3A_314 = tpu.vector_load %arg13[%get3A_313] {strides = array<i32>} : memref<10240xf32, #tpu.memory_space<vmem>>, vector<16xf32>,
      %get3A_315 = arith.index_cast %add3A_308 : i32 to index
      %get3A_316 = tpu.vector_load %arg14[%get3A_315] {strides = array<i32>} : memref<10240xf32, #tpu.memory_space<vmem>>, vector<16xf32>,
      %lt3A = arith.constant 524288 : i32
      %lt3A_317 = vector.broadcast %lt3A : i32 to vector<16xi32>
      %lt3A_318 = arith.cmpi slt, %get3A_312, %lt3A_317 : vector<16xi32>
      %max3A = arith.constant 9.99999974E-6 : f32
      %max3A_319 = vector.broadcast %max3A : f32 to vector<16xf32>
      %max3A_320 = arith.maximumf %get3A_314, %max3A_319 : vector<16xf32>
      %div3A = arith.divf %get3A_310, %max3A_320 : vector<16xf32>
      %max3A_321 = arith.constant -1.000000e+00 : f32
      %max3A_322 = vector.broadcast %max3A_321 : f32 to vector<16xf32>
      %max3A_323 = arith.maximumf %div3A, %max3A_322 : vector<16xf32>
      %min3A = arith.constant 1.000000e+00 : f32
      %min3A_324 = vector.broadcast %min3A : f32 to vector<16xf32>
      %min3A_325 = arith.minimumf %max3A_323, %min3A_324 : vector<16xf32>
      %add3A_326 = arith.addf %min3A_325, %get3A_316 : vector<16xf32>
      %jit3A = arith.constant 0.000000e+00 : f32
      %broadcast_in_dim3A_327 = vector.broadcast %jit3A : f32 to vector<16xf32>
      %select_n3A = arith.select %lt3A_318, %add3A_326, %broadcast_in_dim3A_327 : vector<16xi1>, vector<16xf32>
      %swap3A_328 = arith.index_cast %add3A_308 : i32 to index
      %swap3A_329 = tpu.vector_load %arg11[%swap3A_328] {strides = array<i32>} : memref<10240xf32, #tpu.memory_space<vmem>>, vector<16xf32>,
      tpu.vector_store %arg11[%swap3A_328], %select_n3A {strides = array<i32>} : memref<10240xf32, #tpu.memory_space<vmem>>, vector<16xf32>,
    }
    %scan3A_267 = arith.constant 640 : i32
    "tpu.region"() ({
      %run_scoped3A = tpu.sem_alloc : memref<!tpu.dma_semaphore, #tpu.memory_space<semaphore_mem>>
      %dma_start3A = tpu.memref_slice %arg6[%arg0, %add3A_257] : memref<2x1638400xf32, #tpu.memory_space<hbm>> -> memref<1x10240xf32, #tpu.memory_space<hbm>>
      %dma_start3A_304 = tpu.memref_squeeze %dma_start3A : memref<1x10240xf32, #tpu.memory_space<hbm>> -> memref<10240xf32, #tpu.memory_space<hbm>>
      %dma_start3A_305 = tpu.memref_slice %arg6[%arg0, %add3A_257] : memref<2x1638400xf32, #tpu.memory_space<hbm>> -> memref<1x10240xf32, #tpu.memory_space<hbm>>
      %dma_start3A_306 = tpu.memref_squeeze %dma_start3A_305 : memref<1x10240xf32, #tpu.memory_space<hbm>> -> memref<10240xf32, #tpu.memory_space<hbm>>
      tpu.enqueue_dma source(%arg11 : memref<10240xf32, #tpu.memory_space<vmem>>) target(%dma_start3A_306 : memref<10240xf32, #tpu.memory_space<hbm>>) target_semaphore(%run_scoped3A : memref<!tpu.dma_semaphore, #tpu.memory_space<semaphore_mem>>)
      %dma_wait3A = tpu.memref_slice %arg6[%arg0, %add3A_257] : memref<2x1638400xf32, #tpu.memory_space<hbm>> -> memref<1x10240xf32, #tpu.memory_space<hbm>>
      %dma_wait3A_307 = tpu.memref_squeeze %dma_wait3A : memref<1x10240xf32, #tpu.memory_space<hbm>> -> memref<10240xf32, #tpu.memory_space<hbm>>
      %dma_wait3A_308 = tpu.memref_slice %arg6[%arg0, %add3A_257] : memref<2x1638400xf32, #tpu.memory_space<hbm>> -> memref<1x10240xf32, #tpu.memory_space<hbm>>
      %dma_wait3A_309 = tpu.memref_squeeze %dma_wait3A_308 : memref<1x10240xf32, #tpu.memory_space<hbm>> -> memref<10240xf32, #tpu.memory_space<hbm>>
      tpu.wait_dma2 semaphore(%run_scoped3A : memref<!tpu.dma_semaphore, #tpu.memory_space<semaphore_mem>>) src(%arg11 : memref<10240xf32, #tpu.memory_space<vmem>>) dst(%dma_wait3A_309 : memref<10240xf32, #tpu.memory_space<hbm>>)
      tpu.yield
    }) : () -> ()
    %add3A_268 = arith.constant 71680 : i32
    %add3A_269 = arith.addi %mul3A_14, %add3A_268 : i32
    "tpu.region"() ({
      %run_scoped3A = tpu.sem_alloc : memref<!tpu.dma_semaphore, #tpu.memory_space<semaphore_mem>>
      %dma_start3A = tpu.memref_slice %arg3[%add3A_269] : memref<1638400xi32, #tpu.memory_space<hbm>> -> memref<10240xi32, #tpu.memory_space<hbm>>
      %dma_start3A_304 = tpu.memref_slice %arg3[%add3A_269] : memref<1638400xi32, #tpu.memory_space<hbm>> -> memref<10240xi32, #tpu.memory_space<hbm>>
      tpu.enqueue_dma source(%dma_start3A_304 : memref<10240xi32, #tpu.memory_space<hbm>>) target(%arg10 : memref<10240xi32, #tpu.memory_space<vmem>>) target_semaphore(%run_scoped3A : memref<!tpu.dma_semaphore, #tpu.memory_space<semaphore_mem>>)
      %dma_wait3A = tpu.memref_slice %arg3[%add3A_269] : memref<1638400xi32, #tpu.memory_space<hbm>> -> memref<10240xi32, #tpu.memory_space<hbm>>
      %dma_wait3A_305 = tpu.memref_slice %arg3[%add3A_269] : memref<1638400xi32, #tpu.memory_space<hbm>> -> memref<10240xi32, #tpu.memory_space<hbm>>
      tpu.wait_dma2 semaphore(%run_scoped3A : memref<!tpu.dma_semaphore, #tpu.memory_space<semaphore_mem>>) src(%dma_wait3A_305 : memref<10240xi32, #tpu.memory_space<hbm>>) dst(%arg10 : memref<10240xi32, #tpu.memory_space<vmem>>)
      tpu.yield
    }) : () -> ()
    "tpu.region"() ({
      %run_scoped3A = tpu.sem_alloc : memref<!tpu.dma_semaphore, #tpu.memory_space<semaphore_mem>>
      %dma_start3A = tpu.memref_slice %arg2[%add3A_269] : memref<1638400xf32, #tpu.memory_space<hbm>> -> memref<10240xf32, #tpu.memory_space<hbm>>
      %dma_start3A_304 = tpu.memref_slice %arg2[%add3A_269] : memref<1638400xf32, #tpu.memory_space<hbm>> -> memref<10240xf32, #tpu.memory_space<hbm>>
      tpu.enqueue_dma source(%dma_start3A_304 : memref<10240xf32, #tpu.memory_space<hbm>>) target(%arg11 : memref<10240xf32, #tpu.memory_space<vmem>>) target_semaphore(%run_scoped3A : memref<!tpu.dma_semaphore, #tpu.memory_space<semaphore_mem>>)
      %dma_wait3A = tpu.memref_slice %arg2[%add3A_269] : memref<1638400xf32, #tpu.memory_space<hbm>> -> memref<10240xf32, #tpu.memory_space<hbm>>
      %dma_wait3A_305 = tpu.memref_slice %arg2[%add3A_269] : memref<1638400xf32, #tpu.memory_space<hbm>> -> memref<10240xf32, #tpu.memory_space<hbm>>
      tpu.wait_dma2 semaphore(%run_scoped3A : memref<!tpu.dma_semaphore, #tpu.memory_space<semaphore_mem>>) src(%dma_wait3A_305 : memref<10240xf32, #tpu.memory_space<hbm>>) dst(%arg11 : memref<10240xf32, #tpu.memory_space<vmem>>)
      tpu.yield
    }) : () -> ()
    %scan3A_270 = arith.constant 0 : i32
    %scan3A_271 = arith.constant 640 : i32
    %scan3A_272 = arith.addi %scan3A_270, %scan3A_271 : i32
    %scan3A_273 = arith.constant 1 : i32
    scf.for %scan3A_304 = %scan3A_270 to %scan3A_272 step %scan3A_273  : i32 {
      %mul3A_305 = arith.constant 16 : i32
      %mul3A_306 = arith.muli %scan3A_304, %mul3A_305 : i32
      %add3A_307 = arith.constant 0 : i32
      %add3A_308 = arith.addi %add3A_307, %mul3A_306 : i32
      %get3A_309 = arith.index_cast %add3A_308 : i32 to index
      %get3A_310 = tpu.vector_load %arg10[%get3A_309] {strides = array<i32>} : memref<10240xi32, #tpu.memory_space<vmem>>, vector<16xi32>,
      %sub3A = vector.broadcast %mul3A_0 : i32 to vector<16xi32>
      %sub3A_311 = arith.subi %get3A_310, %sub3A : vector<16xi32>
      %ge3A = arith.constant 0 : i32
      %ge3A_312 = vector.broadcast %ge3A : i32 to vector<16xi32>
      %ge3A_313 = arith.cmpi sge, %sub3A_311, %ge3A_312 : vector<16xi32>
      %lt3A = arith.constant 524288 : i32
      %lt3A_314 = vector.broadcast %lt3A : i32 to vector<16xi32>
      %lt3A_315 = arith.cmpi slt, %sub3A_311, %lt3A_314 : vector<16xi32>
      %and3A = arith.andi %ge3A_313, %lt3A_315 : vector<16xi1>
      %select_n3A = arith.select %and3A, %sub3A_311, %add3A_12 : vector<16xi1>, vector<16xi32>
      %swap3A_316 = arith.index_cast %add3A_308 : i32 to index
      %swap3A_317 = tpu.vector_load %arg12[%swap3A_316] {strides = array<i32>} : memref<10240xi32, #tpu.memory_space<vmem>>, vector<16xi32>,
      tpu.vector_store %arg12[%swap3A_316], %select_n3A {strides = array<i32>} : memref<10240xi32, #tpu.memory_space<vmem>>, vector<16xi32>,
    }
    %scan3A_274 = arith.constant 640 : i32
    "tpu.region"() ({
      %run_scoped3A = tpu.sem_alloc : memref<!tpu.dma_semaphore, #tpu.memory_space<semaphore_mem>>
      %dma_start3A = arith.constant 0 : i32
      %dma_start3A_304 = tpu.memref_slice %arg8[%dma_start3A] : memref<524544xf32, #tpu.memory_space<vmem_shared>> -> memref<524544xf32, #tpu.memory_space<vmem_shared>>
      tpu.enqueue_indirect_dma source(%dma_start3A_304 : memref<524544xf32, #tpu.memory_space<vmem_shared>>) target(%arg13 : memref<10240xf32, #tpu.memory_space<vmem>>) offsets(%arg12 : memref<10240xi32, #tpu.memory_space<vmem>>) semaphore(%run_scoped3A : memref<!tpu.dma_semaphore, #tpu.memory_space<semaphore_mem>>)
      %dma_wait3A = arith.constant 0 : i32
      %dma_wait3A_305 = tpu.memref_slice %arg8[%dma_wait3A] : memref<524544xf32, #tpu.memory_space<vmem_shared>> -> memref<524544xf32, #tpu.memory_space<vmem_shared>>
      tpu.wait_indirect_dma semaphore(%run_scoped3A : memref<!tpu.dma_semaphore, #tpu.memory_space<semaphore_mem>>) src(%dma_wait3A_305 : memref<524544xf32, #tpu.memory_space<vmem_shared>>) dst(%arg13 : memref<10240xf32, #tpu.memory_space<vmem>>)
      tpu.yield
    }) : () -> ()
    "tpu.region"() ({
      %run_scoped3A = tpu.sem_alloc : memref<!tpu.dma_semaphore, #tpu.memory_space<semaphore_mem>>
      %dma_start3A = arith.constant 0 : i32
      %dma_start3A_304 = tpu.memref_slice %arg9[%dma_start3A] : memref<524544xf32, #tpu.memory_space<vmem_shared>> -> memref<524544xf32, #tpu.memory_space<vmem_shared>>
      tpu.enqueue_indirect_dma source(%dma_start3A_304 : memref<524544xf32, #tpu.memory_space<vmem_shared>>) target(%arg14 : memref<10240xf32, #tpu.memory_space<vmem>>) offsets(%arg12 : memref<10240xi32, #tpu.memory_space<vmem>>) semaphore(%run_scoped3A : memref<!tpu.dma_semaphore, #tpu.memory_space<semaphore_mem>>)
      %dma_wait3A = arith.constant 0 : i32
      %dma_wait3A_305 = tpu.memref_slice %arg9[%dma_wait3A] : memref<524544xf32, #tpu.memory_space<vmem_shared>> -> memref<524544xf32, #tpu.memory_space<vmem_shared>>
      tpu.wait_indirect_dma semaphore(%run_scoped3A : memref<!tpu.dma_semaphore, #tpu.memory_space<semaphore_mem>>) src(%dma_wait3A_305 : memref<524544xf32, #tpu.memory_space<vmem_shared>>) dst(%arg14 : memref<10240xf32, #tpu.memory_space<vmem>>)
      tpu.yield
    }) : () -> ()
    %scan3A_275 = arith.constant 0 : i32
    %scan3A_276 = arith.constant 640 : i32
    %scan3A_277 = arith.addi %scan3A_275, %scan3A_276 : i32
    %scan3A_278 = arith.constant 1 : i32
    scf.for %scan3A_304 = %scan3A_275 to %scan3A_277 step %scan3A_278  : i32 {
      %mul3A_305 = arith.constant 16 : i32
      %mul3A_306 = arith.muli %scan3A_304, %mul3A_305 : i32
      %add3A_307 = arith.constant 0 : i32
      %add3A_308 = arith.addi %add3A_307, %mul3A_306 : i32
      %get3A_309 = arith.index_cast %add3A_308 : i32 to index
      %get3A_310 = tpu.vector_load %arg11[%get3A_309] {strides = array<i32>} : memref<10240xf32, #tpu.memory_space<vmem>>, vector<16xf32>,
      %get3A_311 = arith.index_cast %add3A_308 : i32 to index
      %get3A_312 = tpu.vector_load %arg12[%get3A_311] {strides = array<i32>} : memref<10240xi32, #tpu.memory_space<vmem>>, vector<16xi32>,
      %get3A_313 = arith.index_cast %add3A_308 : i32 to index
      %get3A_314 = tpu.vector_load %arg13[%get3A_313] {strides = array<i32>} : memref<10240xf32, #tpu.memory_space<vmem>>, vector<16xf32>,
      %get3A_315 = arith.index_cast %add3A_308 : i32 to index
      %get3A_316 = tpu.vector_load %arg14[%get3A_315] {strides = array<i32>} : memref<10240xf32, #tpu.memory_space<vmem>>, vector<16xf32>,
      %lt3A = arith.constant 524288 : i32
      %lt3A_317 = vector.broadcast %lt3A : i32 to vector<16xi32>
      %lt3A_318 = arith.cmpi slt, %get3A_312, %lt3A_317 : vector<16xi32>
      %max3A = arith.constant 9.99999974E-6 : f32
      %max3A_319 = vector.broadcast %max3A : f32 to vector<16xf32>
      %max3A_320 = arith.maximumf %get3A_314, %max3A_319 : vector<16xf32>
      %div3A = arith.divf %get3A_310, %max3A_320 : vector<16xf32>
      %max3A_321 = arith.constant -1.000000e+00 : f32
      %max3A_322 = vector.broadcast %max3A_321 : f32 to vector<16xf32>
      %max3A_323 = arith.maximumf %div3A, %max3A_322 : vector<16xf32>
      %min3A = arith.constant 1.000000e+00 : f32
      %min3A_324 = vector.broadcast %min3A : f32 to vector<16xf32>
      %min3A_325 = arith.minimumf %max3A_323, %min3A_324 : vector<16xf32>
      %add3A_326 = arith.addf %min3A_325, %get3A_316 : vector<16xf32>
      %jit3A = arith.constant 0.000000e+00 : f32
      %broadcast_in_dim3A_327 = vector.broadcast %jit3A : f32 to vector<16xf32>
      %select_n3A = arith.select %lt3A_318, %add3A_326, %broadcast_in_dim3A_327 : vector<16xi1>, vector<16xf32>
      %swap3A_328 = arith.index_cast %add3A_308 : i32 to index
      %swap3A_329 = tpu.vector_load %arg11[%swap3A_328] {strides = array<i32>} : memref<10240xf32, #tpu.memory_space<vmem>>, vector<16xf32>,
      tpu.vector_store %arg11[%swap3A_328], %select_n3A {strides = array<i32>} : memref<10240xf32, #tpu.memory_space<vmem>>, vector<16xf32>,
    }
    %scan3A_279 = arith.constant 640 : i32
    "tpu.region"() ({
      %run_scoped3A = tpu.sem_alloc : memref<!tpu.dma_semaphore, #tpu.memory_space<semaphore_mem>>
      %dma_start3A = tpu.memref_slice %arg6[%arg0, %add3A_269] : memref<2x1638400xf32, #tpu.memory_space<hbm>> -> memref<1x10240xf32, #tpu.memory_space<hbm>>
      %dma_start3A_304 = tpu.memref_squeeze %dma_start3A : memref<1x10240xf32, #tpu.memory_space<hbm>> -> memref<10240xf32, #tpu.memory_space<hbm>>
      %dma_start3A_305 = tpu.memref_slice %arg6[%arg0, %add3A_269] : memref<2x1638400xf32, #tpu.memory_space<hbm>> -> memref<1x10240xf32, #tpu.memory_space<hbm>>
      %dma_start3A_306 = tpu.memref_squeeze %dma_start3A_305 : memref<1x10240xf32, #tpu.memory_space<hbm>> -> memref<10240xf32, #tpu.memory_space<hbm>>
      tpu.enqueue_dma source(%arg11 : memref<10240xf32, #tpu.memory_space<vmem>>) target(%dma_start3A_306 : memref<10240xf32, #tpu.memory_space<hbm>>) target_semaphore(%run_scoped3A : memref<!tpu.dma_semaphore, #tpu.memory_space<semaphore_mem>>)
      %dma_wait3A = tpu.memref_slice %arg6[%arg0, %add3A_269] : memref<2x1638400xf32, #tpu.memory_space<hbm>> -> memref<1x10240xf32, #tpu.memory_space<hbm>>
      %dma_wait3A_307 = tpu.memref_squeeze %dma_wait3A : memref<1x10240xf32, #tpu.memory_space<hbm>> -> memref<10240xf32, #tpu.memory_space<hbm>>
      %dma_wait3A_308 = tpu.memref_slice %arg6[%arg0, %add3A_269] : memref<2x1638400xf32, #tpu.memory_space<hbm>> -> memref<1x10240xf32, #tpu.memory_space<hbm>>
      %dma_wait3A_309 = tpu.memref_squeeze %dma_wait3A_308 : memref<1x10240xf32, #tpu.memory_space<hbm>> -> memref<10240xf32, #tpu.memory_space<hbm>>
      tpu.wait_dma2 semaphore(%run_scoped3A : memref<!tpu.dma_semaphore, #tpu.memory_space<semaphore_mem>>) src(%arg11 : memref<10240xf32, #tpu.memory_space<vmem>>) dst(%dma_wait3A_309 : memref<10240xf32, #tpu.memory_space<hbm>>)
      tpu.yield
    }) : () -> ()
    %add3A_280 = arith.constant 81920 : i32
    %add3A_281 = arith.addi %mul3A_14, %add3A_280 : i32
    "tpu.region"() ({
      %run_scoped3A = tpu.sem_alloc : memref<!tpu.dma_semaphore, #tpu.memory_space<semaphore_mem>>
      %dma_start3A = tpu.memref_slice %arg3[%add3A_281] : memref<1638400xi32, #tpu.memory_space<hbm>> -> memref<10240xi32, #tpu.memory_space<hbm>>
      %dma_start3A_304 = tpu.memref_slice %arg3[%add3A_281] : memref<1638400xi32, #tpu.memory_space<hbm>> -> memref<10240xi32, #tpu.memory_space<hbm>>
      tpu.enqueue_dma source(%dma_start3A_304 : memref<10240xi32, #tpu.memory_space<hbm>>) target(%arg10 : memref<10240xi32, #tpu.memory_space<vmem>>) target_semaphore(%run_scoped3A : memref<!tpu.dma_semaphore, #tpu.memory_space<semaphore_mem>>)
      %dma_wait3A = tpu.memref_slice %arg3[%add3A_281] : memref<1638400xi32, #tpu.memory_space<hbm>> -> memref<10240xi32, #tpu.memory_space<hbm>>
      %dma_wait3A_305 = tpu.memref_slice %arg3[%add3A_281] : memref<1638400xi32, #tpu.memory_space<hbm>> -> memref<10240xi32, #tpu.memory_space<hbm>>
      tpu.wait_dma2 semaphore(%run_scoped3A : memref<!tpu.dma_semaphore, #tpu.memory_space<semaphore_mem>>) src(%dma_wait3A_305 : memref<10240xi32, #tpu.memory_space<hbm>>) dst(%arg10 : memref<10240xi32, #tpu.memory_space<vmem>>)
      tpu.yield
    }) : () -> ()
    "tpu.region"() ({
      %run_scoped3A = tpu.sem_alloc : memref<!tpu.dma_semaphore, #tpu.memory_space<semaphore_mem>>
      %dma_start3A = tpu.memref_slice %arg2[%add3A_281] : memref<1638400xf32, #tpu.memory_space<hbm>> -> memref<10240xf32, #tpu.memory_space<hbm>>
      %dma_start3A_304 = tpu.memref_slice %arg2[%add3A_281] : memref<1638400xf32, #tpu.memory_space<hbm>> -> memref<10240xf32, #tpu.memory_space<hbm>>
      tpu.enqueue_dma source(%dma_start3A_304 : memref<10240xf32, #tpu.memory_space<hbm>>) target(%arg11 : memref<10240xf32, #tpu.memory_space<vmem>>) target_semaphore(%run_scoped3A : memref<!tpu.dma_semaphore, #tpu.memory_space<semaphore_mem>>)
      %dma_wait3A = tpu.memref_slice %arg2[%add3A_281] : memref<1638400xf32, #tpu.memory_space<hbm>> -> memref<10240xf32, #tpu.memory_space<hbm>>
      %dma_wait3A_305 = tpu.memref_slice %arg2[%add3A_281] : memref<1638400xf32, #tpu.memory_space<hbm>> -> memref<10240xf32, #tpu.memory_space<hbm>>
      tpu.wait_dma2 semaphore(%run_scoped3A : memref<!tpu.dma_semaphore, #tpu.memory_space<semaphore_mem>>) src(%dma_wait3A_305 : memref<10240xf32, #tpu.memory_space<hbm>>) dst(%arg11 : memref<10240xf32, #tpu.memory_space<vmem>>)
      tpu.yield
    }) : () -> ()
    %scan3A_282 = arith.constant 0 : i32
    %scan3A_283 = arith.constant 640 : i32
    %scan3A_284 = arith.addi %scan3A_282, %scan3A_283 : i32
    %scan3A_285 = arith.constant 1 : i32
    scf.for %scan3A_304 = %scan3A_282 to %scan3A_284 step %scan3A_285  : i32 {
      %mul3A_305 = arith.constant 16 : i32
      %mul3A_306 = arith.muli %scan3A_304, %mul3A_305 : i32
      %add3A_307 = arith.constant 0 : i32
      %add3A_308 = arith.addi %add3A_307, %mul3A_306 : i32
      %get3A_309 = arith.index_cast %add3A_308 : i32 to index
      %get3A_310 = tpu.vector_load %arg10[%get3A_309] {strides = array<i32>} : memref<10240xi32, #tpu.memory_space<vmem>>, vector<16xi32>,
      %sub3A = vector.broadcast %mul3A_0 : i32 to vector<16xi32>
      %sub3A_311 = arith.subi %get3A_310, %sub3A : vector<16xi32>
      %ge3A = arith.constant 0 : i32
      %ge3A_312 = vector.broadcast %ge3A : i32 to vector<16xi32>
      %ge3A_313 = arith.cmpi sge, %sub3A_311, %ge3A_312 : vector<16xi32>
      %lt3A = arith.constant 524288 : i32
      %lt3A_314 = vector.broadcast %lt3A : i32 to vector<16xi32>
      %lt3A_315 = arith.cmpi slt, %sub3A_311, %lt3A_314 : vector<16xi32>
      %and3A = arith.andi %ge3A_313, %lt3A_315 : vector<16xi1>
      %select_n3A = arith.select %and3A, %sub3A_311, %add3A_12 : vector<16xi1>, vector<16xi32>
      %swap3A_316 = arith.index_cast %add3A_308 : i32 to index
      %swap3A_317 = tpu.vector_load %arg12[%swap3A_316] {strides = array<i32>} : memref<10240xi32, #tpu.memory_space<vmem>>, vector<16xi32>,
      tpu.vector_store %arg12[%swap3A_316], %select_n3A {strides = array<i32>} : memref<10240xi32, #tpu.memory_space<vmem>>, vector<16xi32>,
    }
    %scan3A_286 = arith.constant 640 : i32
    "tpu.region"() ({
      %run_scoped3A = tpu.sem_alloc : memref<!tpu.dma_semaphore, #tpu.memory_space<semaphore_mem>>
      %dma_start3A = arith.constant 0 : i32
      %dma_start3A_304 = tpu.memref_slice %arg8[%dma_start3A] : memref<524544xf32, #tpu.memory_space<vmem_shared>> -> memref<524544xf32, #tpu.memory_space<vmem_shared>>
      tpu.enqueue_indirect_dma source(%dma_start3A_304 : memref<524544xf32, #tpu.memory_space<vmem_shared>>) target(%arg13 : memref<10240xf32, #tpu.memory_space<vmem>>) offsets(%arg12 : memref<10240xi32, #tpu.memory_space<vmem>>) semaphore(%run_scoped3A : memref<!tpu.dma_semaphore, #tpu.memory_space<semaphore_mem>>)
      %dma_wait3A = arith.constant 0 : i32
      %dma_wait3A_305 = tpu.memref_slice %arg8[%dma_wait3A] : memref<524544xf32, #tpu.memory_space<vmem_shared>> -> memref<524544xf32, #tpu.memory_space<vmem_shared>>
      tpu.wait_indirect_dma semaphore(%run_scoped3A : memref<!tpu.dma_semaphore, #tpu.memory_space<semaphore_mem>>) src(%dma_wait3A_305 : memref<524544xf32, #tpu.memory_space<vmem_shared>>) dst(%arg13 : memref<10240xf32, #tpu.memory_space<vmem>>)
      tpu.yield
    }) : () -> ()
    "tpu.region"() ({
      %run_scoped3A = tpu.sem_alloc : memref<!tpu.dma_semaphore, #tpu.memory_space<semaphore_mem>>
      %dma_start3A = arith.constant 0 : i32
      %dma_start3A_304 = tpu.memref_slice %arg9[%dma_start3A] : memref<524544xf32, #tpu.memory_space<vmem_shared>> -> memref<524544xf32, #tpu.memory_space<vmem_shared>>
      tpu.enqueue_indirect_dma source(%dma_start3A_304 : memref<524544xf32, #tpu.memory_space<vmem_shared>>) target(%arg14 : memref<10240xf32, #tpu.memory_space<vmem>>) offsets(%arg12 : memref<10240xi32, #tpu.memory_space<vmem>>) semaphore(%run_scoped3A : memref<!tpu.dma_semaphore, #tpu.memory_space<semaphore_mem>>)
      %dma_wait3A = arith.constant 0 : i32
      %dma_wait3A_305 = tpu.memref_slice %arg9[%dma_wait3A] : memref<524544xf32, #tpu.memory_space<vmem_shared>> -> memref<524544xf32, #tpu.memory_space<vmem_shared>>
      tpu.wait_indirect_dma semaphore(%run_scoped3A : memref<!tpu.dma_semaphore, #tpu.memory_space<semaphore_mem>>) src(%dma_wait3A_305 : memref<524544xf32, #tpu.memory_space<vmem_shared>>) dst(%arg14 : memref<10240xf32, #tpu.memory_space<vmem>>)
      tpu.yield
    }) : () -> ()
    %scan3A_287 = arith.constant 0 : i32
    %scan3A_288 = arith.constant 640 : i32
    %scan3A_289 = arith.addi %scan3A_287, %scan3A_288 : i32
    %scan3A_290 = arith.constant 1 : i32
    scf.for %scan3A_304 = %scan3A_287 to %scan3A_289 step %scan3A_290  : i32 {
      %mul3A_305 = arith.constant 16 : i32
      %mul3A_306 = arith.muli %scan3A_304, %mul3A_305 : i32
      %add3A_307 = arith.constant 0 : i32
      %add3A_308 = arith.addi %add3A_307, %mul3A_306 : i32
      %get3A_309 = arith.index_cast %add3A_308 : i32 to index
      %get3A_310 = tpu.vector_load %arg11[%get3A_309] {strides = array<i32>} : memref<10240xf32, #tpu.memory_space<vmem>>, vector<16xf32>,
      %get3A_311 = arith.index_cast %add3A_308 : i32 to index
      %get3A_312 = tpu.vector_load %arg12[%get3A_311] {strides = array<i32>} : memref<10240xi32, #tpu.memory_space<vmem>>, vector<16xi32>,
      %get3A_313 = arith.index_cast %add3A_308 : i32 to index
      %get3A_314 = tpu.vector_load %arg13[%get3A_313] {strides = array<i32>} : memref<10240xf32, #tpu.memory_space<vmem>>, vector<16xf32>,
      %get3A_315 = arith.index_cast %add3A_308 : i32 to index
      %get3A_316 = tpu.vector_load %arg14[%get3A_315] {strides = array<i32>} : memref<10240xf32, #tpu.memory_space<vmem>>, vector<16xf32>,
      %lt3A = arith.constant 524288 : i32
      %lt3A_317 = vector.broadcast %lt3A : i32 to vector<16xi32>
      %lt3A_318 = arith.cmpi slt, %get3A_312, %lt3A_317 : vector<16xi32>
      %max3A = arith.constant 9.99999974E-6 : f32
      %max3A_319 = vector.broadcast %max3A : f32 to vector<16xf32>
      %max3A_320 = arith.maximumf %get3A_314, %max3A_319 : vector<16xf32>
      %div3A = arith.divf %get3A_310, %max3A_320 : vector<16xf32>
      %max3A_321 = arith.constant -1.000000e+00 : f32
      %max3A_322 = vector.broadcast %max3A_321 : f32 to vector<16xf32>
      %max3A_323 = arith.maximumf %div3A, %max3A_322 : vector<16xf32>
      %min3A = arith.constant 1.000000e+00 : f32
      %min3A_324 = vector.broadcast %min3A : f32 to vector<16xf32>
      %min3A_325 = arith.minimumf %max3A_323, %min3A_324 : vector<16xf32>
      %add3A_326 = arith.addf %min3A_325, %get3A_316 : vector<16xf32>
      %jit3A = arith.constant 0.000000e+00 : f32
      %broadcast_in_dim3A_327 = vector.broadcast %jit3A : f32 to vector<16xf32>
      %select_n3A = arith.select %lt3A_318, %add3A_326, %broadcast_in_dim3A_327 : vector<16xi1>, vector<16xf32>
      %swap3A_328 = arith.index_cast %add3A_308 : i32 to index
      %swap3A_329 = tpu.vector_load %arg11[%swap3A_328] {strides = array<i32>} : memref<10240xf32, #tpu.memory_space<vmem>>, vector<16xf32>,
      tpu.vector_store %arg11[%swap3A_328], %select_n3A {strides = array<i32>} : memref<10240xf32, #tpu.memory_space<vmem>>, vector<16xf32>,
    }
    %scan3A_291 = arith.constant 640 : i32
    "tpu.region"() ({
      %run_scoped3A = tpu.sem_alloc : memref<!tpu.dma_semaphore, #tpu.memory_space<semaphore_mem>>
      %dma_start3A = tpu.memref_slice %arg6[%arg0, %add3A_281] : memref<2x1638400xf32, #tpu.memory_space<hbm>> -> memref<1x10240xf32, #tpu.memory_space<hbm>>
      %dma_start3A_304 = tpu.memref_squeeze %dma_start3A : memref<1x10240xf32, #tpu.memory_space<hbm>> -> memref<10240xf32, #tpu.memory_space<hbm>>
      %dma_start3A_305 = tpu.memref_slice %arg6[%arg0, %add3A_281] : memref<2x1638400xf32, #tpu.memory_space<hbm>> -> memref<1x10240xf32, #tpu.memory_space<hbm>>
      %dma_start3A_306 = tpu.memref_squeeze %dma_start3A_305 : memref<1x10240xf32, #tpu.memory_space<hbm>> -> memref<10240xf32, #tpu.memory_space<hbm>>
      tpu.enqueue_dma source(%arg11 : memref<10240xf32, #tpu.memory_space<vmem>>) target(%dma_start3A_306 : memref<10240xf32, #tpu.memory_space<hbm>>) target_semaphore(%run_scoped3A : memref<!tpu.dma_semaphore, #tpu.memory_space<semaphore_mem>>)
      %dma_wait3A = tpu.memref_slice %arg6[%arg0, %add3A_281] : memref<2x1638400xf32, #tpu.memory_space<hbm>> -> memref<1x10240xf32, #tpu.memory_space<hbm>>
      %dma_wait3A_307 = tpu.memref_squeeze %dma_wait3A : memref<1x10240xf32, #tpu.memory_space<hbm>> -> memref<10240xf32, #tpu.memory_space<hbm>>
      %dma_wait3A_308 = tpu.memref_slice %arg6[%arg0, %add3A_281] : memref<2x1638400xf32, #tpu.memory_space<hbm>> -> memref<1x10240xf32, #tpu.memory_space<hbm>>
      %dma_wait3A_309 = tpu.memref_squeeze %dma_wait3A_308 : memref<1x10240xf32, #tpu.memory_space<hbm>> -> memref<10240xf32, #tpu.memory_space<hbm>>
      tpu.wait_dma2 semaphore(%run_scoped3A : memref<!tpu.dma_semaphore, #tpu.memory_space<semaphore_mem>>) src(%arg11 : memref<10240xf32, #tpu.memory_space<vmem>>) dst(%dma_wait3A_309 : memref<10240xf32, #tpu.memory_space<hbm>>)
      tpu.yield
    }) : () -> ()
    %add3A_292 = arith.constant 92160 : i32
    %add3A_293 = arith.addi %mul3A_14, %add3A_292 : i32
    "tpu.region"() ({
      %run_scoped3A = tpu.sem_alloc : memref<!tpu.dma_semaphore, #tpu.memory_space<semaphore_mem>>
      %dma_start3A = tpu.memref_slice %arg3[%add3A_293] : memref<1638400xi32, #tpu.memory_space<hbm>> -> memref<10240xi32, #tpu.memory_space<hbm>>
      %dma_start3A_304 = tpu.memref_slice %arg3[%add3A_293] : memref<1638400xi32, #tpu.memory_space<hbm>> -> memref<10240xi32, #tpu.memory_space<hbm>>
      tpu.enqueue_dma source(%dma_start3A_304 : memref<10240xi32, #tpu.memory_space<hbm>>) target(%arg10 : memref<10240xi32, #tpu.memory_space<vmem>>) target_semaphore(%run_scoped3A : memref<!tpu.dma_semaphore, #tpu.memory_space<semaphore_mem>>)
      %dma_wait3A = tpu.memref_slice %arg3[%add3A_293] : memref<1638400xi32, #tpu.memory_space<hbm>> -> memref<10240xi32, #tpu.memory_space<hbm>>
      %dma_wait3A_305 = tpu.memref_slice %arg3[%add3A_293] : memref<1638400xi32, #tpu.memory_space<hbm>> -> memref<10240xi32, #tpu.memory_space<hbm>>
      tpu.wait_dma2 semaphore(%run_scoped3A : memref<!tpu.dma_semaphore, #tpu.memory_space<semaphore_mem>>) src(%dma_wait3A_305 : memref<10240xi32, #tpu.memory_space<hbm>>) dst(%arg10 : memref<10240xi32, #tpu.memory_space<vmem>>)
      tpu.yield
    }) : () -> ()
    "tpu.region"() ({
      %run_scoped3A = tpu.sem_alloc : memref<!tpu.dma_semaphore, #tpu.memory_space<semaphore_mem>>
      %dma_start3A = tpu.memref_slice %arg2[%add3A_293] : memref<1638400xf32, #tpu.memory_space<hbm>> -> memref<10240xf32, #tpu.memory_space<hbm>>
      %dma_start3A_304 = tpu.memref_slice %arg2[%add3A_293] : memref<1638400xf32, #tpu.memory_space<hbm>> -> memref<10240xf32, #tpu.memory_space<hbm>>
      tpu.enqueue_dma source(%dma_start3A_304 : memref<10240xf32, #tpu.memory_space<hbm>>) target(%arg11 : memref<10240xf32, #tpu.memory_space<vmem>>) target_semaphore(%run_scoped3A : memref<!tpu.dma_semaphore, #tpu.memory_space<semaphore_mem>>)
      %dma_wait3A = tpu.memref_slice %arg2[%add3A_293] : memref<1638400xf32, #tpu.memory_space<hbm>> -> memref<10240xf32, #tpu.memory_space<hbm>>
      %dma_wait3A_305 = tpu.memref_slice %arg2[%add3A_293] : memref<1638400xf32, #tpu.memory_space<hbm>> -> memref<10240xf32, #tpu.memory_space<hbm>>
      tpu.wait_dma2 semaphore(%run_scoped3A : memref<!tpu.dma_semaphore, #tpu.memory_space<semaphore_mem>>) src(%dma_wait3A_305 : memref<10240xf32, #tpu.memory_space<hbm>>) dst(%arg11 : memref<10240xf32, #tpu.memory_space<vmem>>)
      tpu.yield
    }) : () -> ()
    %scan3A_294 = arith.constant 0 : i32
    %scan3A_295 = arith.constant 640 : i32
    %scan3A_296 = arith.addi %scan3A_294, %scan3A_295 : i32
    %scan3A_297 = arith.constant 1 : i32
    scf.for %scan3A_304 = %scan3A_294 to %scan3A_296 step %scan3A_297  : i32 {
      %mul3A_305 = arith.constant 16 : i32
      %mul3A_306 = arith.muli %scan3A_304, %mul3A_305 : i32
      %add3A_307 = arith.constant 0 : i32
      %add3A_308 = arith.addi %add3A_307, %mul3A_306 : i32
      %get3A_309 = arith.index_cast %add3A_308 : i32 to index
      %get3A_310 = tpu.vector_load %arg10[%get3A_309] {strides = array<i32>} : memref<10240xi32, #tpu.memory_space<vmem>>, vector<16xi32>,
      %sub3A = vector.broadcast %mul3A_0 : i32 to vector<16xi32>
      %sub3A_311 = arith.subi %get3A_310, %sub3A : vector<16xi32>
      %ge3A = arith.constant 0 : i32
      %ge3A_312 = vector.broadcast %ge3A : i32 to vector<16xi32>
      %ge3A_313 = arith.cmpi sge, %sub3A_311, %ge3A_312 : vector<16xi32>
      %lt3A = arith.constant 524288 : i32
      %lt3A_314 = vector.broadcast %lt3A : i32 to vector<16xi32>
      %lt3A_315 = arith.cmpi slt, %sub3A_311, %lt3A_314 : vector<16xi32>
      %and3A = arith.andi %ge3A_313, %lt3A_315 : vector<16xi1>
      %select_n3A = arith.select %and3A, %sub3A_311, %add3A_12 : vector<16xi1>, vector<16xi32>
      %swap3A_316 = arith.index_cast %add3A_308 : i32 to index
      %swap3A_317 = tpu.vector_load %arg12[%swap3A_316] {strides = array<i32>} : memref<10240xi32, #tpu.memory_space<vmem>>, vector<16xi32>,
      tpu.vector_store %arg12[%swap3A_316], %select_n3A {strides = array<i32>} : memref<10240xi32, #tpu.memory_space<vmem>>, vector<16xi32>,
    }
    %scan3A_298 = arith.constant 640 : i32
    "tpu.region"() ({
      %run_scoped3A = tpu.sem_alloc : memref<!tpu.dma_semaphore, #tpu.memory_space<semaphore_mem>>
      %dma_start3A = arith.constant 0 : i32
      %dma_start3A_304 = tpu.memref_slice %arg8[%dma_start3A] : memref<524544xf32, #tpu.memory_space<vmem_shared>> -> memref<524544xf32, #tpu.memory_space<vmem_shared>>
      tpu.enqueue_indirect_dma source(%dma_start3A_304 : memref<524544xf32, #tpu.memory_space<vmem_shared>>) target(%arg13 : memref<10240xf32, #tpu.memory_space<vmem>>) offsets(%arg12 : memref<10240xi32, #tpu.memory_space<vmem>>) semaphore(%run_scoped3A : memref<!tpu.dma_semaphore, #tpu.memory_space<semaphore_mem>>)
      %dma_wait3A = arith.constant 0 : i32
      %dma_wait3A_305 = tpu.memref_slice %arg8[%dma_wait3A] : memref<524544xf32, #tpu.memory_space<vmem_shared>> -> memref<524544xf32, #tpu.memory_space<vmem_shared>>
      tpu.wait_indirect_dma semaphore(%run_scoped3A : memref<!tpu.dma_semaphore, #tpu.memory_space<semaphore_mem>>) src(%dma_wait3A_305 : memref<524544xf32, #tpu.memory_space<vmem_shared>>) dst(%arg13 : memref<10240xf32, #tpu.memory_space<vmem>>)
      tpu.yield
    }) : () -> ()
    "tpu.region"() ({
      %run_scoped3A = tpu.sem_alloc : memref<!tpu.dma_semaphore, #tpu.memory_space<semaphore_mem>>
      %dma_start3A = arith.constant 0 : i32
      %dma_start3A_304 = tpu.memref_slice %arg9[%dma_start3A] : memref<524544xf32, #tpu.memory_space<vmem_shared>> -> memref<524544xf32, #tpu.memory_space<vmem_shared>>
      tpu.enqueue_indirect_dma source(%dma_start3A_304 : memref<524544xf32, #tpu.memory_space<vmem_shared>>) target(%arg14 : memref<10240xf32, #tpu.memory_space<vmem>>) offsets(%arg12 : memref<10240xi32, #tpu.memory_space<vmem>>) semaphore(%run_scoped3A : memref<!tpu.dma_semaphore, #tpu.memory_space<semaphore_mem>>)
      %dma_wait3A = arith.constant 0 : i32
      %dma_wait3A_305 = tpu.memref_slice %arg9[%dma_wait3A] : memref<524544xf32, #tpu.memory_space<vmem_shared>> -> memref<524544xf32, #tpu.memory_space<vmem_shared>>
      tpu.wait_indirect_dma semaphore(%run_scoped3A : memref<!tpu.dma_semaphore, #tpu.memory_space<semaphore_mem>>) src(%dma_wait3A_305 : memref<524544xf32, #tpu.memory_space<vmem_shared>>) dst(%arg14 : memref<10240xf32, #tpu.memory_space<vmem>>)
      tpu.yield
    }) : () -> ()
    %scan3A_299 = arith.constant 0 : i32
    %scan3A_300 = arith.constant 640 : i32
    %scan3A_301 = arith.addi %scan3A_299, %scan3A_300 : i32
    %scan3A_302 = arith.constant 1 : i32
    scf.for %scan3A_304 = %scan3A_299 to %scan3A_301 step %scan3A_302  : i32 {
      %mul3A_305 = arith.constant 16 : i32
      %mul3A_306 = arith.muli %scan3A_304, %mul3A_305 : i32
      %add3A_307 = arith.constant 0 : i32
      %add3A_308 = arith.addi %add3A_307, %mul3A_306 : i32
      %get3A_309 = arith.index_cast %add3A_308 : i32 to index
      %get3A_310 = tpu.vector_load %arg11[%get3A_309] {strides = array<i32>} : memref<10240xf32, #tpu.memory_space<vmem>>, vector<16xf32>,
      %get3A_311 = arith.index_cast %add3A_308 : i32 to index
      %get3A_312 = tpu.vector_load %arg12[%get3A_311] {strides = array<i32>} : memref<10240xi32, #tpu.memory_space<vmem>>, vector<16xi32>,
      %get3A_313 = arith.index_cast %add3A_308 : i32 to index
      %get3A_314 = tpu.vector_load %arg13[%get3A_313] {strides = array<i32>} : memref<10240xf32, #tpu.memory_space<vmem>>, vector<16xf32>,
      %get3A_315 = arith.index_cast %add3A_308 : i32 to index
      %get3A_316 = tpu.vector_load %arg14[%get3A_315] {strides = array<i32>} : memref<10240xf32, #tpu.memory_space<vmem>>, vector<16xf32>,
      %lt3A = arith.constant 524288 : i32
      %lt3A_317 = vector.broadcast %lt3A : i32 to vector<16xi32>
      %lt3A_318 = arith.cmpi slt, %get3A_312, %lt3A_317 : vector<16xi32>
      %max3A = arith.constant 9.99999974E-6 : f32
      %max3A_319 = vector.broadcast %max3A : f32 to vector<16xf32>
      %max3A_320 = arith.maximumf %get3A_314, %max3A_319 : vector<16xf32>
      %div3A = arith.divf %get3A_310, %max3A_320 : vector<16xf32>
      %max3A_321 = arith.constant -1.000000e+00 : f32
      %max3A_322 = vector.broadcast %max3A_321 : f32 to vector<16xf32>
      %max3A_323 = arith.maximumf %div3A, %max3A_322 : vector<16xf32>
      %min3A = arith.constant 1.000000e+00 : f32
      %min3A_324 = vector.broadcast %min3A : f32 to vector<16xf32>
      %min3A_325 = arith.minimumf %max3A_323, %min3A_324 : vector<16xf32>
      %add3A_326 = arith.addf %min3A_325, %get3A_316 : vector<16xf32>
      %jit3A = arith.constant 0.000000e+00 : f32
      %broadcast_in_dim3A_327 = vector.broadcast %jit3A : f32 to vector<16xf32>
      %select_n3A = arith.select %lt3A_318, %add3A_326, %broadcast_in_dim3A_327 : vector<16xi1>, vector<16xf32>
      %swap3A_328 = arith.index_cast %add3A_308 : i32 to index
      %swap3A_329 = tpu.vector_load %arg11[%swap3A_328] {strides = array<i32>} : memref<10240xf32, #tpu.memory_space<vmem>>, vector<16xf32>,
      tpu.vector_store %arg11[%swap3A_328], %select_n3A {strides = array<i32>} : memref<10240xf32, #tpu.memory_space<vmem>>, vector<16xf32>,
    }
    %scan3A_303 = arith.constant 640 : i32
    "tpu.region"() ({
      %run_scoped3A = tpu.sem_alloc : memref<!tpu.dma_semaphore, #tpu.memory_space<semaphore_mem>>
      %dma_start3A = tpu.memref_slice %arg6[%arg0, %add3A_293] : memref<2x1638400xf32, #tpu.memory_space<hbm>> -> memref<1x10240xf32, #tpu.memory_space<hbm>>
      %dma_start3A_304 = tpu.memref_squeeze %dma_start3A : memref<1x10240xf32, #tpu.memory_space<hbm>> -> memref<10240xf32, #tpu.memory_space<hbm>>
      %dma_start3A_305 = tpu.memref_slice %arg6[%arg0, %add3A_293] : memref<2x1638400xf32, #tpu.memory_space<hbm>> -> memref<1x10240xf32, #tpu.memory_space<hbm>>
      %dma_start3A_306 = tpu.memref_squeeze %dma_start3A_305 : memref<1x10240xf32, #tpu.memory_space<hbm>> -> memref<10240xf32, #tpu.memory_space<hbm>>
      tpu.enqueue_dma source(%arg11 : memref<10240xf32, #tpu.memory_space<vmem>>) target(%dma_start3A_306 : memref<10240xf32, #tpu.memory_space<hbm>>) target_semaphore(%run_scoped3A : memref<!tpu.dma_semaphore, #tpu.memory_space<semaphore_mem>>)
      %dma_wait3A = tpu.memref_slice %arg6[%arg0, %add3A_293] : memref<2x1638400xf32, #tpu.memory_space<hbm>> -> memref<1x10240xf32, #tpu.memory_space<hbm>>
      %dma_wait3A_307 = tpu.memref_squeeze %dma_wait3A : memref<1x10240xf32, #tpu.memory_space<hbm>> -> memref<10240xf32, #tpu.memory_space<hbm>>
      %dma_wait3A_308 = tpu.memref_slice %arg6[%arg0, %add3A_293] : memref<2x1638400xf32, #tpu.memory_space<hbm>> -> memref<1x10240xf32, #tpu.memory_space<hbm>>
      %dma_wait3A_309 = tpu.memref_squeeze %dma_wait3A_308 : memref<1x10240xf32, #tpu.memory_space<hbm>> -> memref<10240xf32, #tpu.memory_space<hbm>>
      tpu.wait_dma2 semaphore(%run_scoped3A : memref<!tpu.dma_semaphore, #tpu.memory_space<semaphore_mem>>) src(%arg11 : memref<10240xf32, #tpu.memory_space<vmem>>) dst(%dma_wait3A_309 : memref<10240xf32, #tpu.memory_space<hbm>>)
      tpu.yield
    }) : () -> ()
    return
  }
}

module attributes {stable_mosaic.version = 14 : i64} {
  func.func @add_body(%arg0: i32, %arg1: memref<2x800x128xf32, #tpu.memory_space<vmem>>, %arg2: memref<800x128xf32, #tpu.memory_space<vmem>>) attributes {dimension_semantics = [#tpu.dimension_semantics<arbitrary>], iteration_bounds = array<i64: 16>, scalar_prefetch = 0 : i64, scratch_operands = 0 : i64, tpu.core_type = #tpu.core_type<tc>, window_params = [{transform_indices = @transform_0, window_bounds = array<i64: 2, 800, 128>}, {transform_indices = @transform_1, window_bounds = array<i64: 800, 128>}]} {
    %get3A = arith.constant 0 : index
    %get3A_0 = arith.constant 0 : index
    %get3A_1 = arith.constant 0 : index
    %get3A_2 = vector.load %arg1[%get3A, %get3A_0, %get3A_1] : memref<2x800x128xf32, #tpu.memory_space<vmem>>, vector<1x800x128xf32>
    %get3A_3 = vector.shape_cast %get3A_2 : vector<1x800x128xf32> to vector<800x128xf32>
    %get3A_4 = arith.constant 1 : index
    %get3A_5 = arith.constant 0 : index
    %get3A_6 = arith.constant 0 : index
    %get3A_7 = vector.load %arg1[%get3A_4, %get3A_5, %get3A_6] : memref<2x800x128xf32, #tpu.memory_space<vmem>>, vector<1x800x128xf32>
    %get3A_8 = vector.shape_cast %get3A_7 : vector<1x800x128xf32> to vector<800x128xf32>
    %add3A = arith.addf %get3A_3, %get3A_8 : vector<800x128xf32>
    %swap3A = arith.constant 0 : index
    %swap3A_9 = arith.constant 0 : index
    %swap3A_10 = vector.load %arg2[%swap3A, %swap3A_9] : memref<800x128xf32, #tpu.memory_space<vmem>>, vector<800x128xf32>
    tpu.vector_store %arg2[%swap3A, %swap3A_9], %add3A {strides = array<i32>} : memref<800x128xf32, #tpu.memory_space<vmem>>, vector<800x128xf32>,
    return
  }
  func.func @transform_0(%arg0: i32) -> (i32, i32, i32) {
    %c0_i32 = arith.constant 0 : i32
    %c0_i32_0 = arith.constant 0 : i32
    %c0_i32_1 = arith.constant 0 : i32
    return %c0_i32, %arg0, %c0_i32_0 : i32, i32, i32
  }
  func.func @transform_1(%arg0: i32) -> (i32, i32) {
    %c0_i32 = arith.constant 0 : i32
    %c0_i32_0 = arith.constant 0 : i32
    return %arg0, %c0_i32 : i32, i32
  }
}

</mosaic_0001>

<sc_bundles>
// kernel: kernel.4.cloned.1.call-start
scs
__scs_entry_jumppad:
0x0: {  	(pc) =	sbr.rel $0x88, $3  }
0x1: {  	(tag) =	ssettag $0x0;
	lr =	simm.s32 $0x1  }
0x2: {  	[smem:$0x3F9D] =	sst lr;
	_ =	strace $0xD0000000  }
0x3: {  	_ = 	snop  }
0x4: {  	_ = 	snop  }
0x5: {  	_ = 	snop  }
0x6: {  	_ = 	snop  }
0x7: {  	_ = 	snop  }
__scs_overlays_trampoline_lowered:
0x8: {  	[smem:$0x3FAC] =	sst s0  }
0x9: {  	[smem:$0x3FAD] =	sst s1  }
0xa: {  	[smem:$0x3FAE] =	sst s2  }
0xb: {  	[smem:$0x3FAF] =	sst s3  }
0xc: {  	[smem:$0x3FB0] =	sst s4  }
0xd: {  	[smem:$0x3FB1] =	sst s5  }
0xe: {  	[smem:$0x3FB2] =	sst s6  }
0xf: {  	[smem:$0x3FB3] =	sst s7  }
0x10: {  	[smem:$0x3FB4] =	sst s8  }
0x11: {  	[smem:$0x3FB5] =	sst s9;
	s0 =	simm.s32 @!p0 $0x0  }
0x12: {  	s1 =	sld [smem:$0x3F9B];
	s0 =	simm.s32 @p0 $0x1  }
0x13: {  	[smem:$0x3FB6] =	sst s0;
	s0 =	simm.s32 @!p1 $0x0  }
0x14: {  	s2 =	sld [smem:$0x3F9A];
	s0 =	simm.s32 @p1 $0x1  }
0x15: {  	[smem:$0x3FB7] =	sst s0;
	s0 =	simm.s32 @!p2 $0x0  }
0x16: {  	s3 =	sld [smem:$0x3FDB];
	s0 =	simm.s32 @p2 $0x1  }
0x17: {  	s4 =	simm.s32 $0x1BF5;
	[smem:$0x3FB9] =	sst s0  }
0x18: {  	s0 =	sld [smem:$0x3F9C];
	_ =	swait.ge [sflag:s4], $0x0  }
0x19: {  	s7 =	sld [smem:$0x3F9D]  }
0x1a: {  	s8 =	sadd.s32 $0xFFFFE003, lr  }
0x1b: {  	s9 =	sadd.s32 $0xFFFFFEF7, lr;
	s5 =	simm.s32 $0xFFFFFFFF;
	p2 =	slt.u32 s8, $0xFFFFF086  }
0x1c: {  	p1 =	slt.u32 s9, $0xF7A;
	s5 =	simm.s32 @!p2 $0x0  }
0x1d: {  	s5 =	simm.s32 @p1 $0x1;
	p0 =	seq.s32 s7, s2  }
0x1e: {  	s7 =	smul.u32 @!p0 $0xF7A, s2;
	p2 =	seq.s32 @!p0 s5, $0x0  }
0x1f: {  	s9 =	smul.u32 $0xF7A, s1;
	s8 =	simm.s32 @!p0 $0x1BF5;
	p2 =	por !p2, p0  }
0x20: {  	[sflag:s8] =	ssyncset.s32 @!p0 $0xFFFFF086;
	s6 =	sadd.s32 @!p0 s3, s7;
	s7 =	simm.s32 @!p0 $0x108  }
0x21: {  	s3 =	sadd.s32 s3, s9;
	s6 =	sadd.s32 @!p0 $0x88, s6;
	s7 =	simm.s32 @p2 $0x1082  }
0x22: {  	[simem:s7], [sflag:s8] =	dma.local @!p0 [hbm:s6], $0xF7A  }
0x23: {  	s9 =	sor.u32 $0xD0000000, s2;
	s6 =	simm.s32 $0x108;
	_ =	swait.ge @!p0 [sflag:s8], $0x0  }
0x24: {  	s3 =	sadd.s32 $0x88, s3;
	s6 =	simm.s32 @!p1 $0x1082;
	[sflag:s4] =	ssyncset.s32 $0xFFFFF086  }
0x25: {  	[simem:s6], [sflag:s4] =	dma.local [hbm:s3], $0xF7A  }
0x26: {  	[smem:$0x3F9D] =	sst s1;
	(tag) =	ssettag s2;
	_ =	strace s9  }
0x27: {  	s1 =	sld [smem:$0x3FAD]  }
0x28: {  	s2 =	sld [smem:$0x3FAE]  }
0x29: {  	s4 =	sld [smem:$0x3FB0]  }
0x2a: {  	p0 =	seq.s32 s5, $0x0;
	s5 =	sld [smem:$0x3FB1]  }
0x2b: {  	s6 =	sld [smem:$0x3FB2]  }
0x2c: {  	s7 =	sld [smem:$0x3FB3]  }
0x2d: {  	s3 =	simm.s32 $0x108;
	s8 =	sld [smem:$0x3FB4]  }
0x2e: {  	s3 =	simm.s32 @!p0 $0x1082;
	s9 =	sld [smem:$0x3FB5]  }
0x2f: {  	lr =	sadd.s32 s0, s3;
	s0 =	sld [smem:$0x3FAC]  }
0x30: {  	s3 =	sld [smem:$0x3FAF]  }
0x31: {  	[smem:$0x3FB8] =	sst s10  }
0x32: {  	s10 =	sld [smem:$0x3FB6];
	_ =	sdelay $0x3  }
0x33: {  	p0 =	seq.s32 s10, $0x1;
	s10 =	sld [smem:$0x3FB8];
	_ =	sdelay $0x3  }
0x34: {  	[smem:$0x3FB8] =	sst s10  }
0x35: {  	s10 =	sld [smem:$0x3FB7];
	_ =	sdelay $0x3  }
0x36: {  	p1 =	seq.s32 s10, $0x1;
	s10 =	sld [smem:$0x3FB8];
	_ =	sdelay $0x3  }
0x37: {  	[smem:$0x3FB8] =	sst s10  }
0x38: {  	s10 =	sld [smem:$0x3FB9]  }
0x39: {  	_ = 	snop;
	(pc) =	sbr.ind lr, $3  }
0x3a: {  	_ = 	snop  }
0x3b: {  	_ = 	snop  }
0x3c: {  	p2 =	seq.s32 s10, $0x1;
	s10 =	sld [smem:$0x3FB8]  }
0x3d: {  	_ =	shalt  }
0x3e: {  	_ =	shalt  }
0x3f: {  	_ =	shalt  }
0x40: {  	_ =	shalt  }
0x41: {  	_ =	shalt  }
0x42: {  	_ =	shalt  }
0x43: {  	_ =	shalt  }
0x44: {  	_ =	shalt  }
0x45: {  	_ =	shalt  }
0x46: {  	_ =	shalt  }
0x47: {  	_ =	shalt  }
0x48: {  	_ =	shalt  }
0x49: {  	_ =	shalt  }
0x4a: {  	_ =	shalt  }
0x4b: {  	_ =	shalt  }
0x4c: {  	_ =	shalt  }
0x4d: {  	_ =	shalt  }
0x4e: {  	_ =	shalt  }
0x4f: {  	_ =	shalt  }
0x50: {  	_ =	shalt  }
0x51: {  	_ =	shalt  }
0x52: {  	_ =	shalt  }
0x53: {  	_ =	shalt  }
0x54: {  	_ =	shalt  }
0x55: {  	_ =	shalt  }
0x56: {  	_ =	shalt  }
0x57: {  	_ =	shalt  }
0x58: {  	_ =	shalt  }
0x59: {  	_ =	shalt  }
0x5a: {  	_ =	shalt  }
0x5b: {  	_ =	shalt  }
0x5c: {  	_ =	shalt  }
0x5d: {  	_ =	shalt  }
0x5e: {  	_ =	shalt  }
0x5f: {  	_ =	shalt  }
0x60: {  	_ =	shalt  }
0x61: {  	_ =	shalt  }
0x62: {  	_ =	shalt  }
0x63: {  	_ =	shalt  }
0x64: {  	_ =	shalt  }
0x65: {  	_ =	shalt  }
0x66: {  	_ =	shalt  }
0x67: {  	_ =	shalt  }
0x68: {  	_ =	shalt  }
0x69: {  	_ =	shalt  }
0x6a: {  	_ =	shalt  }
0x6b: {  	_ =	shalt  }
0x6c: {  	_ =	shalt  }
0x6d: {  	_ =	shalt  }
0x6e: {  	_ =	shalt  }
0x6f: {  	_ =	shalt  }
0x70: {  	_ =	shalt  }
0x71: {  	_ =	shalt  }
0x72: {  	_ =	shalt  }
0x73: {  	_ =	shalt  }
0x74: {  	_ =	shalt  }
0x75: {  	_ =	shalt  }
0x76: {  	_ =	shalt  }
0x77: {  	_ =	shalt  }
0x78: {  	_ =	shalt  }
0x79: {  	_ =	shalt  }
0x7a: {  	_ =	shalt  }
0x7b: {  	_ =	shalt  }
0x7c: {  	_ =	shalt  }
0x7d: {  	_ =	shalt  }
0x7e: {  	_ =	shalt  }
0x7f: {  	_ =	shalt  }
0x80: {  	_ =	shalt  }
0x81: {  	_ =	shalt  }
0x82: {  	_ =	shalt  }
0x83: {  	_ =	shalt  }
0x84: {  	_ =	shalt  }
0x85: {  	_ =	shalt  }
0x86: {  	_ =	shalt  }
0x87: {  	_ =	shalt  }
.Lfunc_end0:
.L_simem_size_0:
called_computation_lowered:
.L_overlay_start_0:
0x88: {  	s2 =	sld [smem:$0x3FD9]  }
0x89: {  	s3 =	sld [smem:$0x3FFE];
	_ =	sdelay $0x1  }
0x8a: {  	s1 =	srdreg.scid  }
0x8b: {  	s0 =	sand.u32 $0x1, s1  }
0x8c: {  	s17 =	sshll.u32 s0, $0xA;
	s2 =	sadd.s32 s3, s2  }
0x8d: {  	s2 =	sadd.s32 s2, s17  }
0x8e: {  	[smem:$0x3FC4] =	sst s2  }
0x8f: {  	_ = 	snop  }
0x90: {  	s2 =	sld [smem:$0x3FC9]  }
0x91: {  	s18 =	sld [smem:$0x3FC6]  }
0x92: {  	s4 =	sld [smem:$0x3FD0];
	(tm) =	ssettm $0x1  }
0x93: {  	s5 =	sld [smem:$0x3FFB];
	_ =	sdelay $0x3  }
0x94: {  	_ =	strace s5  }
0x95: {  	s5 =	sld [smem:$0x3FFC];
	_ =	sdelay $0x3  }
0x96: {  	_ =	strace s5  }
0x97: {  	s5 =	sld [smem:$0x3FFD];
	_ =	sdelay $0x3  }
0x98: {  	_ =	strace s5  }
0x99: {  	_ =	strace $0x8FFFFFFF  }
0x9a: {  	s19 =	sld [smem:$0x3FDB];
	_ =	sdelay $0x1  }
0x9b: {  	s6 =	simm.s32 $_scs_section_size  }
0x9c: {  	s7 =	simm.s32 $_size__tile_overlayer_lowered;
	s8 =	simm.s32 $_tile_overlayer_lowered  }
0x9d: {  	s22 =	simm.s32 $0x1BFF;
	s21 =	sshll.u32 s8, $0x1;
	s5 =	sadd.s32 s6, s19  }
0x9e: {  	s9 =	simm.s32 $0x0;
	s20 =	sshll.u32 s7, $0x1;
	s7 =	sadd.s32 s21, s5  }
0x9f: {  	[timem:s9], [sflag:s22] =	dma.local [hbm:s7], s20  }
0xa0: {  	_ =	swait.ge [sflag:s22], s20  }
0xa1: {  	s6 =	ssub.s32 $0x0, s20;
	[sflag:s22] =	ssyncset.done $0x0  }
0xa2: {  	[sflag:s22] =	ssyncadd.s32 s6;
	_ =	sdelay $0x1  }
0xa3: {  	s23 =	simm.s32 $0x1B8B  }
0xa4: {  	_ =	swait.ge [sflag:s23], $0x1  }
0xa5: {  	[sflag:s23] =	ssyncset.done $0x0  }
0xa6: {  	s25 =	simm.s32 $0x1B8E;
	s24 =	sld [smem:$0x3FFE];
	[sflag:s23] =	ssyncadd.s32 $0xFFFFFFFF  }
0xa7: {  	s26 =	simm.s32 $execute0_lowered;
	[smem:$0x3FD2] =	sst s25  }
0xa8: {  	s7 =	sshll.u32 s26, $0x1;
	_ =	strace $0x80000046;
	[dreg:$0x1] =	wrdreg $0xFFFFFFFF  }
0xa9: {  	s28 =	simm.s32 $_size_execute0_lowered;
	s5 =	sadd.s32 s5, s7;
	[dreg:$0x0] =	wrdreg $0x0  }
0xaa: {  	s7 =	sshll.u32 s28, $0x1;
	[dreg:$0x2] =	wrdreg s5  }
0xab: {  	[dreg:$0x3] =	wrdreg s7  }
0xac: {  	[dreg:$0x4] =	wrdreg $0xC0  }
0xad: {  	_ =	task [dreg:s9], $0x5FFFF  }
0xae: {  	[dreg:$0x1] =	wrdreg $0xFFFFFFFF  }
0xaf: {  	[dreg:$0x0] =	wrdreg $0x60  }
0xb0: {  	[dreg:$0x2] =	wrdreg s2  }
0xb1: {  	[dreg:$0x3] =	wrdreg s18  }
0xb2: {  	[dreg:$0x4] =	wrdreg s4  }
0xb3: {  	[dreg:$0x5] =	wrdreg s24  }
0xb4: {  	[dreg:$0x6] =	wrdreg $0x0  }
0xb5: {  	[dreg:$0x7] =	wrdreg $0x80100  }
0xb6: {  	[dreg:$0x8] =	wrdreg $0x9  }
0xb7: {  	_ =	task.clear_ibuf [dreg:s9], $0x9FFFF;
	_ =	strace $0x90000046  }
0xb8: {  	s29 =	simm.s32 $0x9;
	_ =	strace $0x80000048  }
0xb9: {  	_ =	swait.ge [sflag:s29], $0x1  }
0xba: {  	[sflag:s29] =	ssyncadd.s32 $0xFFFFFFFF  }
0xbb: {  	_ =	strace $0x90000048  }
0xbc: {  	_ =	sfence  }
0xbd: {  	s30 =	sld [smem:$0x0];
	_ =	sdelay $0x2  }
0xbe: {  	s31 =	sshll.u32 s1, $0xD;
	s1 =	sshrl.u32 s1, $0x2  }
0xbf: {  	s3 =	sand.u32 $0x4000, s31;
	s1 =	sadd.s32 s1, s30  }
0xc0: {  	s0 =	sor.u32 s3, s0;
	s1 =	sshll.u32 s1, $0x11  }
0xc1: {  	s0 =	sor.u32 s1, s0  }
0xc2: {  	s0 =	sadd.s32 $0x8F2B, s0  }
0xc3: {  	[sflag:s0] =	ssyncadd.remote.s32 $0x1  }
0xc4: {  	_ =	sfence.sel $0xFFFF  }
0xc5: {  	[dreg:$0x0] =	wrdreg $0xFFFFFFFF;
	(pc) =	sbr.abs _section_cstart, $3  }
0xc6: {  	[dreg:$0x1] =	wrdreg $0xFFFFFFFF  }
0xc7: {  	_ =	task.clear_ibuf [dreg:s9], $0x2FFFF;
	_ =	strace $0x9FFFFFFF  }
0xc8: {  	(tm) =	ssettm $0x7FFFFFFF  }
0xc9: {  	_ =	shalt  }
tec
execute0_lowered:
.L_overlay_start_1:
0x0: {  	(tag) =	ssettag $0x1  }
0x1: {  	s0 =	srdreg.scid  }
0x2: {  	s3 =	stileid.u32;
	s8 =	sand.u32 $0x1, s0  }
0x3: {  	s1 =	rddreg [dreg:$0x0];
	s20 =	smul.u32 $0x19000, s3;
	s2 =	ssub.s32 $0x2, s8  }
0x4: {  	s19 =	rddreg [dreg:$0x1];
	s29 =	smul.u32 $0x190000, s8;
	s22 =	sshrl.u32 s2, $0x1  }
0x5: {  	s24 =	sshrl.u32 s20, $0x3;
	s6 =	sadd.s32 $0x2800, s20;
	s4 =	sadd.s32 $0x5000, s20  }
0x6: {  	s10 =	sadd.s32 $0x7800, s20;
	s14 =	sadd.s32 $0xA000, s20;
	s16 =	sadd.s32 $0xC800, s20  }
0x7: {  	s18 =	sadd.s32 $0xF000, s20;
	s31 =	sadd.s32 $0x11800, s20;
	s23 =	ssub.s32 s2, s22  }
0x8: {  	s25 =	sadd.s32 s19, s24;
	s26 =	sshrl.u32 s6, $0x3;
	[smem:$0x7F3] =	sst s6  }
0x9: {  	s5 =	sadd.s32 s1, s24;
	s9 =	sshrl.u32 s4, $0x3;
	[smem:$0x7F4] =	sst s4  }
0xa: {  	s12 =	sshrl.u32 s10, $0x3;
	[smem:$0x7F5] =	sst s10;
	s17 =	sshrl.u32 s16, $0x3  }
0xb: {  	s22 =	sshrl.u32 s18, $0x3;
	s24 =	sshrl.u32 s31, $0x3;
	[smem:$0x7F9] =	sst s23  }
0xc: {  	s2 =	sadd.s32 $0x16800, s20;
	s0 =	sadd.s32 s29, s10;
	[dreg:$0x7] =	wrdreg s25  }
0xd: {  	[dreg:$0x8] =	wrdreg s5;
	s7 =	sadd.s32 s19, s26;
	s3 =	sadd.s32 s1, s26  }
0xe: {  	s11 =	sadd.s32 s19, s9;
	s5 =	sadd.s32 s1, s9;
	[smem:$0x7F6] =	sst s2  }
0xf: {  	s13 =	sadd.s32 s19, s12;
	s9 =	sshrl.u32 s14, $0x3;
	[dreg:$0x9] =	wrdreg s7  }
0x10: {  	s21 =	sadd.s32 s19, s17;
	s23 =	sadd.s32 s19, s22;
	[dreg:$0xa] =	wrdreg s11  }
0x11: {  	s25 =	sadd.s32 s19, s24;
	[dreg:$0xb] =	wrdreg s13;
	s7 =	sadd.s32 s1, s12  }
0x12: {  	s15 =	sadd.s32 s19, s9;
	s9 =	sadd.s32 s1, s9;
	[dreg:$0xd] =	wrdreg s21  }
0x13: {  	s11 =	sadd.s32 s1, s17;
	[dreg:$0xe] =	wrdreg s23;
	s13 =	sadd.s32 s1, s22  }
0x14: {  	[dreg:$0xf] =	wrdreg s25;
	s12 =	sadd.s32 $0x14000, s20;
	s21 =	sshrl.u32 s2, $0x3  }
0x15: {  	s22 =	sadd.s32 s20, s29;
	s23 =	rddreg [dreg:$0x3];
	s2 =	sadd.s32 s29, s2  }
0x16: {  	[dreg:$0xc] =	wrdreg s15;
	s15 =	sadd.s32 s1, s24;
	s17 =	sshrl.u32 s12, $0x3  }
0x17: {  	s24 =	sadd.s32 s29, s6;
	s30 =	sadd.s32 $0x20A00, s23;
	s23 =	sadd.s32 s29, s14  }
0x18: {  	s6 =	sadd.s32 s29, s18;
	s10 =	sadd.s32 s29, s12;
	s26 =	sadd.s32 s19, s17  }
0x19: {  	s17 =	sadd.s32 s1, s17;
	s19 =	sadd.s32 s19, s21;
	[dreg:$0x10] =	wrdreg s26  }
0x1a: {  	s25 =	sshrl.u32 s24, $0x3;
	s24 =	sshrl.u32 s23, $0x3;
	[dreg:$0x11] =	wrdreg s19  }
0x1b: {  	s19 =	sadd.s32 s1, s21;
	s1 =	sshrl.u32 s22, $0x3;
	s22 =	sadd.s32 s29, s4  }
0x1c: {  	s21 =	sadd.s32 s30, s25;
	s25 =	sadd.s32 s29, s16;
	s24 =	sadd.s32 s30, s24  }
0x1d: {  	s20 =	sadd.s32 s30, s1;
	s26 =	sshrl.u32 s22, $0x3;
	s1 =	sshrl.u32 s0, $0x3  }
0x1e: {  	s4 =	sshrl.u32 s25, $0x3;
	s0 =	sshrl.u32 s10, $0x3;
	s22 =	sadd.s32 s30, s26  }
0x1f: {  	s23 =	sadd.s32 s30, s1;
	s25 =	sadd.s32 s30, s4;
	s26 =	sadd.s32 s29, s31  }
0x20: {  	s1 =	sshrl.u32 s6, $0x3;
	s6 =	stileid.u32;
	s29 =	sadd.s32 s30, s0  }
0x21: {  	s28 =	sshrl.u32 s26, $0x3;
	s26 =	sadd.s32 s30, s1;
	s10 =	sshll.u32 s6, $0xF  }
0x22: {  	s1 =	sshrl.u32 s2, $0x3;
	s2 =	smul.u32 $0x32000, s6;
	s6 =	sld [smem:$0x7F4]  }
0x23: {  	s28 =	sadd.s32 s30, s28;
	s30 =	sadd.s32 s30, s1;
	s1 =	sld [smem:$0x7F3]  }
0x24: {  	_ = 	snop  }
0x25: {  	s4 =	sshll.u32 s8, $0x13;
	s8 =	sshll.u32 s8, $0x7  }
0x26: {  	s0 =	sshll.u32 s1, $0x1;
	s1 =	sshll.u32 s6, $0x1;
	s6 =	sld [smem:$0x7F5]  }
0x27: {  	[smem:$0x7FC] =	sst s4;
	s0 =	sor.u32 s8, s0  }
0x28: {  	s31 =	sshll.u32 s31, $0x1;
	[smem:$0x7F7] =	sst s0  }
0x29: {  	s0 =	sshll.u32 s6, $0x1;
	s6 =	sshll.u32 s12, $0x1;
	s12 =	sor.u32 s8, s31  }
0x2a: {  	s14 =	sshll.u32 s14, $0x1;
	[smem:$0x7F8] =	sst s12  }
0x2b: {  	s18 =	sshll.u32 s18, $0x1;
	s16 =	sshll.u32 s16, $0x1;
	s12 =	sld [smem:$0x7F6]  }
0x2c: {  	s14 =	sor.u32 s8, s14;
	s16 =	sor.u32 s8, s16;
	s4 =	sor.u32 s10, s4  }
0x2d: {  	s18 =	sor.u32 s8, s18;
	s4 =	sshrl.u32 s4, $0x3;
	s2 =	sor.u32 s8, s2  }
0x2e: {  	s1 =	sor.u32 s8, s1;
	s0 =	sor.u32 s8, s0;
	s12 =	sshll.u32 s12, $0x1  }
0x2f: {  	s6 =	sor.u32 s8, s6;
	s8 =	sor.u32 s8, s12;
	s12 =	rddreg [dreg:$0x2]  }
0x30: {  	s12 =	sadd.s32 s12, s4  }
0x31: {  	[dreg:$0x12] =	wrdreg s12  }
0x32: {  	s12 =	rddreg [dreg:$0x3]  }
0x33: {  	s2 =	sshrl.u32 s2, $0x3;
	s4 =	sadd.s32 s4, s12;
	s12 =	sadd.s32 $0x84A00, s12  }
0x34: {  	s2 =	sadd.s32 s12, s2  }
0x35: {  	[dreg:$0x13] =	wrdreg s2  }
0x36: {  	s1 =	sshrl.u32 s1, $0x3;
	s31 =	simm.s32 $0x0;
	s2 =	sld [smem:$0x7F7]  }
0x37: {  	[smem:$0x7FF] =	sst s31;
	s0 =	sshrl.u32 s0, $0x3;
	s1 =	sadd.s32 s12, s1  }
0x38: {  	s0 =	sadd.s32 s12, s0;
	[dreg:$0x15] =	wrdreg s1  }
0x39: {  	[dreg:$0x16] =	wrdreg s0;
	s2 =	sshrl.u32 s2, $0x3  }
0x3a: {  	s1 =	sshrl.u32 s18, $0x3;
	s18 =	rddreg [dreg:$0x5];
	s2 =	sadd.s32 s12, s2  }
0x3b: {  	[dreg:$0x14] =	wrdreg s2;
	s2 =	sshrl.u32 s14, $0x3  }
0x3c: {  	s14 =	sshrl.u32 s16, $0x3;
	s0 =	sadd.s32 s12, s2;
	s2 =	sld [smem:$0x7F8]  }
0x3d: {  	s16 =	sadd.s32 s12, s14;
	[dreg:$0x17] =	wrdreg s0  }
0x3e: {  	s4 =	sadd.s32 $0xA00, s4;
	[dreg:$0x18] =	wrdreg s16;
	s0 =	sadd.s32 s12, s1  }
0x3f: {  	s16 =	sshrl.u32 s6, $0x3;
	[dreg:$0x19] =	wrdreg s0;
	s14 =	sshrl.u32 s2, $0x3  }
0x40: {  	s6 =	sshrl.u32 s8, $0x3;
	s0 =	rddreg [dreg:$0x4];
	s1 =	sadd.s32 s12, s14  }
0x41: {  	s8 =	stileid.u32;
	[dreg:$0x1a] =	wrdreg s1;
	s1 =	sadd.s32 s12, s16  }
0x42: {  	[dreg:$0x1b] =	wrdreg s1;
	s1 =	sadd.s32 s12, s6;
	s12 =	sshll.u32 s8, $0x6  }
0x43: {  	p0 =	sne.s32 s8, $0x0;
	[dreg:$0x1c] =	wrdreg s1;
	s1 =	sor.u32 $0x1C05, s12  }
0x44: {  	s2 =	sadd.s32 s10, s18;
	_ =	strace $0x80000047;
	[dreg:$0x1d] =	wrdreg s1  }
0x45: {  	s14 =	sadd.s32 s10, s0;
	s6 =	sshrl.u32 s2, $0x3;
	[dreg:$0x1e] =	wrdreg s4  }
0x46: {  	s10 =	simm.s32 $0x12820;
	s16 =	sshll.u32 s8, $0x4;
	[smem:$0x7FB] =	sst s6  }
0x47: {  	v0 =	vlaneseq.u32;
	s8 =	sor.u32 $0x80000, s16;
	s16 =	simm.s32 $0x17820;
	s18 =	sld [smem:$0x7F9]  }
0x48: {  	s2 =	simm.s32 $0x0;
	s12 =	simm.s32 $0x2800;
	v0 =	vor.u32 s8, v0;
	s8 =	sld [smem:$0x7FC]  }
0x49: {  	s1 =	sshrl.u32 s14, $0x3;
	s6 =	simm.s32 $0x5;
	[smem:$0x7FD] =	sst s3  }
0x4a: {  	s14 =	simm.s32 $0x15020;
	[smem:$0x7FA] =	sst s1;
	s4 =	smax.u32 s18, $0x1  }
0x4b: {  	v2 =	vimm.s32 $0x0;
	s18 =	simm.s32 $0x3;
	v1 =	vmov s8;
	[dreg:$0x1f] =	wrdreg s4;
	s4 =	simm.s32 $0x4  }
.LBB2_1:
0x4c: {  	[smem:$0x7F2] =	sst s2  }
0x4d: {  	s2 =	rddreg [dreg:$0x1d]  }
0x4e: {  	s1 =	simm.s32 @!p0 $0x0;
	s8 =	sld [smem:$0x7FA]  }
0x4f: {  	[smem:$0x0] =	sst @!p0 s1  }
0x50: {  	s1 =	rddreg [dreg:$0x12]  }
0x51: {  	[spmem:s8], [sflag:s2] =	dma.local [hbm:s1], $0x1000  }
0x52: {  	_ =	swait.ge [sflag:s6], $0x1000  }
0x53: {  	s8 =	sld [smem:$0x7FB]  }
0x54: {  	[sflag:s6] =	ssyncset.done $0x0  }
0x55: {  	s1 =	rddreg [dreg:$0x1e];
	[sflag:s6] =	ssyncadd.s32 $0xFFFFF000  }
0x56: {  	[spmem:s8], [sflag:s2] =	dma.local [hbm:s1], $0x1000  }
0x57: {  	_ =	swait.ge [sflag:s6], $0x1000  }
0x58: {  	[sflag:s6] =	ssyncset.done $0x0  }
0x59: {  	[sflag:s6] =	ssyncadd.s32 $0xFFFFF000  }
0x5a: {  	[bflag:$0x0] =	sbarrier.arrive $0xFFFF  }
0x5b: {  	s8 =	simm.s32 $0x10020;
	[tilespmem:$0x1C820] =	vst v2;
	s2 =	rddreg [dreg:$0x7]  }
0x5c: {  	[tilespmem:s8], [sflag:$0x5] =	stream.linear.gather [hbm4b:s2+s31], $0x2800, $0x38;
	[tilespmem:$0x1C8A0] =	vst v63  }
0x5d: {  	_ =	swait.ge [sflag:s6], $0x2800  }
0x5e: {  	[sflag:s6] =	ssyncset.done $0x0  }
0x5f: {  	s8 =	rddreg [dreg:$0x8];
	[sflag:s6] =	ssyncadd.s32 $0xFFFFD800  }
0x60: {  	[tilespmem:s10], [sflag:$0x5] =	stream.linear.gather [hbm4b:s8+s31], $0x2800, $0x38;
	[tilespmem:$0x1C8A0] =	vst v63  }
0x61: {  	_ =	swait.ge [sflag:s6], $0x2800  }
0x62: {  	[sflag:s6] =	ssyncset.done $0x0  }
0x63: {  	s1 =	simm.s32 $0x0;
	[sflag:s6] =	ssyncadd.s32 $0xFFFFD800  }
0x64: {  	s2 =	simm.s32 $0x40;
	v3 =	vld [tilespmem:s1+$0x10020]  }
.LBB2_2:
0x65: {  	_ =	sdelay $0x1  }
0x66: {  	p1 =	sne.s32 s2, $0x9FC0  }
.Ltmp0:
0x67: {  	_ = 	snop;
	(pc) =	sbr.rel @p1 .LBB2_2-.Ltmp0, $4  }
0x68: {  	v4 =	vsub.s32 v3, v1  }
0x69: {  	vm0 =	vlt.u32 v4, $0x80000  }
0x6a: {  	s8 =	sshra.s32 s2, $0x2;
	v4 =	vsel vm0, v4, v0  }
0x6b: {  	s2 =	sadd.s32 $0x40, s2;
	v3 =	vld [tilespmem:s8+$0x10020];
	[tilespmem:s1+$0x15020] =	vst v4;
	s1 =	smov.u32 s8  }
0x6c: {  	_ =	sdelay $0x3  }
0x6d: {  	v3 =	vsub.s32 v3, v1  }
0x6e: {  	vm0 =	vlt.u32 v3, $0x80000  }
0x6f: {  	v3 =	vsel vm0, v3, v0  }
0x70: {  	[tilespmem:s1+$0x15020] =	vst v3  }
0x71: {  	[tilespmem:s16], [sflag:$0x5] =	stream.indirect.gather [spmem:s0], $0x1, s14, s12, $0xb8;
	[tilespmem:$0x1C8A0] =	vst v63  }
0x72: {  	_ =	swait.ge [sflag:s6], $0x2800  }
0x73: {  	[sflag:s6] =	ssyncset.done $0x0  }
0x74: {  	s8 =	simm.s32 $0x0;
	[sflag:s6] =	ssyncadd.s32 $0xFFFFD800  }
0x75: {  	v3 =	vld [tilespmem:s8+$0x12820]  }
0x76: {  	v4 =	vld [tilespmem:s8+$0x15020];
	_ =	sdelay $0x1  }
0x77: {  	v5 =	vld [tilespmem:s8+$0x17820];
	_ =	sdelay $0x2  }
0x78: {  	v3 =	vand.u32 $0x7FFFFFFF, v3;
	vm15 =	vlt.s32 v4, $0x80000  }
0x79: {  	v3 =	vnsel vm15, $0xBF800000, v3  }
0x7a: {  	vm1 =	vgt.f32 v3, v5  }
0x7b: {  	v3 =	vmax.f32 v3, v5;
	vm0 =	vmand vm15, vm1  }
0x7c: {  	[tilespmem:s8+$0x17820] =	vst v3;
	v3 =	vsel vm0, v4, v0  }
0x7d: {  	[tilespmem:s8+$0x15020] =	vst v3  }
0x7e: {  	v3 =	vld [tilespmem:$0x1C820];
	_ =	sdelay $0x2  }
0x7f: {  	s2 =	simm.s32 $0x40;
	v4 =	vsel vm0, $0x1, v2  }
.LBB2_4:
0x80: {  	_ = 	snop  }
0x81: {  	p1 =	sne.s32 s2, $0x9FC0;
	s1 =	smov.u32 s2;
	s2 =	sadd.s32 $0x40, s2;
	v3 =	vadd.s32 v4, v3  }
0x82: {  	s1 =	sshra.s32 s1, $0x2;
	[tilespmem:$0x1C820] =	vst v3  }
0x83: {  	v3 =	vld [tilespmem:s1+$0x12820]  }
0x84: {  	v4 =	vld [tilespmem:s1+$0x15020]  }
0x85: {  	v5 =	vld [tilespmem:s1+$0x17820];
	_ =	sdelay $0x2  }
0x86: {  	v3 =	vand.u32 $0x7FFFFFFF, v3  }
0x87: {  	vm0 =	vlt.s32 v4, $0x80000  }
0x88: {  	v3 =	vnsel vm0, $0xBF800000, v3  }
0x89: {  	vm1 =	vgt.f32 v3, v5;
	v3 =	vmax.f32 v3, v5  }
0x8a: {  	vm0 =	vmand vm0, vm1  }
0x8b: {  	[tilespmem:s1+$0x17820] =	vst v3;
	v3 =	vsel vm0, v4, v0  }
.Ltmp1:
0x8c: {  	[tilespmem:s1+$0x15020] =	vst v3;
	(pc) =	sbr.rel @p1 .LBB2_4-.Ltmp1, $2  }
0x8d: {  	v3 =	vld [tilespmem:$0x1C820];
	_ =	sdelay $0x2  }
0x8e: {  	v4 =	vsel vm0, $0x1, v2  }
0x8f: {  	_ = 	snop  }
0x90: {  	v3 =	vadd.s32 v4, v3  }
0x91: {  	[tilespmem:$0x1C820] =	vst v3  }
0x92: {  	[spmem:s0] =	stream.indirect.scatter [tilespmem:s16], [sflag:$0x5], $0x1, s14, s12, $0xb8;
	[tilespmem:$0x1C8A0] =	vst v63  }
0x93: {  	_ =	swait.ge [sflag:s6], $0x2800  }
0x94: {  	[sflag:s6] =	ssyncset.done $0x0  }
0x95: {  	s1 =	simm.s32 $0x0;
	[sflag:s6] =	ssyncadd.s32 $0xFFFFD800  }
0x96: {  	[hbm4b:s20+s1] =	stream.linear.scatter [tilespmem:s14], [sflag:$0x5], $0x2800, $0x38;
	[tilespmem:$0x1C8A0] =	vst v63  }
0x97: {  	_ =	swait.ge [sflag:s6], $0x2800  }
0x98: {  	[sflag:s6] =	ssyncset.done $0x0  }
0x99: {  	s8 =	simm.s32 $0x10020;
	s2 =	rddreg [dreg:$0x9];
	[sflag:s6] =	ssyncadd.s32 $0xFFFFD800  }
0x9a: {  	[tilespmem:s8], [sflag:$0x5] =	stream.linear.gather [hbm4b:s2+s1], $0x2800, $0x38;
	[tilespmem:$0x1C8A0] =	vst v63  }
0x9b: {  	_ =	swait.ge [sflag:s6], $0x2800  }
0x9c: {  	[sflag:s6] =	ssyncset.done $0x0  }
0x9d: {  	[sflag:s6] =	ssyncadd.s32 $0xFFFFD800  }
0x9e: {  	[tilespmem:s10], [sflag:$0x5] =	stream.linear.gather [hbm4b:s3+s1], $0x2800, $0x38;
	[tilespmem:$0x1C8A0] =	vst v63  }
0x9f: {  	_ =	swait.ge [sflag:s6], $0x2800  }
0xa0: {  	[sflag:s6] =	ssyncset.done $0x0  }
0xa1: {  	s1 =	simm.s32 $0x0;
	[sflag:s6] =	ssyncadd.s32 $0xFFFFD800  }
0xa2: {  	s2 =	simm.s32 $0x40;
	v3 =	vld [tilespmem:s1+$0x10020]  }
.LBB2_6:
0xa3: {  	_ =	sdelay $0x1  }
0xa4: {  	p1 =	sne.s32 s2, $0x9FC0  }
.Ltmp2:
0xa5: {  	_ = 	snop;
	(pc) =	sbr.rel @p1 .LBB2_6-.Ltmp2, $4  }
0xa6: {  	v4 =	vsub.s32 v3, v1  }
0xa7: {  	vm0 =	vlt.u32 v4, $0x80000  }
0xa8: {  	s8 =	sshra.s32 s2, $0x2;
	v4 =	vsel vm0, v4, v0  }
0xa9: {  	s2 =	sadd.s32 $0x40, s2;
	v3 =	vld [tilespmem:s8+$0x10020];
	[tilespmem:s1+$0x15020] =	vst v4;
	s1 =	smov.u32 s8  }
0xaa: {  	_ =	sdelay $0x3  }
0xab: {  	v3 =	vsub.s32 v3, v1  }
0xac: {  	vm0 =	vlt.u32 v3, $0x80000  }
0xad: {  	v3 =	vsel vm0, v3, v0  }
0xae: {  	[tilespmem:s1+$0x15020] =	vst v3  }
0xaf: {  	[tilespmem:s16], [sflag:$0x5] =	stream.indirect.gather [spmem:s0], $0x1, s14, s12, $0xb8;
	[tilespmem:$0x1C8A0] =	vst v63  }
0xb0: {  	_ =	swait.ge [sflag:s6], $0x2800  }
0xb1: {  	[sflag:s6] =	ssyncset.done $0x0  }
0xb2: {  	s8 =	simm.s32 $0x0;
	[sflag:s6] =	ssyncadd.s32 $0xFFFFD800  }
0xb3: {  	v3 =	vld [tilespmem:s8+$0x12820]  }
0xb4: {  	v4 =	vld [tilespmem:s8+$0x15020];
	_ =	sdelay $0x1  }
0xb5: {  	v5 =	vld [tilespmem:s8+$0x17820];
	_ =	sdelay $0x2  }
0xb6: {  	v3 =	vand.u32 $0x7FFFFFFF, v3;
	vm15 =	vlt.s32 v4, $0x80000  }
0xb7: {  	v3 =	vnsel vm15, $0xBF800000, v3  }
0xb8: {  	vm1 =	vgt.f32 v3, v5  }
0xb9: {  	v3 =	vmax.f32 v3, v5;
	vm0 =	vmand vm15, vm1  }
0xba: {  	[tilespmem:s8+$0x17820] =	vst v3;
	v3 =	vsel vm0, v4, v0  }
0xbb: {  	[tilespmem:s8+$0x15020] =	vst v3  }
0xbc: {  	v3 =	vld [tilespmem:$0x1C820];
	_ =	sdelay $0x2  }
0xbd: {  	s2 =	simm.s32 $0x40;
	v4 =	vsel vm0, $0x1, v2  }
.LBB2_8:
0xbe: {  	_ = 	snop  }
0xbf: {  	p1 =	sne.s32 s2, $0x9FC0;
	s1 =	smov.u32 s2;
	s2 =	sadd.s32 $0x40, s2;
	v3 =	vadd.s32 v4, v3  }
0xc0: {  	s1 =	sshra.s32 s1, $0x2;
	[tilespmem:$0x1C820] =	vst v3  }
0xc1: {  	v3 =	vld [tilespmem:s1+$0x12820]  }
0xc2: {  	v4 =	vld [tilespmem:s1+$0x15020]  }
0xc3: {  	v5 =	vld [tilespmem:s1+$0x17820];
	_ =	sdelay $0x2  }
0xc4: {  	v3 =	vand.u32 $0x7FFFFFFF, v3  }
0xc5: {  	vm0 =	vlt.s32 v4, $0x80000  }
0xc6: {  	v3 =	vnsel vm0, $0xBF800000, v3  }
0xc7: {  	vm1 =	vgt.f32 v3, v5;
	v3 =	vmax.f32 v3, v5  }
0xc8: {  	vm0 =	vmand vm0, vm1  }
0xc9: {  	[tilespmem:s1+$0x17820] =	vst v3;
	v3 =	vsel vm0, v4, v0  }
.Ltmp3:
0xca: {  	[tilespmem:s1+$0x15020] =	vst v3;
	(pc) =	sbr.rel @p1 .LBB2_8-.Ltmp3, $2  }
0xcb: {  	v3 =	vld [tilespmem:$0x1C820];
	_ =	sdelay $0x2  }
0xcc: {  	v4 =	vsel vm0, $0x1, v2  }
0xcd: {  	_ = 	snop  }
0xce: {  	v3 =	vadd.s32 v4, v3  }
0xcf: {  	[tilespmem:$0x1C820] =	vst v3  }
0xd0: {  	[spmem:s0] =	stream.indirect.scatter [tilespmem:s16], [sflag:$0x5], $0x1, s14, s12, $0xb8;
	[tilespmem:$0x1C8A0] =	vst v63  }
0xd1: {  	_ =	swait.ge [sflag:s6], $0x2800  }
0xd2: {  	[sflag:s6] =	ssyncset.done $0x0  }
0xd3: {  	s1 =	simm.s32 $0x0;
	[sflag:s6] =	ssyncadd.s32 $0xFFFFD800  }
0xd4: {  	[hbm4b:s21+s1] =	stream.linear.scatter [tilespmem:s14], [sflag:$0x5], $0x2800, $0x38;
	[tilespmem:$0x1C8A0] =	vst v63  }
0xd5: {  	_ =	swait.ge [sflag:s6], $0x2800  }
0xd6: {  	[sflag:s6] =	ssyncset.done $0x0  }
0xd7: {  	s8 =	simm.s32 $0x10020;
	s2 =	rddreg [dreg:$0xa];
	[sflag:s6] =	ssyncadd.s32 $0xFFFFD800  }
0xd8: {  	[tilespmem:s8], [sflag:$0x5] =	stream.linear.gather [hbm4b:s2+s1], $0x2800, $0x38;
	[tilespmem:$0x1C8A0] =	vst v63  }
0xd9: {  	_ =	swait.ge [sflag:s6], $0x2800  }
0xda: {  	[sflag:s6] =	ssyncset.done $0x0  }
0xdb: {  	[sflag:s6] =	ssyncadd.s32 $0xFFFFD800  }
0xdc: {  	[tilespmem:s10], [sflag:$0x5] =	stream.linear.gather [hbm4b:s5+s1], $0x2800, $0x38;
	[tilespmem:$0x1C8A0] =	vst v63  }
0xdd: {  	_ =	swait.ge [sflag:s6], $0x2800  }
0xde: {  	[sflag:s6] =	ssyncset.done $0x0  }
0xdf: {  	s1 =	simm.s32 $0x0;
	[sflag:s6] =	ssyncadd.s32 $0xFFFFD800  }
0xe0: {  	s2 =	simm.s32 $0x40;
	v3 =	vld [tilespmem:s1+$0x10020]  }
.LBB2_10:
0xe1: {  	_ =	sdelay $0x1  }
0xe2: {  	p1 =	sne.s32 s2, $0x9FC0  }
.Ltmp4:
0xe3: {  	_ = 	snop;
	(pc) =	sbr.rel @p1 .LBB2_10-.Ltmp4, $4  }
0xe4: {  	v4 =	vsub.s32 v3, v1  }
0xe5: {  	vm0 =	vlt.u32 v4, $0x80000  }
0xe6: {  	s8 =	sshra.s32 s2, $0x2;
	v4 =	vsel vm0, v4, v0  }
0xe7: {  	s2 =	sadd.s32 $0x40, s2;
	v3 =	vld [tilespmem:s8+$0x10020];
	[tilespmem:s1+$0x15020] =	vst v4;
	s1 =	smov.u32 s8  }
0xe8: {  	_ =	sdelay $0x3  }
0xe9: {  	v3 =	vsub.s32 v3, v1  }
0xea: {  	vm0 =	vlt.u32 v3, $0x80000  }
0xeb: {  	v3 =	vsel vm0, v3, v0  }
0xec: {  	[tilespmem:s1+$0x15020] =	vst v3  }
0xed: {  	[tilespmem:s16], [sflag:$0x5] =	stream.indirect.gather [spmem:s0], $0x1, s14, s12, $0xb8;
	[tilespmem:$0x1C8A0] =	vst v63  }
0xee: {  	_ =	swait.ge [sflag:s6], $0x2800  }
0xef: {  	[sflag:s6] =	ssyncset.done $0x0  }
0xf0: {  	s8 =	simm.s32 $0x0;
	[sflag:s6] =	ssyncadd.s32 $0xFFFFD800  }
0xf1: {  	v3 =	vld [tilespmem:s8+$0x12820]  }
0xf2: {  	v4 =	vld [tilespmem:s8+$0x15020];
	_ =	sdelay $0x1  }
0xf3: {  	v5 =	vld [tilespmem:s8+$0x17820];
	_ =	sdelay $0x2  }
0xf4: {  	v3 =	vand.u32 $0x7FFFFFFF, v3;
	vm15 =	vlt.s32 v4, $0x80000  }
0xf5: {  	v3 =	vnsel vm15, $0xBF800000, v3  }
0xf6: {  	vm1 =	vgt.f32 v3, v5  }
0xf7: {  	v3 =	vmax.f32 v3, v5;
	vm0 =	vmand vm15, vm1  }
0xf8: {  	[tilespmem:s8+$0x17820] =	vst v3;
	v3 =	vsel vm0, v4, v0  }
0xf9: {  	[tilespmem:s8+$0x15020] =	vst v3  }
0xfa: {  	v3 =	vld [tilespmem:$0x1C820];
	_ =	sdelay $0x2  }
0xfb: {  	s2 =	simm.s32 $0x40;
	v4 =	vsel vm0, $0x1, v2  }
.LBB2_12:
0xfc: {  	_ = 	snop  }
0xfd: {  	p1 =	sne.s32 s2, $0x9FC0;
	s1 =	smov.u32 s2;
	s2 =	sadd.s32 $0x40, s2;
	v3 =	vadd.s32 v4, v3  }
0xfe: {  	s1 =	sshra.s32 s1, $0x2;
	[tilespmem:$0x1C820] =	vst v3  }
0xff: {  	v3 =	vld [tilespmem:s1+$0x12820]  }
0x100: {  	v4 =	vld [tilespmem:s1+$0x15020]  }
0x101: {  	v5 =	vld [tilespmem:s1+$0x17820];
	_ =	sdelay $0x2  }
0x102: {  	v3 =	vand.u32 $0x7FFFFFFF, v3  }
0x103: {  	vm0 =	vlt.s32 v4, $0x80000  }
0x104: {  	v3 =	vnsel vm0, $0xBF800000, v3  }
0x105: {  	vm1 =	vgt.f32 v3, v5;
	v3 =	vmax.f32 v3, v5  }
0x106: {  	vm0 =	vmand vm0, vm1  }
0x107: {  	[tilespmem:s1+$0x17820] =	vst v3;
	v3 =	vsel vm0, v4, v0  }
.Ltmp5:
0x108: {  	[tilespmem:s1+$0x15020] =	vst v3;
	(pc) =	sbr.rel @p1 .LBB2_12-.Ltmp5, $2  }
0x109: {  	v3 =	vld [tilespmem:$0x1C820];
	_ =	sdelay $0x2  }
0x10a: {  	v4 =	vsel vm0, $0x1, v2  }
0x10b: {  	_ = 	snop  }
0x10c: {  	v3 =	vadd.s32 v4, v3  }
0x10d: {  	[tilespmem:$0x1C820] =	vst v3  }
0x10e: {  	[spmem:s0] =	stream.indirect.scatter [tilespmem:s16], [sflag:$0x5], $0x1, s14, s12, $0xb8;
	[tilespmem:$0x1C8A0] =	vst v63  }
0x10f: {  	_ =	swait.ge [sflag:s6], $0x2800  }
0x110: {  	[sflag:s6] =	ssyncset.done $0x0  }
0x111: {  	s1 =	simm.s32 $0x0;
	[sflag:s6] =	ssyncadd.s32 $0xFFFFD800  }
0x112: {  	[hbm4b:s22+s1] =	stream.linear.scatter [tilespmem:s14], [sflag:$0x5], $0x2800, $0x38;
	[tilespmem:$0x1C8A0] =	vst v63  }
0x113: {  	_ =	swait.ge [sflag:s6], $0x2800  }
0x114: {  	[sflag:s6] =	ssyncset.done $0x0  }
0x115: {  	s8 =	simm.s32 $0x10020;
	s2 =	rddreg [dreg:$0xb];
	[sflag:s6] =	ssyncadd.s32 $0xFFFFD800  }
0x116: {  	[tilespmem:s8], [sflag:$0x5] =	stream.linear.gather [hbm4b:s2+s1], $0x2800, $0x38;
	[tilespmem:$0x1C8A0] =	vst v63  }
0x117: {  	_ =	swait.ge [sflag:s6], $0x2800  }
0x118: {  	[sflag:s6] =	ssyncset.done $0x0  }
0x119: {  	[sflag:s6] =	ssyncadd.s32 $0xFFFFD800  }
0x11a: {  	[tilespmem:s10], [sflag:$0x5] =	stream.linear.gather [hbm4b:s7+s1], $0x2800, $0x38;
	[tilespmem:$0x1C8A0] =	vst v63  }
0x11b: {  	_ =	swait.ge [sflag:s6], $0x2800  }
0x11c: {  	[sflag:s6] =	ssyncset.done $0x0  }
0x11d: {  	s1 =	simm.s32 $0x0;
	[sflag:s6] =	ssyncadd.s32 $0xFFFFD800  }
0x11e: {  	s2 =	simm.s32 $0x40;
	v3 =	vld [tilespmem:s1+$0x10020]  }
.LBB2_14:
0x11f: {  	_ =	sdelay $0x1  }
0x120: {  	p1 =	sne.s32 s2, $0x9FC0  }
.Ltmp6:
0x121: {  	_ = 	snop;
	(pc) =	sbr.rel @p1 .LBB2_14-.Ltmp6, $4  }
0x122: {  	v4 =	vsub.s32 v3, v1  }
0x123: {  	vm0 =	vlt.u32 v4, $0x80000  }
0x124: {  	s8 =	sshra.s32 s2, $0x2;
	v4 =	vsel vm0, v4, v0  }
0x125: {  	s2 =	sadd.s32 $0x40, s2;
	v3 =	vld [tilespmem:s8+$0x10020];
	[tilespmem:s1+$0x15020] =	vst v4;
	s1 =	smov.u32 s8  }
0x126: {  	_ =	sdelay $0x3  }
0x127: {  	v3 =	vsub.s32 v3, v1  }
0x128: {  	vm0 =	vlt.u32 v3, $0x80000  }
0x129: {  	v3 =	vsel vm0, v3, v0  }
0x12a: {  	[tilespmem:s1+$0x15020] =	vst v3  }
0x12b: {  	[tilespmem:s16], [sflag:$0x5] =	stream.indirect.gather [spmem:s0], $0x1, s14, s12, $0xb8;
	[tilespmem:$0x1C8A0] =	vst v63  }
0x12c: {  	_ =	swait.ge [sflag:s6], $0x2800  }
0x12d: {  	[sflag:s6] =	ssyncset.done $0x0  }
0x12e: {  	s8 =	simm.s32 $0x0;
	[sflag:s6] =	ssyncadd.s32 $0xFFFFD800  }
0x12f: {  	v3 =	vld [tilespmem:s8+$0x12820]  }
0x130: {  	v4 =	vld [tilespmem:s8+$0x15020];
	_ =	sdelay $0x1  }
0x131: {  	v5 =	vld [tilespmem:s8+$0x17820];
	_ =	sdelay $0x2  }
0x132: {  	v3 =	vand.u32 $0x7FFFFFFF, v3;
	vm15 =	vlt.s32 v4, $0x80000  }
0x133: {  	v3 =	vnsel vm15, $0xBF800000, v3  }
0x134: {  	vm1 =	vgt.f32 v3, v5  }
0x135: {  	v3 =	vmax.f32 v3, v5;
	vm0 =	vmand vm15, vm1  }
0x136: {  	[tilespmem:s8+$0x17820] =	vst v3;
	v3 =	vsel vm0, v4, v0  }
0x137: {  	[tilespmem:s8+$0x15020] =	vst v3  }
0x138: {  	v3 =	vld [tilespmem:$0x1C820];
	_ =	sdelay $0x2  }
0x139: {  	s2 =	simm.s32 $0x40;
	v4 =	vsel vm0, $0x1, v2  }
.LBB2_16:
0x13a: {  	_ = 	snop  }
0x13b: {  	p1 =	sne.s32 s2, $0x9FC0;
	s1 =	smov.u32 s2;
	s2 =	sadd.s32 $0x40, s2;
	v3 =	vadd.s32 v4, v3  }
0x13c: {  	s1 =	sshra.s32 s1, $0x2;
	[tilespmem:$0x1C820] =	vst v3  }
0x13d: {  	v3 =	vld [tilespmem:s1+$0x12820]  }
0x13e: {  	v4 =	vld [tilespmem:s1+$0x15020]  }
0x13f: {  	v5 =	vld [tilespmem:s1+$0x17820];
	_ =	sdelay $0x2  }
0x140: {  	v3 =	vand.u32 $0x7FFFFFFF, v3  }
0x141: {  	vm0 =	vlt.s32 v4, $0x80000  }
0x142: {  	v3 =	vnsel vm0, $0xBF800000, v3  }
0x143: {  	vm1 =	vgt.f32 v3, v5;
	v3 =	vmax.f32 v3, v5  }
0x144: {  	vm0 =	vmand vm0, vm1  }
0x145: {  	[tilespmem:s1+$0x17820] =	vst v3;
	v3 =	vsel vm0, v4, v0  }
.Ltmp7:
0x146: {  	[tilespmem:s1+$0x15020] =	vst v3;
	(pc) =	sbr.rel @p1 .LBB2_16-.Ltmp7, $2  }
0x147: {  	v3 =	vld [tilespmem:$0x1C820];
	_ =	sdelay $0x2  }
0x148: {  	v4 =	vsel vm0, $0x1, v2  }
0x149: {  	_ = 	snop  }
0x14a: {  	v3 =	vadd.s32 v4, v3  }
0x14b: {  	[tilespmem:$0x1C820] =	vst v3  }
0x14c: {  	[spmem:s0] =	stream.indirect.scatter [tilespmem:s16], [sflag:$0x5], $0x1, s14, s12, $0xb8;
	[tilespmem:$0x1C8A0] =	vst v63  }
0x14d: {  	_ =	swait.ge [sflag:s6], $0x2800  }
0x14e: {  	[sflag:s6] =	ssyncset.done $0x0  }
0x14f: {  	s1 =	simm.s32 $0x0;
	[sflag:s6] =	ssyncadd.s32 $0xFFFFD800  }
0x150: {  	[hbm4b:s23+s1] =	stream.linear.scatter [tilespmem:s14], [sflag:$0x5], $0x2800, $0x38;
	[tilespmem:$0x1C8A0] =	vst v63  }
0x151: {  	_ =	swait.ge [sflag:s6], $0x2800  }
0x152: {  	[sflag:s6] =	ssyncset.done $0x0  }
0x153: {  	s8 =	simm.s32 $0x10020;
	s2 =	rddreg [dreg:$0xc];
	[sflag:s6] =	ssyncadd.s32 $0xFFFFD800  }
0x154: {  	[tilespmem:s8], [sflag:$0x5] =	stream.linear.gather [hbm4b:s2+s1], $0x2800, $0x38;
	[tilespmem:$0x1C8A0] =	vst v63  }
0x155: {  	_ =	swait.ge [sflag:s6], $0x2800  }
0x156: {  	[sflag:s6] =	ssyncset.done $0x0  }
0x157: {  	[sflag:s6] =	ssyncadd.s32 $0xFFFFD800  }
0x158: {  	[tilespmem:s10], [sflag:$0x5] =	stream.linear.gather [hbm4b:s9+s1], $0x2800, $0x38;
	[tilespmem:$0x1C8A0] =	vst v63  }
0x159: {  	_ =	swait.ge [sflag:s6], $0x2800  }
0x15a: {  	[sflag:s6] =	ssyncset.done $0x0  }
0x15b: {  	s1 =	simm.s32 $0x0;
	[sflag:s6] =	ssyncadd.s32 $0xFFFFD800  }
0x15c: {  	s2 =	simm.s32 $0x40;
	v3 =	vld [tilespmem:s1+$0x10020]  }
.LBB2_18:
0x15d: {  	_ =	sdelay $0x1  }
0x15e: {  	p1 =	sne.s32 s2, $0x9FC0  }
.Ltmp8:
0x15f: {  	_ = 	snop;
	(pc) =	sbr.rel @p1 .LBB2_18-.Ltmp8, $4  }
0x160: {  	v4 =	vsub.s32 v3, v1  }
0x161: {  	vm0 =	vlt.u32 v4, $0x80000  }
0x162: {  	s8 =	sshra.s32 s2, $0x2;
	v4 =	vsel vm0, v4, v0  }
0x163: {  	s2 =	sadd.s32 $0x40, s2;
	v3 =	vld [tilespmem:s8+$0x10020];
	[tilespmem:s1+$0x15020] =	vst v4;
	s1 =	smov.u32 s8  }
0x164: {  	_ =	sdelay $0x3  }
0x165: {  	v3 =	vsub.s32 v3, v1  }
0x166: {  	vm0 =	vlt.u32 v3, $0x80000  }
0x167: {  	v3 =	vsel vm0, v3, v0  }
0x168: {  	[tilespmem:s1+$0x15020] =	vst v3  }
0x169: {  	[tilespmem:s16], [sflag:$0x5] =	stream.indirect.gather [spmem:s0], $0x1, s14, s12, $0xb8;
	[tilespmem:$0x1C8A0] =	vst v63  }
0x16a: {  	_ =	swait.ge [sflag:s6], $0x2800  }
0x16b: {  	[sflag:s6] =	ssyncset.done $0x0  }
0x16c: {  	s8 =	simm.s32 $0x0;
	[sflag:s6] =	ssyncadd.s32 $0xFFFFD800  }
0x16d: {  	v3 =	vld [tilespmem:s8+$0x12820]  }
0x16e: {  	v4 =	vld [tilespmem:s8+$0x15020];
	_ =	sdelay $0x1  }
0x16f: {  	v5 =	vld [tilespmem:s8+$0x17820];
	_ =	sdelay $0x2  }
0x170: {  	v3 =	vand.u32 $0x7FFFFFFF, v3;
	vm15 =	vlt.s32 v4, $0x80000  }
0x171: {  	v3 =	vnsel vm15, $0xBF800000, v3  }
0x172: {  	vm1 =	vgt.f32 v3, v5  }
0x173: {  	v3 =	vmax.f32 v3, v5;
	vm0 =	vmand vm15, vm1  }
0x174: {  	[tilespmem:s8+$0x17820] =	vst v3;
	v3 =	vsel vm0, v4, v0  }
0x175: {  	[tilespmem:s8+$0x15020] =	vst v3  }
0x176: {  	v3 =	vld [tilespmem:$0x1C820];
	_ =	sdelay $0x2  }
0x177: {  	s2 =	simm.s32 $0x40;
	v4 =	vsel vm0, $0x1, v2  }
.LBB2_20:
0x178: {  	_ = 	snop  }
0x179: {  	p1 =	sne.s32 s2, $0x9FC0;
	s1 =	smov.u32 s2;
	s2 =	sadd.s32 $0x40, s2;
	v3 =	vadd.s32 v4, v3  }
0x17a: {  	s1 =	sshra.s32 s1, $0x2;
	[tilespmem:$0x1C820] =	vst v3  }
0x17b: {  	v3 =	vld [tilespmem:s1+$0x12820]  }
0x17c: {  	v4 =	vld [tilespmem:s1+$0x15020]  }
0x17d: {  	v5 =	vld [tilespmem:s1+$0x17820];
	_ =	sdelay $0x2  }
0x17e: {  	v3 =	vand.u32 $0x7FFFFFFF, v3  }
0x17f: {  	vm0 =	vlt.s32 v4, $0x80000  }
0x180: {  	v3 =	vnsel vm0, $0xBF800000, v3  }
0x181: {  	vm1 =	vgt.f32 v3, v5;
	v3 =	vmax.f32 v3, v5  }
0x182: {  	vm0 =	vmand vm0, vm1  }
0x183: {  	[tilespmem:s1+$0x17820] =	vst v3;
	v3 =	vsel vm0, v4, v0  }
.Ltmp9:
0x184: {  	[tilespmem:s1+$0x15020] =	vst v3;
	(pc) =	sbr.rel @p1 .LBB2_20-.Ltmp9, $2  }
0x185: {  	v3 =	vld [tilespmem:$0x1C820];
	_ =	sdelay $0x2  }
0x186: {  	v4 =	vsel vm0, $0x1, v2  }
0x187: {  	_ = 	snop  }
0x188: {  	v3 =	vadd.s32 v4, v3  }
0x189: {  	[tilespmem:$0x1C820] =	vst v3  }
0x18a: {  	[spmem:s0] =	stream.indirect.scatter [tilespmem:s16], [sflag:$0x5], $0x1, s14, s12, $0xb8;
	[tilespmem:$0x1C8A0] =	vst v63  }
0x18b: {  	_ =	swait.ge [sflag:s6], $0x2800  }
0x18c: {  	[sflag:s6] =	ssyncset.done $0x0  }
0x18d: {  	s1 =	simm.s32 $0x0;
	[sflag:s6] =	ssyncadd.s32 $0xFFFFD800  }
0x18e: {  	[hbm4b:s24+s1] =	stream.linear.scatter [tilespmem:s14], [sflag:$0x5], $0x2800, $0x38;
	[tilespmem:$0x1C8A0] =	vst v63  }
0x18f: {  	_ =	swait.ge [sflag:s6], $0x2800  }
0x190: {  	[sflag:s6] =	ssyncset.done $0x0  }
0x191: {  	s8 =	simm.s32 $0x10020;
	s2 =	rddreg [dreg:$0xd];
	[sflag:s6] =	ssyncadd.s32 $0xFFFFD800  }
0x192: {  	[tilespmem:s8], [sflag:$0x5] =	stream.linear.gather [hbm4b:s2+s1], $0x2800, $0x38;
	[tilespmem:$0x1C8A0] =	vst v63  }
0x193: {  	_ =	swait.ge [sflag:s6], $0x2800  }
0x194: {  	[sflag:s6] =	ssyncset.done $0x0  }
0x195: {  	[sflag:s6] =	ssyncadd.s32 $0xFFFFD800  }
0x196: {  	[tilespmem:s10], [sflag:$0x5] =	stream.linear.gather [hbm4b:s11+s1], $0x2800, $0x38;
	[tilespmem:$0x1C8A0] =	vst v63  }
0x197: {  	_ =	swait.ge [sflag:s6], $0x2800  }
0x198: {  	[sflag:s6] =	ssyncset.done $0x0  }
0x199: {  	s1 =	simm.s32 $0x0;
	[sflag:s6] =	ssyncadd.s32 $0xFFFFD800  }
0x19a: {  	s2 =	simm.s32 $0x40;
	v3 =	vld [tilespmem:s1+$0x10020]  }
.LBB2_22:
0x19b: {  	_ =	sdelay $0x1  }
0x19c: {  	p1 =	sne.s32 s2, $0x9FC0  }
.Ltmp10:
0x19d: {  	_ = 	snop;
	(pc) =	sbr.rel @p1 .LBB2_22-.Ltmp10, $4  }
0x19e: {  	v4 =	vsub.s32 v3, v1  }
0x19f: {  	vm0 =	vlt.u32 v4, $0x80000  }
0x1a0: {  	s8 =	sshra.s32 s2, $0x2;
	v4 =	vsel vm0, v4, v0  }
0x1a1: {  	s2 =	sadd.s32 $0x40, s2;
	v3 =	vld [tilespmem:s8+$0x10020];
	[tilespmem:s1+$0x15020] =	vst v4;
	s1 =	smov.u32 s8  }
0x1a2: {  	_ =	sdelay $0x3  }
0x1a3: {  	v3 =	vsub.s32 v3, v1  }
0x1a4: {  	vm0 =	vlt.u32 v3, $0x80000  }
0x1a5: {  	v3 =	vsel vm0, v3, v0  }
0x1a6: {  	[tilespmem:s1+$0x15020] =	vst v3  }
0x1a7: {  	[tilespmem:s16], [sflag:$0x5] =	stream.indirect.gather [spmem:s0], $0x1, s14, s12, $0xb8;
	[tilespmem:$0x1C8A0] =	vst v63  }
0x1a8: {  	_ =	swait.ge [sflag:s6], $0x2800  }
0x1a9: {  	[sflag:s6] =	ssyncset.done $0x0  }
0x1aa: {  	s8 =	simm.s32 $0x0;
	[sflag:s6] =	ssyncadd.s32 $0xFFFFD800  }
0x1ab: {  	v3 =	vld [tilespmem:s8+$0x12820]  }
0x1ac: {  	v4 =	vld [tilespmem:s8+$0x15020];
	_ =	sdelay $0x1  }
0x1ad: {  	v5 =	vld [tilespmem:s8+$0x17820];
	_ =	sdelay $0x2  }
0x1ae: {  	v3 =	vand.u32 $0x7FFFFFFF, v3;
	vm15 =	vlt.s32 v4, $0x80000  }
0x1af: {  	v3 =	vnsel vm15, $0xBF800000, v3  }
0x1b0: {  	vm1 =	vgt.f32 v3, v5  }
0x1b1: {  	v3 =	vmax.f32 v3, v5;
	vm0 =	vmand vm15, vm1  }
0x1b2: {  	[tilespmem:s8+$0x17820] =	vst v3;
	v3 =	vsel vm0, v4, v0  }
0x1b3: {  	[tilespmem:s8+$0x15020] =	vst v3  }
0x1b4: {  	v3 =	vld [tilespmem:$0x1C820];
	_ =	sdelay $0x2  }
0x1b5: {  	s2 =	simm.s32 $0x40;
	v4 =	vsel vm0, $0x1, v2  }
.LBB2_24:
0x1b6: {  	_ = 	snop  }
0x1b7: {  	p1 =	sne.s32 s2, $0x9FC0;
	s1 =	smov.u32 s2;
	s2 =	sadd.s32 $0x40, s2;
	v3 =	vadd.s32 v4, v3  }
0x1b8: {  	s1 =	sshra.s32 s1, $0x2;
	[tilespmem:$0x1C820] =	vst v3  }
0x1b9: {  	v3 =	vld [tilespmem:s1+$0x12820]  }
0x1ba: {  	v4 =	vld [tilespmem:s1+$0x15020]  }
0x1bb: {  	v5 =	vld [tilespmem:s1+$0x17820];
	_ =	sdelay $0x2  }
0x1bc: {  	v3 =	vand.u32 $0x7FFFFFFF, v3  }
0x1bd: {  	vm0 =	vlt.s32 v4, $0x80000  }
0x1be: {  	v3 =	vnsel vm0, $0xBF800000, v3  }
0x1bf: {  	vm1 =	vgt.f32 v3, v5;
	v3 =	vmax.f32 v3, v5  }
0x1c0: {  	vm0 =	vmand vm0, vm1  }
0x1c1: {  	[tilespmem:s1+$0x17820] =	vst v3;
	v3 =	vsel vm0, v4, v0  }
.Ltmp11:
0x1c2: {  	[tilespmem:s1+$0x15020] =	vst v3;
	(pc) =	sbr.rel @p1 .LBB2_24-.Ltmp11, $2  }
0x1c3: {  	v3 =	vld [tilespmem:$0x1C820];
	_ =	sdelay $0x2  }
0x1c4: {  	v4 =	vsel vm0, $0x1, v2  }
0x1c5: {  	_ = 	snop  }
0x1c6: {  	v3 =	vadd.s32 v4, v3  }
0x1c7: {  	[tilespmem:$0x1C820] =	vst v3  }
0x1c8: {  	[spmem:s0] =	stream.indirect.scatter [tilespmem:s16], [sflag:$0x5], $0x1, s14, s12, $0xb8;
	[tilespmem:$0x1C8A0] =	vst v63  }
0x1c9: {  	_ =	swait.ge [sflag:s6], $0x2800  }
0x1ca: {  	[sflag:s6] =	ssyncset.done $0x0  }
0x1cb: {  	s1 =	simm.s32 $0x0;
	[sflag:s6] =	ssyncadd.s32 $0xFFFFD800  }
0x1cc: {  	[hbm4b:s25+s1] =	stream.linear.scatter [tilespmem:s14], [sflag:$0x5], $0x2800, $0x38;
	[tilespmem:$0x1C8A0] =	vst v63  }
0x1cd: {  	_ =	swait.ge [sflag:s6], $0x2800  }
0x1ce: {  	[sflag:s6] =	ssyncset.done $0x0  }
0x1cf: {  	s8 =	simm.s32 $0x10020;
	s2 =	rddreg [dreg:$0xe];
	[sflag:s6] =	ssyncadd.s32 $0xFFFFD800  }
0x1d0: {  	[tilespmem:s8], [sflag:$0x5] =	stream.linear.gather [hbm4b:s2+s1], $0x2800, $0x38;
	[tilespmem:$0x1C8A0] =	vst v63  }
0x1d1: {  	_ =	swait.ge [sflag:s6], $0x2800  }
0x1d2: {  	[sflag:s6] =	ssyncset.done $0x0  }
0x1d3: {  	[sflag:s6] =	ssyncadd.s32 $0xFFFFD800  }
0x1d4: {  	[tilespmem:s10], [sflag:$0x5] =	stream.linear.gather [hbm4b:s13+s1], $0x2800, $0x38;
	[tilespmem:$0x1C8A0] =	vst v63  }
0x1d5: {  	_ =	swait.ge [sflag:s6], $0x2800  }
0x1d6: {  	[sflag:s6] =	ssyncset.done $0x0  }
0x1d7: {  	s1 =	simm.s32 $0x0;
	[sflag:s6] =	ssyncadd.s32 $0xFFFFD800  }
0x1d8: {  	s2 =	simm.s32 $0x40;
	v3 =	vld [tilespmem:s1+$0x10020]  }
.LBB2_26:
0x1d9: {  	_ =	sdelay $0x1  }
0x1da: {  	p1 =	sne.s32 s2, $0x9FC0  }
.Ltmp12:
0x1db: {  	_ = 	snop;
	(pc) =	sbr.rel @p1 .LBB2_26-.Ltmp12, $4  }
0x1dc: {  	v4 =	vsub.s32 v3, v1  }
0x1dd: {  	vm0 =	vlt.u32 v4, $0x80000  }
0x1de: {  	s8 =	sshra.s32 s2, $0x2;
	v4 =	vsel vm0, v4, v0  }
0x1df: {  	s2 =	sadd.s32 $0x40, s2;
	v3 =	vld [tilespmem:s8+$0x10020];
	[tilespmem:s1+$0x15020] =	vst v4;
	s1 =	smov.u32 s8  }
0x1e0: {  	_ =	sdelay $0x3  }
0x1e1: {  	v3 =	vsub.s32 v3, v1  }
0x1e2: {  	vm0 =	vlt.u32 v3, $0x80000  }
0x1e3: {  	v3 =	vsel vm0, v3, v0  }
0x1e4: {  	[tilespmem:s1+$0x15020] =	vst v3  }
0x1e5: {  	[tilespmem:s16], [sflag:$0x5] =	stream.indirect.gather [spmem:s0], $0x1, s14, s12, $0xb8;
	[tilespmem:$0x1C8A0] =	vst v63  }
0x1e6: {  	_ =	swait.ge [sflag:s6], $0x2800  }
0x1e7: {  	[sflag:s6] =	ssyncset.done $0x0  }
0x1e8: {  	s8 =	simm.s32 $0x0;
	[sflag:s6] =	ssyncadd.s32 $0xFFFFD800  }
0x1e9: {  	v3 =	vld [tilespmem:s8+$0x12820]  }
0x1ea: {  	v4 =	vld [tilespmem:s8+$0x15020];
	_ =	sdelay $0x1  }
0x1eb: {  	v5 =	vld [tilespmem:s8+$0x17820];
	_ =	sdelay $0x2  }
0x1ec: {  	v3 =	vand.u32 $0x7FFFFFFF, v3;
	vm15 =	vlt.s32 v4, $0x80000  }
0x1ed: {  	v3 =	vnsel vm15, $0xBF800000, v3  }
0x1ee: {  	vm1 =	vgt.f32 v3, v5  }
0x1ef: {  	v3 =	vmax.f32 v3, v5;
	vm0 =	vmand vm15, vm1  }
0x1f0: {  	[tilespmem:s8+$0x17820] =	vst v3;
	v3 =	vsel vm0, v4, v0  }
0x1f1: {  	[tilespmem:s8+$0x15020] =	vst v3  }
0x1f2: {  	v3 =	vld [tilespmem:$0x1C820];
	_ =	sdelay $0x2  }
0x1f3: {  	s2 =	simm.s32 $0x40;
	v4 =	vsel vm0, $0x1, v2  }
.LBB2_28:
0x1f4: {  	_ = 	snop  }
0x1f5: {  	p1 =	sne.s32 s2, $0x9FC0;
	s1 =	smov.u32 s2;
	s2 =	sadd.s32 $0x40, s2;
	v3 =	vadd.s32 v4, v3  }
0x1f6: {  	s1 =	sshra.s32 s1, $0x2;
	[tilespmem:$0x1C820] =	vst v3  }
0x1f7: {  	v3 =	vld [tilespmem:s1+$0x12820]  }
0x1f8: {  	v4 =	vld [tilespmem:s1+$0x15020]  }
0x1f9: {  	v5 =	vld [tilespmem:s1+$0x17820];
	_ =	sdelay $0x2  }
0x1fa: {  	v3 =	vand.u32 $0x7FFFFFFF, v3  }
0x1fb: {  	vm0 =	vlt.s32 v4, $0x80000  }
0x1fc: {  	v3 =	vnsel vm0, $0xBF800000, v3  }
0x1fd: {  	vm1 =	vgt.f32 v3, v5;
	v3 =	vmax.f32 v3, v5  }
0x1fe: {  	vm0 =	vmand vm0, vm1  }
0x1ff: {  	[tilespmem:s1+$0x17820] =	vst v3;
	v3 =	vsel vm0, v4, v0  }
.Ltmp13:
0x200: {  	[tilespmem:s1+$0x15020] =	vst v3;
	(pc) =	sbr.rel @p1 .LBB2_28-.Ltmp13, $2  }
0x201: {  	v3 =	vld [tilespmem:$0x1C820];
	_ =	sdelay $0x2  }
0x202: {  	v4 =	vsel vm0, $0x1, v2  }
0x203: {  	_ = 	snop  }
0x204: {  	v3 =	vadd.s32 v4, v3  }
0x205: {  	[tilespmem:$0x1C820] =	vst v3  }
0x206: {  	[spmem:s0] =	stream.indirect.scatter [tilespmem:s16], [sflag:$0x5], $0x1, s14, s12, $0xb8;
	[tilespmem:$0x1C8A0] =	vst v63  }
0x207: {  	_ =	swait.ge [sflag:s6], $0x2800  }
0x208: {  	[sflag:s6] =	ssyncset.done $0x0  }
0x209: {  	s1 =	simm.s32 $0x0;
	[sflag:s6] =	ssyncadd.s32 $0xFFFFD800  }
0x20a: {  	[hbm4b:s26+s1] =	stream.linear.scatter [tilespmem:s14], [sflag:$0x5], $0x2800, $0x38;
	[tilespmem:$0x1C8A0] =	vst v63  }
0x20b: {  	_ =	swait.ge [sflag:s6], $0x2800  }
0x20c: {  	[sflag:s6] =	ssyncset.done $0x0  }
0x20d: {  	s8 =	simm.s32 $0x10020;
	s2 =	rddreg [dreg:$0xf];
	[sflag:s6] =	ssyncadd.s32 $0xFFFFD800  }
0x20e: {  	[tilespmem:s8], [sflag:$0x5] =	stream.linear.gather [hbm4b:s2+s1], $0x2800, $0x38;
	[tilespmem:$0x1C8A0] =	vst v63  }
0x20f: {  	_ =	swait.ge [sflag:s6], $0x2800  }
0x210: {  	[sflag:s6] =	ssyncset.done $0x0  }
0x211: {  	[sflag:s6] =	ssyncadd.s32 $0xFFFFD800  }
0x212: {  	[tilespmem:s10], [sflag:$0x5] =	stream.linear.gather [hbm4b:s15+s1], $0x2800, $0x38;
	[tilespmem:$0x1C8A0] =	vst v63  }
0x213: {  	_ =	swait.ge [sflag:s6], $0x2800  }
0x214: {  	[sflag:s6] =	ssyncset.done $0x0  }
0x215: {  	s1 =	simm.s32 $0x0;
	[sflag:s6] =	ssyncadd.s32 $0xFFFFD800  }
0x216: {  	s2 =	simm.s32 $0x40;
	v3 =	vld [tilespmem:s1+$0x10020]  }
.LBB2_30:
0x217: {  	_ =	sdelay $0x1  }
0x218: {  	p1 =	sne.s32 s2, $0x9FC0  }
.Ltmp14:
0x219: {  	_ = 	snop;
	(pc) =	sbr.rel @p1 .LBB2_30-.Ltmp14, $4  }
0x21a: {  	v4 =	vsub.s32 v3, v1  }
0x21b: {  	vm0 =	vlt.u32 v4, $0x80000  }
0x21c: {  	s8 =	sshra.s32 s2, $0x2;
	v4 =	vsel vm0, v4, v0  }
0x21d: {  	s2 =	sadd.s32 $0x40, s2;
	v3 =	vld [tilespmem:s8+$0x10020];
	[tilespmem:s1+$0x15020] =	vst v4;
	s1 =	smov.u32 s8  }
0x21e: {  	_ =	sdelay $0x3  }
0x21f: {  	v3 =	vsub.s32 v3, v1  }
0x220: {  	vm0 =	vlt.u32 v3, $0x80000  }
0x221: {  	v3 =	vsel vm0, v3, v0  }
0x222: {  	[tilespmem:s1+$0x15020] =	vst v3  }
0x223: {  	[tilespmem:s16], [sflag:$0x5] =	stream.indirect.gather [spmem:s0], $0x1, s14, s12, $0xb8;
	[tilespmem:$0x1C8A0] =	vst v63  }
0x224: {  	_ =	swait.ge [sflag:s6], $0x2800  }
0x225: {  	[sflag:s6] =	ssyncset.done $0x0  }
0x226: {  	s8 =	simm.s32 $0x0;
	[sflag:s6] =	ssyncadd.s32 $0xFFFFD800  }
0x227: {  	v3 =	vld [tilespmem:s8+$0x12820]  }
0x228: {  	v4 =	vld [tilespmem:s8+$0x15020];
	_ =	sdelay $0x1  }
0x229: {  	v5 =	vld [tilespmem:s8+$0x17820];
	_ =	sdelay $0x2  }
0x22a: {  	v3 =	vand.u32 $0x7FFFFFFF, v3;
	vm15 =	vlt.s32 v4, $0x80000  }
0x22b: {  	v3 =	vnsel vm15, $0xBF800000, v3  }
0x22c: {  	vm1 =	vgt.f32 v3, v5  }
0x22d: {  	v3 =	vmax.f32 v3, v5;
	vm0 =	vmand vm15, vm1  }
0x22e: {  	[tilespmem:s8+$0x17820] =	vst v3;
	v3 =	vsel vm0, v4, v0  }
0x22f: {  	[tilespmem:s8+$0x15020] =	vst v3  }
0x230: {  	v3 =	vld [tilespmem:$0x1C820];
	_ =	sdelay $0x2  }
0x231: {  	s2 =	simm.s32 $0x40;
	v4 =	vsel vm0, $0x1, v2  }
.LBB2_32:
0x232: {  	_ = 	snop  }
0x233: {  	p1 =	sne.s32 s2, $0x9FC0;
	s1 =	smov.u32 s2;
	s2 =	sadd.s32 $0x40, s2;
	v3 =	vadd.s32 v4, v3  }
0x234: {  	s1 =	sshra.s32 s1, $0x2;
	[tilespmem:$0x1C820] =	vst v3  }
0x235: {  	v3 =	vld [tilespmem:s1+$0x12820]  }
0x236: {  	v4 =	vld [tilespmem:s1+$0x15020]  }
0x237: {  	v5 =	vld [tilespmem:s1+$0x17820];
	_ =	sdelay $0x2  }
0x238: {  	v3 =	vand.u32 $0x7FFFFFFF, v3  }
0x239: {  	vm0 =	vlt.s32 v4, $0x80000  }
0x23a: {  	v3 =	vnsel vm0, $0xBF800000, v3  }
0x23b: {  	vm1 =	vgt.f32 v3, v5;
	v3 =	vmax.f32 v3, v5  }
0x23c: {  	vm0 =	vmand vm0, vm1  }
0x23d: {  	[tilespmem:s1+$0x17820] =	vst v3;
	v3 =	vsel vm0, v4, v0  }
.Ltmp15:
0x23e: {  	[tilespmem:s1+$0x15020] =	vst v3;
	(pc) =	sbr.rel @p1 .LBB2_32-.Ltmp15, $2  }
0x23f: {  	v3 =	vld [tilespmem:$0x1C820];
	_ =	sdelay $0x2  }
0x240: {  	v4 =	vsel vm0, $0x1, v2  }
0x241: {  	_ = 	snop  }
0x242: {  	v3 =	vadd.s32 v4, v3  }
0x243: {  	[tilespmem:$0x1C820] =	vst v3  }
0x244: {  	[spmem:s0] =	stream.indirect.scatter [tilespmem:s16], [sflag:$0x5], $0x1, s14, s12, $0xb8;
	[tilespmem:$0x1C8A0] =	vst v63  }
0x245: {  	_ =	swait.ge [sflag:s6], $0x2800  }
0x246: {  	[sflag:s6] =	ssyncset.done $0x0  }
0x247: {  	s1 =	simm.s32 $0x0;
	[sflag:s6] =	ssyncadd.s32 $0xFFFFD800  }
0x248: {  	[hbm4b:s28+s1] =	stream.linear.scatter [tilespmem:s14], [sflag:$0x5], $0x2800, $0x38;
	[tilespmem:$0x1C8A0] =	vst v63  }
0x249: {  	_ =	swait.ge [sflag:s6], $0x2800  }
0x24a: {  	[sflag:s6] =	ssyncset.done $0x0  }
0x24b: {  	s8 =	simm.s32 $0x10020;
	s2 =	rddreg [dreg:$0x10];
	[sflag:s6] =	ssyncadd.s32 $0xFFFFD800  }
0x24c: {  	[tilespmem:s8], [sflag:$0x5] =	stream.linear.gather [hbm4b:s2+s1], $0x2800, $0x38;
	[tilespmem:$0x1C8A0] =	vst v63  }
0x24d: {  	_ =	swait.ge [sflag:s6], $0x2800  }
0x24e: {  	[sflag:s6] =	ssyncset.done $0x0  }
0x24f: {  	[sflag:s6] =	ssyncadd.s32 $0xFFFFD800  }
0x250: {  	[tilespmem:s10], [sflag:$0x5] =	stream.linear.gather [hbm4b:s17+s1], $0x2800, $0x38;
	[tilespmem:$0x1C8A0] =	vst v63  }
0x251: {  	_ =	swait.ge [sflag:s6], $0x2800  }
0x252: {  	[sflag:s6] =	ssyncset.done $0x0  }
0x253: {  	s1 =	simm.s32 $0x0;
	[sflag:s6] =	ssyncadd.s32 $0xFFFFD800  }
0x254: {  	s2 =	simm.s32 $0x40;
	v3 =	vld [tilespmem:s1+$0x10020]  }
.LBB2_34:
0x255: {  	_ =	sdelay $0x1  }
0x256: {  	p1 =	sne.s32 s2, $0x9FC0  }
.Ltmp16:
0x257: {  	_ = 	snop;
	(pc) =	sbr.rel @p1 .LBB2_34-.Ltmp16, $4  }
0x258: {  	v4 =	vsub.s32 v3, v1  }
0x259: {  	vm0 =	vlt.u32 v4, $0x80000  }
0x25a: {  	s8 =	sshra.s32 s2, $0x2;
	v4 =	vsel vm0, v4, v0  }
0x25b: {  	s2 =	sadd.s32 $0x40, s2;
	v3 =	vld [tilespmem:s8+$0x10020];
	[tilespmem:s1+$0x15020] =	vst v4;
	s1 =	smov.u32 s8  }
0x25c: {  	_ =	sdelay $0x3  }
0x25d: {  	v3 =	vsub.s32 v3, v1  }
0x25e: {  	vm0 =	vlt.u32 v3, $0x80000  }
0x25f: {  	v3 =	vsel vm0, v3, v0  }
0x260: {  	[tilespmem:s1+$0x15020] =	vst v3  }
0x261: {  	[tilespmem:s16], [sflag:$0x5] =	stream.indirect.gather [spmem:s0], $0x1, s14, s12, $0xb8;
	[tilespmem:$0x1C8A0] =	vst v63  }
0x262: {  	_ =	swait.ge [sflag:s6], $0x2800  }
0x263: {  	[sflag:s6] =	ssyncset.done $0x0  }
0x264: {  	s8 =	simm.s32 $0x0;
	[sflag:s6] =	ssyncadd.s32 $0xFFFFD800  }
0x265: {  	v3 =	vld [tilespmem:s8+$0x12820]  }
0x266: {  	v4 =	vld [tilespmem:s8+$0x15020];
	_ =	sdelay $0x1  }
0x267: {  	v5 =	vld [tilespmem:s8+$0x17820];
	_ =	sdelay $0x2  }
0x268: {  	v3 =	vand.u32 $0x7FFFFFFF, v3;
	vm15 =	vlt.s32 v4, $0x80000  }
0x269: {  	v3 =	vnsel vm15, $0xBF800000, v3  }
0x26a: {  	vm1 =	vgt.f32 v3, v5  }
0x26b: {  	v3 =	vmax.f32 v3, v5;
	vm0 =	vmand vm15, vm1  }
0x26c: {  	[tilespmem:s8+$0x17820] =	vst v3;
	v3 =	vsel vm0, v4, v0  }
0x26d: {  	[tilespmem:s8+$0x15020] =	vst v3  }
0x26e: {  	v3 =	vld [tilespmem:$0x1C820];
	_ =	sdelay $0x2  }
0x26f: {  	s2 =	simm.s32 $0x40;
	v4 =	vsel vm0, $0x1, v2  }
.LBB2_36:
0x270: {  	_ = 	snop  }
0x271: {  	p1 =	sne.s32 s2, $0x9FC0;
	s1 =	smov.u32 s2;
	s2 =	sadd.s32 $0x40, s2;
	v3 =	vadd.s32 v4, v3  }
0x272: {  	s1 =	sshra.s32 s1, $0x2;
	[tilespmem:$0x1C820] =	vst v3  }
0x273: {  	v3 =	vld [tilespmem:s1+$0x12820]  }
0x274: {  	v4 =	vld [tilespmem:s1+$0x15020]  }
0x275: {  	v5 =	vld [tilespmem:s1+$0x17820];
	_ =	sdelay $0x2  }
0x276: {  	v3 =	vand.u32 $0x7FFFFFFF, v3  }
0x277: {  	vm0 =	vlt.s32 v4, $0x80000  }
0x278: {  	v3 =	vnsel vm0, $0xBF800000, v3  }
0x279: {  	vm1 =	vgt.f32 v3, v5;
	v3 =	vmax.f32 v3, v5  }
0x27a: {  	vm0 =	vmand vm0, vm1  }
0x27b: {  	[tilespmem:s1+$0x17820] =	vst v3;
	v3 =	vsel vm0, v4, v0  }
.Ltmp17:
0x27c: {  	[tilespmem:s1+$0x15020] =	vst v3;
	(pc) =	sbr.rel @p1 .LBB2_36-.Ltmp17, $2  }
0x27d: {  	v3 =	vld [tilespmem:$0x1C820];
	_ =	sdelay $0x2  }
0x27e: {  	v4 =	vsel vm0, $0x1, v2  }
0x27f: {  	_ = 	snop  }
0x280: {  	v3 =	vadd.s32 v4, v3  }
0x281: {  	[tilespmem:$0x1C820] =	vst v3  }
0x282: {  	[spmem:s0] =	stream.indirect.scatter [tilespmem:s16], [sflag:$0x5], $0x1, s14, s12, $0xb8;
	[tilespmem:$0x1C8A0] =	vst v63  }
0x283: {  	_ =	swait.ge [sflag:s6], $0x2800  }
0x284: {  	[sflag:s6] =	ssyncset.done $0x0  }
0x285: {  	s1 =	simm.s32 $0x0;
	[sflag:s6] =	ssyncadd.s32 $0xFFFFD800  }
0x286: {  	[hbm4b:s29+s1] =	stream.linear.scatter [tilespmem:s14], [sflag:$0x5], $0x2800, $0x38;
	[tilespmem:$0x1C8A0] =	vst v63  }
0x287: {  	_ =	swait.ge [sflag:s6], $0x2800  }
0x288: {  	[sflag:s6] =	ssyncset.done $0x0  }
0x289: {  	s8 =	simm.s32 $0x10020;
	s2 =	rddreg [dreg:$0x11];
	[sflag:s6] =	ssyncadd.s32 $0xFFFFD800  }
0x28a: {  	[tilespmem:s8], [sflag:$0x5] =	stream.linear.gather [hbm4b:s2+s1], $0x2800, $0x38;
	[tilespmem:$0x1C8A0] =	vst v63  }
0x28b: {  	_ =	swait.ge [sflag:s6], $0x2800  }
0x28c: {  	[sflag:s6] =	ssyncset.done $0x0  }
0x28d: {  	[sflag:s6] =	ssyncadd.s32 $0xFFFFD800  }
0x28e: {  	[tilespmem:s10], [sflag:$0x5] =	stream.linear.gather [hbm4b:s19+s1], $0x2800, $0x38;
	[tilespmem:$0x1C8A0] =	vst v63  }
0x28f: {  	_ =	swait.ge [sflag:s6], $0x2800  }
0x290: {  	[sflag:s6] =	ssyncset.done $0x0  }
0x291: {  	s1 =	simm.s32 $0x0;
	[sflag:s6] =	ssyncadd.s32 $0xFFFFD800  }
0x292: {  	s2 =	simm.s32 $0x40;
	v3 =	vld [tilespmem:s1+$0x10020]  }
.LBB2_38:
0x293: {  	_ =	sdelay $0x1  }
0x294: {  	p1 =	sne.s32 s2, $0x9FC0  }
.Ltmp18:
0x295: {  	_ = 	snop;
	(pc) =	sbr.rel @p1 .LBB2_38-.Ltmp18, $4  }
0x296: {  	v4 =	vsub.s32 v3, v1  }
0x297: {  	vm0 =	vlt.u32 v4, $0x80000  }
0x298: {  	s8 =	sshra.s32 s2, $0x2;
	v4 =	vsel vm0, v4, v0  }
0x299: {  	s2 =	sadd.s32 $0x40, s2;
	v3 =	vld [tilespmem:s8+$0x10020];
	[tilespmem:s1+$0x15020] =	vst v4;
	s1 =	smov.u32 s8  }
0x29a: {  	_ =	sdelay $0x3  }
0x29b: {  	v3 =	vsub.s32 v3, v1  }
0x29c: {  	vm0 =	vlt.u32 v3, $0x80000  }
0x29d: {  	v3 =	vsel vm0, v3, v0  }
0x29e: {  	[tilespmem:s1+$0x15020] =	vst v3  }
0x29f: {  	[tilespmem:s16], [sflag:$0x5] =	stream.indirect.gather [spmem:s0], $0x1, s14, s12, $0xb8;
	[tilespmem:$0x1C8A0] =	vst v63  }
0x2a0: {  	_ =	swait.ge [sflag:s6], $0x2800  }
0x2a1: {  	[sflag:s6] =	ssyncset.done $0x0  }
0x2a2: {  	s8 =	simm.s32 $0x0;
	[sflag:s6] =	ssyncadd.s32 $0xFFFFD800  }
0x2a3: {  	v3 =	vld [tilespmem:s8+$0x12820]  }
0x2a4: {  	v4 =	vld [tilespmem:s8+$0x15020];
	_ =	sdelay $0x1  }
0x2a5: {  	v5 =	vld [tilespmem:s8+$0x17820];
	_ =	sdelay $0x2  }
0x2a6: {  	v3 =	vand.u32 $0x7FFFFFFF, v3;
	vm15 =	vlt.s32 v4, $0x80000  }
0x2a7: {  	v3 =	vnsel vm15, $0xBF800000, v3  }
0x2a8: {  	vm1 =	vgt.f32 v3, v5  }
0x2a9: {  	v3 =	vmax.f32 v3, v5;
	vm0 =	vmand vm15, vm1  }
0x2aa: {  	[tilespmem:s8+$0x17820] =	vst v3;
	v3 =	vsel vm0, v4, v0  }
0x2ab: {  	[tilespmem:s8+$0x15020] =	vst v3  }
0x2ac: {  	v3 =	vld [tilespmem:$0x1C820];
	_ =	sdelay $0x2  }
0x2ad: {  	s2 =	simm.s32 $0x40;
	v4 =	vsel vm0, $0x1, v2  }
.LBB2_40:
0x2ae: {  	_ = 	snop  }
0x2af: {  	p1 =	sne.s32 s2, $0x9FC0;
	s1 =	smov.u32 s2;
	s2 =	sadd.s32 $0x40, s2;
	v3 =	vadd.s32 v4, v3  }
0x2b0: {  	s1 =	sshra.s32 s1, $0x2;
	[tilespmem:$0x1C820] =	vst v3  }
0x2b1: {  	v3 =	vld [tilespmem:s1+$0x12820]  }
0x2b2: {  	v4 =	vld [tilespmem:s1+$0x15020]  }
0x2b3: {  	v5 =	vld [tilespmem:s1+$0x17820];
	_ =	sdelay $0x2  }
0x2b4: {  	v3 =	vand.u32 $0x7FFFFFFF, v3  }
0x2b5: {  	vm0 =	vlt.s32 v4, $0x80000  }
0x2b6: {  	v3 =	vnsel vm0, $0xBF800000, v3  }
0x2b7: {  	vm1 =	vgt.f32 v3, v5;
	v3 =	vmax.f32 v3, v5  }
0x2b8: {  	vm0 =	vmand vm0, vm1  }
0x2b9: {  	[tilespmem:s1+$0x17820] =	vst v3;
	v3 =	vsel vm0, v4, v0  }
.Ltmp19:
0x2ba: {  	[tilespmem:s1+$0x15020] =	vst v3;
	(pc) =	sbr.rel @p1 .LBB2_40-.Ltmp19, $2  }
0x2bb: {  	v3 =	vld [tilespmem:$0x1C820];
	_ =	sdelay $0x2  }
0x2bc: {  	v4 =	vsel vm0, $0x1, v2  }
0x2bd: {  	_ = 	snop  }
0x2be: {  	v3 =	vadd.s32 v4, v3  }
0x2bf: {  	[tilespmem:$0x1C820] =	vst v3  }
0x2c0: {  	[spmem:s0] =	stream.indirect.scatter [tilespmem:s16], [sflag:$0x5], $0x1, s14, s12, $0xb8;
	[tilespmem:$0x1C8A0] =	vst v63  }
0x2c1: {  	_ =	swait.ge [sflag:s6], $0x2800  }
0x2c2: {  	[sflag:s6] =	ssyncset.done $0x0  }
0x2c3: {  	[sflag:s6] =	ssyncadd.s32 $0xFFFFD800  }
0x2c4: {  	[hbm4b:s30+s31] =	stream.linear.scatter [tilespmem:s14], [sflag:$0x5], $0x2800, $0x38;
	[tilespmem:$0x1C8A0] =	vst v63  }
0x2c5: {  	_ =	swait.ge [sflag:s6], $0x2800  }
0x2c6: {  	[sflag:s6] =	ssyncset.done $0x0  }
0x2c7: {  	[sflag:s6] =	ssyncadd.s32 $0xFFFFD800  }
0x2c8: {  	v3 =	vld [tilespmem:$0x1C820];
	_ =	sdelay $0x4  }
0x2c9: {  	(xrf0) =	vadd.scan.msk.s32 $0xffff, v3;
	_ =	sdelay $0x5  }
0x2ca: {  	v3, _, _ =	vpop (xrf0)  }
0x2cb: {  	(v2sf) =	vpush v3, $0xF;
	_ =	sdelay $0xd  }
0x2cc: {  	s2 =	simm.s32 $0x1  }
0x2cd: {  	[sflag:s2] =	ssyncset.done $0x0;
	s1 =	spop (v2sf)  }
0x2ce: {  	[smem:s31], [sflag:$0x1] =	smem.add.s32 s1  }
0x2cf: {  	_ =	swait.done [sflag:s2]  }
0x2d0: {  	[sflag:s2] =	ssyncset.s32 $0x0  }
0x2d1: {  	[sflag:s2] =	ssyncset.done $0x0  }
0x2d2: {  	s1 =	simm.s32 $0x2;
	[bflag:$0x0] =	sbarrier.arrive $0xFFFF  }
0x2d3: {  	[sflag:s1] =	ssyncset.done $0x0  }
0x2d4: {  	[smem:s31], [sflag:$0x2] =	smem.add.s32 $0x0  }
0x2d5: {  	_ =	swait.done [sflag:s1]  }
0x2d6: {  	s8 =	ssyncread [sflag:$0x2];
	_ =	sdelay $0x2  }
0x2d7: {  	[sflag:s1] =	ssyncset.s32 $0x0;
	p1 =	slt.s32 s8, $0x1  }
.Ltmp20:
0x2d8: {  	[sflag:s1] =	ssyncset.done $0x0;
	(pc) =	sbr.rel @p1 .LBB2_63-.Ltmp20, $4  }
0x2d9: {  	s2 =	simm.s32 @!p0 $0x0;
	[bflag:$0x0] =	sbarrier.arrive $0xFFFF  }
0x2da: {  	[smem:$0x0] =	sst @!p0 s2  }
0x2db: {  	[bflag:$0x0] =	sbarrier.arrive $0xFFFF  }
0x2dc: {  	s8 =	rddreg [dreg:$0x8]  }
.LBB2_42:
0x2dd: {  	[tilespmem:$0x1C820] =	vst v2;
	s1 =	simm.s32 $0x0  }
0x2de: {  	[tilespmem:s14], [sflag:$0x5] =	stream.linear.gather [hbm4b:s20+s1], $0x2800, $0x38;
	[tilespmem:$0x1C8A0] =	vst v63  }
0x2df: {  	_ =	swait.ge [sflag:s6], $0x2800  }
0x2e0: {  	[sflag:s6] =	ssyncset.done $0x0  }
0x2e1: {  	[sflag:s6] =	ssyncadd.s32 $0xFFFFD800  }
0x2e2: {  	[tilespmem:s10], [sflag:$0x5] =	stream.linear.gather [hbm4b:s8+s1], $0x2800, $0x38;
	[tilespmem:$0x1C8A0] =	vst v63  }
0x2e3: {  	_ =	swait.ge [sflag:s6], $0x2800  }
0x2e4: {  	[sflag:s6] =	ssyncset.done $0x0  }
0x2e5: {  	[sflag:s6] =	ssyncadd.s32 $0xFFFFD800  }
0x2e6: {  	[tilespmem:s16], [sflag:$0x5] =	stream.indirect.gather [spmem:s0], $0x1, s14, s12, $0xb8;
	[tilespmem:$0x1C8A0] =	vst v63  }
0x2e7: {  	_ =	swait.ge [sflag:s6], $0x2800  }
0x2e8: {  	[sflag:s6] =	ssyncset.done $0x0  }
0x2e9: {  	s2 =	simm.s32 $0x0;
	[sflag:s6] =	ssyncadd.s32 $0xFFFFD800  }
0x2ea: {  	v3 =	vld [tilespmem:s2+$0x12820]  }
0x2eb: {  	v4 =	vld [tilespmem:s2+$0x15020];
	_ =	sdelay $0x1  }
0x2ec: {  	v5 =	vld [tilespmem:s2+$0x17820];
	_ =	sdelay $0x2  }
0x2ed: {  	v3 =	vand.u32 $0x7FFFFFFF, v3;
	vm0 =	vlt.s32 v4, $0x80000  }
0x2ee: {  	v3 =	vnsel vm0, $0xBF800000, v3  }
0x2ef: {  	vm1 =	vgt.f32 v3, v5  }
0x2f0: {  	v3 =	vmax.f32 v3, v5;
	vm0 =	vmand vm0, vm1  }
0x2f1: {  	[tilespmem:s2+$0x17820] =	vst v3;
	v3 =	vsel vm0, v4, v0  }
0x2f2: {  	[tilespmem:s2+$0x15020] =	vst v3  }
0x2f3: {  	v3 =	vld [tilespmem:$0x1C820];
	_ =	sdelay $0x2  }
0x2f4: {  	v4 =	vsel vm0, $0x1, v2;
	s2 =	simm.s32 $0x40  }
.LBB2_43:
0x2f5: {  	_ = 	snop  }
0x2f6: {  	p1 =	sne.s32 s2, $0x9FC0;
	s1 =	smov.u32 s2;
	s2 =	sadd.s32 $0x40, s2;
	v3 =	vadd.s32 v4, v3  }
0x2f7: {  	s1 =	sshra.s32 s1, $0x2;
	[tilespmem:$0x1C820] =	vst v3  }
0x2f8: {  	v3 =	vld [tilespmem:s1+$0x12820]  }
0x2f9: {  	v4 =	vld [tilespmem:s1+$0x15020]  }
0x2fa: {  	v5 =	vld [tilespmem:s1+$0x17820];
	_ =	sdelay $0x2  }
0x2fb: {  	v3 =	vand.u32 $0x7FFFFFFF, v3  }
0x2fc: {  	vm0 =	vlt.s32 v4, $0x80000  }
0x2fd: {  	v3 =	vnsel vm0, $0xBF800000, v3  }
0x2fe: {  	vm1 =	vgt.f32 v3, v5;
	v3 =	vmax.f32 v3, v5  }
0x2ff: {  	vm0 =	vmand vm0, vm1  }
0x300: {  	[tilespmem:s1+$0x17820] =	vst v3;
	v3 =	vsel vm0, v4, v0  }
.Ltmp21:
0x301: {  	[tilespmem:s1+$0x15020] =	vst v3;
	(pc) =	sbr.rel @p1 .LBB2_43-.Ltmp21, $2  }
0x302: {  	v3 =	vld [tilespmem:$0x1C820];
	_ =	sdelay $0x2  }
0x303: {  	v4 =	vsel vm0, $0x1, v2  }
0x304: {  	_ = 	snop  }
0x305: {  	v3 =	vadd.s32 v4, v3  }
0x306: {  	[tilespmem:$0x1C820] =	vst v3  }
0x307: {  	[spmem:s0] =	stream.indirect.scatter [tilespmem:s16], [sflag:$0x5], $0x1, s14, s12, $0xb8;
	[tilespmem:$0x1C8A0] =	vst v63  }
0x308: {  	_ =	swait.ge [sflag:s6], $0x2800  }
0x309: {  	[sflag:s6] =	ssyncset.done $0x0  }
0x30a: {  	s1 =	simm.s32 $0x0;
	[sflag:s6] =	ssyncadd.s32 $0xFFFFD800  }
0x30b: {  	[hbm4b:s20+s1] =	stream.linear.scatter [tilespmem:s14], [sflag:$0x5], $0x2800, $0x38;
	[tilespmem:$0x1C8A0] =	vst v63  }
0x30c: {  	_ =	swait.ge [sflag:s6], $0x2800  }
0x30d: {  	[sflag:s6] =	ssyncset.done $0x0  }
0x30e: {  	[sflag:s6] =	ssyncadd.s32 $0xFFFFD800  }
0x30f: {  	[tilespmem:s14], [sflag:$0x5] =	stream.linear.gather [hbm4b:s21+s1], $0x2800, $0x38;
	[tilespmem:$0x1C8A0] =	vst v63  }
0x310: {  	_ =	swait.ge [sflag:s6], $0x2800  }
0x311: {  	[sflag:s6] =	ssyncset.done $0x0  }
0x312: {  	[sflag:s6] =	ssyncadd.s32 $0xFFFFD800  }
0x313: {  	[tilespmem:s10], [sflag:$0x5] =	stream.linear.gather [hbm4b:s3+s1], $0x2800, $0x38;
	[tilespmem:$0x1C8A0] =	vst v63  }
0x314: {  	_ =	swait.ge [sflag:s6], $0x2800  }
0x315: {  	[sflag:s6] =	ssyncset.done $0x0  }
0x316: {  	[sflag:s6] =	ssyncadd.s32 $0xFFFFD800  }
0x317: {  	[tilespmem:s16], [sflag:$0x5] =	stream.indirect.gather [spmem:s0], $0x1, s14, s12, $0xb8;
	[tilespmem:$0x1C8A0] =	vst v63  }
0x318: {  	_ =	swait.ge [sflag:s6], $0x2800  }
0x319: {  	[sflag:s6] =	ssyncset.done $0x0  }
0x31a: {  	s2 =	simm.s32 $0x0;
	[sflag:s6] =	ssyncadd.s32 $0xFFFFD800  }
0x31b: {  	v3 =	vld [tilespmem:s2+$0x12820]  }
0x31c: {  	v4 =	vld [tilespmem:s2+$0x15020];
	_ =	sdelay $0x1  }
0x31d: {  	v5 =	vld [tilespmem:s2+$0x17820];
	_ =	sdelay $0x2  }
0x31e: {  	v3 =	vand.u32 $0x7FFFFFFF, v3;
	vm0 =	vlt.s32 v4, $0x80000  }
0x31f: {  	v3 =	vnsel vm0, $0xBF800000, v3  }
0x320: {  	vm1 =	vgt.f32 v3, v5  }
0x321: {  	v3 =	vmax.f32 v3, v5;
	vm0 =	vmand vm0, vm1  }
0x322: {  	[tilespmem:s2+$0x17820] =	vst v3;
	v3 =	vsel vm0, v4, v0  }
0x323: {  	[tilespmem:s2+$0x15020] =	vst v3  }
0x324: {  	v3 =	vld [tilespmem:$0x1C820];
	_ =	sdelay $0x2  }
0x325: {  	v4 =	vsel vm0, $0x1, v2;
	s2 =	simm.s32 $0x40  }
.LBB2_45:
0x326: {  	_ = 	snop  }
0x327: {  	p1 =	sne.s32 s2, $0x9FC0;
	s1 =	smov.u32 s2;
	s2 =	sadd.s32 $0x40, s2;
	v3 =	vadd.s32 v4, v3  }
0x328: {  	s1 =	sshra.s32 s1, $0x2;
	[tilespmem:$0x1C820] =	vst v3  }
0x329: {  	v3 =	vld [tilespmem:s1+$0x12820]  }
0x32a: {  	v4 =	vld [tilespmem:s1+$0x15020]  }
0x32b: {  	v5 =	vld [tilespmem:s1+$0x17820];
	_ =	sdelay $0x2  }
0x32c: {  	v3 =	vand.u32 $0x7FFFFFFF, v3  }
0x32d: {  	vm0 =	vlt.s32 v4, $0x80000  }
0x32e: {  	v3 =	vnsel vm0, $0xBF800000, v3  }
0x32f: {  	vm1 =	vgt.f32 v3, v5;
	v3 =	vmax.f32 v3, v5  }
0x330: {  	vm0 =	vmand vm0, vm1  }
0x331: {  	[tilespmem:s1+$0x17820] =	vst v3;
	v3 =	vsel vm0, v4, v0  }
.Ltmp22:
0x332: {  	[tilespmem:s1+$0x15020] =	vst v3;
	(pc) =	sbr.rel @p1 .LBB2_45-.Ltmp22, $2  }
0x333: {  	v3 =	vld [tilespmem:$0x1C820];
	_ =	sdelay $0x2  }
0x334: {  	v4 =	vsel vm0, $0x1, v2  }
0x335: {  	_ = 	snop  }
0x336: {  	v3 =	vadd.s32 v4, v3  }
0x337: {  	[tilespmem:$0x1C820] =	vst v3  }
0x338: {  	[spmem:s0] =	stream.indirect.scatter [tilespmem:s16], [sflag:$0x5], $0x1, s14, s12, $0xb8;
	[tilespmem:$0x1C8A0] =	vst v63  }
0x339: {  	_ =	swait.ge [sflag:s6], $0x2800  }
0x33a: {  	[sflag:s6] =	ssyncset.done $0x0  }
0x33b: {  	s1 =	simm.s32 $0x0;
	[sflag:s6] =	ssyncadd.s32 $0xFFFFD800  }
0x33c: {  	[hbm4b:s21+s1] =	stream.linear.scatter [tilespmem:s14], [sflag:$0x5], $0x2800, $0x38;
	[tilespmem:$0x1C8A0] =	vst v63  }
0x33d: {  	_ =	swait.ge [sflag:s6], $0x2800  }
0x33e: {  	[sflag:s6] =	ssyncset.done $0x0  }
0x33f: {  	[sflag:s6] =	ssyncadd.s32 $0xFFFFD800  }
0x340: {  	[tilespmem:s14], [sflag:$0x5] =	stream.linear.gather [hbm4b:s22+s1], $0x2800, $0x38;
	[tilespmem:$0x1C8A0] =	vst v63  }
0x341: {  	_ =	swait.ge [sflag:s6], $0x2800  }
0x342: {  	[sflag:s6] =	ssyncset.done $0x0  }
0x343: {  	[sflag:s6] =	ssyncadd.s32 $0xFFFFD800  }
0x344: {  	[tilespmem:s10], [sflag:$0x5] =	stream.linear.gather [hbm4b:s5+s1], $0x2800, $0x38;
	[tilespmem:$0x1C8A0] =	vst v63  }
0x345: {  	_ =	swait.ge [sflag:s6], $0x2800  }
0x346: {  	[sflag:s6] =	ssyncset.done $0x0  }
0x347: {  	[sflag:s6] =	ssyncadd.s32 $0xFFFFD800  }
0x348: {  	[tilespmem:s16], [sflag:$0x5] =	stream.indirect.gather [spmem:s0], $0x1, s14, s12, $0xb8;
	[tilespmem:$0x1C8A0] =	vst v63  }
0x349: {  	_ =	swait.ge [sflag:s6], $0x2800  }
0x34a: {  	[sflag:s6] =	ssyncset.done $0x0  }
0x34b: {  	s2 =	simm.s32 $0x0;
	[sflag:s6] =	ssyncadd.s32 $0xFFFFD800  }
0x34c: {  	v3 =	vld [tilespmem:s2+$0x12820]  }
0x34d: {  	v4 =	vld [tilespmem:s2+$0x15020];
	_ =	sdelay $0x1  }
0x34e: {  	v5 =	vld [tilespmem:s2+$0x17820];
	_ =	sdelay $0x2  }
0x34f: {  	v3 =	vand.u32 $0x7FFFFFFF, v3;
	vm0 =	vlt.s32 v4, $0x80000  }
0x350: {  	v3 =	vnsel vm0, $0xBF800000, v3  }
0x351: {  	vm1 =	vgt.f32 v3, v5  }
0x352: {  	v3 =	vmax.f32 v3, v5;
	vm0 =	vmand vm0, vm1  }
0x353: {  	[tilespmem:s2+$0x17820] =	vst v3;
	v3 =	vsel vm0, v4, v0  }
0x354: {  	[tilespmem:s2+$0x15020] =	vst v3  }
0x355: {  	v3 =	vld [tilespmem:$0x1C820];
	_ =	sdelay $0x2  }
0x356: {  	v4 =	vsel vm0, $0x1, v2;
	s2 =	simm.s32 $0x40  }
.LBB2_47:
0x357: {  	_ = 	snop  }
0x358: {  	p1 =	sne.s32 s2, $0x9FC0;
	s1 =	smov.u32 s2;
	s2 =	sadd.s32 $0x40, s2;
	v3 =	vadd.s32 v4, v3  }
0x359: {  	s1 =	sshra.s32 s1, $0x2;
	[tilespmem:$0x1C820] =	vst v3  }
0x35a: {  	v3 =	vld [tilespmem:s1+$0x12820]  }
0x35b: {  	v4 =	vld [tilespmem:s1+$0x15020]  }
0x35c: {  	v5 =	vld [tilespmem:s1+$0x17820];
	_ =	sdelay $0x2  }
0x35d: {  	v3 =	vand.u32 $0x7FFFFFFF, v3  }
0x35e: {  	vm0 =	vlt.s32 v4, $0x80000  }
0x35f: {  	v3 =	vnsel vm0, $0xBF800000, v3  }
0x360: {  	vm1 =	vgt.f32 v3, v5;
	v3 =	vmax.f32 v3, v5  }
0x361: {  	vm0 =	vmand vm0, vm1  }
0x362: {  	[tilespmem:s1+$0x17820] =	vst v3;
	v3 =	vsel vm0, v4, v0  }
.Ltmp23:
0x363: {  	[tilespmem:s1+$0x15020] =	vst v3;
	(pc) =	sbr.rel @p1 .LBB2_47-.Ltmp23, $2  }
0x364: {  	v3 =	vld [tilespmem:$0x1C820];
	_ =	sdelay $0x2  }
0x365: {  	v4 =	vsel vm0, $0x1, v2  }
0x366: {  	_ = 	snop  }
0x367: {  	v3 =	vadd.s32 v4, v3  }
0x368: {  	[tilespmem:$0x1C820] =	vst v3  }
0x369: {  	[spmem:s0] =	stream.indirect.scatter [tilespmem:s16], [sflag:$0x5], $0x1, s14, s12, $0xb8;
	[tilespmem:$0x1C8A0] =	vst v63  }
0x36a: {  	_ =	swait.ge [sflag:s6], $0x2800  }
0x36b: {  	[sflag:s6] =	ssyncset.done $0x0  }
0x36c: {  	s1 =	simm.s32 $0x0;
	[sflag:s6] =	ssyncadd.s32 $0xFFFFD800  }
0x36d: {  	[hbm4b:s22+s1] =	stream.linear.scatter [tilespmem:s14], [sflag:$0x5], $0x2800, $0x38;
	[tilespmem:$0x1C8A0] =	vst v63  }
0x36e: {  	_ =	swait.ge [sflag:s6], $0x2800  }
0x36f: {  	[sflag:s6] =	ssyncset.done $0x0  }
0x370: {  	[sflag:s6] =	ssyncadd.s32 $0xFFFFD800  }
0x371: {  	[tilespmem:s14], [sflag:$0x5] =	stream.linear.gather [hbm4b:s23+s1], $0x2800, $0x38;
	[tilespmem:$0x1C8A0] =	vst v63  }
0x372: {  	_ =	swait.ge [sflag:s6], $0x2800  }
0x373: {  	[sflag:s6] =	ssyncset.done $0x0  }
0x374: {  	[sflag:s6] =	ssyncadd.s32 $0xFFFFD800  }
0x375: {  	[tilespmem:s10], [sflag:$0x5] =	stream.linear.gather [hbm4b:s7+s1], $0x2800, $0x38;
	[tilespmem:$0x1C8A0] =	vst v63  }
0x376: {  	_ =	swait.ge [sflag:s6], $0x2800  }
0x377: {  	[sflag:s6] =	ssyncset.done $0x0  }
0x378: {  	[sflag:s6] =	ssyncadd.s32 $0xFFFFD800  }
0x379: {  	[tilespmem:s16], [sflag:$0x5] =	stream.indirect.gather [spmem:s0], $0x1, s14, s12, $0xb8;
	[tilespmem:$0x1C8A0] =	vst v63  }
0x37a: {  	_ =	swait.ge [sflag:s6], $0x2800  }
0x37b: {  	[sflag:s6] =	ssyncset.done $0x0  }
0x37c: {  	s2 =	simm.s32 $0x0;
	[sflag:s6] =	ssyncadd.s32 $0xFFFFD800  }
0x37d: {  	v3 =	vld [tilespmem:s2+$0x12820]  }
0x37e: {  	v4 =	vld [tilespmem:s2+$0x15020];
	_ =	sdelay $0x1  }
0x37f: {  	v5 =	vld [tilespmem:s2+$0x17820];
	_ =	sdelay $0x2  }
0x380: {  	v3 =	vand.u32 $0x7FFFFFFF, v3;
	vm0 =	vlt.s32 v4, $0x80000  }
0x381: {  	v3 =	vnsel vm0, $0xBF800000, v3  }
0x382: {  	vm1 =	vgt.f32 v3, v5  }
0x383: {  	v3 =	vmax.f32 v3, v5;
	vm0 =	vmand vm0, vm1  }
0x384: {  	[tilespmem:s2+$0x17820] =	vst v3;
	v3 =	vsel vm0, v4, v0  }
0x385: {  	[tilespmem:s2+$0x15020] =	vst v3  }
0x386: {  	v3 =	vld [tilespmem:$0x1C820];
	_ =	sdelay $0x2  }
0x387: {  	v4 =	vsel vm0, $0x1, v2;
	s2 =	simm.s32 $0x40  }
.LBB2_49:
0x388: {  	_ = 	snop  }
0x389: {  	p1 =	sne.s32 s2, $0x9FC0;
	s1 =	smov.u32 s2;
	s2 =	sadd.s32 $0x40, s2;
	v3 =	vadd.s32 v4, v3  }
0x38a: {  	s1 =	sshra.s32 s1, $0x2;
	[tilespmem:$0x1C820] =	vst v3  }
0x38b: {  	v3 =	vld [tilespmem:s1+$0x12820]  }
0x38c: {  	v4 =	vld [tilespmem:s1+$0x15020]  }
0x38d: {  	v5 =	vld [tilespmem:s1+$0x17820];
	_ =	sdelay $0x2  }
0x38e: {  	v3 =	vand.u32 $0x7FFFFFFF, v3  }
0x38f: {  	vm0 =	vlt.s32 v4, $0x80000  }
0x390: {  	v3 =	vnsel vm0, $0xBF800000, v3  }
0x391: {  	vm1 =	vgt.f32 v3, v5;
	v3 =	vmax.f32 v3, v5  }
0x392: {  	vm0 =	vmand vm0, vm1  }
0x393: {  	[tilespmem:s1+$0x17820] =	vst v3;
	v3 =	vsel vm0, v4, v0  }
.Ltmp24:
0x394: {  	[tilespmem:s1+$0x15020] =	vst v3;
	(pc) =	sbr.rel @p1 .LBB2_49-.Ltmp24, $2  }
0x395: {  	v3 =	vld [tilespmem:$0x1C820];
	_ =	sdelay $0x2  }
0x396: {  	v4 =	vsel vm0, $0x1, v2  }
0x397: {  	_ = 	snop  }
0x398: {  	v3 =	vadd.s32 v4, v3  }
0x399: {  	[tilespmem:$0x1C820] =	vst v3  }
0x39a: {  	[spmem:s0] =	stream.indirect.scatter [tilespmem:s16], [sflag:$0x5], $0x1, s14, s12, $0xb8;
	[tilespmem:$0x1C8A0] =	vst v63  }
0x39b: {  	_ =	swait.ge [sflag:s6], $0x2800  }
0x39c: {  	[sflag:s6] =	ssyncset.done $0x0  }
0x39d: {  	s1 =	simm.s32 $0x0;
	[sflag:s6] =	ssyncadd.s32 $0xFFFFD800  }
0x39e: {  	[hbm4b:s23+s1] =	stream.linear.scatter [tilespmem:s14], [sflag:$0x5], $0x2800, $0x38;
	[tilespmem:$0x1C8A0] =	vst v63  }
0x39f: {  	_ =	swait.ge [sflag:s6], $0x2800  }
0x3a0: {  	[sflag:s6] =	ssyncset.done $0x0  }
0x3a1: {  	[sflag:s6] =	ssyncadd.s32 $0xFFFFD800  }
0x3a2: {  	[tilespmem:s14], [sflag:$0x5] =	stream.linear.gather [hbm4b:s24+s1], $0x2800, $0x38;
	[tilespmem:$0x1C8A0] =	vst v63  }
0x3a3: {  	_ =	swait.ge [sflag:s6], $0x2800  }
0x3a4: {  	[sflag:s6] =	ssyncset.done $0x0  }
0x3a5: {  	[sflag:s6] =	ssyncadd.s32 $0xFFFFD800  }
0x3a6: {  	[tilespmem:s10], [sflag:$0x5] =	stream.linear.gather [hbm4b:s9+s1], $0x2800, $0x38;
	[tilespmem:$0x1C8A0] =	vst v63  }
0x3a7: {  	_ =	swait.ge [sflag:s6], $0x2800  }
0x3a8: {  	[sflag:s6] =	ssyncset.done $0x0  }
0x3a9: {  	[sflag:s6] =	ssyncadd.s32 $0xFFFFD800  }
0x3aa: {  	[tilespmem:s16], [sflag:$0x5] =	stream.indirect.gather [spmem:s0], $0x1, s14, s12, $0xb8;
	[tilespmem:$0x1C8A0] =	vst v63  }
0x3ab: {  	_ =	swait.ge [sflag:s6], $0x2800  }
0x3ac: {  	[sflag:s6] =	ssyncset.done $0x0  }
0x3ad: {  	s2 =	simm.s32 $0x0;
	[sflag:s6] =	ssyncadd.s32 $0xFFFFD800  }
0x3ae: {  	v3 =	vld [tilespmem:s2+$0x12820]  }
0x3af: {  	v4 =	vld [tilespmem:s2+$0x15020];
	_ =	sdelay $0x1  }
0x3b0: {  	v5 =	vld [tilespmem:s2+$0x17820];
	_ =	sdelay $0x2  }
0x3b1: {  	v3 =	vand.u32 $0x7FFFFFFF, v3;
	vm0 =	vlt.s32 v4, $0x80000  }
0x3b2: {  	v3 =	vnsel vm0, $0xBF800000, v3  }
0x3b3: {  	vm1 =	vgt.f32 v3, v5  }
0x3b4: {  	v3 =	vmax.f32 v3, v5;
	vm0 =	vmand vm0, vm1  }
0x3b5: {  	[tilespmem:s2+$0x17820] =	vst v3;
	v3 =	vsel vm0, v4, v0  }
0x3b6: {  	[tilespmem:s2+$0x15020] =	vst v3  }
0x3b7: {  	v3 =	vld [tilespmem:$0x1C820];
	_ =	sdelay $0x2  }
0x3b8: {  	v4 =	vsel vm0, $0x1, v2;
	s2 =	simm.s32 $0x40  }
.LBB2_51:
0x3b9: {  	_ = 	snop  }
0x3ba: {  	p1 =	sne.s32 s2, $0x9FC0;
	s1 =	smov.u32 s2;
	s2 =	sadd.s32 $0x40, s2;
	v3 =	vadd.s32 v4, v3  }
0x3bb: {  	s1 =	sshra.s32 s1, $0x2;
	[tilespmem:$0x1C820] =	vst v3  }
0x3bc: {  	v3 =	vld [tilespmem:s1+$0x12820]  }
0x3bd: {  	v4 =	vld [tilespmem:s1+$0x15020]  }
0x3be: {  	v5 =	vld [tilespmem:s1+$0x17820];
	_ =	sdelay $0x2  }
0x3bf: {  	v3 =	vand.u32 $0x7FFFFFFF, v3  }
0x3c0: {  	vm0 =	vlt.s32 v4, $0x80000  }
0x3c1: {  	v3 =	vnsel vm0, $0xBF800000, v3  }
0x3c2: {  	vm1 =	vgt.f32 v3, v5;
	v3 =	vmax.f32 v3, v5  }
0x3c3: {  	vm0 =	vmand vm0, vm1  }
0x3c4: {  	[tilespmem:s1+$0x17820] =	vst v3;
	v3 =	vsel vm0, v4, v0  }
.Ltmp25:
0x3c5: {  	[tilespmem:s1+$0x15020] =	vst v3;
	(pc) =	sbr.rel @p1 .LBB2_51-.Ltmp25, $2  }
0x3c6: {  	v3 =	vld [tilespmem:$0x1C820];
	_ =	sdelay $0x2  }
0x3c7: {  	v4 =	vsel vm0, $0x1, v2  }
0x3c8: {  	_ = 	snop  }
0x3c9: {  	v3 =	vadd.s32 v4, v3  }
0x3ca: {  	[tilespmem:$0x1C820] =	vst v3  }
0x3cb: {  	[spmem:s0] =	stream.indirect.scatter [tilespmem:s16], [sflag:$0x5], $0x1, s14, s12, $0xb8;
	[tilespmem:$0x1C8A0] =	vst v63  }
0x3cc: {  	_ =	swait.ge [sflag:s6], $0x2800  }
0x3cd: {  	[sflag:s6] =	ssyncset.done $0x0  }
0x3ce: {  	s1 =	simm.s32 $0x0;
	[sflag:s6] =	ssyncadd.s32 $0xFFFFD800  }
0x3cf: {  	[hbm4b:s24+s1] =	stream.linear.scatter [tilespmem:s14], [sflag:$0x5], $0x2800, $0x38;
	[tilespmem:$0x1C8A0] =	vst v63  }
0x3d0: {  	_ =	swait.ge [sflag:s6], $0x2800  }
0x3d1: {  	[sflag:s6] =	ssyncset.done $0x0  }
0x3d2: {  	[sflag:s6] =	ssyncadd.s32 $0xFFFFD800  }
0x3d3: {  	[tilespmem:s14], [sflag:$0x5] =	stream.linear.gather [hbm4b:s25+s1], $0x2800, $0x38;
	[tilespmem:$0x1C8A0] =	vst v63  }
0x3d4: {  	_ =	swait.ge [sflag:s6], $0x2800  }
0x3d5: {  	[sflag:s6] =	ssyncset.done $0x0  }
0x3d6: {  	[sflag:s6] =	ssyncadd.s32 $0xFFFFD800  }
0x3d7: {  	[tilespmem:s10], [sflag:$0x5] =	stream.linear.gather [hbm4b:s11+s1], $0x2800, $0x38;
	[tilespmem:$0x1C8A0] =	vst v63  }
0x3d8: {  	_ =	swait.ge [sflag:s6], $0x2800  }
0x3d9: {  	[sflag:s6] =	ssyncset.done $0x0  }
0x3da: {  	[sflag:s6] =	ssyncadd.s32 $0xFFFFD800  }
0x3db: {  	[tilespmem:s16], [sflag:$0x5] =	stream.indirect.gather [spmem:s0], $0x1, s14, s12, $0xb8;
	[tilespmem:$0x1C8A0] =	vst v63  }
0x3dc: {  	_ =	swait.ge [sflag:s6], $0x2800  }
0x3dd: {  	[sflag:s6] =	ssyncset.done $0x0  }
0x3de: {  	s2 =	simm.s32 $0x0;
	[sflag:s6] =	ssyncadd.s32 $0xFFFFD800  }
0x3df: {  	v3 =	vld [tilespmem:s2+$0x12820]  }
0x3e0: {  	v4 =	vld [tilespmem:s2+$0x15020];
	_ =	sdelay $0x1  }
0x3e1: {  	v5 =	vld [tilespmem:s2+$0x17820];
	_ =	sdelay $0x2  }
0x3e2: {  	v3 =	vand.u32 $0x7FFFFFFF, v3;
	vm0 =	vlt.s32 v4, $0x80000  }
0x3e3: {  	v3 =	vnsel vm0, $0xBF800000, v3  }
0x3e4: {  	vm1 =	vgt.f32 v3, v5  }
0x3e5: {  	v3 =	vmax.f32 v3, v5;
	vm0 =	vmand vm0, vm1  }
0x3e6: {  	[tilespmem:s2+$0x17820] =	vst v3;
	v3 =	vsel vm0, v4, v0  }
0x3e7: {  	[tilespmem:s2+$0x15020] =	vst v3  }
0x3e8: {  	v3 =	vld [tilespmem:$0x1C820];
	_ =	sdelay $0x2  }
0x3e9: {  	v4 =	vsel vm0, $0x1, v2;
	s2 =	simm.s32 $0x40  }
.LBB2_53:
0x3ea: {  	_ = 	snop  }
0x3eb: {  	p1 =	sne.s32 s2, $0x9FC0;
	s1 =	smov.u32 s2;
	s2 =	sadd.s32 $0x40, s2;
	v3 =	vadd.s32 v4, v3  }
0x3ec: {  	s1 =	sshra.s32 s1, $0x2;
	[tilespmem:$0x1C820] =	vst v3  }
0x3ed: {  	v3 =	vld [tilespmem:s1+$0x12820]  }
0x3ee: {  	v4 =	vld [tilespmem:s1+$0x15020]  }
0x3ef: {  	v5 =	vld [tilespmem:s1+$0x17820];
	_ =	sdelay $0x2  }
0x3f0: {  	v3 =	vand.u32 $0x7FFFFFFF, v3  }
0x3f1: {  	vm0 =	vlt.s32 v4, $0x80000  }
0x3f2: {  	v3 =	vnsel vm0, $0xBF800000, v3  }
0x3f3: {  	vm1 =	vgt.f32 v3, v5;
	v3 =	vmax.f32 v3, v5  }
0x3f4: {  	vm0 =	vmand vm0, vm1  }
0x3f5: {  	[tilespmem:s1+$0x17820] =	vst v3;
	v3 =	vsel vm0, v4, v0  }
.Ltmp26:
0x3f6: {  	[tilespmem:s1+$0x15020] =	vst v3;
	(pc) =	sbr.rel @p1 .LBB2_53-.Ltmp26, $2  }
0x3f7: {  	v3 =	vld [tilespmem:$0x1C820];
	_ =	sdelay $0x2  }
0x3f8: {  	v4 =	vsel vm0, $0x1, v2  }
0x3f9: {  	_ = 	snop  }
0x3fa: {  	v3 =	vadd.s32 v4, v3  }
0x3fb: {  	[tilespmem:$0x1C820] =	vst v3  }
0x3fc: {  	[spmem:s0] =	stream.indirect.scatter [tilespmem:s16], [sflag:$0x5], $0x1, s14, s12, $0xb8;
	[tilespmem:$0x1C8A0] =	vst v63  }
0x3fd: {  	_ =	swait.ge [sflag:s6], $0x2800  }
0x3fe: {  	[sflag:s6] =	ssyncset.done $0x0  }
0x3ff: {  	s1 =	simm.s32 $0x0;
	[sflag:s6] =	ssyncadd.s32 $0xFFFFD800  }
0x400: {  	[hbm4b:s25+s1] =	stream.linear.scatter [tilespmem:s14], [sflag:$0x5], $0x2800, $0x38;
	[tilespmem:$0x1C8A0] =	vst v63  }
0x401: {  	_ =	swait.ge [sflag:s6], $0x2800  }
0x402: {  	[sflag:s6] =	ssyncset.done $0x0  }
0x403: {  	[sflag:s6] =	ssyncadd.s32 $0xFFFFD800  }
0x404: {  	[tilespmem:s14], [sflag:$0x5] =	stream.linear.gather [hbm4b:s26+s1], $0x2800, $0x38;
	[tilespmem:$0x1C8A0] =	vst v63  }
0x405: {  	_ =	swait.ge [sflag:s6], $0x2800  }
0x406: {  	[sflag:s6] =	ssyncset.done $0x0  }
0x407: {  	[sflag:s6] =	ssyncadd.s32 $0xFFFFD800  }
0x408: {  	[tilespmem:s10], [sflag:$0x5] =	stream.linear.gather [hbm4b:s13+s1], $0x2800, $0x38;
	[tilespmem:$0x1C8A0] =	vst v63  }
0x409: {  	_ =	swait.ge [sflag:s6], $0x2800  }
0x40a: {  	[sflag:s6] =	ssyncset.done $0x0  }
0x40b: {  	[sflag:s6] =	ssyncadd.s32 $0xFFFFD800  }
0x40c: {  	[tilespmem:s16], [sflag:$0x5] =	stream.indirect.gather [spmem:s0], $0x1, s14, s12, $0xb8;
	[tilespmem:$0x1C8A0] =	vst v63  }
0x40d: {  	_ =	swait.ge [sflag:s6], $0x2800  }
0x40e: {  	[sflag:s6] =	ssyncset.done $0x0  }
0x40f: {  	s2 =	simm.s32 $0x0;
	[sflag:s6] =	ssyncadd.s32 $0xFFFFD800  }
0x410: {  	v3 =	vld [tilespmem:s2+$0x12820]  }
0x411: {  	v4 =	vld [tilespmem:s2+$0x15020];
	_ =	sdelay $0x1  }
0x412: {  	v5 =	vld [tilespmem:s2+$0x17820];
	_ =	sdelay $0x2  }
0x413: {  	v3 =	vand.u32 $0x7FFFFFFF, v3;
	vm0 =	vlt.s32 v4, $0x80000  }
0x414: {  	v3 =	vnsel vm0, $0xBF800000, v3  }
0x415: {  	vm1 =	vgt.f32 v3, v5  }
0x416: {  	v3 =	vmax.f32 v3, v5;
	vm0 =	vmand vm0, vm1  }
0x417: {  	[tilespmem:s2+$0x17820] =	vst v3;
	v3 =	vsel vm0, v4, v0  }
0x418: {  	[tilespmem:s2+$0x15020] =	vst v3  }
0x419: {  	v3 =	vld [tilespmem:$0x1C820];
	_ =	sdelay $0x2  }
0x41a: {  	v4 =	vsel vm0, $0x1, v2;
	s2 =	simm.s32 $0x40  }
.LBB2_55:
0x41b: {  	_ = 	snop  }
0x41c: {  	p1 =	sne.s32 s2, $0x9FC0;
	s1 =	smov.u32 s2;
	s2 =	sadd.s32 $0x40, s2;
	v3 =	vadd.s32 v4, v3  }
0x41d: {  	s1 =	sshra.s32 s1, $0x2;
	[tilespmem:$0x1C820] =	vst v3  }
0x41e: {  	v3 =	vld [tilespmem:s1+$0x12820]  }
0x41f: {  	v4 =	vld [tilespmem:s1+$0x15020]  }
0x420: {  	v5 =	vld [tilespmem:s1+$0x17820];
	_ =	sdelay $0x2  }
0x421: {  	v3 =	vand.u32 $0x7FFFFFFF, v3  }
0x422: {  	vm0 =	vlt.s32 v4, $0x80000  }
0x423: {  	v3 =	vnsel vm0, $0xBF800000, v3  }
0x424: {  	vm1 =	vgt.f32 v3, v5;
	v3 =	vmax.f32 v3, v5  }
0x425: {  	vm0 =	vmand vm0, vm1  }
0x426: {  	[tilespmem:s1+$0x17820] =	vst v3;
	v3 =	vsel vm0, v4, v0  }
.Ltmp27:
0x427: {  	[tilespmem:s1+$0x15020] =	vst v3;
	(pc) =	sbr.rel @p1 .LBB2_55-.Ltmp27, $2  }
0x428: {  	v3 =	vld [tilespmem:$0x1C820];
	_ =	sdelay $0x2  }
0x429: {  	v4 =	vsel vm0, $0x1, v2  }
0x42a: {  	_ = 	snop  }
0x42b: {  	v3 =	vadd.s32 v4, v3  }
0x42c: {  	[tilespmem:$0x1C820] =	vst v3  }
0x42d: {  	[spmem:s0] =	stream.indirect.scatter [tilespmem:s16], [sflag:$0x5], $0x1, s14, s12, $0xb8;
	[tilespmem:$0x1C8A0] =	vst v63  }
0x42e: {  	_ =	swait.ge [sflag:s6], $0x2800  }
0x42f: {  	[sflag:s6] =	ssyncset.done $0x0  }
0x430: {  	s1 =	simm.s32 $0x0;
	[sflag:s6] =	ssyncadd.s32 $0xFFFFD800  }
0x431: {  	[hbm4b:s26+s1] =	stream.linear.scatter [tilespmem:s14], [sflag:$0x5], $0x2800, $0x38;
	[tilespmem:$0x1C8A0] =	vst v63  }
0x432: {  	_ =	swait.ge [sflag:s6], $0x2800  }
0x433: {  	[sflag:s6] =	ssyncset.done $0x0  }
0x434: {  	[sflag:s6] =	ssyncadd.s32 $0xFFFFD800  }
0x435: {  	[tilespmem:s14], [sflag:$0x5] =	stream.linear.gather [hbm4b:s28+s1], $0x2800, $0x38;
	[tilespmem:$0x1C8A0] =	vst v63  }
0x436: {  	_ =	swait.ge [sflag:s6], $0x2800  }
0x437: {  	[sflag:s6] =	ssyncset.done $0x0  }
0x438: {  	[sflag:s6] =	ssyncadd.s32 $0xFFFFD800  }
0x439: {  	[tilespmem:s10], [sflag:$0x5] =	stream.linear.gather [hbm4b:s15+s1], $0x2800, $0x38;
	[tilespmem:$0x1C8A0] =	vst v63  }
0x43a: {  	_ =	swait.ge [sflag:s6], $0x2800  }
0x43b: {  	[sflag:s6] =	ssyncset.done $0x0  }
0x43c: {  	[sflag:s6] =	ssyncadd.s32 $0xFFFFD800  }
0x43d: {  	[tilespmem:s16], [sflag:$0x5] =	stream.indirect.gather [spmem:s0], $0x1, s14, s12, $0xb8;
	[tilespmem:$0x1C8A0] =	vst v63  }
0x43e: {  	_ =	swait.ge [sflag:s6], $0x2800  }
0x43f: {  	[sflag:s6] =	ssyncset.done $0x0  }
0x440: {  	s2 =	simm.s32 $0x0;
	[sflag:s6] =	ssyncadd.s32 $0xFFFFD800  }
0x441: {  	v3 =	vld [tilespmem:s2+$0x12820]  }
0x442: {  	v4 =	vld [tilespmem:s2+$0x15020];
	_ =	sdelay $0x1  }
0x443: {  	v5 =	vld [tilespmem:s2+$0x17820];
	_ =	sdelay $0x2  }
0x444: {  	v3 =	vand.u32 $0x7FFFFFFF, v3;
	vm0 =	vlt.s32 v4, $0x80000  }
0x445: {  	v3 =	vnsel vm0, $0xBF800000, v3  }
0x446: {  	vm1 =	vgt.f32 v3, v5  }
0x447: {  	v3 =	vmax.f32 v3, v5;
	vm0 =	vmand vm0, vm1  }
0x448: {  	[tilespmem:s2+$0x17820] =	vst v3;
	v3 =	vsel vm0, v4, v0  }
0x449: {  	[tilespmem:s2+$0x15020] =	vst v3  }
0x44a: {  	v3 =	vld [tilespmem:$0x1C820];
	_ =	sdelay $0x2  }
0x44b: {  	v4 =	vsel vm0, $0x1, v2;
	s2 =	simm.s32 $0x40  }
.LBB2_57:
0x44c: {  	_ = 	snop  }
0x44d: {  	p1 =	sne.s32 s2, $0x9FC0;
	s1 =	smov.u32 s2;
	s2 =	sadd.s32 $0x40, s2;
	v3 =	vadd.s32 v4, v3  }
0x44e: {  	s1 =	sshra.s32 s1, $0x2;
	[tilespmem:$0x1C820] =	vst v3  }
0x44f: {  	v3 =	vld [tilespmem:s1+$0x12820]  }
0x450: {  	v4 =	vld [tilespmem:s1+$0x15020]  }
0x451: {  	v5 =	vld [tilespmem:s1+$0x17820];
	_ =	sdelay $0x2  }
0x452: {  	v3 =	vand.u32 $0x7FFFFFFF, v3  }
0x453: {  	vm0 =	vlt.s32 v4, $0x80000  }
0x454: {  	v3 =	vnsel vm0, $0xBF800000, v3  }
0x455: {  	vm1 =	vgt.f32 v3, v5;
	v3 =	vmax.f32 v3, v5  }
0x456: {  	vm0 =	vmand vm0, vm1  }
0x457: {  	[tilespmem:s1+$0x17820] =	vst v3;
	v3 =	vsel vm0, v4, v0  }
.Ltmp28:
0x458: {  	[tilespmem:s1+$0x15020] =	vst v3;
	(pc) =	sbr.rel @p1 .LBB2_57-.Ltmp28, $2  }
0x459: {  	v3 =	vld [tilespmem:$0x1C820];
	_ =	sdelay $0x2  }
0x45a: {  	v4 =	vsel vm0, $0x1, v2  }
0x45b: {  	_ = 	snop  }
0x45c: {  	v3 =	vadd.s32 v4, v3  }
0x45d: {  	[tilespmem:$0x1C820] =	vst v3  }
0x45e: {  	[spmem:s0] =	stream.indirect.scatter [tilespmem:s16], [sflag:$0x5], $0x1, s14, s12, $0xb8;
	[tilespmem:$0x1C8A0] =	vst v63  }
0x45f: {  	_ =	swait.ge [sflag:s6], $0x2800  }
0x460: {  	[sflag:s6] =	ssyncset.done $0x0  }
0x461: {  	s1 =	simm.s32 $0x0;
	[sflag:s6] =	ssyncadd.s32 $0xFFFFD800  }
0x462: {  	[hbm4b:s28+s1] =	stream.linear.scatter [tilespmem:s14], [sflag:$0x5], $0x2800, $0x38;
	[tilespmem:$0x1C8A0] =	vst v63  }
0x463: {  	_ =	swait.ge [sflag:s6], $0x2800  }
0x464: {  	[sflag:s6] =	ssyncset.done $0x0  }
0x465: {  	[sflag:s6] =	ssyncadd.s32 $0xFFFFD800  }
0x466: {  	[tilespmem:s14], [sflag:$0x5] =	stream.linear.gather [hbm4b:s29+s1], $0x2800, $0x38;
	[tilespmem:$0x1C8A0] =	vst v63  }
0x467: {  	_ =	swait.ge [sflag:s6], $0x2800  }
0x468: {  	[sflag:s6] =	ssyncset.done $0x0  }
0x469: {  	[sflag:s6] =	ssyncadd.s32 $0xFFFFD800  }
0x46a: {  	[tilespmem:s10], [sflag:$0x5] =	stream.linear.gather [hbm4b:s17+s1], $0x2800, $0x38;
	[tilespmem:$0x1C8A0] =	vst v63  }
0x46b: {  	_ =	swait.ge [sflag:s6], $0x2800  }
0x46c: {  	[sflag:s6] =	ssyncset.done $0x0  }
0x46d: {  	[sflag:s6] =	ssyncadd.s32 $0xFFFFD800  }
0x46e: {  	[tilespmem:s16], [sflag:$0x5] =	stream.indirect.gather [spmem:s0], $0x1, s14, s12, $0xb8;
	[tilespmem:$0x1C8A0] =	vst v63  }
0x46f: {  	_ =	swait.ge [sflag:s6], $0x2800  }
0x470: {  	[sflag:s6] =	ssyncset.done $0x0  }
0x471: {  	s2 =	simm.s32 $0x0;
	[sflag:s6] =	ssyncadd.s32 $0xFFFFD800  }
0x472: {  	v3 =	vld [tilespmem:s2+$0x12820]  }
0x473: {  	v4 =	vld [tilespmem:s2+$0x15020];
	_ =	sdelay $0x1  }
0x474: {  	v5 =	vld [tilespmem:s2+$0x17820];
	_ =	sdelay $0x2  }
0x475: {  	v3 =	vand.u32 $0x7FFFFFFF, v3;
	vm0 =	vlt.s32 v4, $0x80000  }
0x476: {  	v3 =	vnsel vm0, $0xBF800000, v3  }
0x477: {  	vm1 =	vgt.f32 v3, v5  }
0x478: {  	v3 =	vmax.f32 v3, v5;
	vm0 =	vmand vm0, vm1  }
0x479: {  	[tilespmem:s2+$0x17820] =	vst v3;
	v3 =	vsel vm0, v4, v0  }
0x47a: {  	[tilespmem:s2+$0x15020] =	vst v3  }
0x47b: {  	v3 =	vld [tilespmem:$0x1C820];
	_ =	sdelay $0x2  }
0x47c: {  	v4 =	vsel vm0, $0x1, v2;
	s2 =	simm.s32 $0x40  }
.LBB2_59:
0x47d: {  	_ = 	snop  }
0x47e: {  	p1 =	sne.s32 s2, $0x9FC0;
	s1 =	smov.u32 s2;
	s2 =	sadd.s32 $0x40, s2;
	v3 =	vadd.s32 v4, v3  }
0x47f: {  	s1 =	sshra.s32 s1, $0x2;
	[tilespmem:$0x1C820] =	vst v3  }
0x480: {  	v3 =	vld [tilespmem:s1+$0x12820]  }
0x481: {  	v4 =	vld [tilespmem:s1+$0x15020]  }
0x482: {  	v5 =	vld [tilespmem:s1+$0x17820];
	_ =	sdelay $0x2  }
0x483: {  	v3 =	vand.u32 $0x7FFFFFFF, v3  }
0x484: {  	vm0 =	vlt.s32 v4, $0x80000  }
0x485: {  	v3 =	vnsel vm0, $0xBF800000, v3  }
0x486: {  	vm1 =	vgt.f32 v3, v5;
	v3 =	vmax.f32 v3, v5  }
0x487: {  	vm0 =	vmand vm0, vm1  }
0x488: {  	[tilespmem:s1+$0x17820] =	vst v3;
	v3 =	vsel vm0, v4, v0  }
.Ltmp29:
0x489: {  	[tilespmem:s1+$0x15020] =	vst v3;
	(pc) =	sbr.rel @p1 .LBB2_59-.Ltmp29, $2  }
0x48a: {  	v3 =	vld [tilespmem:$0x1C820];
	_ =	sdelay $0x2  }
0x48b: {  	v4 =	vsel vm0, $0x1, v2  }
0x48c: {  	_ = 	snop  }
0x48d: {  	v3 =	vadd.s32 v4, v3  }
0x48e: {  	[tilespmem:$0x1C820] =	vst v3  }
0x48f: {  	[spmem:s0] =	stream.indirect.scatter [tilespmem:s16], [sflag:$0x5], $0x1, s14, s12, $0xb8;
	[tilespmem:$0x1C8A0] =	vst v63  }
0x490: {  	_ =	swait.ge [sflag:s6], $0x2800  }
0x491: {  	[sflag:s6] =	ssyncset.done $0x0  }
0x492: {  	s1 =	simm.s32 $0x0;
	[sflag:s6] =	ssyncadd.s32 $0xFFFFD800  }
0x493: {  	[hbm4b:s29+s1] =	stream.linear.scatter [tilespmem:s14], [sflag:$0x5], $0x2800, $0x38;
	[tilespmem:$0x1C8A0] =	vst v63  }
0x494: {  	_ =	swait.ge [sflag:s6], $0x2800  }
0x495: {  	[sflag:s6] =	ssyncset.done $0x0  }
0x496: {  	[sflag:s6] =	ssyncadd.s32 $0xFFFFD800  }
0x497: {  	[tilespmem:s14], [sflag:$0x5] =	stream.linear.gather [hbm4b:s30+s1], $0x2800, $0x38;
	[tilespmem:$0x1C8A0] =	vst v63  }
0x498: {  	_ =	swait.ge [sflag:s6], $0x2800  }
0x499: {  	[sflag:s6] =	ssyncset.done $0x0  }
0x49a: {  	[sflag:s6] =	ssyncadd.s32 $0xFFFFD800  }
0x49b: {  	[tilespmem:s10], [sflag:$0x5] =	stream.linear.gather [hbm4b:s19+s1], $0x2800, $0x38;
	[tilespmem:$0x1C8A0] =	vst v63  }
0x49c: {  	_ =	swait.ge [sflag:s6], $0x2800  }
0x49d: {  	[sflag:s6] =	ssyncset.done $0x0  }
0x49e: {  	[sflag:s6] =	ssyncadd.s32 $0xFFFFD800  }
0x49f: {  	[tilespmem:s16], [sflag:$0x5] =	stream.indirect.gather [spmem:s0], $0x1, s14, s12, $0xb8;
	[tilespmem:$0x1C8A0] =	vst v63  }
0x4a0: {  	_ =	swait.ge [sflag:s6], $0x2800  }
0x4a1: {  	[sflag:s6] =	ssyncset.done $0x0  }
0x4a2: {  	s2 =	simm.s32 $0x0;
	[sflag:s6] =	ssyncadd.s32 $0xFFFFD800  }
0x4a3: {  	v3 =	vld [tilespmem:s2+$0x12820]  }
0x4a4: {  	v4 =	vld [tilespmem:s2+$0x15020];
	_ =	sdelay $0x1  }
0x4a5: {  	v5 =	vld [tilespmem:s2+$0x17820];
	_ =	sdelay $0x2  }
0x4a6: {  	v3 =	vand.u32 $0x7FFFFFFF, v3;
	vm0 =	vlt.s32 v4, $0x80000  }
0x4a7: {  	v3 =	vnsel vm0, $0xBF800000, v3  }
0x4a8: {  	vm1 =	vgt.f32 v3, v5  }
0x4a9: {  	v3 =	vmax.f32 v3, v5;
	vm0 =	vmand vm0, vm1  }
0x4aa: {  	[tilespmem:s2+$0x17820] =	vst v3;
	v3 =	vsel vm0, v4, v0  }
0x4ab: {  	[tilespmem:s2+$0x15020] =	vst v3  }
0x4ac: {  	v3 =	vld [tilespmem:$0x1C820];
	_ =	sdelay $0x2  }
0x4ad: {  	v4 =	vsel vm0, $0x1, v2;
	s2 =	simm.s32 $0x40  }
.LBB2_61:
0x4ae: {  	_ = 	snop  }
0x4af: {  	p1 =	sne.s32 s2, $0x9FC0;
	s1 =	smov.u32 s2;
	s2 =	sadd.s32 $0x40, s2;
	v3 =	vadd.s32 v4, v3  }
0x4b0: {  	s1 =	sshra.s32 s1, $0x2;
	[tilespmem:$0x1C820] =	vst v3  }
0x4b1: {  	v3 =	vld [tilespmem:s1+$0x12820]  }
0x4b2: {  	v4 =	vld [tilespmem:s1+$0x15020]  }
0x4b3: {  	v5 =	vld [tilespmem:s1+$0x17820];
	_ =	sdelay $0x2  }
0x4b4: {  	v3 =	vand.u32 $0x7FFFFFFF, v3  }
0x4b5: {  	vm0 =	vlt.s32 v4, $0x80000  }
0x4b6: {  	v3 =	vnsel vm0, $0xBF800000, v3  }
0x4b7: {  	vm1 =	vgt.f32 v3, v5;
	v3 =	vmax.f32 v3, v5  }
0x4b8: {  	vm0 =	vmand vm0, vm1  }
0x4b9: {  	[tilespmem:s1+$0x17820] =	vst v3;
	v3 =	vsel vm0, v4, v0  }
.Ltmp30:
0x4ba: {  	[tilespmem:s1+$0x15020] =	vst v3;
	(pc) =	sbr.rel @p1 .LBB2_61-.Ltmp30, $2  }
0x4bb: {  	v3 =	vld [tilespmem:$0x1C820];
	_ =	sdelay $0x2  }
0x4bc: {  	v4 =	vsel vm0, $0x1, v2  }
0x4bd: {  	_ = 	snop  }
0x4be: {  	v3 =	vadd.s32 v4, v3  }
0x4bf: {  	[tilespmem:$0x1C820] =	vst v3  }
0x4c0: {  	[spmem:s0] =	stream.indirect.scatter [tilespmem:s16], [sflag:$0x5], $0x1, s14, s12, $0xb8;
	[tilespmem:$0x1C8A0] =	vst v63  }
0x4c1: {  	_ =	swait.ge [sflag:s6], $0x2800  }
0x4c2: {  	[sflag:s6] =	ssyncset.done $0x0  }
0x4c3: {  	[sflag:s6] =	ssyncadd.s32 $0xFFFFD800  }
0x4c4: {  	[hbm4b:s30+s31] =	stream.linear.scatter [tilespmem:s14], [sflag:$0x5], $0x2800, $0x38;
	[tilespmem:$0x1C8A0] =	vst v63  }
0x4c5: {  	_ =	swait.ge [sflag:s6], $0x2800  }
0x4c6: {  	[sflag:s6] =	ssyncset.done $0x0  }
0x4c7: {  	[sflag:s6] =	ssyncadd.s32 $0xFFFFD800  }
0x4c8: {  	v3 =	vld [tilespmem:$0x1C820];
	_ =	sdelay $0x4  }
0x4c9: {  	(xrf0) =	vadd.scan.msk.s32 $0xffff, v3;
	_ =	sdelay $0x5  }
0x4ca: {  	v3, _, _ =	vpop (xrf0)  }
0x4cb: {  	(v2sf) =	vpush v3, $0xF;
	_ =	sdelay $0xe  }
0x4cc: {  	[sflag:s18] =	ssyncset.done $0x0;
	s1 =	spop (v2sf)  }
0x4cd: {  	[smem:s31], [sflag:$0x3] =	smem.add.s32 s1  }
0x4ce: {  	_ =	swait.done [sflag:s18]  }
0x4cf: {  	[sflag:s18] =	ssyncset.s32 $0x0  }
0x4d0: {  	[sflag:s18] =	ssyncset.done $0x0  }
0x4d1: {  	[bflag:$0x0] =	sbarrier.arrive $0xFFFF  }
0x4d2: {  	[sflag:s4] =	ssyncset.done $0x0  }
0x4d3: {  	[smem:s31], [sflag:$0x4] =	smem.add.s32 $0x0  }
0x4d4: {  	_ =	swait.done [sflag:s4]  }
0x4d5: {  	s1 =	ssyncread [sflag:$0x4];
	_ =	sdelay $0x2  }
0x4d6: {  	[sflag:s4] =	ssyncset.s32 $0x0;
	p1 =	sgt.s32 s1, $0x0  }
.Ltmp31:
0x4d7: {  	[sflag:s4] =	ssyncset.done $0x0;
	(pc) =	sbr.rel @p1 .LBB2_42-.Ltmp31, $3  }
0x4d8: {  	s2 =	simm.s32 @!p0 $0x0;
	[bflag:$0x0] =	sbarrier.arrive $0xFFFF  }
0x4d9: {  	[smem:$0x0] =	sst @!p0 s2  }
0x4da: {  	[bflag:$0x0] =	sbarrier.arrive $0xFFFF;
	_ =	sdelay $0x1  }
.LBB2_63:
0x4db: {  	s1 =	simm.s32 $0x0;
	s2 =	rddreg [dreg:$0x7];
	s3 =	simm.s32 $0x10020  }
0x4dc: {  	[tilespmem:s3], [sflag:$0x5] =	stream.linear.gather [hbm4b:s2+s1], $0x2800, $0x38;
	[tilespmem:$0x1C8A0] =	vst v63  }
0x4dd: {  	_ =	swait.ge [sflag:s6], $0x2800  }
0x4de: {  	[sflag:s6] =	ssyncset.done $0x0  }
0x4df: {  	[sflag:s6] =	ssyncadd.s32 $0xFFFFD800  }
0x4e0: {  	[tilespmem:s10], [sflag:$0x5] =	stream.linear.gather [hbm4b:s8+s1], $0x2800, $0x38;
	[tilespmem:$0x1C8A0] =	vst v63  }
0x4e1: {  	_ =	swait.ge [sflag:s6], $0x2800  }
0x4e2: {  	[sflag:s6] =	ssyncset.done $0x0  }
0x4e3: {  	s1 =	simm.s32 $0x0;
	[sflag:s6] =	ssyncadd.s32 $0xFFFFD800  }
0x4e4: {  	s2 =	simm.s32 $0x40;
	v3 =	vld [tilespmem:s1+$0x10020]  }
.LBB2_64:
0x4e5: {  	_ =	sdelay $0x1  }
0x4e6: {  	p1 =	sne.s32 s2, $0x9FC0  }
.Ltmp32:
0x4e7: {  	_ = 	snop;
	(pc) =	sbr.rel @p1 .LBB2_64-.Ltmp32, $4  }
0x4e8: {  	v4 =	vsub.s32 v3, v1  }
0x4e9: {  	vm0 =	vlt.u32 v4, $0x80000  }
0x4ea: {  	s8 =	sshra.s32 s2, $0x2;
	v4 =	vsel vm0, v4, v0  }
0x4eb: {  	s2 =	sadd.s32 $0x40, s2;
	v3 =	vld [tilespmem:s8+$0x10020];
	[tilespmem:s1+$0x15020] =	vst v4;
	s1 =	smov.u32 s8  }
0x4ec: {  	_ =	sdelay $0x3  }
0x4ed: {  	v3 =	vsub.s32 v3, v1  }
0x4ee: {  	vm0 =	vlt.u32 v3, $0x80000  }
0x4ef: {  	v3 =	vsel vm0, v3, v0  }
0x4f0: {  	[tilespmem:s1+$0x15020] =	vst v3  }
0x4f1: {  	[tilespmem:s16], [sflag:$0x5] =	stream.indirect.gather [spmem:s0], $0x1, s14, s12, $0xb8;
	[tilespmem:$0x1C8A0] =	vst v63  }
0x4f2: {  	_ =	swait.ge [sflag:s6], $0x2800  }
0x4f3: {  	[sflag:s6] =	ssyncset.done $0x0  }
0x4f4: {  	[sflag:s6] =	ssyncadd.s32 $0xFFFFD800  }
0x4f5: {  	s2 =	simm.s32 $0x1A020;
	s8 =	rddreg [dreg:$0x5]  }
0x4f6: {  	[tilespmem:s2], [sflag:$0x5] =	stream.indirect.gather [spmem:s8], $0x1, s14, s12, $0xb8;
	[tilespmem:$0x1C8A0] =	vst v63  }
0x4f7: {  	_ =	swait.ge [sflag:s6], $0x2800  }
0x4f8: {  	[sflag:s6] =	ssyncset.done $0x0  }
0x4f9: {  	s8 =	simm.s32 $0x0;
	[sflag:s6] =	ssyncadd.s32 $0xFFFFD800  }
0x4fa: {  	v3 =	vld [tilespmem:s8+$0x17820];
	_ =	sdelay $0x4  }
0x4fb: {  	v3 =	vmax.f32 v3, $9.999999740e-06  }
0x4fc: {  	(erf) = vrcp.f32 v3;
	_ =	sdelay $0x4  }
0x4fd: {  	v3 =	vld [tilespmem:s8+$0x12820]  }
0x4fe: {  	s1 =	simm.s32 $0x80;
	s2 =	simm.s32 $0x10  }
.LBB2_66:
0x4ff: {  	p1 =	sne.s32 s1, $0x9FC0;
	v4 =	vld [tilespmem:s2+$0x17820];
	_ =	sdelay $0x1  }
0x500: {  	v5 =	vld [tilespmem:s8+$0x1A020];
	v6 =	vpop (erf)  }
0x501: {  	v7 =	vld [tilespmem:s8+$0x15020];
	v3 =	vmul.f32 v6, v3;
	_ =	sdelay $0x1  }
0x502: {  	v4 =	vmax.f32 v4, $9.999999740e-06;
	v3 =	vmax.f32 v3, $-1.000000000e+00  }
0x503: {  	(erf) = vrcp.f32 v4;
	v3 =	vmin.f32 v3, $1.000000000e+00  }
0x504: {  	v3 =	vadd.f32 v3, v5  }
.Ltmp33:
0x505: {  	vm0 =	vlt.s32 v7, $0x80000;
	(pc) =	sbr.rel @p1 .LBB2_66-.Ltmp33, $4  }
0x506: {  	v3 =	vnsel vm0, $0x0, v3  }
0x507: {  	[tilespmem:s8+$0x12820] =	vst v3;
	s8 =	smov.u32 s2  }
0x508: {  	v3 =	vld [tilespmem:s8+$0x12820]  }
0x509: {  	s2 =	sshra.s32 s1, $0x2;
	s1 =	sadd.s32 $0x40, s1  }
0x50a: {  	v4 =	vld [tilespmem:s2+$0x17820];
	_ =	sdelay $0x1  }
0x50b: {  	v5 =	vld [tilespmem:s8+$0x1A020];
	v6 =	vpop (erf)  }
0x50c: {  	v7 =	vld [tilespmem:s8+$0x15020];
	v3 =	vmul.f32 v6, v3;
	_ =	sdelay $0x1  }
0x50d: {  	v4 =	vmax.f32 v4, $9.999999740e-06;
	v3 =	vmax.f32 v3, $-1.000000000e+00  }
0x50e: {  	(erf) = vrcp.f32 v4;
	v3 =	vmin.f32 v3, $1.000000000e+00  }
0x50f: {  	v3 =	vadd.f32 v3, v5  }
0x510: {  	vm0 =	vlt.s32 v7, $0x80000  }
0x511: {  	v3 =	vnsel vm0, $0x0, v3  }
0x512: {  	[tilespmem:s8+$0x12820] =	vst v3  }
0x513: {  	v3 =	vld [tilespmem:s2+$0x12820];
	_ =	sdelay $0x3  }
0x514: {  	v4 =	vld [tilespmem:s2+$0x1A020];
	v5 =	vpop (erf)  }
0x515: {  	v63 =	vld [tilespmem:s2+$0x15020];
	v3 =	vmul.f32 v5, v3;
	_ =	sdelay $0x1  }
0x516: {  	v3 =	vmax.f32 v3, $-1.000000000e+00  }
0x517: {  	v3 =	vmin.f32 v3, $1.000000000e+00  }
0x518: {  	v3 =	vadd.f32 v3, v4  }
0x519: {  	vm15 =	vlt.s32 v63, $0x80000  }
0x51a: {  	v3 =	vnsel vm15, $0x0, v3  }
0x51b: {  	s1 =	rddreg [dreg:$0x13];
	s3 =	simm.s32 $0x100;
	s8 =	simm.s32 $0x80;
	[tilespmem:s2+$0x12820] =	vst v3  }
0x51c: {  	[hbm4b:s1+s8] =	stream.strided.scatter [tilespmem:s10], [sflag:$0x5], $0x2800, s3, s8, $0x38;
	[tilespmem:$0x1C8A0] =	vst v63  }
0x51d: {  	_ =	swait.ge [sflag:s6], $0x2800  }
0x51e: {  	s1 =	simm.s32 $0x0;
	[sflag:s6] =	ssyncset.done $0x0  }
0x51f: {  	s8 =	simm.s32 $0x10020;
	s3 =	rddreg [dreg:$0x9];
	[sflag:s6] =	ssyncadd.s32 $0xFFFFD800  }
0x520: {  	[tilespmem:s8], [sflag:$0x5] =	stream.linear.gather [hbm4b:s3+s1], $0x2800, $0x38;
	[tilespmem:$0x1C8A0] =	vst v63  }
0x521: {  	_ =	swait.ge [sflag:s6], $0x2800  }
0x522: {  	s8 =	sld [smem:$0x7FD]  }
0x523: {  	[sflag:s6] =	ssyncset.done $0x0  }
0x524: {  	[sflag:s6] =	ssyncadd.s32 $0xFFFFD800  }
0x525: {  	[tilespmem:s10], [sflag:$0x5] =	stream.linear.gather [hbm4b:s8+s1], $0x2800, $0x38;
	[tilespmem:$0x1C8A0] =	vst v63  }
0x526: {  	_ =	swait.ge [sflag:s6], $0x2800  }
0x527: {  	[sflag:s6] =	ssyncset.done $0x0  }
0x528: {  	s1 =	simm.s32 $0x0;
	[sflag:s6] =	ssyncadd.s32 $0xFFFFD800  }
0x529: {  	s2 =	simm.s32 $0x40;
	v3 =	vld [tilespmem:s1+$0x10020]  }
.LBB2_68:
0x52a: {  	_ =	sdelay $0x1  }
0x52b: {  	p1 =	sne.s32 s2, $0x9FC0  }
.Ltmp34:
0x52c: {  	_ = 	snop;
	(pc) =	sbr.rel @p1 .LBB2_68-.Ltmp34, $4  }
0x52d: {  	v4 =	vsub.s32 v3, v1  }
0x52e: {  	vm0 =	vlt.u32 v4, $0x80000  }
0x52f: {  	s8 =	sshra.s32 s2, $0x2;
	v4 =	vsel vm0, v4, v0  }
0x530: {  	s2 =	sadd.s32 $0x40, s2;
	v3 =	vld [tilespmem:s8+$0x10020];
	[tilespmem:s1+$0x15020] =	vst v4;
	s1 =	smov.u32 s8  }
0x531: {  	_ =	sdelay $0x3  }
0x532: {  	v3 =	vsub.s32 v3, v1  }
0x533: {  	vm0 =	vlt.u32 v3, $0x80000  }
0x534: {  	v3 =	vsel vm0, v3, v0  }
0x535: {  	[tilespmem:s1+$0x15020] =	vst v3  }
0x536: {  	[tilespmem:s16], [sflag:$0x5] =	stream.indirect.gather [spmem:s0], $0x1, s14, s12, $0xb8;
	[tilespmem:$0x1C8A0] =	vst v63  }
0x537: {  	_ =	swait.ge [sflag:s6], $0x2800  }
0x538: {  	[sflag:s6] =	ssyncset.done $0x0  }
0x539: {  	[sflag:s6] =	ssyncadd.s32 $0xFFFFD800  }
0x53a: {  	s2 =	simm.s32 $0x1A020;
	s8 =	rddreg [dreg:$0x5]  }
0x53b: {  	[tilespmem:s2], [sflag:$0x5] =	stream.indirect.gather [spmem:s8], $0x1, s14, s12, $0xb8;
	[tilespmem:$0x1C8A0] =	vst v63  }
0x53c: {  	_ =	swait.ge [sflag:s6], $0x2800  }
0x53d: {  	[sflag:s6] =	ssyncset.done $0x0  }
0x53e: {  	s8 =	simm.s32 $0x0;
	[sflag:s6] =	ssyncadd.s32 $0xFFFFD800  }
0x53f: {  	v3 =	vld [tilespmem:s8+$0x17820];
	_ =	sdelay $0x4  }
0x540: {  	v3 =	vmax.f32 v3, $9.999999740e-06  }
0x541: {  	(erf) = vrcp.f32 v3;
	_ =	sdelay $0x4  }
0x542: {  	v3 =	vld [tilespmem:s8+$0x12820]  }
0x543: {  	s1 =	simm.s32 $0x80;
	s2 =	simm.s32 $0x10  }
.LBB2_70:
0x544: {  	p1 =	sne.s32 s1, $0x9FC0;
	v4 =	vld [tilespmem:s2+$0x17820];
	_ =	sdelay $0x1  }
0x545: {  	v5 =	vld [tilespmem:s8+$0x1A020];
	v6 =	vpop (erf)  }
0x546: {  	v7 =	vld [tilespmem:s8+$0x15020];
	v3 =	vmul.f32 v6, v3;
	_ =	sdelay $0x1  }
0x547: {  	v4 =	vmax.f32 v4, $9.999999740e-06;
	v3 =	vmax.f32 v3, $-1.000000000e+00  }
0x548: {  	(erf) = vrcp.f32 v4;
	v3 =	vmin.f32 v3, $1.000000000e+00  }
0x549: {  	v3 =	vadd.f32 v3, v5  }
.Ltmp35:
0x54a: {  	vm0 =	vlt.s32 v7, $0x80000;
	(pc) =	sbr.rel @p1 .LBB2_70-.Ltmp35, $4  }
0x54b: {  	v3 =	vnsel vm0, $0x0, v3  }
0x54c: {  	[tilespmem:s8+$0x12820] =	vst v3;
	s8 =	smov.u32 s2  }
0x54d: {  	v3 =	vld [tilespmem:s8+$0x12820]  }
0x54e: {  	s2 =	sshra.s32 s1, $0x2;
	s1 =	sadd.s32 $0x40, s1  }
0x54f: {  	v4 =	vld [tilespmem:s2+$0x17820];
	_ =	sdelay $0x1  }
0x550: {  	v5 =	vld [tilespmem:s8+$0x1A020];
	v6 =	vpop (erf)  }
0x551: {  	v7 =	vld [tilespmem:s8+$0x15020];
	v3 =	vmul.f32 v6, v3;
	_ =	sdelay $0x1  }
0x552: {  	v4 =	vmax.f32 v4, $9.999999740e-06;
	v3 =	vmax.f32 v3, $-1.000000000e+00  }
0x553: {  	(erf) = vrcp.f32 v4;
	v3 =	vmin.f32 v3, $1.000000000e+00  }
0x554: {  	v3 =	vadd.f32 v3, v5  }
0x555: {  	vm0 =	vlt.s32 v7, $0x80000  }
0x556: {  	v3 =	vnsel vm0, $0x0, v3  }
0x557: {  	[tilespmem:s8+$0x12820] =	vst v3  }
0x558: {  	v3 =	vld [tilespmem:s2+$0x12820];
	_ =	sdelay $0x3  }
0x559: {  	v4 =	vld [tilespmem:s2+$0x1A020];
	v5 =	vpop (erf)  }
0x55a: {  	v63 =	vld [tilespmem:s2+$0x15020];
	v3 =	vmul.f32 v5, v3;
	_ =	sdelay $0x1  }
0x55b: {  	v3 =	vmax.f32 v3, $-1.000000000e+00  }
0x55c: {  	v3 =	vmin.f32 v3, $1.000000000e+00  }
0x55d: {  	v3 =	vadd.f32 v3, v4  }
0x55e: {  	vm15 =	vlt.s32 v63, $0x80000  }
0x55f: {  	v3 =	vnsel vm15, $0x0, v3  }
0x560: {  	s1 =	rddreg [dreg:$0x14];
	s3 =	simm.s32 $0x100;
	s8 =	simm.s32 $0x80;
	[tilespmem:s2+$0x12820] =	vst v3  }
0x561: {  	[hbm4b:s1+s8] =	stream.strided.scatter [tilespmem:s10], [sflag:$0x5], $0x2800, s3, s8, $0x38;
	[tilespmem:$0x1C8A0] =	vst v63  }
0x562: {  	_ =	swait.ge [sflag:s6], $0x2800  }
0x563: {  	s1 =	simm.s32 $0x0;
	[sflag:s6] =	ssyncset.done $0x0  }
0x564: {  	s8 =	simm.s32 $0x10020;
	s3 =	rddreg [dreg:$0xa];
	[sflag:s6] =	ssyncadd.s32 $0xFFFFD800  }
0x565: {  	[tilespmem:s8], [sflag:$0x5] =	stream.linear.gather [hbm4b:s3+s1], $0x2800, $0x38;
	[tilespmem:$0x1C8A0] =	vst v63  }
0x566: {  	_ =	swait.ge [sflag:s6], $0x2800  }
0x567: {  	[sflag:s6] =	ssyncset.done $0x0  }
0x568: {  	[sflag:s6] =	ssyncadd.s32 $0xFFFFD800  }
0x569: {  	[tilespmem:s10], [sflag:$0x5] =	stream.linear.gather [hbm4b:s5+s1], $0x2800, $0x38;
	[tilespmem:$0x1C8A0] =	vst v63  }
0x56a: {  	_ =	swait.ge [sflag:s6], $0x2800  }
0x56b: {  	[sflag:s6] =	ssyncset.done $0x0  }
0x56c: {  	s1 =	simm.s32 $0x0;
	[sflag:s6] =	ssyncadd.s32 $0xFFFFD800  }
0x56d: {  	s2 =	simm.s32 $0x40;
	v3 =	vld [tilespmem:s1+$0x10020]  }
.LBB2_72:
0x56e: {  	_ =	sdelay $0x1  }
0x56f: {  	p1 =	sne.s32 s2, $0x9FC0  }
.Ltmp36:
0x570: {  	_ = 	snop;
	(pc) =	sbr.rel @p1 .LBB2_72-.Ltmp36, $4  }
0x571: {  	v4 =	vsub.s32 v3, v1  }
0x572: {  	vm0 =	vlt.u32 v4, $0x80000  }
0x573: {  	s8 =	sshra.s32 s2, $0x2;
	v4 =	vsel vm0, v4, v0  }
0x574: {  	s2 =	sadd.s32 $0x40, s2;
	v3 =	vld [tilespmem:s8+$0x10020];
	[tilespmem:s1+$0x15020] =	vst v4;
	s1 =	smov.u32 s8  }
0x575: {  	_ =	sdelay $0x3  }
0x576: {  	v3 =	vsub.s32 v3, v1  }
0x577: {  	vm0 =	vlt.u32 v3, $0x80000  }
0x578: {  	v3 =	vsel vm0, v3, v0  }
0x579: {  	[tilespmem:s1+$0x15020] =	vst v3  }
0x57a: {  	[tilespmem:s16], [sflag:$0x5] =	stream.indirect.gather [spmem:s0], $0x1, s14, s12, $0xb8;
	[tilespmem:$0x1C8A0] =	vst v63  }
0x57b: {  	_ =	swait.ge [sflag:s6], $0x2800  }
0x57c: {  	[sflag:s6] =	ssyncset.done $0x0  }
0x57d: {  	[sflag:s6] =	ssyncadd.s32 $0xFFFFD800  }
0x57e: {  	s2 =	simm.s32 $0x1A020;
	s8 =	rddreg [dreg:$0x5]  }
0x57f: {  	[tilespmem:s2], [sflag:$0x5] =	stream.indirect.gather [spmem:s8], $0x1, s14, s12, $0xb8;
	[tilespmem:$0x1C8A0] =	vst v63  }
0x580: {  	_ =	swait.ge [sflag:s6], $0x2800  }
0x581: {  	[sflag:s6] =	ssyncset.done $0x0  }
0x582: {  	s8 =	simm.s32 $0x0;
	[sflag:s6] =	ssyncadd.s32 $0xFFFFD800  }
0x583: {  	v3 =	vld [tilespmem:s8+$0x17820];
	_ =	sdelay $0x4  }
0x584: {  	v3 =	vmax.f32 v3, $9.999999740e-06  }
0x585: {  	(erf) = vrcp.f32 v3;
	_ =	sdelay $0x4  }
0x586: {  	v3 =	vld [tilespmem:s8+$0x12820]  }
0x587: {  	s1 =	simm.s32 $0x80;
	s2 =	simm.s32 $0x10  }
.LBB2_74:
0x588: {  	p1 =	sne.s32 s1, $0x9FC0;
	v4 =	vld [tilespmem:s2+$0x17820];
	_ =	sdelay $0x1  }
0x589: {  	v5 =	vld [tilespmem:s8+$0x1A020];
	v6 =	vpop (erf)  }
0x58a: {  	v7 =	vld [tilespmem:s8+$0x15020];
	v3 =	vmul.f32 v6, v3;
	_ =	sdelay $0x1  }
0x58b: {  	v4 =	vmax.f32 v4, $9.999999740e-06;
	v3 =	vmax.f32 v3, $-1.000000000e+00  }
0x58c: {  	(erf) = vrcp.f32 v4;
	v3 =	vmin.f32 v3, $1.000000000e+00  }
0x58d: {  	v3 =	vadd.f32 v3, v5  }
.Ltmp37:
0x58e: {  	vm0 =	vlt.s32 v7, $0x80000;
	(pc) =	sbr.rel @p1 .LBB2_74-.Ltmp37, $4  }
0x58f: {  	v3 =	vnsel vm0, $0x0, v3  }
0x590: {  	[tilespmem:s8+$0x12820] =	vst v3;
	s8 =	smov.u32 s2  }
0x591: {  	v3 =	vld [tilespmem:s8+$0x12820]  }
0x592: {  	s2 =	sshra.s32 s1, $0x2;
	s1 =	sadd.s32 $0x40, s1  }
0x593: {  	v4 =	vld [tilespmem:s2+$0x17820];
	_ =	sdelay $0x1  }
0x594: {  	v5 =	vld [tilespmem:s8+$0x1A020];
	v6 =	vpop (erf)  }
0x595: {  	v7 =	vld [tilespmem:s8+$0x15020];
	v3 =	vmul.f32 v6, v3;
	_ =	sdelay $0x1  }
0x596: {  	v4 =	vmax.f32 v4, $9.999999740e-06;
	v3 =	vmax.f32 v3, $-1.000000000e+00  }
0x597: {  	(erf) = vrcp.f32 v4;
	v3 =	vmin.f32 v3, $1.000000000e+00  }
0x598: {  	v3 =	vadd.f32 v3, v5  }
0x599: {  	vm0 =	vlt.s32 v7, $0x80000  }
0x59a: {  	v3 =	vnsel vm0, $0x0, v3  }
0x59b: {  	[tilespmem:s8+$0x12820] =	vst v3  }
0x59c: {  	v3 =	vld [tilespmem:s2+$0x12820];
	_ =	sdelay $0x3  }
0x59d: {  	v4 =	vld [tilespmem:s2+$0x1A020];
	v5 =	vpop (erf)  }
0x59e: {  	v63 =	vld [tilespmem:s2+$0x15020];
	v3 =	vmul.f32 v5, v3;
	_ =	sdelay $0x1  }
0x59f: {  	v3 =	vmax.f32 v3, $-1.000000000e+00  }
0x5a0: {  	v3 =	vmin.f32 v3, $1.000000000e+00  }
0x5a1: {  	v3 =	vadd.f32 v3, v4  }
0x5a2: {  	vm15 =	vlt.s32 v63, $0x80000  }
0x5a3: {  	v3 =	vnsel vm15, $0x0, v3  }
0x5a4: {  	s1 =	rddreg [dreg:$0x15];
	s3 =	simm.s32 $0x100;
	s8 =	simm.s32 $0x80;
	[tilespmem:s2+$0x12820] =	vst v3  }
0x5a5: {  	[hbm4b:s1+s8] =	stream.strided.scatter [tilespmem:s10], [sflag:$0x5], $0x2800, s3, s8, $0x38;
	[tilespmem:$0x1C8A0] =	vst v63  }
0x5a6: {  	_ =	swait.ge [sflag:s6], $0x2800  }
0x5a7: {  	s1 =	simm.s32 $0x0;
	[sflag:s6] =	ssyncset.done $0x0  }
0x5a8: {  	s8 =	simm.s32 $0x10020;
	s3 =	rddreg [dreg:$0xb];
	[sflag:s6] =	ssyncadd.s32 $0xFFFFD800  }
0x5a9: {  	[tilespmem:s8], [sflag:$0x5] =	stream.linear.gather [hbm4b:s3+s1], $0x2800, $0x38;
	[tilespmem:$0x1C8A0] =	vst v63  }
0x5aa: {  	_ =	swait.ge [sflag:s6], $0x2800  }
0x5ab: {  	[sflag:s6] =	ssyncset.done $0x0  }
0x5ac: {  	[sflag:s6] =	ssyncadd.s32 $0xFFFFD800  }
0x5ad: {  	[tilespmem:s10], [sflag:$0x5] =	stream.linear.gather [hbm4b:s7+s1], $0x2800, $0x38;
	[tilespmem:$0x1C8A0] =	vst v63  }
0x5ae: {  	_ =	swait.ge [sflag:s6], $0x2800  }
0x5af: {  	[sflag:s6] =	ssyncset.done $0x0  }
0x5b0: {  	s1 =	simm.s32 $0x0;
	[sflag:s6] =	ssyncadd.s32 $0xFFFFD800  }
0x5b1: {  	s2 =	simm.s32 $0x40;
	v3 =	vld [tilespmem:s1+$0x10020]  }
.LBB2_76:
0x5b2: {  	_ =	sdelay $0x1  }
0x5b3: {  	p1 =	sne.s32 s2, $0x9FC0  }
.Ltmp38:
0x5b4: {  	_ = 	snop;
	(pc) =	sbr.rel @p1 .LBB2_76-.Ltmp38, $4  }
0x5b5: {  	v4 =	vsub.s32 v3, v1  }
0x5b6: {  	vm0 =	vlt.u32 v4, $0x80000  }
0x5b7: {  	s8 =	sshra.s32 s2, $0x2;
	v4 =	vsel vm0, v4, v0  }
0x5b8: {  	s2 =	sadd.s32 $0x40, s2;
	v3 =	vld [tilespmem:s8+$0x10020];
	[tilespmem:s1+$0x15020] =	vst v4;
	s1 =	smov.u32 s8  }
0x5b9: {  	_ =	sdelay $0x3  }
0x5ba: {  	v3 =	vsub.s32 v3, v1  }
0x5bb: {  	vm0 =	vlt.u32 v3, $0x80000  }
0x5bc: {  	v3 =	vsel vm0, v3, v0  }
0x5bd: {  	[tilespmem:s1+$0x15020] =	vst v3  }
0x5be: {  	[tilespmem:s16], [sflag:$0x5] =	stream.indirect.gather [spmem:s0], $0x1, s14, s12, $0xb8;
	[tilespmem:$0x1C8A0] =	vst v63  }
0x5bf: {  	_ =	swait.ge [sflag:s6], $0x2800  }
0x5c0: {  	[sflag:s6] =	ssyncset.done $0x0  }
0x5c1: {  	[sflag:s6] =	ssyncadd.s32 $0xFFFFD800  }
0x5c2: {  	s2 =	simm.s32 $0x1A020;
	s8 =	rddreg [dreg:$0x5]  }
0x5c3: {  	[tilespmem:s2], [sflag:$0x5] =	stream.indirect.gather [spmem:s8], $0x1, s14, s12, $0xb8;
	[tilespmem:$0x1C8A0] =	vst v63  }
0x5c4: {  	_ =	swait.ge [sflag:s6], $0x2800  }
0x5c5: {  	[sflag:s6] =	ssyncset.done $0x0  }
0x5c6: {  	s8 =	simm.s32 $0x0;
	[sflag:s6] =	ssyncadd.s32 $0xFFFFD800  }
0x5c7: {  	v3 =	vld [tilespmem:s8+$0x17820];
	_ =	sdelay $0x4  }
0x5c8: {  	v3 =	vmax.f32 v3, $9.999999740e-06  }
0x5c9: {  	(erf) = vrcp.f32 v3;
	_ =	sdelay $0x4  }
0x5ca: {  	v3 =	vld [tilespmem:s8+$0x12820]  }
0x5cb: {  	s1 =	simm.s32 $0x80;
	s2 =	simm.s32 $0x10  }
.LBB2_78:
0x5cc: {  	p1 =	sne.s32 s1, $0x9FC0;
	v4 =	vld [tilespmem:s2+$0x17820];
	_ =	sdelay $0x1  }
0x5cd: {  	v5 =	vld [tilespmem:s8+$0x1A020];
	v6 =	vpop (erf)  }
0x5ce: {  	v7 =	vld [tilespmem:s8+$0x15020];
	v3 =	vmul.f32 v6, v3;
	_ =	sdelay $0x1  }
0x5cf: {  	v4 =	vmax.f32 v4, $9.999999740e-06;
	v3 =	vmax.f32 v3, $-1.000000000e+00  }
0x5d0: {  	(erf) = vrcp.f32 v4;
	v3 =	vmin.f32 v3, $1.000000000e+00  }
0x5d1: {  	v3 =	vadd.f32 v3, v5  }
.Ltmp39:
0x5d2: {  	vm0 =	vlt.s32 v7, $0x80000;
	(pc) =	sbr.rel @p1 .LBB2_78-.Ltmp39, $4  }
0x5d3: {  	v3 =	vnsel vm0, $0x0, v3  }
0x5d4: {  	[tilespmem:s8+$0x12820] =	vst v3;
	s8 =	smov.u32 s2  }
0x5d5: {  	v3 =	vld [tilespmem:s8+$0x12820]  }
0x5d6: {  	s2 =	sshra.s32 s1, $0x2;
	s1 =	sadd.s32 $0x40, s1  }
0x5d7: {  	v4 =	vld [tilespmem:s2+$0x17820];
	_ =	sdelay $0x1  }
0x5d8: {  	v5 =	vld [tilespmem:s8+$0x1A020];
	v6 =	vpop (erf)  }
0x5d9: {  	v7 =	vld [tilespmem:s8+$0x15020];
	v3 =	vmul.f32 v6, v3;
	_ =	sdelay $0x1  }
0x5da: {  	v4 =	vmax.f32 v4, $9.999999740e-06;
	v3 =	vmax.f32 v3, $-1.000000000e+00  }
0x5db: {  	(erf) = vrcp.f32 v4;
	v3 =	vmin.f32 v3, $1.000000000e+00  }
0x5dc: {  	v3 =	vadd.f32 v3, v5  }
0x5dd: {  	vm0 =	vlt.s32 v7, $0x80000  }
0x5de: {  	v3 =	vnsel vm0, $0x0, v3  }
0x5df: {  	[tilespmem:s8+$0x12820] =	vst v3  }
0x5e0: {  	v3 =	vld [tilespmem:s2+$0x12820];
	_ =	sdelay $0x3  }
0x5e1: {  	v4 =	vld [tilespmem:s2+$0x1A020];
	v5 =	vpop (erf)  }
0x5e2: {  	v63 =	vld [tilespmem:s2+$0x15020];
	v3 =	vmul.f32 v5, v3;
	_ =	sdelay $0x1  }
0x5e3: {  	v3 =	vmax.f32 v3, $-1.000000000e+00  }
0x5e4: {  	v3 =	vmin.f32 v3, $1.000000000e+00  }
0x5e5: {  	v3 =	vadd.f32 v3, v4  }
0x5e6: {  	vm15 =	vlt.s32 v63, $0x80000  }
0x5e7: {  	v3 =	vnsel vm15, $0x0, v3  }
0x5e8: {  	s1 =	rddreg [dreg:$0x16];
	s3 =	simm.s32 $0x100;
	s8 =	simm.s32 $0x80;
	[tilespmem:s2+$0x12820] =	vst v3  }
0x5e9: {  	[hbm4b:s1+s8] =	stream.strided.scatter [tilespmem:s10], [sflag:$0x5], $0x2800, s3, s8, $0x38;
	[tilespmem:$0x1C8A0] =	vst v63  }
0x5ea: {  	_ =	swait.ge [sflag:s6], $0x2800  }
0x5eb: {  	s1 =	simm.s32 $0x0;
	[sflag:s6] =	ssyncset.done $0x0  }
0x5ec: {  	s8 =	simm.s32 $0x10020;
	s3 =	rddreg [dreg:$0xc];
	[sflag:s6] =	ssyncadd.s32 $0xFFFFD800  }
0x5ed: {  	[tilespmem:s8], [sflag:$0x5] =	stream.linear.gather [hbm4b:s3+s1], $0x2800, $0x38;
	[tilespmem:$0x1C8A0] =	vst v63  }
0x5ee: {  	_ =	swait.ge [sflag:s6], $0x2800  }
0x5ef: {  	[sflag:s6] =	ssyncset.done $0x0  }
0x5f0: {  	[sflag:s6] =	ssyncadd.s32 $0xFFFFD800  }
0x5f1: {  	[tilespmem:s10], [sflag:$0x5] =	stream.linear.gather [hbm4b:s9+s1], $0x2800, $0x38;
	[tilespmem:$0x1C8A0] =	vst v63  }
0x5f2: {  	_ =	swait.ge [sflag:s6], $0x2800  }
0x5f3: {  	[sflag:s6] =	ssyncset.done $0x0  }
0x5f4: {  	s1 =	simm.s32 $0x0;
	[sflag:s6] =	ssyncadd.s32 $0xFFFFD800  }
0x5f5: {  	s2 =	simm.s32 $0x40;
	v3 =	vld [tilespmem:s1+$0x10020]  }
.LBB2_80:
0x5f6: {  	_ =	sdelay $0x1  }
0x5f7: {  	p1 =	sne.s32 s2, $0x9FC0  }
.Ltmp40:
0x5f8: {  	_ = 	snop;
	(pc) =	sbr.rel @p1 .LBB2_80-.Ltmp40, $4  }
0x5f9: {  	v4 =	vsub.s32 v3, v1  }
0x5fa: {  	vm0 =	vlt.u32 v4, $0x80000  }
0x5fb: {  	s8 =	sshra.s32 s2, $0x2;
	v4 =	vsel vm0, v4, v0  }
0x5fc: {  	s2 =	sadd.s32 $0x40, s2;
	v3 =	vld [tilespmem:s8+$0x10020];
	[tilespmem:s1+$0x15020] =	vst v4;
	s1 =	smov.u32 s8  }
0x5fd: {  	_ =	sdelay $0x3  }
0x5fe: {  	v3 =	vsub.s32 v3, v1  }
0x5ff: {  	vm0 =	vlt.u32 v3, $0x80000  }
0x600: {  	v3 =	vsel vm0, v3, v0  }
0x601: {  	[tilespmem:s1+$0x15020] =	vst v3  }
0x602: {  	[tilespmem:s16], [sflag:$0x5] =	stream.indirect.gather [spmem:s0], $0x1, s14, s12, $0xb8;
	[tilespmem:$0x1C8A0] =	vst v63  }
0x603: {  	_ =	swait.ge [sflag:s6], $0x2800  }
0x604: {  	[sflag:s6] =	ssyncset.done $0x0  }
0x605: {  	[sflag:s6] =	ssyncadd.s32 $0xFFFFD800  }
0x606: {  	s2 =	simm.s32 $0x1A020;
	s8 =	rddreg [dreg:$0x5]  }
0x607: {  	[tilespmem:s2], [sflag:$0x5] =	stream.indirect.gather [spmem:s8], $0x1, s14, s12, $0xb8;
	[tilespmem:$0x1C8A0] =	vst v63  }
0x608: {  	_ =	swait.ge [sflag:s6], $0x2800  }
0x609: {  	[sflag:s6] =	ssyncset.done $0x0  }
0x60a: {  	s8 =	simm.s32 $0x0;
	[sflag:s6] =	ssyncadd.s32 $0xFFFFD800  }
0x60b: {  	v3 =	vld [tilespmem:s8+$0x17820];
	_ =	sdelay $0x4  }
0x60c: {  	v3 =	vmax.f32 v3, $9.999999740e-06  }
0x60d: {  	(erf) = vrcp.f32 v3;
	_ =	sdelay $0x4  }
0x60e: {  	v3 =	vld [tilespmem:s8+$0x12820]  }
0x60f: {  	s1 =	simm.s32 $0x80;
	s2 =	simm.s32 $0x10  }
.LBB2_82:
0x610: {  	p1 =	sne.s32 s1, $0x9FC0;
	v4 =	vld [tilespmem:s2+$0x17820];
	_ =	sdelay $0x1  }
0x611: {  	v5 =	vld [tilespmem:s8+$0x1A020];
	v6 =	vpop (erf)  }
0x612: {  	v7 =	vld [tilespmem:s8+$0x15020];
	v3 =	vmul.f32 v6, v3;
	_ =	sdelay $0x1  }
0x613: {  	v4 =	vmax.f32 v4, $9.999999740e-06;
	v3 =	vmax.f32 v3, $-1.000000000e+00  }
0x614: {  	(erf) = vrcp.f32 v4;
	v3 =	vmin.f32 v3, $1.000000000e+00  }
0x615: {  	v3 =	vadd.f32 v3, v5  }
.Ltmp41:
0x616: {  	vm0 =	vlt.s32 v7, $0x80000;
	(pc) =	sbr.rel @p1 .LBB2_82-.Ltmp41, $4  }
0x617: {  	v3 =	vnsel vm0, $0x0, v3  }
0x618: {  	[tilespmem:s8+$0x12820] =	vst v3;
	s8 =	smov.u32 s2  }
0x619: {  	v3 =	vld [tilespmem:s8+$0x12820]  }
0x61a: {  	s2 =	sshra.s32 s1, $0x2;
	s1 =	sadd.s32 $0x40, s1  }
0x61b: {  	v4 =	vld [tilespmem:s2+$0x17820];
	_ =	sdelay $0x1  }
0x61c: {  	v5 =	vld [tilespmem:s8+$0x1A020];
	v6 =	vpop (erf)  }
0x61d: {  	v7 =	vld [tilespmem:s8+$0x15020];
	v3 =	vmul.f32 v6, v3;
	_ =	sdelay $0x1  }
0x61e: {  	v4 =	vmax.f32 v4, $9.999999740e-06;
	v3 =	vmax.f32 v3, $-1.000000000e+00  }
0x61f: {  	(erf) = vrcp.f32 v4;
	v3 =	vmin.f32 v3, $1.000000000e+00  }
0x620: {  	v3 =	vadd.f32 v3, v5  }
0x621: {  	vm0 =	vlt.s32 v7, $0x80000  }
0x622: {  	v3 =	vnsel vm0, $0x0, v3  }
0x623: {  	[tilespmem:s8+$0x12820] =	vst v3  }
0x624: {  	v3 =	vld [tilespmem:s2+$0x12820];
	_ =	sdelay $0x3  }
0x625: {  	v4 =	vld [tilespmem:s2+$0x1A020];
	v5 =	vpop (erf)  }
0x626: {  	v63 =	vld [tilespmem:s2+$0x15020];
	v3 =	vmul.f32 v5, v3;
	_ =	sdelay $0x1  }
0x627: {  	v3 =	vmax.f32 v3, $-1.000000000e+00  }
0x628: {  	v3 =	vmin.f32 v3, $1.000000000e+00  }
0x629: {  	v3 =	vadd.f32 v3, v4  }
0x62a: {  	vm15 =	vlt.s32 v63, $0x80000  }
0x62b: {  	v3 =	vnsel vm15, $0x0, v3  }
0x62c: {  	s1 =	rddreg [dreg:$0x17];
	s3 =	simm.s32 $0x100;
	s8 =	simm.s32 $0x80;
	[tilespmem:s2+$0x12820] =	vst v3  }
0x62d: {  	[hbm4b:s1+s8] =	stream.strided.scatter [tilespmem:s10], [sflag:$0x5], $0x2800, s3, s8, $0x38;
	[tilespmem:$0x1C8A0] =	vst v63  }
0x62e: {  	_ =	swait.ge [sflag:s6], $0x2800  }
0x62f: {  	s1 =	simm.s32 $0x0;
	[sflag:s6] =	ssyncset.done $0x0  }
0x630: {  	s8 =	simm.s32 $0x10020;
	s3 =	rddreg [dreg:$0xd];
	[sflag:s6] =	ssyncadd.s32 $0xFFFFD800  }
0x631: {  	[tilespmem:s8], [sflag:$0x5] =	stream.linear.gather [hbm4b:s3+s1], $0x2800, $0x38;
	[tilespmem:$0x1C8A0] =	vst v63  }
0x632: {  	_ =	swait.ge [sflag:s6], $0x2800  }
0x633: {  	[sflag:s6] =	ssyncset.done $0x0  }
0x634: {  	[sflag:s6] =	ssyncadd.s32 $0xFFFFD800  }
0x635: {  	[tilespmem:s10], [sflag:$0x5] =	stream.linear.gather [hbm4b:s11+s1], $0x2800, $0x38;
	[tilespmem:$0x1C8A0] =	vst v63  }
0x636: {  	_ =	swait.ge [sflag:s6], $0x2800  }
0x637: {  	[sflag:s6] =	ssyncset.done $0x0  }
0x638: {  	s1 =	simm.s32 $0x0;
	[sflag:s6] =	ssyncadd.s32 $0xFFFFD800  }
0x639: {  	s2 =	simm.s32 $0x40;
	v3 =	vld [tilespmem:s1+$0x10020]  }
.LBB2_84:
0x63a: {  	_ =	sdelay $0x1  }
0x63b: {  	p1 =	sne.s32 s2, $0x9FC0  }
.Ltmp42:
0x63c: {  	_ = 	snop;
	(pc) =	sbr.rel @p1 .LBB2_84-.Ltmp42, $4  }
0x63d: {  	v4 =	vsub.s32 v3, v1  }
0x63e: {  	vm0 =	vlt.u32 v4, $0x80000  }
0x63f: {  	s8 =	sshra.s32 s2, $0x2;
	v4 =	vsel vm0, v4, v0  }
0x640: {  	s2 =	sadd.s32 $0x40, s2;
	v3 =	vld [tilespmem:s8+$0x10020];
	[tilespmem:s1+$0x15020] =	vst v4;
	s1 =	smov.u32 s8  }
0x641: {  	_ =	sdelay $0x3  }
0x642: {  	v3 =	vsub.s32 v3, v1  }
0x643: {  	vm0 =	vlt.u32 v3, $0x80000  }
0x644: {  	v3 =	vsel vm0, v3, v0  }
0x645: {  	[tilespmem:s1+$0x15020] =	vst v3  }
0x646: {  	[tilespmem:s16], [sflag:$0x5] =	stream.indirect.gather [spmem:s0], $0x1, s14, s12, $0xb8;
	[tilespmem:$0x1C8A0] =	vst v63  }
0x647: {  	_ =	swait.ge [sflag:s6], $0x2800  }
0x648: {  	[sflag:s6] =	ssyncset.done $0x0  }
0x649: {  	[sflag:s6] =	ssyncadd.s32 $0xFFFFD800  }
0x64a: {  	s2 =	simm.s32 $0x1A020;
	s8 =	rddreg [dreg:$0x5]  }
0x64b: {  	[tilespmem:s2], [sflag:$0x5] =	stream.indirect.gather [spmem:s8], $0x1, s14, s12, $0xb8;
	[tilespmem:$0x1C8A0] =	vst v63  }
0x64c: {  	_ =	swait.ge [sflag:s6], $0x2800  }
0x64d: {  	[sflag:s6] =	ssyncset.done $0x0  }
0x64e: {  	s8 =	simm.s32 $0x0;
	[sflag:s6] =	ssyncadd.s32 $0xFFFFD800  }
0x64f: {  	v3 =	vld [tilespmem:s8+$0x17820];
	_ =	sdelay $0x4  }
0x650: {  	v3 =	vmax.f32 v3, $9.999999740e-06  }
0x651: {  	(erf) = vrcp.f32 v3;
	_ =	sdelay $0x4  }
0x652: {  	v3 =	vld [tilespmem:s8+$0x12820]  }
0x653: {  	s1 =	simm.s32 $0x80;
	s2 =	simm.s32 $0x10  }
.LBB2_86:
0x654: {  	p1 =	sne.s32 s1, $0x9FC0;
	v4 =	vld [tilespmem:s2+$0x17820];
	_ =	sdelay $0x1  }
0x655: {  	v5 =	vld [tilespmem:s8+$0x1A020];
	v6 =	vpop (erf)  }
0x656: {  	v7 =	vld [tilespmem:s8+$0x15020];
	v3 =	vmul.f32 v6, v3;
	_ =	sdelay $0x1  }
0x657: {  	v4 =	vmax.f32 v4, $9.999999740e-06;
	v3 =	vmax.f32 v3, $-1.000000000e+00  }
0x658: {  	(erf) = vrcp.f32 v4;
	v3 =	vmin.f32 v3, $1.000000000e+00  }
0x659: {  	v3 =	vadd.f32 v3, v5  }
.Ltmp43:
0x65a: {  	vm0 =	vlt.s32 v7, $0x80000;
	(pc) =	sbr.rel @p1 .LBB2_86-.Ltmp43, $4  }
0x65b: {  	v3 =	vnsel vm0, $0x0, v3  }
0x65c: {  	[tilespmem:s8+$0x12820] =	vst v3;
	s8 =	smov.u32 s2  }
0x65d: {  	v3 =	vld [tilespmem:s8+$0x12820]  }
0x65e: {  	s2 =	sshra.s32 s1, $0x2;
	s1 =	sadd.s32 $0x40, s1  }
0x65f: {  	v4 =	vld [tilespmem:s2+$0x17820];
	_ =	sdelay $0x1  }
0x660: {  	v5 =	vld [tilespmem:s8+$0x1A020];
	v6 =	vpop (erf)  }
0x661: {  	v7 =	vld [tilespmem:s8+$0x15020];
	v3 =	vmul.f32 v6, v3;
	_ =	sdelay $0x1  }
0x662: {  	v4 =	vmax.f32 v4, $9.999999740e-06;
	v3 =	vmax.f32 v3, $-1.000000000e+00  }
0x663: {  	(erf) = vrcp.f32 v4;
	v3 =	vmin.f32 v3, $1.000000000e+00  }
0x664: {  	v3 =	vadd.f32 v3, v5  }
0x665: {  	vm0 =	vlt.s32 v7, $0x80000  }
0x666: {  	v3 =	vnsel vm0, $0x0, v3  }
0x667: {  	[tilespmem:s8+$0x12820] =	vst v3  }
0x668: {  	v3 =	vld [tilespmem:s2+$0x12820];
	_ =	sdelay $0x3  }
0x669: {  	v4 =	vld [tilespmem:s2+$0x1A020];
	v5 =	vpop (erf)  }
0x66a: {  	v63 =	vld [tilespmem:s2+$0x15020];
	v3 =	vmul.f32 v5, v3;
	_ =	sdelay $0x1  }
0x66b: {  	v3 =	vmax.f32 v3, $-1.000000000e+00  }
0x66c: {  	v3 =	vmin.f32 v3, $1.000000000e+00  }
0x66d: {  	v3 =	vadd.f32 v3, v4  }
0x66e: {  	vm15 =	vlt.s32 v63, $0x80000  }
0x66f: {  	v3 =	vnsel vm15, $0x0, v3  }
0x670: {  	s1 =	rddreg [dreg:$0x18];
	s3 =	simm.s32 $0x100;
	s8 =	simm.s32 $0x80;
	[tilespmem:s2+$0x12820] =	vst v3  }
0x671: {  	[hbm4b:s1+s8] =	stream.strided.scatter [tilespmem:s10], [sflag:$0x5], $0x2800, s3, s8, $0x38;
	[tilespmem:$0x1C8A0] =	vst v63  }
0x672: {  	_ =	swait.ge [sflag:s6], $0x2800  }
0x673: {  	s1 =	simm.s32 $0x0;
	[sflag:s6] =	ssyncset.done $0x0  }
0x674: {  	s8 =	simm.s32 $0x10020;
	s3 =	rddreg [dreg:$0xe];
	[sflag:s6] =	ssyncadd.s32 $0xFFFFD800  }
0x675: {  	[tilespmem:s8], [sflag:$0x5] =	stream.linear.gather [hbm4b:s3+s1], $0x2800, $0x38;
	[tilespmem:$0x1C8A0] =	vst v63  }
0x676: {  	_ =	swait.ge [sflag:s6], $0x2800  }
0x677: {  	[sflag:s6] =	ssyncset.done $0x0  }
0x678: {  	[sflag:s6] =	ssyncadd.s32 $0xFFFFD800  }
0x679: {  	[tilespmem:s10], [sflag:$0x5] =	stream.linear.gather [hbm4b:s13+s1], $0x2800, $0x38;
	[tilespmem:$0x1C8A0] =	vst v63  }
0x67a: {  	_ =	swait.ge [sflag:s6], $0x2800  }
0x67b: {  	[sflag:s6] =	ssyncset.done $0x0  }
0x67c: {  	s1 =	simm.s32 $0x0;
	[sflag:s6] =	ssyncadd.s32 $0xFFFFD800  }
0x67d: {  	s2 =	simm.s32 $0x40;
	v3 =	vld [tilespmem:s1+$0x10020]  }
.LBB2_88:
0x67e: {  	_ =	sdelay $0x1  }
0x67f: {  	p1 =	sne.s32 s2, $0x9FC0  }
.Ltmp44:
0x680: {  	_ = 	snop;
	(pc) =	sbr.rel @p1 .LBB2_88-.Ltmp44, $4  }
0x681: {  	v4 =	vsub.s32 v3, v1  }
0x682: {  	vm0 =	vlt.u32 v4, $0x80000  }
0x683: {  	s8 =	sshra.s32 s2, $0x2;
	v4 =	vsel vm0, v4, v0  }
0x684: {  	s2 =	sadd.s32 $0x40, s2;
	v3 =	vld [tilespmem:s8+$0x10020];
	[tilespmem:s1+$0x15020] =	vst v4;
	s1 =	smov.u32 s8  }
0x685: {  	_ =	sdelay $0x3  }
0x686: {  	v3 =	vsub.s32 v3, v1  }
0x687: {  	vm0 =	vlt.u32 v3, $0x80000  }
0x688: {  	v3 =	vsel vm0, v3, v0  }
0x689: {  	[tilespmem:s1+$0x15020] =	vst v3  }
0x68a: {  	[tilespmem:s16], [sflag:$0x5] =	stream.indirect.gather [spmem:s0], $0x1, s14, s12, $0xb8;
	[tilespmem:$0x1C8A0] =	vst v63  }
0x68b: {  	_ =	swait.ge [sflag:s6], $0x2800  }
0x68c: {  	[sflag:s6] =	ssyncset.done $0x0  }
0x68d: {  	[sflag:s6] =	ssyncadd.s32 $0xFFFFD800  }
0x68e: {  	s2 =	simm.s32 $0x1A020;
	s8 =	rddreg [dreg:$0x5]  }
0x68f: {  	[tilespmem:s2], [sflag:$0x5] =	stream.indirect.gather [spmem:s8], $0x1, s14, s12, $0xb8;
	[tilespmem:$0x1C8A0] =	vst v63  }
0x690: {  	_ =	swait.ge [sflag:s6], $0x2800  }
0x691: {  	[sflag:s6] =	ssyncset.done $0x0  }
0x692: {  	s8 =	simm.s32 $0x0;
	[sflag:s6] =	ssyncadd.s32 $0xFFFFD800  }
0x693: {  	v3 =	vld [tilespmem:s8+$0x17820];
	_ =	sdelay $0x4  }
0x694: {  	v3 =	vmax.f32 v3, $9.999999740e-06  }
0x695: {  	(erf) = vrcp.f32 v3;
	_ =	sdelay $0x4  }
0x696: {  	v3 =	vld [tilespmem:s8+$0x12820]  }
0x697: {  	s1 =	simm.s32 $0x80;
	s2 =	simm.s32 $0x10  }
.LBB2_90:
0x698: {  	p1 =	sne.s32 s1, $0x9FC0;
	v4 =	vld [tilespmem:s2+$0x17820];
	_ =	sdelay $0x1  }
0x699: {  	v5 =	vld [tilespmem:s8+$0x1A020];
	v6 =	vpop (erf)  }
0x69a: {  	v7 =	vld [tilespmem:s8+$0x15020];
	v3 =	vmul.f32 v6, v3;
	_ =	sdelay $0x1  }
0x69b: {  	v4 =	vmax.f32 v4, $9.999999740e-06;
	v3 =	vmax.f32 v3, $-1.000000000e+00  }
0x69c: {  	(erf) = vrcp.f32 v4;
	v3 =	vmin.f32 v3, $1.000000000e+00  }
0x69d: {  	v3 =	vadd.f32 v3, v5  }
.Ltmp45:
0x69e: {  	vm0 =	vlt.s32 v7, $0x80000;
	(pc) =	sbr.rel @p1 .LBB2_90-.Ltmp45, $4  }
0x69f: {  	v3 =	vnsel vm0, $0x0, v3  }
0x6a0: {  	[tilespmem:s8+$0x12820] =	vst v3;
	s8 =	smov.u32 s2  }
0x6a1: {  	v3 =	vld [tilespmem:s8+$0x12820]  }
0x6a2: {  	s2 =	sshra.s32 s1, $0x2;
	s1 =	sadd.s32 $0x40, s1  }
0x6a3: {  	v4 =	vld [tilespmem:s2+$0x17820];
	_ =	sdelay $0x1  }
0x6a4: {  	v5 =	vld [tilespmem:s8+$0x1A020];
	v6 =	vpop (erf)  }
0x6a5: {  	v7 =	vld [tilespmem:s8+$0x15020];
	v3 =	vmul.f32 v6, v3;
	_ =	sdelay $0x1  }
0x6a6: {  	v4 =	vmax.f32 v4, $9.999999740e-06;
	v3 =	vmax.f32 v3, $-1.000000000e+00  }
0x6a7: {  	(erf) = vrcp.f32 v4;
	v3 =	vmin.f32 v3, $1.000000000e+00  }
0x6a8: {  	v3 =	vadd.f32 v3, v5  }
0x6a9: {  	vm0 =	vlt.s32 v7, $0x80000  }
0x6aa: {  	v3 =	vnsel vm0, $0x0, v3  }
0x6ab: {  	[tilespmem:s8+$0x12820] =	vst v3  }
0x6ac: {  	v3 =	vld [tilespmem:s2+$0x12820];
	_ =	sdelay $0x3  }
0x6ad: {  	v4 =	vld [tilespmem:s2+$0x1A020];
	v5 =	vpop (erf)  }
0x6ae: {  	v63 =	vld [tilespmem:s2+$0x15020];
	v3 =	vmul.f32 v5, v3;
	_ =	sdelay $0x1  }
0x6af: {  	v3 =	vmax.f32 v3, $-1.000000000e+00  }
0x6b0: {  	v3 =	vmin.f32 v3, $1.000000000e+00  }
0x6b1: {  	v3 =	vadd.f32 v3, v4  }
0x6b2: {  	vm15 =	vlt.s32 v63, $0x80000  }
0x6b3: {  	v3 =	vnsel vm15, $0x0, v3  }
0x6b4: {  	s1 =	rddreg [dreg:$0x19];
	s3 =	simm.s32 $0x100;
	s8 =	simm.s32 $0x80;
	[tilespmem:s2+$0x12820] =	vst v3  }
0x6b5: {  	[hbm4b:s1+s8] =	stream.strided.scatter [tilespmem:s10], [sflag:$0x5], $0x2800, s3, s8, $0x38;
	[tilespmem:$0x1C8A0] =	vst v63  }
0x6b6: {  	_ =	swait.ge [sflag:s6], $0x2800  }
0x6b7: {  	s1 =	simm.s32 $0x0;
	[sflag:s6] =	ssyncset.done $0x0  }
0x6b8: {  	s8 =	simm.s32 $0x10020;
	s3 =	rddreg [dreg:$0xf];
	[sflag:s6] =	ssyncadd.s32 $0xFFFFD800  }
0x6b9: {  	[tilespmem:s8], [sflag:$0x5] =	stream.linear.gather [hbm4b:s3+s1], $0x2800, $0x38;
	[tilespmem:$0x1C8A0] =	vst v63  }
0x6ba: {  	_ =	swait.ge [sflag:s6], $0x2800  }
0x6bb: {  	[sflag:s6] =	ssyncset.done $0x0  }
0x6bc: {  	[sflag:s6] =	ssyncadd.s32 $0xFFFFD800  }
0x6bd: {  	[tilespmem:s10], [sflag:$0x5] =	stream.linear.gather [hbm4b:s15+s1], $0x2800, $0x38;
	[tilespmem:$0x1C8A0] =	vst v63  }
0x6be: {  	_ =	swait.ge [sflag:s6], $0x2800  }
0x6bf: {  	[sflag:s6] =	ssyncset.done $0x0  }
0x6c0: {  	s1 =	simm.s32 $0x0;
	[sflag:s6] =	ssyncadd.s32 $0xFFFFD800  }
0x6c1: {  	s2 =	simm.s32 $0x40;
	v3 =	vld [tilespmem:s1+$0x10020]  }
.LBB2_92:
0x6c2: {  	_ =	sdelay $0x1  }
0x6c3: {  	p1 =	sne.s32 s2, $0x9FC0  }
.Ltmp46:
0x6c4: {  	_ = 	snop;
	(pc) =	sbr.rel @p1 .LBB2_92-.Ltmp46, $4  }
0x6c5: {  	v4 =	vsub.s32 v3, v1  }
0x6c6: {  	vm0 =	vlt.u32 v4, $0x80000  }
0x6c7: {  	s8 =	sshra.s32 s2, $0x2;
	v4 =	vsel vm0, v4, v0  }
0x6c8: {  	s2 =	sadd.s32 $0x40, s2;
	v3 =	vld [tilespmem:s8+$0x10020];
	[tilespmem:s1+$0x15020] =	vst v4;
	s1 =	smov.u32 s8  }
0x6c9: {  	_ =	sdelay $0x3  }
0x6ca: {  	v3 =	vsub.s32 v3, v1  }
0x6cb: {  	vm0 =	vlt.u32 v3, $0x80000  }
0x6cc: {  	v3 =	vsel vm0, v3, v0  }
0x6cd: {  	[tilespmem:s1+$0x15020] =	vst v3  }
0x6ce: {  	[tilespmem:s16], [sflag:$0x5] =	stream.indirect.gather [spmem:s0], $0x1, s14, s12, $0xb8;
	[tilespmem:$0x1C8A0] =	vst v63  }
0x6cf: {  	_ =	swait.ge [sflag:s6], $0x2800  }
0x6d0: {  	[sflag:s6] =	ssyncset.done $0x0  }
0x6d1: {  	[sflag:s6] =	ssyncadd.s32 $0xFFFFD800  }
0x6d2: {  	s2 =	simm.s32 $0x1A020;
	s8 =	rddreg [dreg:$0x5]  }
0x6d3: {  	[tilespmem:s2], [sflag:$0x5] =	stream.indirect.gather [spmem:s8], $0x1, s14, s12, $0xb8;
	[tilespmem:$0x1C8A0] =	vst v63  }
0x6d4: {  	_ =	swait.ge [sflag:s6], $0x2800  }
0x6d5: {  	[sflag:s6] =	ssyncset.done $0x0  }
0x6d6: {  	s8 =	simm.s32 $0x0;
	[sflag:s6] =	ssyncadd.s32 $0xFFFFD800  }
0x6d7: {  	v3 =	vld [tilespmem:s8+$0x17820];
	_ =	sdelay $0x4  }
0x6d8: {  	v3 =	vmax.f32 v3, $9.999999740e-06  }
0x6d9: {  	(erf) = vrcp.f32 v3;
	_ =	sdelay $0x4  }
0x6da: {  	v3 =	vld [tilespmem:s8+$0x12820]  }
0x6db: {  	s1 =	simm.s32 $0x80;
	s2 =	simm.s32 $0x10  }
.LBB2_94:
0x6dc: {  	p1 =	sne.s32 s1, $0x9FC0;
	v4 =	vld [tilespmem:s2+$0x17820];
	_ =	sdelay $0x1  }
0x6dd: {  	v5 =	vld [tilespmem:s8+$0x1A020];
	v6 =	vpop (erf)  }
0x6de: {  	v7 =	vld [tilespmem:s8+$0x15020];
	v3 =	vmul.f32 v6, v3;
	_ =	sdelay $0x1  }
0x6df: {  	v4 =	vmax.f32 v4, $9.999999740e-06;
	v3 =	vmax.f32 v3, $-1.000000000e+00  }
0x6e0: {  	(erf) = vrcp.f32 v4;
	v3 =	vmin.f32 v3, $1.000000000e+00  }
0x6e1: {  	v3 =	vadd.f32 v3, v5  }
.Ltmp47:
0x6e2: {  	vm0 =	vlt.s32 v7, $0x80000;
	(pc) =	sbr.rel @p1 .LBB2_94-.Ltmp47, $4  }
0x6e3: {  	v3 =	vnsel vm0, $0x0, v3  }
0x6e4: {  	[tilespmem:s8+$0x12820] =	vst v3;
	s8 =	smov.u32 s2  }
0x6e5: {  	v3 =	vld [tilespmem:s8+$0x12820]  }
0x6e6: {  	s2 =	sshra.s32 s1, $0x2;
	s1 =	sadd.s32 $0x40, s1  }
0x6e7: {  	v4 =	vld [tilespmem:s2+$0x17820];
	_ =	sdelay $0x1  }
0x6e8: {  	v5 =	vld [tilespmem:s8+$0x1A020];
	v6 =	vpop (erf)  }
0x6e9: {  	v7 =	vld [tilespmem:s8+$0x15020];
	v3 =	vmul.f32 v6, v3;
	_ =	sdelay $0x1  }
0x6ea: {  	v4 =	vmax.f32 v4, $9.999999740e-06;
	v3 =	vmax.f32 v3, $-1.000000000e+00  }
0x6eb: {  	(erf) = vrcp.f32 v4;
	v3 =	vmin.f32 v3, $1.000000000e+00  }
0x6ec: {  	v3 =	vadd.f32 v3, v5  }
0x6ed: {  	vm0 =	vlt.s32 v7, $0x80000  }
0x6ee: {  	v3 =	vnsel vm0, $0x0, v3  }
0x6ef: {  	[tilespmem:s8+$0x12820] =	vst v3  }
0x6f0: {  	v3 =	vld [tilespmem:s2+$0x12820];
	_ =	sdelay $0x3  }
0x6f1: {  	v4 =	vld [tilespmem:s2+$0x1A020];
	v5 =	vpop (erf)  }
0x6f2: {  	v63 =	vld [tilespmem:s2+$0x15020];
	v3 =	vmul.f32 v5, v3;
	_ =	sdelay $0x1  }
0x6f3: {  	v3 =	vmax.f32 v3, $-1.000000000e+00  }
0x6f4: {  	v3 =	vmin.f32 v3, $1.000000000e+00  }
0x6f5: {  	v3 =	vadd.f32 v3, v4  }
0x6f6: {  	vm15 =	vlt.s32 v63, $0x80000  }
0x6f7: {  	v3 =	vnsel vm15, $0x0, v3  }
0x6f8: {  	s1 =	rddreg [dreg:$0x1a];
	s3 =	simm.s32 $0x100;
	s8 =	simm.s32 $0x80;
	[tilespmem:s2+$0x12820] =	vst v3  }
0x6f9: {  	[hbm4b:s1+s8] =	stream.strided.scatter [tilespmem:s10], [sflag:$0x5], $0x2800, s3, s8, $0x38;
	[tilespmem:$0x1C8A0] =	vst v63  }
0x6fa: {  	_ =	swait.ge [sflag:s6], $0x2800  }
0x6fb: {  	s1 =	simm.s32 $0x0;
	[sflag:s6] =	ssyncset.done $0x0  }
0x6fc: {  	s8 =	simm.s32 $0x10020;
	s3 =	rddreg [dreg:$0x10];
	[sflag:s6] =	ssyncadd.s32 $0xFFFFD800  }
0x6fd: {  	[tilespmem:s8], [sflag:$0x5] =	stream.linear.gather [hbm4b:s3+s1], $0x2800, $0x38;
	[tilespmem:$0x1C8A0] =	vst v63  }
0x6fe: {  	_ =	swait.ge [sflag:s6], $0x2800  }
0x6ff: {  	[sflag:s6] =	ssyncset.done $0x0  }
0x700: {  	[sflag:s6] =	ssyncadd.s32 $0xFFFFD800  }
0x701: {  	[tilespmem:s10], [sflag:$0x5] =	stream.linear.gather [hbm4b:s17+s1], $0x2800, $0x38;
	[tilespmem:$0x1C8A0] =	vst v63  }
0x702: {  	_ =	swait.ge [sflag:s6], $0x2800  }
0x703: {  	[sflag:s6] =	ssyncset.done $0x0  }
0x704: {  	s1 =	simm.s32 $0x0;
	[sflag:s6] =	ssyncadd.s32 $0xFFFFD800  }
0x705: {  	s2 =	simm.s32 $0x40;
	v3 =	vld [tilespmem:s1+$0x10020]  }
.LBB2_96:
0x706: {  	_ =	sdelay $0x1  }
0x707: {  	p1 =	sne.s32 s2, $0x9FC0  }
.Ltmp48:
0x708: {  	_ = 	snop;
	(pc) =	sbr.rel @p1 .LBB2_96-.Ltmp48, $4  }
0x709: {  	v4 =	vsub.s32 v3, v1  }
0x70a: {  	vm0 =	vlt.u32 v4, $0x80000  }
0x70b: {  	s8 =	sshra.s32 s2, $0x2;
	v4 =	vsel vm0, v4, v0  }
0x70c: {  	s2 =	sadd.s32 $0x40, s2;
	v3 =	vld [tilespmem:s8+$0x10020];
	[tilespmem:s1+$0x15020] =	vst v4;
	s1 =	smov.u32 s8  }
0x70d: {  	_ =	sdelay $0x3  }
0x70e: {  	v3 =	vsub.s32 v3, v1  }
0x70f: {  	vm0 =	vlt.u32 v3, $0x80000  }
0x710: {  	v3 =	vsel vm0, v3, v0  }
0x711: {  	[tilespmem:s1+$0x15020] =	vst v3  }
0x712: {  	[tilespmem:s16], [sflag:$0x5] =	stream.indirect.gather [spmem:s0], $0x1, s14, s12, $0xb8;
	[tilespmem:$0x1C8A0] =	vst v63  }
0x713: {  	_ =	swait.ge [sflag:s6], $0x2800  }
0x714: {  	[sflag:s6] =	ssyncset.done $0x0  }
0x715: {  	[sflag:s6] =	ssyncadd.s32 $0xFFFFD800  }
0x716: {  	s2 =	simm.s32 $0x1A020;
	s8 =	rddreg [dreg:$0x5]  }
0x717: {  	[tilespmem:s2], [sflag:$0x5] =	stream.indirect.gather [spmem:s8], $0x1, s14, s12, $0xb8;
	[tilespmem:$0x1C8A0] =	vst v63  }
0x718: {  	_ =	swait.ge [sflag:s6], $0x2800  }
0x719: {  	[sflag:s6] =	ssyncset.done $0x0  }
0x71a: {  	s8 =	simm.s32 $0x0;
	[sflag:s6] =	ssyncadd.s32 $0xFFFFD800  }
0x71b: {  	v3 =	vld [tilespmem:s8+$0x17820];
	_ =	sdelay $0x4  }
0x71c: {  	v3 =	vmax.f32 v3, $9.999999740e-06  }
0x71d: {  	(erf) = vrcp.f32 v3;
	_ =	sdelay $0x4  }
0x71e: {  	v3 =	vld [tilespmem:s8+$0x12820]  }
0x71f: {  	s1 =	simm.s32 $0x80;
	s2 =	simm.s32 $0x10  }
.LBB2_98:
0x720: {  	p1 =	sne.s32 s1, $0x9FC0;
	v4 =	vld [tilespmem:s2+$0x17820];
	_ =	sdelay $0x1  }
0x721: {  	v5 =	vld [tilespmem:s8+$0x1A020];
	v6 =	vpop (erf)  }
0x722: {  	v7 =	vld [tilespmem:s8+$0x15020];
	v3 =	vmul.f32 v6, v3;
	_ =	sdelay $0x1  }
0x723: {  	v4 =	vmax.f32 v4, $9.999999740e-06;
	v3 =	vmax.f32 v3, $-1.000000000e+00  }
0x724: {  	(erf) = vrcp.f32 v4;
	v3 =	vmin.f32 v3, $1.000000000e+00  }
0x725: {  	v3 =	vadd.f32 v3, v5  }
.Ltmp49:
0x726: {  	vm0 =	vlt.s32 v7, $0x80000;
	(pc) =	sbr.rel @p1 .LBB2_98-.Ltmp49, $4  }
0x727: {  	v3 =	vnsel vm0, $0x0, v3  }
0x728: {  	[tilespmem:s8+$0x12820] =	vst v3;
	s8 =	smov.u32 s2  }
0x729: {  	v3 =	vld [tilespmem:s8+$0x12820]  }
0x72a: {  	s2 =	sshra.s32 s1, $0x2;
	s1 =	sadd.s32 $0x40, s1  }
0x72b: {  	v4 =	vld [tilespmem:s2+$0x17820];
	_ =	sdelay $0x1  }
0x72c: {  	v5 =	vld [tilespmem:s8+$0x1A020];
	v6 =	vpop (erf)  }
0x72d: {  	v7 =	vld [tilespmem:s8+$0x15020];
	v3 =	vmul.f32 v6, v3;
	_ =	sdelay $0x1  }
0x72e: {  	v4 =	vmax.f32 v4, $9.999999740e-06;
	v3 =	vmax.f32 v3, $-1.000000000e+00  }
0x72f: {  	(erf) = vrcp.f32 v4;
	v3 =	vmin.f32 v3, $1.000000000e+00  }
0x730: {  	v3 =	vadd.f32 v3, v5  }
0x731: {  	vm0 =	vlt.s32 v7, $0x80000  }
0x732: {  	v3 =	vnsel vm0, $0x0, v3  }
0x733: {  	[tilespmem:s8+$0x12820] =	vst v3  }
0x734: {  	v3 =	vld [tilespmem:s2+$0x12820];
	_ =	sdelay $0x3  }
0x735: {  	v4 =	vld [tilespmem:s2+$0x1A020];
	v5 =	vpop (erf)  }
0x736: {  	v63 =	vld [tilespmem:s2+$0x15020];
	v3 =	vmul.f32 v5, v3;
	_ =	sdelay $0x1  }
0x737: {  	v3 =	vmax.f32 v3, $-1.000000000e+00  }
0x738: {  	v3 =	vmin.f32 v3, $1.000000000e+00  }
0x739: {  	v3 =	vadd.f32 v3, v4  }
0x73a: {  	vm15 =	vlt.s32 v63, $0x80000  }
0x73b: {  	v3 =	vnsel vm15, $0x0, v3  }
0x73c: {  	s1 =	rddreg [dreg:$0x1b];
	s3 =	simm.s32 $0x100;
	s8 =	simm.s32 $0x80;
	[tilespmem:s2+$0x12820] =	vst v3  }
0x73d: {  	[hbm4b:s1+s8] =	stream.strided.scatter [tilespmem:s10], [sflag:$0x5], $0x2800, s3, s8, $0x38;
	[tilespmem:$0x1C8A0] =	vst v63  }
0x73e: {  	_ =	swait.ge [sflag:s6], $0x2800  }
0x73f: {  	s1 =	simm.s32 $0x0;
	[sflag:s6] =	ssyncset.done $0x0  }
0x740: {  	s8 =	simm.s32 $0x10020;
	s3 =	rddreg [dreg:$0x11];
	[sflag:s6] =	ssyncadd.s32 $0xFFFFD800  }
0x741: {  	[tilespmem:s8], [sflag:$0x5] =	stream.linear.gather [hbm4b:s3+s1], $0x2800, $0x38;
	[tilespmem:$0x1C8A0] =	vst v63  }
0x742: {  	_ =	swait.ge [sflag:s6], $0x2800  }
0x743: {  	[sflag:s6] =	ssyncset.done $0x0  }
0x744: {  	[sflag:s6] =	ssyncadd.s32 $0xFFFFD800  }
0x745: {  	[tilespmem:s10], [sflag:$0x5] =	stream.linear.gather [hbm4b:s19+s1], $0x2800, $0x38;
	[tilespmem:$0x1C8A0] =	vst v63  }
0x746: {  	_ =	swait.ge [sflag:s6], $0x2800  }
0x747: {  	[sflag:s6] =	ssyncset.done $0x0  }
0x748: {  	s1 =	simm.s32 $0x0;
	[sflag:s6] =	ssyncadd.s32 $0xFFFFD800  }
0x749: {  	s2 =	simm.s32 $0x40;
	v3 =	vld [tilespmem:s1+$0x10020]  }
.LBB2_100:
0x74a: {  	_ =	sdelay $0x1  }
0x74b: {  	p1 =	sne.s32 s2, $0x9FC0  }
.Ltmp50:
0x74c: {  	_ = 	snop;
	(pc) =	sbr.rel @p1 .LBB2_100-.Ltmp50, $4  }
0x74d: {  	v4 =	vsub.s32 v3, v1  }
0x74e: {  	vm0 =	vlt.u32 v4, $0x80000  }
0x74f: {  	s8 =	sshra.s32 s2, $0x2;
	v4 =	vsel vm0, v4, v0  }
0x750: {  	s2 =	sadd.s32 $0x40, s2;
	v3 =	vld [tilespmem:s8+$0x10020];
	[tilespmem:s1+$0x15020] =	vst v4;
	s1 =	smov.u32 s8  }
0x751: {  	_ =	sdelay $0x3  }
0x752: {  	v3 =	vsub.s32 v3, v1  }
0x753: {  	vm0 =	vlt.u32 v3, $0x80000  }
0x754: {  	v3 =	vsel vm0, v3, v0  }
0x755: {  	[tilespmem:s1+$0x15020] =	vst v3  }
0x756: {  	[tilespmem:s16], [sflag:$0x5] =	stream.indirect.gather [spmem:s0], $0x1, s14, s12, $0xb8;
	[tilespmem:$0x1C8A0] =	vst v63  }
0x757: {  	_ =	swait.ge [sflag:s6], $0x2800  }
0x758: {  	[sflag:s6] =	ssyncset.done $0x0  }
0x759: {  	[sflag:s6] =	ssyncadd.s32 $0xFFFFD800  }
0x75a: {  	s2 =	simm.s32 $0x1A020;
	s8 =	rddreg [dreg:$0x5]  }
0x75b: {  	[tilespmem:s2], [sflag:$0x5] =	stream.indirect.gather [spmem:s8], $0x1, s14, s12, $0xb8;
	[tilespmem:$0x1C8A0] =	vst v63  }
0x75c: {  	_ =	swait.ge [sflag:s6], $0x2800  }
0x75d: {  	[sflag:s6] =	ssyncset.done $0x0  }
0x75e: {  	s8 =	simm.s32 $0x0;
	[sflag:s6] =	ssyncadd.s32 $0xFFFFD800  }
0x75f: {  	v3 =	vld [tilespmem:s8+$0x17820];
	_ =	sdelay $0x4  }
0x760: {  	v3 =	vmax.f32 v3, $9.999999740e-06  }
0x761: {  	(erf) = vrcp.f32 v3;
	_ =	sdelay $0x4  }
0x762: {  	v3 =	vld [tilespmem:s8+$0x12820]  }
0x763: {  	s1 =	simm.s32 $0x80;
	s2 =	simm.s32 $0x10;
	s3 =	sld [smem:$0x7FD]  }
.LBB2_102:
0x764: {  	p1 =	sne.s32 s1, $0x9FC0;
	v4 =	vld [tilespmem:s2+$0x17820];
	_ =	sdelay $0x1  }
0x765: {  	v5 =	vld [tilespmem:s8+$0x1A020];
	v6 =	vpop (erf)  }
0x766: {  	v7 =	vld [tilespmem:s8+$0x15020];
	v3 =	vmul.f32 v6, v3;
	_ =	sdelay $0x1  }
0x767: {  	v4 =	vmax.f32 v4, $9.999999740e-06;
	v3 =	vmax.f32 v3, $-1.000000000e+00  }
0x768: {  	(erf) = vrcp.f32 v4;
	v3 =	vmin.f32 v3, $1.000000000e+00  }
0x769: {  	v3 =	vadd.f32 v3, v5  }
.Ltmp51:
0x76a: {  	vm0 =	vlt.s32 v7, $0x80000;
	(pc) =	sbr.rel @p1 .LBB2_102-.Ltmp51, $4  }
0x76b: {  	v3 =	vnsel vm0, $0x0, v3  }
0x76c: {  	[tilespmem:s8+$0x12820] =	vst v3;
	s8 =	smov.u32 s2  }
0x76d: {  	v3 =	vld [tilespmem:s8+$0x12820]  }
0x76e: {  	s2 =	sshra.s32 s1, $0x2;
	s1 =	sadd.s32 $0x40, s1  }
0x76f: {  	v4 =	vld [tilespmem:s2+$0x17820];
	_ =	sdelay $0x1  }
0x770: {  	v5 =	vld [tilespmem:s8+$0x1A020];
	v6 =	vpop (erf)  }
0x771: {  	v7 =	vld [tilespmem:s8+$0x15020];
	v3 =	vmul.f32 v6, v3;
	_ =	sdelay $0x1  }
0x772: {  	v4 =	vmax.f32 v4, $9.999999740e-06;
	v3 =	vmax.f32 v3, $-1.000000000e+00  }
0x773: {  	(erf) = vrcp.f32 v4;
	v3 =	vmin.f32 v3, $1.000000000e+00  }
0x774: {  	v3 =	vadd.f32 v3, v5  }
0x775: {  	vm0 =	vlt.s32 v7, $0x80000  }
0x776: {  	v3 =	vnsel vm0, $0x0, v3  }
0x777: {  	[tilespmem:s8+$0x12820] =	vst v3  }
0x778: {  	v3 =	vld [tilespmem:s2+$0x12820];
	_ =	sdelay $0x3  }
0x779: {  	v61 =	vld [tilespmem:s2+$0x1A020];
	v62 =	vpop (erf)  }
0x77a: {  	v63 =	vld [tilespmem:s2+$0x15020];
	v3 =	vmul.f32 v62, v3;
	_ =	sdelay $0x1  }
0x77b: {  	v3 =	vmax.f32 v3, $-1.000000000e+00  }
0x77c: {  	v3 =	vmin.f32 v3, $1.000000000e+00  }
0x77d: {  	v3 =	vadd.f32 v3, v61  }
0x77e: {  	vm15 =	vlt.s32 v63, $0x80000  }
0x77f: {  	v3 =	vnsel vm15, $0x0, v3  }
0x780: {  	s1 =	rddreg [dreg:$0x1c];
	s8 =	simm.s32 $0x100;
	[tilespmem:s2+$0x12820] =	vst v3;
	s2 =	simm.s32 $0x80  }
0x781: {  	[hbm4b:s1+s2] =	stream.strided.scatter [tilespmem:s10], [sflag:$0x5], $0x2800, s8, s2, $0x38;
	[tilespmem:$0x1C8A0] =	vst v63  }
0x782: {  	_ =	swait.ge [sflag:s6], $0x2800  }
0x783: {  	s1 =	sld [smem:$0x7F2];
	_ =	sdelay $0x2  }
0x784: {  	s8 =	rddreg [dreg:$0x1f];
	s2 =	sadd.s32 $0x1, s1  }
0x785: {  	p1 =	sne.s32 s2, s8  }
.Ltmp52:
0x786: {  	_ = 	snop;
	(pc) =	sbr.rel @p1 .LBB2_1-.Ltmp52, $3  }
0x787: {  	_ =	sdelay $0x1  }
0x788: {  	[sflag:s6] =	ssyncset.done $0x0  }
0x789: {  	[sflag:s6] =	ssyncadd.s32 $0xFFFFD800  }
0x78a: {  	_ =	sfence.sel $0x180000  }
0x78b: {  	[bflag:$0x0] =	sbarrier.arrive $0xFFFF  }
0x78c: {  	_ =	strace $0x90000047  }
0x78d: {  	[bflag:$0x2] =	sbarrier.arrive $0xFFFF  }
0x78e: {  	s0 =	rddreg [dreg:$0x6]  }
0x78f: {  	s0 =	sadd.s32 @!p0 $0x100000, s0  }
0x790: {  	[sflag:s0] =	ssyncadd.tile.s32 @!p0 $0x1;
	_ =	shalt  }
.Lfunc_end2:
_tile_overlayer_lowered:
.L_overlay_start_2:
0x791: {  	(tag) =	ssettag $0x2  }
0x792: {  	s0 =	rddreg [dreg:$0x0];
	s2 =	stileid.u32  }
0x793: {  	s1 =	rddreg [dreg:$0x1];
	p0 =	sne.s32 s2, $0x0  }
0x794: {  	s3 =	rddreg [dreg:$0x2];
	[bflag:$0x3] =	sbarrier.arrive $0xFFFF;
	s2 =	simm.s32 @!p0 $0x1C01  }
0x795: {  	[timem:s3], [sflag:s2] =	dma.local @!p0 [hbm:s0], s1  }
0x796: {  	s0 =	simm.s32 @!p0 $0x1  }
0x797: {  	_ =	swait.ge @!p0 [sflag:s0], s1  }
0x798: {  	s1 =	ssub.s32 @!p0 $0x0, s1;
	[sflag:s0] =	ssyncset.done @!p0 $0x0  }
0x799: {  	[sflag:s0] =	ssyncadd.s32 @!p0 s1  }
0x79a: {  	[bflag:$0x3] =	sbarrier.arrive $0xFFFF  }
0x79b: {  	_ =	shalt  }

</sc_bundles>
